<compile_context>
chip_gen: v7x
topology: tpu7x:2x2x1
jax: 0.10.2.dev20260603
libtpu: 0.0.44.dev20260713+nightly
codegen_flags: <defaults>
</compile_context>

<pallas_src>
import functools

import jax
import jax.numpy as jnp
from jax import lax
from jax.experimental import pallas as pl
from jax.experimental.pallas import tpu as pltpu
from jax.experimental.pallas import tpu_sc as plsc

NUM_CORES = 2
NUM_SUBCORES = 16
LANES = 16
NUM_WORKERS = NUM_CORES * NUM_SUBCORES


def _emb_kernel(B, S, D, SPW, ids_hbm, tok_hbm, pos_hbm, out_hbm,
                idx_v, pos_v, buf_v, sem):
    wid = lax.axis_index("s") * NUM_CORES + lax.axis_index("c")
    s0 = wid * SPW

    pltpu.sync_copy(pos_hbm.at[pl.ds(s0, SPW)], pos_v)
    for b in range(B):
        pltpu.sync_copy(ids_hbm.at[pl.ds(b * S + s0, SPW)], idx_v.at[b])

    for b in range(B):
        pltpu.async_copy(tok_hbm.at[idx_v.at[b]], buf_v, sem).wait()

        def row_body(i, carry):
            for c in range(D // LANES):
                sl = pl.ds(c * LANES, LANES)
                plsc.addupdate(buf_v.at[i, sl], pos_v[i, sl])
            return carry

        lax.fori_loop(0, SPW, row_body, 0)

        pltpu.sync_copy(buf_v, out_hbm.at[pl.ds(b * S + s0, SPW)])


def kernel(token_ids, tok_table, pos_table):
    B, S = token_ids.shape
    V, D = tok_table.shape
    assert S % NUM_WORKERS == 0 and D % LANES == 0
    SPW = S // NUM_WORKERS

    ids_flat = token_ids.reshape(-1).astype(jnp.int32)

    run = functools.partial(
        pl.kernel,
        mesh=plsc.VectorSubcoreMesh(core_axis_name="c", subcore_axis_name="s"),
        out_type=jax.ShapeDtypeStruct((B * S, D), jnp.float32),
        scratch_types=[
            pltpu.VMEM((B, SPW), jnp.int32),
            pltpu.VMEM((SPW, D), jnp.float32),
            pltpu.VMEM((SPW, D), jnp.float32),
            pltpu.SemaphoreType.DMA,
        ],
    )(functools.partial(_emb_kernel, B, S, D, SPW))

    out = run(ids_flat, tok_table, pos_table)
    return out.reshape(B, S, D)

# --- scband reference (transcript-rebuilt; emitter-appended) ---
"""Pipeline reference for scband-embedding-38233798869769 (READ-ONLY COPY).

The authoritative reference and input builder live on the scoring server;
editing this copy changes nothing except your own understanding.
"""

import jax, jax.numpy as jnp
import numpy as np

VOCAB = 100000
D_MODEL = 768
CTX = 2048
BATCH = 4
SEQ = 2048

def setup_inputs(seed: int = 0) -> dict:
    key = jax.random.key(seed)
    k1, k2, k3 = jax.random.split(key, 3)
    token_ids = jax.random.randint(k1, (BATCH, SEQ), 0, VOCAB, dtype=jnp.int64 if jax.config.jax_enable_x64 else jnp.int32)
    tok_table = jax.random.normal(k2, (VOCAB, D_MODEL), dtype=jnp.float32) * 0.02
    pos_table = jax.random.normal(k3, (CTX, D_MODEL), dtype=jnp.float32) * 0.02
    return {"token_ids": token_ids, "tok_table": tok_table, "pos_table": pos_table}

def reference(token_ids, tok_table, pos_table):
    # token embedding lookup: gather rows of tok_table
    token_embeddings = jnp.take(tok_table, token_ids, axis=0)  # (B, S, D)
    # positional embedding lookup: arange over seq dim
    seq_len = token_ids.shape[1]
    positions = jnp.arange(seq_len)
    positional_embeddings = jnp.take(pos_table, positions, axis=0)  # (S, D)
    embeddings = token_embeddings + positional_embeddings[None, :, :]
    # dropout with p=0.0 (eval / identity)
    return embeddings

if __name__ == "__main__":
    import jax
    _d = setup_inputs()
    print(jax.jit(kernel)(*tuple(_d.values())))

</pallas_src>

<mosaic_0001>
#map = affine_map<(d0, d1) -> (0)>
#map1 = affine_map<(d0, d1) -> (0, 0)>
module attributes {stable_mosaic.version = 14 : i64} {
  func.func @_emb_kernel(%arg0: i32, %arg1: i32, %arg2: memref<8192xi32, #tpu.memory_space<hbm>>, %arg3: memref<100000x768xf32, #tpu.memory_space<hbm>>, %arg4: memref<2048x768xf32, #tpu.memory_space<hbm>>, %arg5: memref<8192x768xf32, #tpu.memory_space<hbm>>, %arg6: memref<4x64xi32, #tpu.memory_space<vmem>>, %arg7: memref<64x768xf32, #tpu.memory_space<vmem>>, %arg8: memref<64x768xf32, #tpu.memory_space<vmem>>, %arg9: memref<!tpu.dma_semaphore, #tpu.memory_space<semaphore_mem>>) attributes {dimension_semantics = [#tpu.dimension_semantics<core_parallel>, #tpu.dimension_semantics<subcore_parallel>], iteration_bounds = array<i64: 2, 16>, scalar_prefetch = 0 : i64, scratch_operands = 4 : i64, tpu.core_type = #tpu.core_type<sc_vector_subcore>, window_params = [{transform_indices = #map}, {transform_indices = #map1}, {transform_indices = #map1}, {transform_indices = #map1}]} {
    %mul3A = arith.constant 2 : i32
    %mul3A_0 = arith.muli %arg1, %mul3A : i32
    %add3A = arith.addi %mul3A_0, %arg0 : i32
    %mul3A_1 = arith.constant 64 : i32
    %mul3A_2 = arith.muli %add3A, %mul3A_1 : i32
    "tpu.region"() ({
      %run_scoped3A_99 = tpu.sem_alloc : memref<!tpu.dma_semaphore, #tpu.memory_space<semaphore_mem>>
      %dma_start3A_100 = arith.constant 0 : i32
      %dma_start3A_101 = tpu.memref_slice %arg4[%mul3A_2, %dma_start3A_100] : memref<2048x768xf32, #tpu.memory_space<hbm>> -> memref<64x768xf32, #tpu.memory_space<hbm>>
      %dma_start3A_102 = arith.constant 0 : i32
      %dma_start3A_103 = tpu.memref_slice %arg4[%mul3A_2, %dma_start3A_102] : memref<2048x768xf32, #tpu.memory_space<hbm>> -> memref<64x768xf32, #tpu.memory_space<hbm>>
      tpu.enqueue_dma source(%dma_start3A_103 : memref<64x768xf32, #tpu.memory_space<hbm>>) target(%arg7 : memref<64x768xf32, #tpu.memory_space<vmem>>) target_semaphore(%run_scoped3A_99 : memref<!tpu.dma_semaphore, #tpu.memory_space<semaphore_mem>>)
      %dma_wait3A_104 = arith.constant 0 : i32
      %dma_wait3A_105 = tpu.memref_slice %arg4[%mul3A_2, %dma_wait3A_104] : memref<2048x768xf32, #tpu.memory_space<hbm>> -> memref<64x768xf32, #tpu.memory_space<hbm>>
      %dma_wait3A_106 = arith.constant 0 : i32
      %dma_wait3A_107 = tpu.memref_slice %arg4[%mul3A_2, %dma_wait3A_106] : memref<2048x768xf32, #tpu.memory_space<hbm>> -> memref<64x768xf32, #tpu.memory_space<hbm>>
      tpu.wait_dma2 semaphore(%run_scoped3A_99 : memref<!tpu.dma_semaphore, #tpu.memory_space<semaphore_mem>>) src(%dma_wait3A_107 : memref<64x768xf32, #tpu.memory_space<hbm>>) dst(%arg7 : memref<64x768xf32, #tpu.memory_space<vmem>>)
      tpu.yield
    }) : () -> ()
    %add3A_3 = arith.constant 0 : i32
    %add3A_4 = arith.addi %add3A_3, %mul3A_2 : i32
    %run_scoped3A = arith.constant 0 : i32
    "tpu.region"() ({
      %run_scoped3A_99 = tpu.sem_alloc : memref<!tpu.dma_semaphore, #tpu.memory_space<semaphore_mem>>
      %dma_start3A_100 = arith.constant 0 : i32
      %dma_start3A_101 = tpu.memref_slice %arg6[%run_scoped3A, %dma_start3A_100] : memref<4x64xi32, #tpu.memory_space<vmem>> -> memref<1x64xi32, #tpu.memory_space<vmem>>
      %dma_start3A_102 = tpu.memref_squeeze %dma_start3A_101 : memref<1x64xi32, #tpu.memory_space<vmem>> -> memref<64xi32, #tpu.memory_space<vmem>>
      %dma_start3A_103 = tpu.memref_slice %arg2[%add3A_4] : memref<8192xi32, #tpu.memory_space<hbm>> -> memref<64xi32, #tpu.memory_space<hbm>>
      %dma_start3A_104 = arith.constant 0 : i32
      %dma_start3A_105 = tpu.memref_slice %arg6[%run_scoped3A, %dma_start3A_104] : memref<4x64xi32, #tpu.memory_space<vmem>> -> memref<1x64xi32, #tpu.memory_space<vmem>>
      %dma_start3A_106 = tpu.memref_squeeze %dma_start3A_105 : memref<1x64xi32, #tpu.memory_space<vmem>> -> memref<64xi32, #tpu.memory_space<vmem>>
      %dma_start3A_107 = tpu.memref_slice %arg2[%add3A_4] : memref<8192xi32, #tpu.memory_space<hbm>> -> memref<64xi32, #tpu.memory_space<hbm>>
      tpu.enqueue_dma source(%dma_start3A_107 : memref<64xi32, #tpu.memory_space<hbm>>) target(%dma_start3A_106 : memref<64xi32, #tpu.memory_space<vmem>>) target_semaphore(%run_scoped3A_99 : memref<!tpu.dma_semaphore, #tpu.memory_space<semaphore_mem>>)
      %dma_wait3A_108 = arith.constant 0 : i32
      %dma_wait3A_109 = tpu.memref_slice %arg6[%run_scoped3A, %dma_wait3A_108] : memref<4x64xi32, #tpu.memory_space<vmem>> -> memref<1x64xi32, #tpu.memory_space<vmem>>
      %dma_wait3A_110 = tpu.memref_squeeze %dma_wait3A_109 : memref<1x64xi32, #tpu.memory_space<vmem>> -> memref<64xi32, #tpu.memory_space<vmem>>
      %dma_wait3A_111 = tpu.memref_slice %arg2[%add3A_4] : memref<8192xi32, #tpu.memory_space<hbm>> -> memref<64xi32, #tpu.memory_space<hbm>>
      %dma_wait3A_112 = arith.constant 0 : i32
      %dma_wait3A_113 = tpu.memref_slice %arg6[%run_scoped3A, %dma_wait3A_112] : memref<4x64xi32, #tpu.memory_space<vmem>> -> memref<1x64xi32, #tpu.memory_space<vmem>>
      %dma_wait3A_114 = tpu.memref_squeeze %dma_wait3A_113 : memref<1x64xi32, #tpu.memory_space<vmem>> -> memref<64xi32, #tpu.memory_space<vmem>>
      %dma_wait3A_115 = tpu.memref_slice %arg2[%add3A_4] : memref<8192xi32, #tpu.memory_space<hbm>> -> memref<64xi32, #tpu.memory_space<hbm>>
      tpu.wait_dma2 semaphore(%run_scoped3A_99 : memref<!tpu.dma_semaphore, #tpu.memory_space<semaphore_mem>>) src(%dma_wait3A_115 : memref<64xi32, #tpu.memory_space<hbm>>) dst(%dma_wait3A_114 : memref<64xi32, #tpu.memory_space<vmem>>)
      tpu.yield
    }) : () -> ()
    %add3A_5 = arith.constant 2048 : i32
    %add3A_6 = arith.addi %add3A_5, %mul3A_2 : i32
    %run_scoped3A_7 = arith.constant 1 : i32
    "tpu.region"() ({
      %run_scoped3A_99 = tpu.sem_alloc : memref<!tpu.dma_semaphore, #tpu.memory_space<semaphore_mem>>
      %dma_start3A_100 = arith.constant 0 : i32
      %dma_start3A_101 = tpu.memref_slice %arg6[%run_scoped3A_7, %dma_start3A_100] : memref<4x64xi32, #tpu.memory_space<vmem>> -> memref<1x64xi32, #tpu.memory_space<vmem>>
      %dma_start3A_102 = tpu.memref_squeeze %dma_start3A_101 : memref<1x64xi32, #tpu.memory_space<vmem>> -> memref<64xi32, #tpu.memory_space<vmem>>
      %dma_start3A_103 = tpu.memref_slice %arg2[%add3A_6] : memref<8192xi32, #tpu.memory_space<hbm>> -> memref<64xi32, #tpu.memory_space<hbm>>
      %dma_start3A_104 = arith.constant 0 : i32
      %dma_start3A_105 = tpu.memref_slice %arg6[%run_scoped3A_7, %dma_start3A_104] : memref<4x64xi32, #tpu.memory_space<vmem>> -> memref<1x64xi32, #tpu.memory_space<vmem>>
      %dma_start3A_106 = tpu.memref_squeeze %dma_start3A_105 : memref<1x64xi32, #tpu.memory_space<vmem>> -> memref<64xi32, #tpu.memory_space<vmem>>
      %dma_start3A_107 = tpu.memref_slice %arg2[%add3A_6] : memref<8192xi32, #tpu.memory_space<hbm>> -> memref<64xi32, #tpu.memory_space<hbm>>
      tpu.enqueue_dma source(%dma_start3A_107 : memref<64xi32, #tpu.memory_space<hbm>>) target(%dma_start3A_106 : memref<64xi32, #tpu.memory_space<vmem>>) target_semaphore(%run_scoped3A_99 : memref<!tpu.dma_semaphore, #tpu.memory_space<semaphore_mem>>)
      %dma_wait3A_108 = arith.constant 0 : i32
      %dma_wait3A_109 = tpu.memref_slice %arg6[%run_scoped3A_7, %dma_wait3A_108] : memref<4x64xi32, #tpu.memory_space<vmem>> -> memref<1x64xi32, #tpu.memory_space<vmem>>
      %dma_wait3A_110 = tpu.memref_squeeze %dma_wait3A_109 : memref<1x64xi32, #tpu.memory_space<vmem>> -> memref<64xi32, #tpu.memory_space<vmem>>
      %dma_wait3A_111 = tpu.memref_slice %arg2[%add3A_6] : memref<8192xi32, #tpu.memory_space<hbm>> -> memref<64xi32, #tpu.memory_space<hbm>>
      %dma_wait3A_112 = arith.constant 0 : i32
      %dma_wait3A_113 = tpu.memref_slice %arg6[%run_scoped3A_7, %dma_wait3A_112] : memref<4x64xi32, #tpu.memory_space<vmem>> -> memref<1x64xi32, #tpu.memory_space<vmem>>
      %dma_wait3A_114 = tpu.memref_squeeze %dma_wait3A_113 : memref<1x64xi32, #tpu.memory_space<vmem>> -> memref<64xi32, #tpu.memory_space<vmem>>
      %dma_wait3A_115 = tpu.memref_slice %arg2[%add3A_6] : memref<8192xi32, #tpu.memory_space<hbm>> -> memref<64xi32, #tpu.memory_space<hbm>>
      tpu.wait_dma2 semaphore(%run_scoped3A_99 : memref<!tpu.dma_semaphore, #tpu.memory_space<semaphore_mem>>) src(%dma_wait3A_115 : memref<64xi32, #tpu.memory_space<hbm>>) dst(%dma_wait3A_114 : memref<64xi32, #tpu.memory_space<vmem>>)
      tpu.yield
    }) : () -> ()
    %add3A_8 = arith.constant 4096 : i32
    %add3A_9 = arith.addi %add3A_8, %mul3A_2 : i32
    %run_scoped3A_10 = arith.constant 2 : i32
    "tpu.region"() ({
      %run_scoped3A_99 = tpu.sem_alloc : memref<!tpu.dma_semaphore, #tpu.memory_space<semaphore_mem>>
      %dma_start3A_100 = arith.constant 0 : i32
      %dma_start3A_101 = tpu.memref_slice %arg6[%run_scoped3A_10, %dma_start3A_100] : memref<4x64xi32, #tpu.memory_space<vmem>> -> memref<1x64xi32, #tpu.memory_space<vmem>>
      %dma_start3A_102 = tpu.memref_squeeze %dma_start3A_101 : memref<1x64xi32, #tpu.memory_space<vmem>> -> memref<64xi32, #tpu.memory_space<vmem>>
      %dma_start3A_103 = tpu.memref_slice %arg2[%add3A_9] : memref<8192xi32, #tpu.memory_space<hbm>> -> memref<64xi32, #tpu.memory_space<hbm>>
      %dma_start3A_104 = arith.constant 0 : i32
      %dma_start3A_105 = tpu.memref_slice %arg6[%run_scoped3A_10, %dma_start3A_104] : memref<4x64xi32, #tpu.memory_space<vmem>> -> memref<1x64xi32, #tpu.memory_space<vmem>>
      %dma_start3A_106 = tpu.memref_squeeze %dma_start3A_105 : memref<1x64xi32, #tpu.memory_space<vmem>> -> memref<64xi32, #tpu.memory_space<vmem>>
      %dma_start3A_107 = tpu.memref_slice %arg2[%add3A_9] : memref<8192xi32, #tpu.memory_space<hbm>> -> memref<64xi32, #tpu.memory_space<hbm>>
      tpu.enqueue_dma source(%dma_start3A_107 : memref<64xi32, #tpu.memory_space<hbm>>) target(%dma_start3A_106 : memref<64xi32, #tpu.memory_space<vmem>>) target_semaphore(%run_scoped3A_99 : memref<!tpu.dma_semaphore, #tpu.memory_space<semaphore_mem>>)
      %dma_wait3A_108 = arith.constant 0 : i32
      %dma_wait3A_109 = tpu.memref_slice %arg6[%run_scoped3A_10, %dma_wait3A_108] : memref<4x64xi32, #tpu.memory_space<vmem>> -> memref<1x64xi32, #tpu.memory_space<vmem>>
      %dma_wait3A_110 = tpu.memref_squeeze %dma_wait3A_109 : memref<1x64xi32, #tpu.memory_space<vmem>> -> memref<64xi32, #tpu.memory_space<vmem>>
      %dma_wait3A_111 = tpu.memref_slice %arg2[%add3A_9] : memref<8192xi32, #tpu.memory_space<hbm>> -> memref<64xi32, #tpu.memory_space<hbm>>
      %dma_wait3A_112 = arith.constant 0 : i32
      %dma_wait3A_113 = tpu.memref_slice %arg6[%run_scoped3A_10, %dma_wait3A_112] : memref<4x64xi32, #tpu.memory_space<vmem>> -> memref<1x64xi32, #tpu.memory_space<vmem>>
      %dma_wait3A_114 = tpu.memref_squeeze %dma_wait3A_113 : memref<1x64xi32, #tpu.memory_space<vmem>> -> memref<64xi32, #tpu.memory_space<vmem>>
      %dma_wait3A_115 = tpu.memref_slice %arg2[%add3A_9] : memref<8192xi32, #tpu.memory_space<hbm>> -> memref<64xi32, #tpu.memory_space<hbm>>
      tpu.wait_dma2 semaphore(%run_scoped3A_99 : memref<!tpu.dma_semaphore, #tpu.memory_space<semaphore_mem>>) src(%dma_wait3A_115 : memref<64xi32, #tpu.memory_space<hbm>>) dst(%dma_wait3A_114 : memref<64xi32, #tpu.memory_space<vmem>>)
      tpu.yield
    }) : () -> ()
    %add3A_11 = arith.constant 6144 : i32
    %add3A_12 = arith.addi %add3A_11, %mul3A_2 : i32
    %run_scoped3A_13 = arith.constant 3 : i32
    "tpu.region"() ({
      %run_scoped3A_99 = tpu.sem_alloc : memref<!tpu.dma_semaphore, #tpu.memory_space<semaphore_mem>>
      %dma_start3A_100 = arith.constant 0 : i32
      %dma_start3A_101 = tpu.memref_slice %arg6[%run_scoped3A_13, %dma_start3A_100] : memref<4x64xi32, #tpu.memory_space<vmem>> -> memref<1x64xi32, #tpu.memory_space<vmem>>
      %dma_start3A_102 = tpu.memref_squeeze %dma_start3A_101 : memref<1x64xi32, #tpu.memory_space<vmem>> -> memref<64xi32, #tpu.memory_space<vmem>>
      %dma_start3A_103 = tpu.memref_slice %arg2[%add3A_12] : memref<8192xi32, #tpu.memory_space<hbm>> -> memref<64xi32, #tpu.memory_space<hbm>>
      %dma_start3A_104 = arith.constant 0 : i32
      %dma_start3A_105 = tpu.memref_slice %arg6[%run_scoped3A_13, %dma_start3A_104] : memref<4x64xi32, #tpu.memory_space<vmem>> -> memref<1x64xi32, #tpu.memory_space<vmem>>
      %dma_start3A_106 = tpu.memref_squeeze %dma_start3A_105 : memref<1x64xi32, #tpu.memory_space<vmem>> -> memref<64xi32, #tpu.memory_space<vmem>>
      %dma_start3A_107 = tpu.memref_slice %arg2[%add3A_12] : memref<8192xi32, #tpu.memory_space<hbm>> -> memref<64xi32, #tpu.memory_space<hbm>>
      tpu.enqueue_dma source(%dma_start3A_107 : memref<64xi32, #tpu.memory_space<hbm>>) target(%dma_start3A_106 : memref<64xi32, #tpu.memory_space<vmem>>) target_semaphore(%run_scoped3A_99 : memref<!tpu.dma_semaphore, #tpu.memory_space<semaphore_mem>>)
      %dma_wait3A_108 = arith.constant 0 : i32
      %dma_wait3A_109 = tpu.memref_slice %arg6[%run_scoped3A_13, %dma_wait3A_108] : memref<4x64xi32, #tpu.memory_space<vmem>> -> memref<1x64xi32, #tpu.memory_space<vmem>>
      %dma_wait3A_110 = tpu.memref_squeeze %dma_wait3A_109 : memref<1x64xi32, #tpu.memory_space<vmem>> -> memref<64xi32, #tpu.memory_space<vmem>>
      %dma_wait3A_111 = tpu.memref_slice %arg2[%add3A_12] : memref<8192xi32, #tpu.memory_space<hbm>> -> memref<64xi32, #tpu.memory_space<hbm>>
      %dma_wait3A_112 = arith.constant 0 : i32
      %dma_wait3A_113 = tpu.memref_slice %arg6[%run_scoped3A_13, %dma_wait3A_112] : memref<4x64xi32, #tpu.memory_space<vmem>> -> memref<1x64xi32, #tpu.memory_space<vmem>>
      %dma_wait3A_114 = tpu.memref_squeeze %dma_wait3A_113 : memref<1x64xi32, #tpu.memory_space<vmem>> -> memref<64xi32, #tpu.memory_space<vmem>>
      %dma_wait3A_115 = tpu.memref_slice %arg2[%add3A_12] : memref<8192xi32, #tpu.memory_space<hbm>> -> memref<64xi32, #tpu.memory_space<hbm>>
      tpu.wait_dma2 semaphore(%run_scoped3A_99 : memref<!tpu.dma_semaphore, #tpu.memory_space<semaphore_mem>>) src(%dma_wait3A_115 : memref<64xi32, #tpu.memory_space<hbm>>) dst(%dma_wait3A_114 : memref<64xi32, #tpu.memory_space<vmem>>)
      tpu.yield
    }) : () -> ()
    %dma_start3A = arith.constant 0 : i32
    %dma_start3A_14 = arith.constant 0 : i32
    %dma_start3A_15 = tpu.memref_slice %arg6[%dma_start3A, %dma_start3A_14] : memref<4x64xi32, #tpu.memory_space<vmem>> -> memref<1x64xi32, #tpu.memory_space<vmem>>
    %dma_start3A_16 = tpu.memref_squeeze %dma_start3A_15 : memref<1x64xi32, #tpu.memory_space<vmem>> -> memref<64xi32, #tpu.memory_space<vmem>>
    %dma_start3A_17 = arith.constant 0 : i32
    %dma_start3A_18 = arith.constant 0 : i32
    %dma_start3A_19 = tpu.memref_slice %arg3[%dma_start3A_17, %dma_start3A_18] : memref<100000x768xf32, #tpu.memory_space<hbm>> -> memref<100000x768xf32, #tpu.memory_space<hbm>>
    tpu.enqueue_indirect_dma source(%dma_start3A_19 : memref<100000x768xf32, #tpu.memory_space<hbm>>) target(%arg8 : memref<64x768xf32, #tpu.memory_space<vmem>>) offsets(%dma_start3A_16 : memref<64xi32, #tpu.memory_space<vmem>>) semaphore(%arg9 : memref<!tpu.dma_semaphore, #tpu.memory_space<semaphore_mem>>)
    %dma_wait3A = arith.constant 0 : i32
    %dma_wait3A_20 = arith.constant 0 : i32
    %dma_wait3A_21 = tpu.memref_slice %arg6[%dma_wait3A, %dma_wait3A_20] : memref<4x64xi32, #tpu.memory_space<vmem>> -> memref<1x64xi32, #tpu.memory_space<vmem>>
    %dma_wait3A_22 = tpu.memref_squeeze %dma_wait3A_21 : memref<1x64xi32, #tpu.memory_space<vmem>> -> memref<64xi32, #tpu.memory_space<vmem>>
    %dma_wait3A_23 = arith.constant 0 : i32
    %dma_wait3A_24 = arith.constant 0 : i32
    %dma_wait3A_25 = tpu.memref_slice %arg3[%dma_wait3A_23, %dma_wait3A_24] : memref<100000x768xf32, #tpu.memory_space<hbm>> -> memref<100000x768xf32, #tpu.memory_space<hbm>>
    tpu.wait_indirect_dma semaphore(%arg9 : memref<!tpu.dma_semaphore, #tpu.memory_space<semaphore_mem>>) src(%dma_wait3A_25 : memref<100000x768xf32, #tpu.memory_space<hbm>>) dst(%arg8 : memref<64x768xf32, #tpu.memory_space<vmem>>)
    %scan3A = arith.constant 0 : i32
    %scan3A_26 = arith.constant 0 : i32
    %scan3A_27 = arith.constant 64 : i32
    %scan3A_28 = arith.addi %scan3A_26, %scan3A_27 : i32
    %scan3A_29 = arith.constant 1 : i32
    scf.for %scan3A_99 = %scan3A_26 to %scan3A_28 step %scan3A_29  : i32 {
      %get3A = arith.index_cast %scan3A_99 : i32 to index
      %get3A_100 = arith.constant 0 : index
      %get3A_101 = tpu.vector_load %arg7[%get3A, %get3A_100] {strides = array<i32>} : memref<64x768xf32, #tpu.memory_space<vmem>>, vector<1x16xf32>,
      %get3A_102 = vector.shape_cast %get3A_101 : vector<1x16xf32> to vector<16xf32>
      %swap3A = arith.index_cast %scan3A_99 : i32 to index
      %swap3A_103 = arith.constant 0 : index
      %swap3A_104 = tpu.vector_load %arg8[%swap3A, %swap3A_103] {strides = array<i32>} : memref<64x768xf32, #tpu.memory_space<vmem>>, vector<1x16xf32>,
      %swap3A_105 = vector.shape_cast %swap3A_104 : vector<1x16xf32> to vector<16xf32>
      %swap3A_106 = vector.shape_cast %get3A_102 : vector<16xf32> to vector<1x16xf32>
      tpu.vector_store %arg8[%swap3A, %swap3A_103], %swap3A_106 {add = true, strides = array<i32>} : memref<64x768xf32, #tpu.memory_space<vmem>>, vector<1x16xf32>,
      %get3A_107 = arith.index_cast %scan3A_99 : i32 to index
      %get3A_108 = arith.constant 16 : index
      %get3A_109 = tpu.vector_load %arg7[%get3A_107, %get3A_108] {strides = array<i32>} : memref<64x768xf32, #tpu.memory_space<vmem>>, vector<1x16xf32>,
      %get3A_110 = vector.shape_cast %get3A_109 : vector<1x16xf32> to vector<16xf32>
      %swap3A_111 = arith.index_cast %scan3A_99 : i32 to index
      %swap3A_112 = arith.constant 16 : index
      %swap3A_113 = tpu.vector_load %arg8[%swap3A_111, %swap3A_112] {strides = array<i32>} : memref<64x768xf32, #tpu.memory_space<vmem>>, vector<1x16xf32>,
      %swap3A_114 = vector.shape_cast %swap3A_113 : vector<1x16xf32> to vector<16xf32>
      %swap3A_115 = vector.shape_cast %get3A_110 : vector<16xf32> to vector<1x16xf32>
      tpu.vector_store %arg8[%swap3A_111, %swap3A_112], %swap3A_115 {add = true, strides = array<i32>} : memref<64x768xf32, #tpu.memory_space<vmem>>, vector<1x16xf32>,
      %get3A_116 = arith.index_cast %scan3A_99 : i32 to index
      %get3A_117 = arith.constant 32 : index
      %get3A_118 = tpu.vector_load %arg7[%get3A_116, %get3A_117] {strides = array<i32>} : memref<64x768xf32, #tpu.memory_space<vmem>>, vector<1x16xf32>,
      %get3A_119 = vector.shape_cast %get3A_118 : vector<1x16xf32> to vector<16xf32>
      %swap3A_120 = arith.index_cast %scan3A_99 : i32 to index
      %swap3A_121 = arith.constant 32 : index
      %swap3A_122 = tpu.vector_load %arg8[%swap3A_120, %swap3A_121] {strides = array<i32>} : memref<64x768xf32, #tpu.memory_space<vmem>>, vector<1x16xf32>,
      %swap3A_123 = vector.shape_cast %swap3A_122 : vector<1x16xf32> to vector<16xf32>
      %swap3A_124 = vector.shape_cast %get3A_119 : vector<16xf32> to vector<1x16xf32>
      tpu.vector_store %arg8[%swap3A_120, %swap3A_121], %swap3A_124 {add = true, strides = array<i32>} : memref<64x768xf32, #tpu.memory_space<vmem>>, vector<1x16xf32>,
      %get3A_125 = arith.index_cast %scan3A_99 : i32 to index
      %get3A_126 = arith.constant 48 : index
      %get3A_127 = tpu.vector_load %arg7[%get3A_125, %get3A_126] {strides = array<i32>} : memref<64x768xf32, #tpu.memory_space<vmem>>, vector<1x16xf32>,
      %get3A_128 = vector.shape_cast %get3A_127 : vector<1x16xf32> to vector<16xf32>
      %swap3A_129 = arith.index_cast %scan3A_99 : i32 to index
      %swap3A_130 = arith.constant 48 : index
      %swap3A_131 = tpu.vector_load %arg8[%swap3A_129, %swap3A_130] {strides = array<i32>} : memref<64x768xf32, #tpu.memory_space<vmem>>, vector<1x16xf32>,
      %swap3A_132 = vector.shape_cast %swap3A_131 : vector<1x16xf32> to vector<16xf32>
      %swap3A_133 = vector.shape_cast %get3A_128 : vector<16xf32> to vector<1x16xf32>
      tpu.vector_store %arg8[%swap3A_129, %swap3A_130], %swap3A_133 {add = true, strides = array<i32>} : memref<64x768xf32, #tpu.memory_space<vmem>>, vector<1x16xf32>,
      %get3A_134 = arith.index_cast %scan3A_99 : i32 to index
      %get3A_135 = arith.constant 64 : index
      %get3A_136 = tpu.vector_load %arg7[%get3A_134, %get3A_135] {strides = array<i32>} : memref<64x768xf32, #tpu.memory_space<vmem>>, vector<1x16xf32>,
      %get3A_137 = vector.shape_cast %get3A_136 : vector<1x16xf32> to vector<16xf32>
      %swap3A_138 = arith.index_cast %scan3A_99 : i32 to index
      %swap3A_139 = arith.constant 64 : index
      %swap3A_140 = tpu.vector_load %arg8[%swap3A_138, %swap3A_139] {strides = array<i32>} : memref<64x768xf32, #tpu.memory_space<vmem>>, vector<1x16xf32>,
      %swap3A_141 = vector.shape_cast %swap3A_140 : vector<1x16xf32> to vector<16xf32>
      %swap3A_142 = vector.shape_cast %get3A_137 : vector<16xf32> to vector<1x16xf32>
      tpu.vector_store %arg8[%swap3A_138, %swap3A_139], %swap3A_142 {add = true, strides = array<i32>} : memref<64x768xf32, #tpu.memory_space<vmem>>, vector<1x16xf32>,
      %get3A_143 = arith.index_cast %scan3A_99 : i32 to index
      %get3A_144 = arith.constant 80 : index
      %get3A_145 = tpu.vector_load %arg7[%get3A_143, %get3A_144] {strides = array<i32>} : memref<64x768xf32, #tpu.memory_space<vmem>>, vector<1x16xf32>,
      %get3A_146 = vector.shape_cast %get3A_145 : vector<1x16xf32> to vector<16xf32>
      %swap3A_147 = arith.index_cast %scan3A_99 : i32 to index
      %swap3A_148 = arith.constant 80 : index
      %swap3A_149 = tpu.vector_load %arg8[%swap3A_147, %swap3A_148] {strides = array<i32>} : memref<64x768xf32, #tpu.memory_space<vmem>>, vector<1x16xf32>,
      %swap3A_150 = vector.shape_cast %swap3A_149 : vector<1x16xf32> to vector<16xf32>
      %swap3A_151 = vector.shape_cast %get3A_146 : vector<16xf32> to vector<1x16xf32>
      tpu.vector_store %arg8[%swap3A_147, %swap3A_148], %swap3A_151 {add = true, strides = array<i32>} : memref<64x768xf32, #tpu.memory_space<vmem>>, vector<1x16xf32>,
      %get3A_152 = arith.index_cast %scan3A_99 : i32 to index
      %get3A_153 = arith.constant 96 : index
      %get3A_154 = tpu.vector_load %arg7[%get3A_152, %get3A_153] {strides = array<i32>} : memref<64x768xf32, #tpu.memory_space<vmem>>, vector<1x16xf32>,
      %get3A_155 = vector.shape_cast %get3A_154 : vector<1x16xf32> to vector<16xf32>
      %swap3A_156 = arith.index_cast %scan3A_99 : i32 to index
      %swap3A_157 = arith.constant 96 : index
      %swap3A_158 = tpu.vector_load %arg8[%swap3A_156, %swap3A_157] {strides = array<i32>} : memref<64x768xf32, #tpu.memory_space<vmem>>, vector<1x16xf32>,
      %swap3A_159 = vector.shape_cast %swap3A_158 : vector<1x16xf32> to vector<16xf32>
      %swap3A_160 = vector.shape_cast %get3A_155 : vector<16xf32> to vector<1x16xf32>
      tpu.vector_store %arg8[%swap3A_156, %swap3A_157], %swap3A_160 {add = true, strides = array<i32>} : memref<64x768xf32, #tpu.memory_space<vmem>>, vector<1x16xf32>,
      %get3A_161 = arith.index_cast %scan3A_99 : i32 to index
      %get3A_162 = arith.constant 112 : index
      %get3A_163 = tpu.vector_load %arg7[%get3A_161, %get3A_162] {strides = array<i32>} : memref<64x768xf32, #tpu.memory_space<vmem>>, vector<1x16xf32>,
      %get3A_164 = vector.shape_cast %get3A_163 : vector<1x16xf32> to vector<16xf32>
      %swap3A_165 = arith.index_cast %scan3A_99 : i32 to index
      %swap3A_166 = arith.constant 112 : index
      %swap3A_167 = tpu.vector_load %arg8[%swap3A_165, %swap3A_166] {strides = array<i32>} : memref<64x768xf32, #tpu.memory_space<vmem>>, vector<1x16xf32>,
      %swap3A_168 = vector.shape_cast %swap3A_167 : vector<1x16xf32> to vector<16xf32>
      %swap3A_169 = vector.shape_cast %get3A_164 : vector<16xf32> to vector<1x16xf32>
      tpu.vector_store %arg8[%swap3A_165, %swap3A_166], %swap3A_169 {add = true, strides = array<i32>} : memref<64x768xf32, #tpu.memory_space<vmem>>, vector<1x16xf32>,
      %get3A_170 = arith.index_cast %scan3A_99 : i32 to index
      %get3A_171 = arith.constant 128 : index
      %get3A_172 = tpu.vector_load %arg7[%get3A_170, %get3A_171] {strides = array<i32>} : memref<64x768xf32, #tpu.memory_space<vmem>>, vector<1x16xf32>,
      %get3A_173 = vector.shape_cast %get3A_172 : vector<1x16xf32> to vector<16xf32>
      %swap3A_174 = arith.index_cast %scan3A_99 : i32 to index
      %swap3A_175 = arith.constant 128 : index
      %swap3A_176 = tpu.vector_load %arg8[%swap3A_174, %swap3A_175] {strides = array<i32>} : memref<64x768xf32, #tpu.memory_space<vmem>>, vector<1x16xf32>,
      %swap3A_177 = vector.shape_cast %swap3A_176 : vector<1x16xf32> to vector<16xf32>
      %swap3A_178 = vector.shape_cast %get3A_173 : vector<16xf32> to vector<1x16xf32>
      tpu.vector_store %arg8[%swap3A_174, %swap3A_175], %swap3A_178 {add = true, strides = array<i32>} : memref<64x768xf32, #tpu.memory_space<vmem>>, vector<1x16xf32>,
      %get3A_179 = arith.index_cast %scan3A_99 : i32 to index
      %get3A_180 = arith.constant 144 : index
      %get3A_181 = tpu.vector_load %arg7[%get3A_179, %get3A_180] {strides = array<i32>} : memref<64x768xf32, #tpu.memory_space<vmem>>, vector<1x16xf32>,
      %get3A_182 = vector.shape_cast %get3A_181 : vector<1x16xf32> to vector<16xf32>
      %swap3A_183 = arith.index_cast %scan3A_99 : i32 to index
      %swap3A_184 = arith.constant 144 : index
      %swap3A_185 = tpu.vector_load %arg8[%swap3A_183, %swap3A_184] {strides = array<i32>} : memref<64x768xf32, #tpu.memory_space<vmem>>, vector<1x16xf32>,
      %swap3A_186 = vector.shape_cast %swap3A_185 : vector<1x16xf32> to vector<16xf32>
      %swap3A_187 = vector.shape_cast %get3A_182 : vector<16xf32> to vector<1x16xf32>
      tpu.vector_store %arg8[%swap3A_183, %swap3A_184], %swap3A_187 {add = true, strides = array<i32>} : memref<64x768xf32, #tpu.memory_space<vmem>>, vector<1x16xf32>,
      %get3A_188 = arith.index_cast %scan3A_99 : i32 to index
      %get3A_189 = arith.constant 160 : index
      %get3A_190 = tpu.vector_load %arg7[%get3A_188, %get3A_189] {strides = array<i32>} : memref<64x768xf32, #tpu.memory_space<vmem>>, vector<1x16xf32>,
      %get3A_191 = vector.shape_cast %get3A_190 : vector<1x16xf32> to vector<16xf32>
      %swap3A_192 = arith.index_cast %scan3A_99 : i32 to index
      %swap3A_193 = arith.constant 160 : index
      %swap3A_194 = tpu.vector_load %arg8[%swap3A_192, %swap3A_193] {strides = array<i32>} : memref<64x768xf32, #tpu.memory_space<vmem>>, vector<1x16xf32>,
      %swap3A_195 = vector.shape_cast %swap3A_194 : vector<1x16xf32> to vector<16xf32>
      %swap3A_196 = vector.shape_cast %get3A_191 : vector<16xf32> to vector<1x16xf32>
      tpu.vector_store %arg8[%swap3A_192, %swap3A_193], %swap3A_196 {add = true, strides = array<i32>} : memref<64x768xf32, #tpu.memory_space<vmem>>, vector<1x16xf32>,
      %get3A_197 = arith.index_cast %scan3A_99 : i32 to index
      %get3A_198 = arith.constant 176 : index
      %get3A_199 = tpu.vector_load %arg7[%get3A_197, %get3A_198] {strides = array<i32>} : memref<64x768xf32, #tpu.memory_space<vmem>>, vector<1x16xf32>,
      %get3A_200 = vector.shape_cast %get3A_199 : vector<1x16xf32> to vector<16xf32>
      %swap3A_201 = arith.index_cast %scan3A_99 : i32 to index
      %swap3A_202 = arith.constant 176 : index
      %swap3A_203 = tpu.vector_load %arg8[%swap3A_201, %swap3A_202] {strides = array<i32>} : memref<64x768xf32, #tpu.memory_space<vmem>>, vector<1x16xf32>,
      %swap3A_204 = vector.shape_cast %swap3A_203 : vector<1x16xf32> to vector<16xf32>
      %swap3A_205 = vector.shape_cast %get3A_200 : vector<16xf32> to vector<1x16xf32>
      tpu.vector_store %arg8[%swap3A_201, %swap3A_202], %swap3A_205 {add = true, strides = array<i32>} : memref<64x768xf32, #tpu.memory_space<vmem>>, vector<1x16xf32>,
      %get3A_206 = arith.index_cast %scan3A_99 : i32 to index
      %get3A_207 = arith.constant 192 : index
      %get3A_208 = tpu.vector_load %arg7[%get3A_206, %get3A_207] {strides = array<i32>} : memref<64x768xf32, #tpu.memory_space<vmem>>, vector<1x16xf32>,
      %get3A_209 = vector.shape_cast %get3A_208 : vector<1x16xf32> to vector<16xf32>
      %swap3A_210 = arith.index_cast %scan3A_99 : i32 to index
      %swap3A_211 = arith.constant 192 : index
      %swap3A_212 = tpu.vector_load %arg8[%swap3A_210, %swap3A_211] {strides = array<i32>} : memref<64x768xf32, #tpu.memory_space<vmem>>, vector<1x16xf32>,
      %swap3A_213 = vector.shape_cast %swap3A_212 : vector<1x16xf32> to vector<16xf32>
      %swap3A_214 = vector.shape_cast %get3A_209 : vector<16xf32> to vector<1x16xf32>
      tpu.vector_store %arg8[%swap3A_210, %swap3A_211], %swap3A_214 {add = true, strides = array<i32>} : memref<64x768xf32, #tpu.memory_space<vmem>>, vector<1x16xf32>,
      %get3A_215 = arith.index_cast %scan3A_99 : i32 to index
      %get3A_216 = arith.constant 208 : index
      %get3A_217 = tpu.vector_load %arg7[%get3A_215, %get3A_216] {strides = array<i32>} : memref<64x768xf32, #tpu.memory_space<vmem>>, vector<1x16xf32>,
      %get3A_218 = vector.shape_cast %get3A_217 : vector<1x16xf32> to vector<16xf32>
      %swap3A_219 = arith.index_cast %scan3A_99 : i32 to index
      %swap3A_220 = arith.constant 208 : index
      %swap3A_221 = tpu.vector_load %arg8[%swap3A_219, %swap3A_220] {strides = array<i32>} : memref<64x768xf32, #tpu.memory_space<vmem>>, vector<1x16xf32>,
      %swap3A_222 = vector.shape_cast %swap3A_221 : vector<1x16xf32> to vector<16xf32>
      %swap3A_223 = vector.shape_cast %get3A_218 : vector<16xf32> to vector<1x16xf32>
      tpu.vector_store %arg8[%swap3A_219, %swap3A_220], %swap3A_223 {add = true, strides = array<i32>} : memref<64x768xf32, #tpu.memory_space<vmem>>, vector<1x16xf32>,
      %get3A_224 = arith.index_cast %scan3A_99 : i32 to index
      %get3A_225 = arith.constant 224 : index
      %get3A_226 = tpu.vector_load %arg7[%get3A_224, %get3A_225] {strides = array<i32>} : memref<64x768xf32, #tpu.memory_space<vmem>>, vector<1x16xf32>,
      %get3A_227 = vector.shape_cast %get3A_226 : vector<1x16xf32> to vector<16xf32>
      %swap3A_228 = arith.index_cast %scan3A_99 : i32 to index
      %swap3A_229 = arith.constant 224 : index
      %swap3A_230 = tpu.vector_load %arg8[%swap3A_228, %swap3A_229] {strides = array<i32>} : memref<64x768xf32, #tpu.memory_space<vmem>>, vector<1x16xf32>,
      %swap3A_231 = vector.shape_cast %swap3A_230 : vector<1x16xf32> to vector<16xf32>
      %swap3A_232 = vector.shape_cast %get3A_227 : vector<16xf32> to vector<1x16xf32>
      tpu.vector_store %arg8[%swap3A_228, %swap3A_229], %swap3A_232 {add = true, strides = array<i32>} : memref<64x768xf32, #tpu.memory_space<vmem>>, vector<1x16xf32>,
      %get3A_233 = arith.index_cast %scan3A_99 : i32 to index
      %get3A_234 = arith.constant 240 : index
      %get3A_235 = tpu.vector_load %arg7[%get3A_233, %get3A_234] {strides = array<i32>} : memref<64x768xf32, #tpu.memory_space<vmem>>, vector<1x16xf32>,
      %get3A_236 = vector.shape_cast %get3A_235 : vector<1x16xf32> to vector<16xf32>
      %swap3A_237 = arith.index_cast %scan3A_99 : i32 to index
      %swap3A_238 = arith.constant 240 : index
      %swap3A_239 = tpu.vector_load %arg8[%swap3A_237, %swap3A_238] {strides = array<i32>} : memref<64x768xf32, #tpu.memory_space<vmem>>, vector<1x16xf32>,
      %swap3A_240 = vector.shape_cast %swap3A_239 : vector<1x16xf32> to vector<16xf32>
      %swap3A_241 = vector.shape_cast %get3A_236 : vector<16xf32> to vector<1x16xf32>
      tpu.vector_store %arg8[%swap3A_237, %swap3A_238], %swap3A_241 {add = true, strides = array<i32>} : memref<64x768xf32, #tpu.memory_space<vmem>>, vector<1x16xf32>,
      %get3A_242 = arith.index_cast %scan3A_99 : i32 to index
      %get3A_243 = arith.constant 256 : index
      %get3A_244 = tpu.vector_load %arg7[%get3A_242, %get3A_243] {strides = array<i32>} : memref<64x768xf32, #tpu.memory_space<vmem>>, vector<1x16xf32>,
      %get3A_245 = vector.shape_cast %get3A_244 : vector<1x16xf32> to vector<16xf32>
      %swap3A_246 = arith.index_cast %scan3A_99 : i32 to index
      %swap3A_247 = arith.constant 256 : index
      %swap3A_248 = tpu.vector_load %arg8[%swap3A_246, %swap3A_247] {strides = array<i32>} : memref<64x768xf32, #tpu.memory_space<vmem>>, vector<1x16xf32>,
      %swap3A_249 = vector.shape_cast %swap3A_248 : vector<1x16xf32> to vector<16xf32>
      %swap3A_250 = vector.shape_cast %get3A_245 : vector<16xf32> to vector<1x16xf32>
      tpu.vector_store %arg8[%swap3A_246, %swap3A_247], %swap3A_250 {add = true, strides = array<i32>} : memref<64x768xf32, #tpu.memory_space<vmem>>, vector<1x16xf32>,
      %get3A_251 = arith.index_cast %scan3A_99 : i32 to index
      %get3A_252 = arith.constant 272 : index
      %get3A_253 = tpu.vector_load %arg7[%get3A_251, %get3A_252] {strides = array<i32>} : memref<64x768xf32, #tpu.memory_space<vmem>>, vector<1x16xf32>,
      %get3A_254 = vector.shape_cast %get3A_253 : vector<1x16xf32> to vector<16xf32>
      %swap3A_255 = arith.index_cast %scan3A_99 : i32 to index
      %swap3A_256 = arith.constant 272 : index
      %swap3A_257 = tpu.vector_load %arg8[%swap3A_255, %swap3A_256] {strides = array<i32>} : memref<64x768xf32, #tpu.memory_space<vmem>>, vector<1x16xf32>,
      %swap3A_258 = vector.shape_cast %swap3A_257 : vector<1x16xf32> to vector<16xf32>
      %swap3A_259 = vector.shape_cast %get3A_254 : vector<16xf32> to vector<1x16xf32>
      tpu.vector_store %arg8[%swap3A_255, %swap3A_256], %swap3A_259 {add = true, strides = array<i32>} : memref<64x768xf32, #tpu.memory_space<vmem>>, vector<1x16xf32>,
      %get3A_260 = arith.index_cast %scan3A_99 : i32 to index
      %get3A_261 = arith.constant 288 : index
      %get3A_262 = tpu.vector_load %arg7[%get3A_260, %get3A_261] {strides = array<i32>} : memref<64x768xf32, #tpu.memory_space<vmem>>, vector<1x16xf32>,
      %get3A_263 = vector.shape_cast %get3A_262 : vector<1x16xf32> to vector<16xf32>
      %swap3A_264 = arith.index_cast %scan3A_99 : i32 to index
      %swap3A_265 = arith.constant 288 : index
      %swap3A_266 = tpu.vector_load %arg8[%swap3A_264, %swap3A_265] {strides = array<i32>} : memref<64x768xf32, #tpu.memory_space<vmem>>, vector<1x16xf32>,
      %swap3A_267 = vector.shape_cast %swap3A_266 : vector<1x16xf32> to vector<16xf32>
      %swap3A_268 = vector.shape_cast %get3A_263 : vector<16xf32> to vector<1x16xf32>
      tpu.vector_store %arg8[%swap3A_264, %swap3A_265], %swap3A_268 {add = true, strides = array<i32>} : memref<64x768xf32, #tpu.memory_space<vmem>>, vector<1x16xf32>,
      %get3A_269 = arith.index_cast %scan3A_99 : i32 to index
      %get3A_270 = arith.constant 304 : index
      %get3A_271 = tpu.vector_load %arg7[%get3A_269, %get3A_270] {strides = array<i32>} : memref<64x768xf32, #tpu.memory_space<vmem>>, vector<1x16xf32>,
      %get3A_272 = vector.shape_cast %get3A_271 : vector<1x16xf32> to vector<16xf32>
      %swap3A_273 = arith.index_cast %scan3A_99 : i32 to index
      %swap3A_274 = arith.constant 304 : index
      %swap3A_275 = tpu.vector_load %arg8[%swap3A_273, %swap3A_274] {strides = array<i32>} : memref<64x768xf32, #tpu.memory_space<vmem>>, vector<1x16xf32>,
      %swap3A_276 = vector.shape_cast %swap3A_275 : vector<1x16xf32> to vector<16xf32>
      %swap3A_277 = vector.shape_cast %get3A_272 : vector<16xf32> to vector<1x16xf32>
      tpu.vector_store %arg8[%swap3A_273, %swap3A_274], %swap3A_277 {add = true, strides = array<i32>} : memref<64x768xf32, #tpu.memory_space<vmem>>, vector<1x16xf32>,
      %get3A_278 = arith.index_cast %scan3A_99 : i32 to index
      %get3A_279 = arith.constant 320 : index
      %get3A_280 = tpu.vector_load %arg7[%get3A_278, %get3A_279] {strides = array<i32>} : memref<64x768xf32, #tpu.memory_space<vmem>>, vector<1x16xf32>,
      %get3A_281 = vector.shape_cast %get3A_280 : vector<1x16xf32> to vector<16xf32>
      %swap3A_282 = arith.index_cast %scan3A_99 : i32 to index
      %swap3A_283 = arith.constant 320 : index
      %swap3A_284 = tpu.vector_load %arg8[%swap3A_282, %swap3A_283] {strides = array<i32>} : memref<64x768xf32, #tpu.memory_space<vmem>>, vector<1x16xf32>,
      %swap3A_285 = vector.shape_cast %swap3A_284 : vector<1x16xf32> to vector<16xf32>
      %swap3A_286 = vector.shape_cast %get3A_281 : vector<16xf32> to vector<1x16xf32>
      tpu.vector_store %arg8[%swap3A_282, %swap3A_283], %swap3A_286 {add = true, strides = array<i32>} : memref<64x768xf32, #tpu.memory_space<vmem>>, vector<1x16xf32>,
      %get3A_287 = arith.index_cast %scan3A_99 : i32 to index
      %get3A_288 = arith.constant 336 : index
      %get3A_289 = tpu.vector_load %arg7[%get3A_287, %get3A_288] {strides = array<i32>} : memref<64x768xf32, #tpu.memory_space<vmem>>, vector<1x16xf32>,
      %get3A_290 = vector.shape_cast %get3A_289 : vector<1x16xf32> to vector<16xf32>
      %swap3A_291 = arith.index_cast %scan3A_99 : i32 to index
      %swap3A_292 = arith.constant 336 : index
      %swap3A_293 = tpu.vector_load %arg8[%swap3A_291, %swap3A_292] {strides = array<i32>} : memref<64x768xf32, #tpu.memory_space<vmem>>, vector<1x16xf32>,
      %swap3A_294 = vector.shape_cast %swap3A_293 : vector<1x16xf32> to vector<16xf32>
      %swap3A_295 = vector.shape_cast %get3A_290 : vector<16xf32> to vector<1x16xf32>
      tpu.vector_store %arg8[%swap3A_291, %swap3A_292], %swap3A_295 {add = true, strides = array<i32>} : memref<64x768xf32, #tpu.memory_space<vmem>>, vector<1x16xf32>,
      %get3A_296 = arith.index_cast %scan3A_99 : i32 to index
      %get3A_297 = arith.constant 352 : index
      %get3A_298 = tpu.vector_load %arg7[%get3A_296, %get3A_297] {strides = array<i32>} : memref<64x768xf32, #tpu.memory_space<vmem>>, vector<1x16xf32>,
      %get3A_299 = vector.shape_cast %get3A_298 : vector<1x16xf32> to vector<16xf32>
      %swap3A_300 = arith.index_cast %scan3A_99 : i32 to index
      %swap3A_301 = arith.constant 352 : index
      %swap3A_302 = tpu.vector_load %arg8[%swap3A_300, %swap3A_301] {strides = array<i32>} : memref<64x768xf32, #tpu.memory_space<vmem>>, vector<1x16xf32>,
      %swap3A_303 = vector.shape_cast %swap3A_302 : vector<1x16xf32> to vector<16xf32>
      %swap3A_304 = vector.shape_cast %get3A_299 : vector<16xf32> to vector<1x16xf32>
      tpu.vector_store %arg8[%swap3A_300, %swap3A_301], %swap3A_304 {add = true, strides = array<i32>} : memref<64x768xf32, #tpu.memory_space<vmem>>, vector<1x16xf32>,
      %get3A_305 = arith.index_cast %scan3A_99 : i32 to index
      %get3A_306 = arith.constant 368 : index
      %get3A_307 = tpu.vector_load %arg7[%get3A_305, %get3A_306] {strides = array<i32>} : memref<64x768xf32, #tpu.memory_space<vmem>>, vector<1x16xf32>,
      %get3A_308 = vector.shape_cast %get3A_307 : vector<1x16xf32> to vector<16xf32>
      %swap3A_309 = arith.index_cast %scan3A_99 : i32 to index
      %swap3A_310 = arith.constant 368 : index
      %swap3A_311 = tpu.vector_load %arg8[%swap3A_309, %swap3A_310] {strides = array<i32>} : memref<64x768xf32, #tpu.memory_space<vmem>>, vector<1x16xf32>,
      %swap3A_312 = vector.shape_cast %swap3A_311 : vector<1x16xf32> to vector<16xf32>
      %swap3A_313 = vector.shape_cast %get3A_308 : vector<16xf32> to vector<1x16xf32>
      tpu.vector_store %arg8[%swap3A_309, %swap3A_310], %swap3A_313 {add = true, strides = array<i32>} : memref<64x768xf32, #tpu.memory_space<vmem>>, vector<1x16xf32>,
      %get3A_314 = arith.index_cast %scan3A_99 : i32 to index
      %get3A_315 = arith.constant 384 : index
      %get3A_316 = tpu.vector_load %arg7[%get3A_314, %get3A_315] {strides = array<i32>} : memref<64x768xf32, #tpu.memory_space<vmem>>, vector<1x16xf32>,
      %get3A_317 = vector.shape_cast %get3A_316 : vector<1x16xf32> to vector<16xf32>
      %swap3A_318 = arith.index_cast %scan3A_99 : i32 to index
      %swap3A_319 = arith.constant 384 : index
      %swap3A_320 = tpu.vector_load %arg8[%swap3A_318, %swap3A_319] {strides = array<i32>} : memref<64x768xf32, #tpu.memory_space<vmem>>, vector<1x16xf32>,
      %swap3A_321 = vector.shape_cast %swap3A_320 : vector<1x16xf32> to vector<16xf32>
      %swap3A_322 = vector.shape_cast %get3A_317 : vector<16xf32> to vector<1x16xf32>
      tpu.vector_store %arg8[%swap3A_318, %swap3A_319], %swap3A_322 {add = true, strides = array<i32>} : memref<64x768xf32, #tpu.memory_space<vmem>>, vector<1x16xf32>,
      %get3A_323 = arith.index_cast %scan3A_99 : i32 to index
      %get3A_324 = arith.constant 400 : index
      %get3A_325 = tpu.vector_load %arg7[%get3A_323, %get3A_324] {strides = array<i32>} : memref<64x768xf32, #tpu.memory_space<vmem>>, vector<1x16xf32>,
      %get3A_326 = vector.shape_cast %get3A_325 : vector<1x16xf32> to vector<16xf32>
      %swap3A_327 = arith.index_cast %scan3A_99 : i32 to index
      %swap3A_328 = arith.constant 400 : index
      %swap3A_329 = tpu.vector_load %arg8[%swap3A_327, %swap3A_328] {strides = array<i32>} : memref<64x768xf32, #tpu.memory_space<vmem>>, vector<1x16xf32>,
      %swap3A_330 = vector.shape_cast %swap3A_329 : vector<1x16xf32> to vector<16xf32>
      %swap3A_331 = vector.shape_cast %get3A_326 : vector<16xf32> to vector<1x16xf32>
      tpu.vector_store %arg8[%swap3A_327, %swap3A_328], %swap3A_331 {add = true, strides = array<i32>} : memref<64x768xf32, #tpu.memory_space<vmem>>, vector<1x16xf32>,
      %get3A_332 = arith.index_cast %scan3A_99 : i32 to index
      %get3A_333 = arith.constant 416 : index
      %get3A_334 = tpu.vector_load %arg7[%get3A_332, %get3A_333] {strides = array<i32>} : memref<64x768xf32, #tpu.memory_space<vmem>>, vector<1x16xf32>,
      %get3A_335 = vector.shape_cast %get3A_334 : vector<1x16xf32> to vector<16xf32>
      %swap3A_336 = arith.index_cast %scan3A_99 : i32 to index
      %swap3A_337 = arith.constant 416 : index
      %swap3A_338 = tpu.vector_load %arg8[%swap3A_336, %swap3A_337] {strides = array<i32>} : memref<64x768xf32, #tpu.memory_space<vmem>>, vector<1x16xf32>,
      %swap3A_339 = vector.shape_cast %swap3A_338 : vector<1x16xf32> to vector<16xf32>
      %swap3A_340 = vector.shape_cast %get3A_335 : vector<16xf32> to vector<1x16xf32>
      tpu.vector_store %arg8[%swap3A_336, %swap3A_337], %swap3A_340 {add = true, strides = array<i32>} : memref<64x768xf32, #tpu.memory_space<vmem>>, vector<1x16xf32>,
      %get3A_341 = arith.index_cast %scan3A_99 : i32 to index
      %get3A_342 = arith.constant 432 : index
      %get3A_343 = tpu.vector_load %arg7[%get3A_341, %get3A_342] {strides = array<i32>} : memref<64x768xf32, #tpu.memory_space<vmem>>, vector<1x16xf32>,
      %get3A_344 = vector.shape_cast %get3A_343 : vector<1x16xf32> to vector<16xf32>
      %swap3A_345 = arith.index_cast %scan3A_99 : i32 to index
      %swap3A_346 = arith.constant 432 : index
      %swap3A_347 = tpu.vector_load %arg8[%swap3A_345, %swap3A_346] {strides = array<i32>} : memref<64x768xf32, #tpu.memory_space<vmem>>, vector<1x16xf32>,
      %swap3A_348 = vector.shape_cast %swap3A_347 : vector<1x16xf32> to vector<16xf32>
      %swap3A_349 = vector.shape_cast %get3A_344 : vector<16xf32> to vector<1x16xf32>
      tpu.vector_store %arg8[%swap3A_345, %swap3A_346], %swap3A_349 {add = true, strides = array<i32>} : memref<64x768xf32, #tpu.memory_space<vmem>>, vector<1x16xf32>,
      %get3A_350 = arith.index_cast %scan3A_99 : i32 to index
      %get3A_351 = arith.constant 448 : index
      %get3A_352 = tpu.vector_load %arg7[%get3A_350, %get3A_351] {strides = array<i32>} : memref<64x768xf32, #tpu.memory_space<vmem>>, vector<1x16xf32>,
      %get3A_353 = vector.shape_cast %get3A_352 : vector<1x16xf32> to vector<16xf32>
      %swap3A_354 = arith.index_cast %scan3A_99 : i32 to index
      %swap3A_355 = arith.constant 448 : index
      %swap3A_356 = tpu.vector_load %arg8[%swap3A_354, %swap3A_355] {strides = array<i32>} : memref<64x768xf32, #tpu.memory_space<vmem>>, vector<1x16xf32>,
      %swap3A_357 = vector.shape_cast %swap3A_356 : vector<1x16xf32> to vector<16xf32>
      %swap3A_358 = vector.shape_cast %get3A_353 : vector<16xf32> to vector<1x16xf32>
      tpu.vector_store %arg8[%swap3A_354, %swap3A_355], %swap3A_358 {add = true, strides = array<i32>} : memref<64x768xf32, #tpu.memory_space<vmem>>, vector<1x16xf32>,
      %get3A_359 = arith.index_cast %scan3A_99 : i32 to index
      %get3A_360 = arith.constant 464 : index
      %get3A_361 = tpu.vector_load %arg7[%get3A_359, %get3A_360] {strides = array<i32>} : memref<64x768xf32, #tpu.memory_space<vmem>>, vector<1x16xf32>,
      %get3A_362 = vector.shape_cast %get3A_361 : vector<1x16xf32> to vector<16xf32>
      %swap3A_363 = arith.index_cast %scan3A_99 : i32 to index
      %swap3A_364 = arith.constant 464 : index
      %swap3A_365 = tpu.vector_load %arg8[%swap3A_363, %swap3A_364] {strides = array<i32>} : memref<64x768xf32, #tpu.memory_space<vmem>>, vector<1x16xf32>,
      %swap3A_366 = vector.shape_cast %swap3A_365 : vector<1x16xf32> to vector<16xf32>
      %swap3A_367 = vector.shape_cast %get3A_362 : vector<16xf32> to vector<1x16xf32>
      tpu.vector_store %arg8[%swap3A_363, %swap3A_364], %swap3A_367 {add = true, strides = array<i32>} : memref<64x768xf32, #tpu.memory_space<vmem>>, vector<1x16xf32>,
      %get3A_368 = arith.index_cast %scan3A_99 : i32 to index
      %get3A_369 = arith.constant 480 : index
      %get3A_370 = tpu.vector_load %arg7[%get3A_368, %get3A_369] {strides = array<i32>} : memref<64x768xf32, #tpu.memory_space<vmem>>, vector<1x16xf32>,
      %get3A_371 = vector.shape_cast %get3A_370 : vector<1x16xf32> to vector<16xf32>
      %swap3A_372 = arith.index_cast %scan3A_99 : i32 to index
      %swap3A_373 = arith.constant 480 : index
      %swap3A_374 = tpu.vector_load %arg8[%swap3A_372, %swap3A_373] {strides = array<i32>} : memref<64x768xf32, #tpu.memory_space<vmem>>, vector<1x16xf32>,
      %swap3A_375 = vector.shape_cast %swap3A_374 : vector<1x16xf32> to vector<16xf32>
      %swap3A_376 = vector.shape_cast %get3A_371 : vector<16xf32> to vector<1x16xf32>
      tpu.vector_store %arg8[%swap3A_372, %swap3A_373], %swap3A_376 {add = true, strides = array<i32>} : memref<64x768xf32, #tpu.memory_space<vmem>>, vector<1x16xf32>,
      %get3A_377 = arith.index_cast %scan3A_99 : i32 to index
      %get3A_378 = arith.constant 496 : index
      %get3A_379 = tpu.vector_load %arg7[%get3A_377, %get3A_378] {strides = array<i32>} : memref<64x768xf32, #tpu.memory_space<vmem>>, vector<1x16xf32>,
      %get3A_380 = vector.shape_cast %get3A_379 : vector<1x16xf32> to vector<16xf32>
      %swap3A_381 = arith.index_cast %scan3A_99 : i32 to index
      %swap3A_382 = arith.constant 496 : index
      %swap3A_383 = tpu.vector_load %arg8[%swap3A_381, %swap3A_382] {strides = array<i32>} : memref<64x768xf32, #tpu.memory_space<vmem>>, vector<1x16xf32>,
      %swap3A_384 = vector.shape_cast %swap3A_383 : vector<1x16xf32> to vector<16xf32>
      %swap3A_385 = vector.shape_cast %get3A_380 : vector<16xf32> to vector<1x16xf32>
      tpu.vector_store %arg8[%swap3A_381, %swap3A_382], %swap3A_385 {add = true, strides = array<i32>} : memref<64x768xf32, #tpu.memory_space<vmem>>, vector<1x16xf32>,
      %get3A_386 = arith.index_cast %scan3A_99 : i32 to index
      %get3A_387 = arith.constant 512 : index
      %get3A_388 = tpu.vector_load %arg7[%get3A_386, %get3A_387] {strides = array<i32>} : memref<64x768xf32, #tpu.memory_space<vmem>>, vector<1x16xf32>,
      %get3A_389 = vector.shape_cast %get3A_388 : vector<1x16xf32> to vector<16xf32>
      %swap3A_390 = arith.index_cast %scan3A_99 : i32 to index
      %swap3A_391 = arith.constant 512 : index
      %swap3A_392 = tpu.vector_load %arg8[%swap3A_390, %swap3A_391] {strides = array<i32>} : memref<64x768xf32, #tpu.memory_space<vmem>>, vector<1x16xf32>,
      %swap3A_393 = vector.shape_cast %swap3A_392 : vector<1x16xf32> to vector<16xf32>
      %swap3A_394 = vector.shape_cast %get3A_389 : vector<16xf32> to vector<1x16xf32>
      tpu.vector_store %arg8[%swap3A_390, %swap3A_391], %swap3A_394 {add = true, strides = array<i32>} : memref<64x768xf32, #tpu.memory_space<vmem>>, vector<1x16xf32>,
      %get3A_395 = arith.index_cast %scan3A_99 : i32 to index
      %get3A_396 = arith.constant 528 : index
      %get3A_397 = tpu.vector_load %arg7[%get3A_395, %get3A_396] {strides = array<i32>} : memref<64x768xf32, #tpu.memory_space<vmem>>, vector<1x16xf32>,
      %get3A_398 = vector.shape_cast %get3A_397 : vector<1x16xf32> to vector<16xf32>
      %swap3A_399 = arith.index_cast %scan3A_99 : i32 to index
      %swap3A_400 = arith.constant 528 : index
      %swap3A_401 = tpu.vector_load %arg8[%swap3A_399, %swap3A_400] {strides = array<i32>} : memref<64x768xf32, #tpu.memory_space<vmem>>, vector<1x16xf32>,
      %swap3A_402 = vector.shape_cast %swap3A_401 : vector<1x16xf32> to vector<16xf32>
      %swap3A_403 = vector.shape_cast %get3A_398 : vector<16xf32> to vector<1x16xf32>
      tpu.vector_store %arg8[%swap3A_399, %swap3A_400], %swap3A_403 {add = true, strides = array<i32>} : memref<64x768xf32, #tpu.memory_space<vmem>>, vector<1x16xf32>,
      %get3A_404 = arith.index_cast %scan3A_99 : i32 to index
      %get3A_405 = arith.constant 544 : index
      %get3A_406 = tpu.vector_load %arg7[%get3A_404, %get3A_405] {strides = array<i32>} : memref<64x768xf32, #tpu.memory_space<vmem>>, vector<1x16xf32>,
      %get3A_407 = vector.shape_cast %get3A_406 : vector<1x16xf32> to vector<16xf32>
      %swap3A_408 = arith.index_cast %scan3A_99 : i32 to index
      %swap3A_409 = arith.constant 544 : index
      %swap3A_410 = tpu.vector_load %arg8[%swap3A_408, %swap3A_409] {strides = array<i32>} : memref<64x768xf32, #tpu.memory_space<vmem>>, vector<1x16xf32>,
      %swap3A_411 = vector.shape_cast %swap3A_410 : vector<1x16xf32> to vector<16xf32>
      %swap3A_412 = vector.shape_cast %get3A_407 : vector<16xf32> to vector<1x16xf32>
      tpu.vector_store %arg8[%swap3A_408, %swap3A_409], %swap3A_412 {add = true, strides = array<i32>} : memref<64x768xf32, #tpu.memory_space<vmem>>, vector<1x16xf32>,
      %get3A_413 = arith.index_cast %scan3A_99 : i32 to index
      %get3A_414 = arith.constant 560 : index
      %get3A_415 = tpu.vector_load %arg7[%get3A_413, %get3A_414] {strides = array<i32>} : memref<64x768xf32, #tpu.memory_space<vmem>>, vector<1x16xf32>,
      %get3A_416 = vector.shape_cast %get3A_415 : vector<1x16xf32> to vector<16xf32>
      %swap3A_417 = arith.index_cast %scan3A_99 : i32 to index
      %swap3A_418 = arith.constant 560 : index
      %swap3A_419 = tpu.vector_load %arg8[%swap3A_417, %swap3A_418] {strides = array<i32>} : memref<64x768xf32, #tpu.memory_space<vmem>>, vector<1x16xf32>,
      %swap3A_420 = vector.shape_cast %swap3A_419 : vector<1x16xf32> to vector<16xf32>
      %swap3A_421 = vector.shape_cast %get3A_416 : vector<16xf32> to vector<1x16xf32>
      tpu.vector_store %arg8[%swap3A_417, %swap3A_418], %swap3A_421 {add = true, strides = array<i32>} : memref<64x768xf32, #tpu.memory_space<vmem>>, vector<1x16xf32>,
      %get3A_422 = arith.index_cast %scan3A_99 : i32 to index
      %get3A_423 = arith.constant 576 : index
      %get3A_424 = tpu.vector_load %arg7[%get3A_422, %get3A_423] {strides = array<i32>} : memref<64x768xf32, #tpu.memory_space<vmem>>, vector<1x16xf32>,
      %get3A_425 = vector.shape_cast %get3A_424 : vector<1x16xf32> to vector<16xf32>
      %swap3A_426 = arith.index_cast %scan3A_99 : i32 to index
      %swap3A_427 = arith.constant 576 : index
      %swap3A_428 = tpu.vector_load %arg8[%swap3A_426, %swap3A_427] {strides = array<i32>} : memref<64x768xf32, #tpu.memory_space<vmem>>, vector<1x16xf32>,
      %swap3A_429 = vector.shape_cast %swap3A_428 : vector<1x16xf32> to vector<16xf32>
      %swap3A_430 = vector.shape_cast %get3A_425 : vector<16xf32> to vector<1x16xf32>
      tpu.vector_store %arg8[%swap3A_426, %swap3A_427], %swap3A_430 {add = true, strides = array<i32>} : memref<64x768xf32, #tpu.memory_space<vmem>>, vector<1x16xf32>,
      %get3A_431 = arith.index_cast %scan3A_99 : i32 to index
      %get3A_432 = arith.constant 592 : index
      %get3A_433 = tpu.vector_load %arg7[%get3A_431, %get3A_432] {strides = array<i32>} : memref<64x768xf32, #tpu.memory_space<vmem>>, vector<1x16xf32>,
      %get3A_434 = vector.shape_cast %get3A_433 : vector<1x16xf32> to vector<16xf32>
      %swap3A_435 = arith.index_cast %scan3A_99 : i32 to index
      %swap3A_436 = arith.constant 592 : index
      %swap3A_437 = tpu.vector_load %arg8[%swap3A_435, %swap3A_436] {strides = array<i32>} : memref<64x768xf32, #tpu.memory_space<vmem>>, vector<1x16xf32>,
      %swap3A_438 = vector.shape_cast %swap3A_437 : vector<1x16xf32> to vector<16xf32>
      %swap3A_439 = vector.shape_cast %get3A_434 : vector<16xf32> to vector<1x16xf32>
      tpu.vector_store %arg8[%swap3A_435, %swap3A_436], %swap3A_439 {add = true, strides = array<i32>} : memref<64x768xf32, #tpu.memory_space<vmem>>, vector<1x16xf32>,
      %get3A_440 = arith.index_cast %scan3A_99 : i32 to index
      %get3A_441 = arith.constant 608 : index
      %get3A_442 = tpu.vector_load %arg7[%get3A_440, %get3A_441] {strides = array<i32>} : memref<64x768xf32, #tpu.memory_space<vmem>>, vector<1x16xf32>,
      %get3A_443 = vector.shape_cast %get3A_442 : vector<1x16xf32> to vector<16xf32>
      %swap3A_444 = arith.index_cast %scan3A_99 : i32 to index
      %swap3A_445 = arith.constant 608 : index
      %swap3A_446 = tpu.vector_load %arg8[%swap3A_444, %swap3A_445] {strides = array<i32>} : memref<64x768xf32, #tpu.memory_space<vmem>>, vector<1x16xf32>,
      %swap3A_447 = vector.shape_cast %swap3A_446 : vector<1x16xf32> to vector<16xf32>
      %swap3A_448 = vector.shape_cast %get3A_443 : vector<16xf32> to vector<1x16xf32>
      tpu.vector_store %arg8[%swap3A_444, %swap3A_445], %swap3A_448 {add = true, strides = array<i32>} : memref<64x768xf32, #tpu.memory_space<vmem>>, vector<1x16xf32>,
      %get3A_449 = arith.index_cast %scan3A_99 : i32 to index
      %get3A_450 = arith.constant 624 : index
      %get3A_451 = tpu.vector_load %arg7[%get3A_449, %get3A_450] {strides = array<i32>} : memref<64x768xf32, #tpu.memory_space<vmem>>, vector<1x16xf32>,
      %get3A_452 = vector.shape_cast %get3A_451 : vector<1x16xf32> to vector<16xf32>
      %swap3A_453 = arith.index_cast %scan3A_99 : i32 to index
      %swap3A_454 = arith.constant 624 : index
      %swap3A_455 = tpu.vector_load %arg8[%swap3A_453, %swap3A_454] {strides = array<i32>} : memref<64x768xf32, #tpu.memory_space<vmem>>, vector<1x16xf32>,
      %swap3A_456 = vector.shape_cast %swap3A_455 : vector<1x16xf32> to vector<16xf32>
      %swap3A_457 = vector.shape_cast %get3A_452 : vector<16xf32> to vector<1x16xf32>
      tpu.vector_store %arg8[%swap3A_453, %swap3A_454], %swap3A_457 {add = true, strides = array<i32>} : memref<64x768xf32, #tpu.memory_space<vmem>>, vector<1x16xf32>,
      %get3A_458 = arith.index_cast %scan3A_99 : i32 to index
      %get3A_459 = arith.constant 640 : index
      %get3A_460 = tpu.vector_load %arg7[%get3A_458, %get3A_459] {strides = array<i32>} : memref<64x768xf32, #tpu.memory_space<vmem>>, vector<1x16xf32>,
      %get3A_461 = vector.shape_cast %get3A_460 : vector<1x16xf32> to vector<16xf32>
      %swap3A_462 = arith.index_cast %scan3A_99 : i32 to index
      %swap3A_463 = arith.constant 640 : index
      %swap3A_464 = tpu.vector_load %arg8[%swap3A_462, %swap3A_463] {strides = array<i32>} : memref<64x768xf32, #tpu.memory_space<vmem>>, vector<1x16xf32>,
      %swap3A_465 = vector.shape_cast %swap3A_464 : vector<1x16xf32> to vector<16xf32>
      %swap3A_466 = vector.shape_cast %get3A_461 : vector<16xf32> to vector<1x16xf32>
      tpu.vector_store %arg8[%swap3A_462, %swap3A_463], %swap3A_466 {add = true, strides = array<i32>} : memref<64x768xf32, #tpu.memory_space<vmem>>, vector<1x16xf32>,
      %get3A_467 = arith.index_cast %scan3A_99 : i32 to index
      %get3A_468 = arith.constant 656 : index
      %get3A_469 = tpu.vector_load %arg7[%get3A_467, %get3A_468] {strides = array<i32>} : memref<64x768xf32, #tpu.memory_space<vmem>>, vector<1x16xf32>,
      %get3A_470 = vector.shape_cast %get3A_469 : vector<1x16xf32> to vector<16xf32>
      %swap3A_471 = arith.index_cast %scan3A_99 : i32 to index
      %swap3A_472 = arith.constant 656 : index
      %swap3A_473 = tpu.vector_load %arg8[%swap3A_471, %swap3A_472] {strides = array<i32>} : memref<64x768xf32, #tpu.memory_space<vmem>>, vector<1x16xf32>,
      %swap3A_474 = vector.shape_cast %swap3A_473 : vector<1x16xf32> to vector<16xf32>
      %swap3A_475 = vector.shape_cast %get3A_470 : vector<16xf32> to vector<1x16xf32>
      tpu.vector_store %arg8[%swap3A_471, %swap3A_472], %swap3A_475 {add = true, strides = array<i32>} : memref<64x768xf32, #tpu.memory_space<vmem>>, vector<1x16xf32>,
      %get3A_476 = arith.index_cast %scan3A_99 : i32 to index
      %get3A_477 = arith.constant 672 : index
      %get3A_478 = tpu.vector_load %arg7[%get3A_476, %get3A_477] {strides = array<i32>} : memref<64x768xf32, #tpu.memory_space<vmem>>, vector<1x16xf32>,
      %get3A_479 = vector.shape_cast %get3A_478 : vector<1x16xf32> to vector<16xf32>
      %swap3A_480 = arith.index_cast %scan3A_99 : i32 to index
      %swap3A_481 = arith.constant 672 : index
      %swap3A_482 = tpu.vector_load %arg8[%swap3A_480, %swap3A_481] {strides = array<i32>} : memref<64x768xf32, #tpu.memory_space<vmem>>, vector<1x16xf32>,
      %swap3A_483 = vector.shape_cast %swap3A_482 : vector<1x16xf32> to vector<16xf32>
      %swap3A_484 = vector.shape_cast %get3A_479 : vector<16xf32> to vector<1x16xf32>
      tpu.vector_store %arg8[%swap3A_480, %swap3A_481], %swap3A_484 {add = true, strides = array<i32>} : memref<64x768xf32, #tpu.memory_space<vmem>>, vector<1x16xf32>,
      %get3A_485 = arith.index_cast %scan3A_99 : i32 to index
      %get3A_486 = arith.constant 688 : index
      %get3A_487 = tpu.vector_load %arg7[%get3A_485, %get3A_486] {strides = array<i32>} : memref<64x768xf32, #tpu.memory_space<vmem>>, vector<1x16xf32>,
      %get3A_488 = vector.shape_cast %get3A_487 : vector<1x16xf32> to vector<16xf32>
      %swap3A_489 = arith.index_cast %scan3A_99 : i32 to index
      %swap3A_490 = arith.constant 688 : index
      %swap3A_491 = tpu.vector_load %arg8[%swap3A_489, %swap3A_490] {strides = array<i32>} : memref<64x768xf32, #tpu.memory_space<vmem>>, vector<1x16xf32>,
      %swap3A_492 = vector.shape_cast %swap3A_491 : vector<1x16xf32> to vector<16xf32>
      %swap3A_493 = vector.shape_cast %get3A_488 : vector<16xf32> to vector<1x16xf32>
      tpu.vector_store %arg8[%swap3A_489, %swap3A_490], %swap3A_493 {add = true, strides = array<i32>} : memref<64x768xf32, #tpu.memory_space<vmem>>, vector<1x16xf32>,
      %get3A_494 = arith.index_cast %scan3A_99 : i32 to index
      %get3A_495 = arith.constant 704 : index
      %get3A_496 = tpu.vector_load %arg7[%get3A_494, %get3A_495] {strides = array<i32>} : memref<64x768xf32, #tpu.memory_space<vmem>>, vector<1x16xf32>,
      %get3A_497 = vector.shape_cast %get3A_496 : vector<1x16xf32> to vector<16xf32>
      %swap3A_498 = arith.index_cast %scan3A_99 : i32 to index
      %swap3A_499 = arith.constant 704 : index
      %swap3A_500 = tpu.vector_load %arg8[%swap3A_498, %swap3A_499] {strides = array<i32>} : memref<64x768xf32, #tpu.memory_space<vmem>>, vector<1x16xf32>,
      %swap3A_501 = vector.shape_cast %swap3A_500 : vector<1x16xf32> to vector<16xf32>
      %swap3A_502 = vector.shape_cast %get3A_497 : vector<16xf32> to vector<1x16xf32>
      tpu.vector_store %arg8[%swap3A_498, %swap3A_499], %swap3A_502 {add = true, strides = array<i32>} : memref<64x768xf32, #tpu.memory_space<vmem>>, vector<1x16xf32>,
      %get3A_503 = arith.index_cast %scan3A_99 : i32 to index
      %get3A_504 = arith.constant 720 : index
      %get3A_505 = tpu.vector_load %arg7[%get3A_503, %get3A_504] {strides = array<i32>} : memref<64x768xf32, #tpu.memory_space<vmem>>, vector<1x16xf32>,
      %get3A_506 = vector.shape_cast %get3A_505 : vector<1x16xf32> to vector<16xf32>
      %swap3A_507 = arith.index_cast %scan3A_99 : i32 to index
      %swap3A_508 = arith.constant 720 : index
      %swap3A_509 = tpu.vector_load %arg8[%swap3A_507, %swap3A_508] {strides = array<i32>} : memref<64x768xf32, #tpu.memory_space<vmem>>, vector<1x16xf32>,
      %swap3A_510 = vector.shape_cast %swap3A_509 : vector<1x16xf32> to vector<16xf32>
      %swap3A_511 = vector.shape_cast %get3A_506 : vector<16xf32> to vector<1x16xf32>
      tpu.vector_store %arg8[%swap3A_507, %swap3A_508], %swap3A_511 {add = true, strides = array<i32>} : memref<64x768xf32, #tpu.memory_space<vmem>>, vector<1x16xf32>,
      %get3A_512 = arith.index_cast %scan3A_99 : i32 to index
      %get3A_513 = arith.constant 736 : index
      %get3A_514 = tpu.vector_load %arg7[%get3A_512, %get3A_513] {strides = array<i32>} : memref<64x768xf32, #tpu.memory_space<vmem>>, vector<1x16xf32>,
      %get3A_515 = vector.shape_cast %get3A_514 : vector<1x16xf32> to vector<16xf32>
      %swap3A_516 = arith.index_cast %scan3A_99 : i32 to index
      %swap3A_517 = arith.constant 736 : index
      %swap3A_518 = tpu.vector_load %arg8[%swap3A_516, %swap3A_517] {strides = array<i32>} : memref<64x768xf32, #tpu.memory_space<vmem>>, vector<1x16xf32>,
      %swap3A_519 = vector.shape_cast %swap3A_518 : vector<1x16xf32> to vector<16xf32>
      %swap3A_520 = vector.shape_cast %get3A_515 : vector<16xf32> to vector<1x16xf32>
      tpu.vector_store %arg8[%swap3A_516, %swap3A_517], %swap3A_520 {add = true, strides = array<i32>} : memref<64x768xf32, #tpu.memory_space<vmem>>, vector<1x16xf32>,
      %get3A_521 = arith.index_cast %scan3A_99 : i32 to index
      %get3A_522 = arith.constant 752 : index
      %get3A_523 = tpu.vector_load %arg7[%get3A_521, %get3A_522] {strides = array<i32>} : memref<64x768xf32, #tpu.memory_space<vmem>>, vector<1x16xf32>,
      %get3A_524 = vector.shape_cast %get3A_523 : vector<1x16xf32> to vector<16xf32>
      %swap3A_525 = arith.index_cast %scan3A_99 : i32 to index
      %swap3A_526 = arith.constant 752 : index
      %swap3A_527 = tpu.vector_load %arg8[%swap3A_525, %swap3A_526] {strides = array<i32>} : memref<64x768xf32, #tpu.memory_space<vmem>>, vector<1x16xf32>,
      %swap3A_528 = vector.shape_cast %swap3A_527 : vector<1x16xf32> to vector<16xf32>
      %swap3A_529 = vector.shape_cast %get3A_524 : vector<16xf32> to vector<1x16xf32>
      tpu.vector_store %arg8[%swap3A_525, %swap3A_526], %swap3A_529 {add = true, strides = array<i32>} : memref<64x768xf32, #tpu.memory_space<vmem>>, vector<1x16xf32>,
    }
    %scan3A_30 = arith.constant 64 : i32
    %add3A_31 = arith.constant 0 : i32
    %add3A_32 = arith.addi %add3A_31, %mul3A_2 : i32
    "tpu.region"() ({
      %run_scoped3A_99 = tpu.sem_alloc : memref<!tpu.dma_semaphore, #tpu.memory_space<semaphore_mem>>
      %dma_start3A_100 = arith.constant 0 : i32
      %dma_start3A_101 = tpu.memref_slice %arg5[%add3A_32, %dma_start3A_100] : memref<8192x768xf32, #tpu.memory_space<hbm>> -> memref<64x768xf32, #tpu.memory_space<hbm>>
      %dma_start3A_102 = arith.constant 0 : i32
      %dma_start3A_103 = tpu.memref_slice %arg5[%add3A_32, %dma_start3A_102] : memref<8192x768xf32, #tpu.memory_space<hbm>> -> memref<64x768xf32, #tpu.memory_space<hbm>>
      tpu.enqueue_dma source(%arg8 : memref<64x768xf32, #tpu.memory_space<vmem>>) target(%dma_start3A_103 : memref<64x768xf32, #tpu.memory_space<hbm>>) target_semaphore(%run_scoped3A_99 : memref<!tpu.dma_semaphore, #tpu.memory_space<semaphore_mem>>)
      %dma_wait3A_104 = arith.constant 0 : i32
      %dma_wait3A_105 = tpu.memref_slice %arg5[%add3A_32, %dma_wait3A_104] : memref<8192x768xf32, #tpu.memory_space<hbm>> -> memref<64x768xf32, #tpu.memory_space<hbm>>
      %dma_wait3A_106 = arith.constant 0 : i32
      %dma_wait3A_107 = tpu.memref_slice %arg5[%add3A_32, %dma_wait3A_106] : memref<8192x768xf32, #tpu.memory_space<hbm>> -> memref<64x768xf32, #tpu.memory_space<hbm>>
      tpu.wait_dma2 semaphore(%run_scoped3A_99 : memref<!tpu.dma_semaphore, #tpu.memory_space<semaphore_mem>>) src(%arg8 : memref<64x768xf32, #tpu.memory_space<vmem>>) dst(%dma_wait3A_107 : memref<64x768xf32, #tpu.memory_space<hbm>>)
      tpu.yield
    }) : () -> ()
    %dma_start3A_33 = arith.constant 1 : i32
    %dma_start3A_34 = arith.constant 0 : i32
    %dma_start3A_35 = tpu.memref_slice %arg6[%dma_start3A_33, %dma_start3A_34] : memref<4x64xi32, #tpu.memory_space<vmem>> -> memref<1x64xi32, #tpu.memory_space<vmem>>
    %dma_start3A_36 = tpu.memref_squeeze %dma_start3A_35 : memref<1x64xi32, #tpu.memory_space<vmem>> -> memref<64xi32, #tpu.memory_space<vmem>>
    %dma_start3A_37 = arith.constant 0 : i32
    %dma_start3A_38 = arith.constant 0 : i32
    %dma_start3A_39 = tpu.memref_slice %arg3[%dma_start3A_37, %dma_start3A_38] : memref<100000x768xf32, #tpu.memory_space<hbm>> -> memref<100000x768xf32, #tpu.memory_space<hbm>>
    tpu.enqueue_indirect_dma source(%dma_start3A_39 : memref<100000x768xf32, #tpu.memory_space<hbm>>) target(%arg8 : memref<64x768xf32, #tpu.memory_space<vmem>>) offsets(%dma_start3A_36 : memref<64xi32, #tpu.memory_space<vmem>>) semaphore(%arg9 : memref<!tpu.dma_semaphore, #tpu.memory_space<semaphore_mem>>)
    %dma_wait3A_40 = arith.constant 1 : i32
    %dma_wait3A_41 = arith.constant 0 : i32
    %dma_wait3A_42 = tpu.memref_slice %arg6[%dma_wait3A_40, %dma_wait3A_41] : memref<4x64xi32, #tpu.memory_space<vmem>> -> memref<1x64xi32, #tpu.memory_space<vmem>>
    %dma_wait3A_43 = tpu.memref_squeeze %dma_wait3A_42 : memref<1x64xi32, #tpu.memory_space<vmem>> -> memref<64xi32, #tpu.memory_space<vmem>>
    %dma_wait3A_44 = arith.constant 0 : i32
    %dma_wait3A_45 = arith.constant 0 : i32
    %dma_wait3A_46 = tpu.memref_slice %arg3[%dma_wait3A_44, %dma_wait3A_45] : memref<100000x768xf32, #tpu.memory_space<hbm>> -> memref<100000x768xf32, #tpu.memory_space<hbm>>
    tpu.wait_indirect_dma semaphore(%arg9 : memref<!tpu.dma_semaphore, #tpu.memory_space<semaphore_mem>>) src(%dma_wait3A_46 : memref<100000x768xf32, #tpu.memory_space<hbm>>) dst(%arg8 : memref<64x768xf32, #tpu.memory_space<vmem>>)
    %scan3A_47 = arith.constant 0 : i32
    %scan3A_48 = arith.constant 0 : i32
    %scan3A_49 = arith.constant 64 : i32
    %scan3A_50 = arith.addi %scan3A_48, %scan3A_49 : i32
    %scan3A_51 = arith.constant 1 : i32
    scf.for %scan3A_99 = %scan3A_48 to %scan3A_50 step %scan3A_51  : i32 {
      %get3A = arith.index_cast %scan3A_99 : i32 to index
      %get3A_100 = arith.constant 0 : index
      %get3A_101 = tpu.vector_load %arg7[%get3A, %get3A_100] {strides = array<i32>} : memref<64x768xf32, #tpu.memory_space<vmem>>, vector<1x16xf32>,
      %get3A_102 = vector.shape_cast %get3A_101 : vector<1x16xf32> to vector<16xf32>
      %swap3A = arith.index_cast %scan3A_99 : i32 to index
      %swap3A_103 = arith.constant 0 : index
      %swap3A_104 = tpu.vector_load %arg8[%swap3A, %swap3A_103] {strides = array<i32>} : memref<64x768xf32, #tpu.memory_space<vmem>>, vector<1x16xf32>,
      %swap3A_105 = vector.shape_cast %swap3A_104 : vector<1x16xf32> to vector<16xf32>
      %swap3A_106 = vector.shape_cast %get3A_102 : vector<16xf32> to vector<1x16xf32>
      tpu.vector_store %arg8[%swap3A, %swap3A_103], %swap3A_106 {add = true, strides = array<i32>} : memref<64x768xf32, #tpu.memory_space<vmem>>, vector<1x16xf32>,
      %get3A_107 = arith.index_cast %scan3A_99 : i32 to index
      %get3A_108 = arith.constant 16 : index
      %get3A_109 = tpu.vector_load %arg7[%get3A_107, %get3A_108] {strides = array<i32>} : memref<64x768xf32, #tpu.memory_space<vmem>>, vector<1x16xf32>,
      %get3A_110 = vector.shape_cast %get3A_109 : vector<1x16xf32> to vector<16xf32>
      %swap3A_111 = arith.index_cast %scan3A_99 : i32 to index
      %swap3A_112 = arith.constant 16 : index
      %swap3A_113 = tpu.vector_load %arg8[%swap3A_111, %swap3A_112] {strides = array<i32>} : memref<64x768xf32, #tpu.memory_space<vmem>>, vector<1x16xf32>,
      %swap3A_114 = vector.shape_cast %swap3A_113 : vector<1x16xf32> to vector<16xf32>
      %swap3A_115 = vector.shape_cast %get3A_110 : vector<16xf32> to vector<1x16xf32>
      tpu.vector_store %arg8[%swap3A_111, %swap3A_112], %swap3A_115 {add = true, strides = array<i32>} : memref<64x768xf32, #tpu.memory_space<vmem>>, vector<1x16xf32>,
      %get3A_116 = arith.index_cast %scan3A_99 : i32 to index
      %get3A_117 = arith.constant 32 : index
      %get3A_118 = tpu.vector_load %arg7[%get3A_116, %get3A_117] {strides = array<i32>} : memref<64x768xf32, #tpu.memory_space<vmem>>, vector<1x16xf32>,
      %get3A_119 = vector.shape_cast %get3A_118 : vector<1x16xf32> to vector<16xf32>
      %swap3A_120 = arith.index_cast %scan3A_99 : i32 to index
      %swap3A_121 = arith.constant 32 : index
      %swap3A_122 = tpu.vector_load %arg8[%swap3A_120, %swap3A_121] {strides = array<i32>} : memref<64x768xf32, #tpu.memory_space<vmem>>, vector<1x16xf32>,
      %swap3A_123 = vector.shape_cast %swap3A_122 : vector<1x16xf32> to vector<16xf32>
      %swap3A_124 = vector.shape_cast %get3A_119 : vector<16xf32> to vector<1x16xf32>
      tpu.vector_store %arg8[%swap3A_120, %swap3A_121], %swap3A_124 {add = true, strides = array<i32>} : memref<64x768xf32, #tpu.memory_space<vmem>>, vector<1x16xf32>,
      %get3A_125 = arith.index_cast %scan3A_99 : i32 to index
      %get3A_126 = arith.constant 48 : index
      %get3A_127 = tpu.vector_load %arg7[%get3A_125, %get3A_126] {strides = array<i32>} : memref<64x768xf32, #tpu.memory_space<vmem>>, vector<1x16xf32>,
      %get3A_128 = vector.shape_cast %get3A_127 : vector<1x16xf32> to vector<16xf32>
      %swap3A_129 = arith.index_cast %scan3A_99 : i32 to index
      %swap3A_130 = arith.constant 48 : index
      %swap3A_131 = tpu.vector_load %arg8[%swap3A_129, %swap3A_130] {strides = array<i32>} : memref<64x768xf32, #tpu.memory_space<vmem>>, vector<1x16xf32>,
      %swap3A_132 = vector.shape_cast %swap3A_131 : vector<1x16xf32> to vector<16xf32>
      %swap3A_133 = vector.shape_cast %get3A_128 : vector<16xf32> to vector<1x16xf32>
      tpu.vector_store %arg8[%swap3A_129, %swap3A_130], %swap3A_133 {add = true, strides = array<i32>} : memref<64x768xf32, #tpu.memory_space<vmem>>, vector<1x16xf32>,
      %get3A_134 = arith.index_cast %scan3A_99 : i32 to index
      %get3A_135 = arith.constant 64 : index
      %get3A_136 = tpu.vector_load %arg7[%get3A_134, %get3A_135] {strides = array<i32>} : memref<64x768xf32, #tpu.memory_space<vmem>>, vector<1x16xf32>,
      %get3A_137 = vector.shape_cast %get3A_136 : vector<1x16xf32> to vector<16xf32>
      %swap3A_138 = arith.index_cast %scan3A_99 : i32 to index
      %swap3A_139 = arith.constant 64 : index
      %swap3A_140 = tpu.vector_load %arg8[%swap3A_138, %swap3A_139] {strides = array<i32>} : memref<64x768xf32, #tpu.memory_space<vmem>>, vector<1x16xf32>,
      %swap3A_141 = vector.shape_cast %swap3A_140 : vector<1x16xf32> to vector<16xf32>
      %swap3A_142 = vector.shape_cast %get3A_137 : vector<16xf32> to vector<1x16xf32>
      tpu.vector_store %arg8[%swap3A_138, %swap3A_139], %swap3A_142 {add = true, strides = array<i32>} : memref<64x768xf32, #tpu.memory_space<vmem>>, vector<1x16xf32>,
      %get3A_143 = arith.index_cast %scan3A_99 : i32 to index
      %get3A_144 = arith.constant 80 : index
      %get3A_145 = tpu.vector_load %arg7[%get3A_143, %get3A_144] {strides = array<i32>} : memref<64x768xf32, #tpu.memory_space<vmem>>, vector<1x16xf32>,
      %get3A_146 = vector.shape_cast %get3A_145 : vector<1x16xf32> to vector<16xf32>
      %swap3A_147 = arith.index_cast %scan3A_99 : i32 to index
      %swap3A_148 = arith.constant 80 : index
      %swap3A_149 = tpu.vector_load %arg8[%swap3A_147, %swap3A_148] {strides = array<i32>} : memref<64x768xf32, #tpu.memory_space<vmem>>, vector<1x16xf32>,
      %swap3A_150 = vector.shape_cast %swap3A_149 : vector<1x16xf32> to vector<16xf32>
      %swap3A_151 = vector.shape_cast %get3A_146 : vector<16xf32> to vector<1x16xf32>
      tpu.vector_store %arg8[%swap3A_147, %swap3A_148], %swap3A_151 {add = true, strides = array<i32>} : memref<64x768xf32, #tpu.memory_space<vmem>>, vector<1x16xf32>,
      %get3A_152 = arith.index_cast %scan3A_99 : i32 to index
      %get3A_153 = arith.constant 96 : index
      %get3A_154 = tpu.vector_load %arg7[%get3A_152, %get3A_153] {strides = array<i32>} : memref<64x768xf32, #tpu.memory_space<vmem>>, vector<1x16xf32>,
      %get3A_155 = vector.shape_cast %get3A_154 : vector<1x16xf32> to vector<16xf32>
      %swap3A_156 = arith.index_cast %scan3A_99 : i32 to index
      %swap3A_157 = arith.constant 96 : index
      %swap3A_158 = tpu.vector_load %arg8[%swap3A_156, %swap3A_157] {strides = array<i32>} : memref<64x768xf32, #tpu.memory_space<vmem>>, vector<1x16xf32>,
      %swap3A_159 = vector.shape_cast %swap3A_158 : vector<1x16xf32> to vector<16xf32>
      %swap3A_160 = vector.shape_cast %get3A_155 : vector<16xf32> to vector<1x16xf32>
      tpu.vector_store %arg8[%swap3A_156, %swap3A_157], %swap3A_160 {add = true, strides = array<i32>} : memref<64x768xf32, #tpu.memory_space<vmem>>, vector<1x16xf32>,
      %get3A_161 = arith.index_cast %scan3A_99 : i32 to index
      %get3A_162 = arith.constant 112 : index
      %get3A_163 = tpu.vector_load %arg7[%get3A_161, %get3A_162] {strides = array<i32>} : memref<64x768xf32, #tpu.memory_space<vmem>>, vector<1x16xf32>,
      %get3A_164 = vector.shape_cast %get3A_163 : vector<1x16xf32> to vector<16xf32>
      %swap3A_165 = arith.index_cast %scan3A_99 : i32 to index
      %swap3A_166 = arith.constant 112 : index
      %swap3A_167 = tpu.vector_load %arg8[%swap3A_165, %swap3A_166] {strides = array<i32>} : memref<64x768xf32, #tpu.memory_space<vmem>>, vector<1x16xf32>,
      %swap3A_168 = vector.shape_cast %swap3A_167 : vector<1x16xf32> to vector<16xf32>
      %swap3A_169 = vector.shape_cast %get3A_164 : vector<16xf32> to vector<1x16xf32>
      tpu.vector_store %arg8[%swap3A_165, %swap3A_166], %swap3A_169 {add = true, strides = array<i32>} : memref<64x768xf32, #tpu.memory_space<vmem>>, vector<1x16xf32>,
      %get3A_170 = arith.index_cast %scan3A_99 : i32 to index
      %get3A_171 = arith.constant 128 : index
      %get3A_172 = tpu.vector_load %arg7[%get3A_170, %get3A_171] {strides = array<i32>} : memref<64x768xf32, #tpu.memory_space<vmem>>, vector<1x16xf32>,
      %get3A_173 = vector.shape_cast %get3A_172 : vector<1x16xf32> to vector<16xf32>
      %swap3A_174 = arith.index_cast %scan3A_99 : i32 to index
      %swap3A_175 = arith.constant 128 : index
      %swap3A_176 = tpu.vector_load %arg8[%swap3A_174, %swap3A_175] {strides = array<i32>} : memref<64x768xf32, #tpu.memory_space<vmem>>, vector<1x16xf32>,
      %swap3A_177 = vector.shape_cast %swap3A_176 : vector<1x16xf32> to vector<16xf32>
      %swap3A_178 = vector.shape_cast %get3A_173 : vector<16xf32> to vector<1x16xf32>
      tpu.vector_store %arg8[%swap3A_174, %swap3A_175], %swap3A_178 {add = true, strides = array<i32>} : memref<64x768xf32, #tpu.memory_space<vmem>>, vector<1x16xf32>,
      %get3A_179 = arith.index_cast %scan3A_99 : i32 to index
      %get3A_180 = arith.constant 144 : index
      %get3A_181 = tpu.vector_load %arg7[%get3A_179, %get3A_180] {strides = array<i32>} : memref<64x768xf32, #tpu.memory_space<vmem>>, vector<1x16xf32>,
      %get3A_182 = vector.shape_cast %get3A_181 : vector<1x16xf32> to vector<16xf32>
      %swap3A_183 = arith.index_cast %scan3A_99 : i32 to index
      %swap3A_184 = arith.constant 144 : index
      %swap3A_185 = tpu.vector_load %arg8[%swap3A_183, %swap3A_184] {strides = array<i32>} : memref<64x768xf32, #tpu.memory_space<vmem>>, vector<1x16xf32>,
      %swap3A_186 = vector.shape_cast %swap3A_185 : vector<1x16xf32> to vector<16xf32>
      %swap3A_187 = vector.shape_cast %get3A_182 : vector<16xf32> to vector<1x16xf32>
      tpu.vector_store %arg8[%swap3A_183, %swap3A_184], %swap3A_187 {add = true, strides = array<i32>} : memref<64x768xf32, #tpu.memory_space<vmem>>, vector<1x16xf32>,
      %get3A_188 = arith.index_cast %scan3A_99 : i32 to index
      %get3A_189 = arith.constant 160 : index
      %get3A_190 = tpu.vector_load %arg7[%get3A_188, %get3A_189] {strides = array<i32>} : memref<64x768xf32, #tpu.memory_space<vmem>>, vector<1x16xf32>,
      %get3A_191 = vector.shape_cast %get3A_190 : vector<1x16xf32> to vector<16xf32>
      %swap3A_192 = arith.index_cast %scan3A_99 : i32 to index
      %swap3A_193 = arith.constant 160 : index
      %swap3A_194 = tpu.vector_load %arg8[%swap3A_192, %swap3A_193] {strides = array<i32>} : memref<64x768xf32, #tpu.memory_space<vmem>>, vector<1x16xf32>,
      %swap3A_195 = vector.shape_cast %swap3A_194 : vector<1x16xf32> to vector<16xf32>
      %swap3A_196 = vector.shape_cast %get3A_191 : vector<16xf32> to vector<1x16xf32>
      tpu.vector_store %arg8[%swap3A_192, %swap3A_193], %swap3A_196 {add = true, strides = array<i32>} : memref<64x768xf32, #tpu.memory_space<vmem>>, vector<1x16xf32>,
      %get3A_197 = arith.index_cast %scan3A_99 : i32 to index
      %get3A_198 = arith.constant 176 : index
      %get3A_199 = tpu.vector_load %arg7[%get3A_197, %get3A_198] {strides = array<i32>} : memref<64x768xf32, #tpu.memory_space<vmem>>, vector<1x16xf32>,
      %get3A_200 = vector.shape_cast %get3A_199 : vector<1x16xf32> to vector<16xf32>
      %swap3A_201 = arith.index_cast %scan3A_99 : i32 to index
      %swap3A_202 = arith.constant 176 : index
      %swap3A_203 = tpu.vector_load %arg8[%swap3A_201, %swap3A_202] {strides = array<i32>} : memref<64x768xf32, #tpu.memory_space<vmem>>, vector<1x16xf32>,
      %swap3A_204 = vector.shape_cast %swap3A_203 : vector<1x16xf32> to vector<16xf32>
      %swap3A_205 = vector.shape_cast %get3A_200 : vector<16xf32> to vector<1x16xf32>
      tpu.vector_store %arg8[%swap3A_201, %swap3A_202], %swap3A_205 {add = true, strides = array<i32>} : memref<64x768xf32, #tpu.memory_space<vmem>>, vector<1x16xf32>,
      %get3A_206 = arith.index_cast %scan3A_99 : i32 to index
      %get3A_207 = arith.constant 192 : index
      %get3A_208 = tpu.vector_load %arg7[%get3A_206, %get3A_207] {strides = array<i32>} : memref<64x768xf32, #tpu.memory_space<vmem>>, vector<1x16xf32>,
      %get3A_209 = vector.shape_cast %get3A_208 : vector<1x16xf32> to vector<16xf32>
      %swap3A_210 = arith.index_cast %scan3A_99 : i32 to index
      %swap3A_211 = arith.constant 192 : index
      %swap3A_212 = tpu.vector_load %arg8[%swap3A_210, %swap3A_211] {strides = array<i32>} : memref<64x768xf32, #tpu.memory_space<vmem>>, vector<1x16xf32>,
      %swap3A_213 = vector.shape_cast %swap3A_212 : vector<1x16xf32> to vector<16xf32>
      %swap3A_214 = vector.shape_cast %get3A_209 : vector<16xf32> to vector<1x16xf32>
      tpu.vector_store %arg8[%swap3A_210, %swap3A_211], %swap3A_214 {add = true, strides = array<i32>} : memref<64x768xf32, #tpu.memory_space<vmem>>, vector<1x16xf32>,
      %get3A_215 = arith.index_cast %scan3A_99 : i32 to index
      %get3A_216 = arith.constant 208 : index
      %get3A_217 = tpu.vector_load %arg7[%get3A_215, %get3A_216] {strides = array<i32>} : memref<64x768xf32, #tpu.memory_space<vmem>>, vector<1x16xf32>,
      %get3A_218 = vector.shape_cast %get3A_217 : vector<1x16xf32> to vector<16xf32>
      %swap3A_219 = arith.index_cast %scan3A_99 : i32 to index
      %swap3A_220 = arith.constant 208 : index
      %swap3A_221 = tpu.vector_load %arg8[%swap3A_219, %swap3A_220] {strides = array<i32>} : memref<64x768xf32, #tpu.memory_space<vmem>>, vector<1x16xf32>,
      %swap3A_222 = vector.shape_cast %swap3A_221 : vector<1x16xf32> to vector<16xf32>
      %swap3A_223 = vector.shape_cast %get3A_218 : vector<16xf32> to vector<1x16xf32>
      tpu.vector_store %arg8[%swap3A_219, %swap3A_220], %swap3A_223 {add = true, strides = array<i32>} : memref<64x768xf32, #tpu.memory_space<vmem>>, vector<1x16xf32>,
      %get3A_224 = arith.index_cast %scan3A_99 : i32 to index
      %get3A_225 = arith.constant 224 : index
      %get3A_226 = tpu.vector_load %arg7[%get3A_224, %get3A_225] {strides = array<i32>} : memref<64x768xf32, #tpu.memory_space<vmem>>, vector<1x16xf32>,
      %get3A_227 = vector.shape_cast %get3A_226 : vector<1x16xf32> to vector<16xf32>
      %swap3A_228 = arith.index_cast %scan3A_99 : i32 to index
      %swap3A_229 = arith.constant 224 : index
      %swap3A_230 = tpu.vector_load %arg8[%swap3A_228, %swap3A_229] {strides = array<i32>} : memref<64x768xf32, #tpu.memory_space<vmem>>, vector<1x16xf32>,
      %swap3A_231 = vector.shape_cast %swap3A_230 : vector<1x16xf32> to vector<16xf32>
      %swap3A_232 = vector.shape_cast %get3A_227 : vector<16xf32> to vector<1x16xf32>
      tpu.vector_store %arg8[%swap3A_228, %swap3A_229], %swap3A_232 {add = true, strides = array<i32>} : memref<64x768xf32, #tpu.memory_space<vmem>>, vector<1x16xf32>,
      %get3A_233 = arith.index_cast %scan3A_99 : i32 to index
      %get3A_234 = arith.constant 240 : index
      %get3A_235 = tpu.vector_load %arg7[%get3A_233, %get3A_234] {strides = array<i32>} : memref<64x768xf32, #tpu.memory_space<vmem>>, vector<1x16xf32>,
      %get3A_236 = vector.shape_cast %get3A_235 : vector<1x16xf32> to vector<16xf32>
      %swap3A_237 = arith.index_cast %scan3A_99 : i32 to index
      %swap3A_238 = arith.constant 240 : index
      %swap3A_239 = tpu.vector_load %arg8[%swap3A_237, %swap3A_238] {strides = array<i32>} : memref<64x768xf32, #tpu.memory_space<vmem>>, vector<1x16xf32>,
      %swap3A_240 = vector.shape_cast %swap3A_239 : vector<1x16xf32> to vector<16xf32>
      %swap3A_241 = vector.shape_cast %get3A_236 : vector<16xf32> to vector<1x16xf32>
      tpu.vector_store %arg8[%swap3A_237, %swap3A_238], %swap3A_241 {add = true, strides = array<i32>} : memref<64x768xf32, #tpu.memory_space<vmem>>, vector<1x16xf32>,
      %get3A_242 = arith.index_cast %scan3A_99 : i32 to index
      %get3A_243 = arith.constant 256 : index
      %get3A_244 = tpu.vector_load %arg7[%get3A_242, %get3A_243] {strides = array<i32>} : memref<64x768xf32, #tpu.memory_space<vmem>>, vector<1x16xf32>,
      %get3A_245 = vector.shape_cast %get3A_244 : vector<1x16xf32> to vector<16xf32>
      %swap3A_246 = arith.index_cast %scan3A_99 : i32 to index
      %swap3A_247 = arith.constant 256 : index
      %swap3A_248 = tpu.vector_load %arg8[%swap3A_246, %swap3A_247] {strides = array<i32>} : memref<64x768xf32, #tpu.memory_space<vmem>>, vector<1x16xf32>,
      %swap3A_249 = vector.shape_cast %swap3A_248 : vector<1x16xf32> to vector<16xf32>
      %swap3A_250 = vector.shape_cast %get3A_245 : vector<16xf32> to vector<1x16xf32>
      tpu.vector_store %arg8[%swap3A_246, %swap3A_247], %swap3A_250 {add = true, strides = array<i32>} : memref<64x768xf32, #tpu.memory_space<vmem>>, vector<1x16xf32>,
      %get3A_251 = arith.index_cast %scan3A_99 : i32 to index
      %get3A_252 = arith.constant 272 : index
      %get3A_253 = tpu.vector_load %arg7[%get3A_251, %get3A_252] {strides = array<i32>} : memref<64x768xf32, #tpu.memory_space<vmem>>, vector<1x16xf32>,
      %get3A_254 = vector.shape_cast %get3A_253 : vector<1x16xf32> to vector<16xf32>
      %swap3A_255 = arith.index_cast %scan3A_99 : i32 to index
      %swap3A_256 = arith.constant 272 : index
      %swap3A_257 = tpu.vector_load %arg8[%swap3A_255, %swap3A_256] {strides = array<i32>} : memref<64x768xf32, #tpu.memory_space<vmem>>, vector<1x16xf32>,
      %swap3A_258 = vector.shape_cast %swap3A_257 : vector<1x16xf32> to vector<16xf32>
      %swap3A_259 = vector.shape_cast %get3A_254 : vector<16xf32> to vector<1x16xf32>
      tpu.vector_store %arg8[%swap3A_255, %swap3A_256], %swap3A_259 {add = true, strides = array<i32>} : memref<64x768xf32, #tpu.memory_space<vmem>>, vector<1x16xf32>,
      %get3A_260 = arith.index_cast %scan3A_99 : i32 to index
      %get3A_261 = arith.constant 288 : index
      %get3A_262 = tpu.vector_load %arg7[%get3A_260, %get3A_261] {strides = array<i32>} : memref<64x768xf32, #tpu.memory_space<vmem>>, vector<1x16xf32>,
      %get3A_263 = vector.shape_cast %get3A_262 : vector<1x16xf32> to vector<16xf32>
      %swap3A_264 = arith.index_cast %scan3A_99 : i32 to index
      %swap3A_265 = arith.constant 288 : index
      %swap3A_266 = tpu.vector_load %arg8[%swap3A_264, %swap3A_265] {strides = array<i32>} : memref<64x768xf32, #tpu.memory_space<vmem>>, vector<1x16xf32>,
      %swap3A_267 = vector.shape_cast %swap3A_266 : vector<1x16xf32> to vector<16xf32>
      %swap3A_268 = vector.shape_cast %get3A_263 : vector<16xf32> to vector<1x16xf32>
      tpu.vector_store %arg8[%swap3A_264, %swap3A_265], %swap3A_268 {add = true, strides = array<i32>} : memref<64x768xf32, #tpu.memory_space<vmem>>, vector<1x16xf32>,
      %get3A_269 = arith.index_cast %scan3A_99 : i32 to index
      %get3A_270 = arith.constant 304 : index
      %get3A_271 = tpu.vector_load %arg7[%get3A_269, %get3A_270] {strides = array<i32>} : memref<64x768xf32, #tpu.memory_space<vmem>>, vector<1x16xf32>,
      %get3A_272 = vector.shape_cast %get3A_271 : vector<1x16xf32> to vector<16xf32>
      %swap3A_273 = arith.index_cast %scan3A_99 : i32 to index
      %swap3A_274 = arith.constant 304 : index
      %swap3A_275 = tpu.vector_load %arg8[%swap3A_273, %swap3A_274] {strides = array<i32>} : memref<64x768xf32, #tpu.memory_space<vmem>>, vector<1x16xf32>,
      %swap3A_276 = vector.shape_cast %swap3A_275 : vector<1x16xf32> to vector<16xf32>
      %swap3A_277 = vector.shape_cast %get3A_272 : vector<16xf32> to vector<1x16xf32>
      tpu.vector_store %arg8[%swap3A_273, %swap3A_274], %swap3A_277 {add = true, strides = array<i32>} : memref<64x768xf32, #tpu.memory_space<vmem>>, vector<1x16xf32>,
      %get3A_278 = arith.index_cast %scan3A_99 : i32 to index
      %get3A_279 = arith.constant 320 : index
      %get3A_280 = tpu.vector_load %arg7[%get3A_278, %get3A_279] {strides = array<i32>} : memref<64x768xf32, #tpu.memory_space<vmem>>, vector<1x16xf32>,
      %get3A_281 = vector.shape_cast %get3A_280 : vector<1x16xf32> to vector<16xf32>
      %swap3A_282 = arith.index_cast %scan3A_99 : i32 to index
      %swap3A_283 = arith.constant 320 : index
      %swap3A_284 = tpu.vector_load %arg8[%swap3A_282, %swap3A_283] {strides = array<i32>} : memref<64x768xf32, #tpu.memory_space<vmem>>, vector<1x16xf32>,
      %swap3A_285 = vector.shape_cast %swap3A_284 : vector<1x16xf32> to vector<16xf32>
      %swap3A_286 = vector.shape_cast %get3A_281 : vector<16xf32> to vector<1x16xf32>
      tpu.vector_store %arg8[%swap3A_282, %swap3A_283], %swap3A_286 {add = true, strides = array<i32>} : memref<64x768xf32, #tpu.memory_space<vmem>>, vector<1x16xf32>,
      %get3A_287 = arith.index_cast %scan3A_99 : i32 to index
      %get3A_288 = arith.constant 336 : index
      %get3A_289 = tpu.vector_load %arg7[%get3A_287, %get3A_288] {strides = array<i32>} : memref<64x768xf32, #tpu.memory_space<vmem>>, vector<1x16xf32>,
      %get3A_290 = vector.shape_cast %get3A_289 : vector<1x16xf32> to vector<16xf32>
      %swap3A_291 = arith.index_cast %scan3A_99 : i32 to index
      %swap3A_292 = arith.constant 336 : index
      %swap3A_293 = tpu.vector_load %arg8[%swap3A_291, %swap3A_292] {strides = array<i32>} : memref<64x768xf32, #tpu.memory_space<vmem>>, vector<1x16xf32>,
      %swap3A_294 = vector.shape_cast %swap3A_293 : vector<1x16xf32> to vector<16xf32>
      %swap3A_295 = vector.shape_cast %get3A_290 : vector<16xf32> to vector<1x16xf32>
      tpu.vector_store %arg8[%swap3A_291, %swap3A_292], %swap3A_295 {add = true, strides = array<i32>} : memref<64x768xf32, #tpu.memory_space<vmem>>, vector<1x16xf32>,
      %get3A_296 = arith.index_cast %scan3A_99 : i32 to index
      %get3A_297 = arith.constant 352 : index
      %get3A_298 = tpu.vector_load %arg7[%get3A_296, %get3A_297] {strides = array<i32>} : memref<64x768xf32, #tpu.memory_space<vmem>>, vector<1x16xf32>,
      %get3A_299 = vector.shape_cast %get3A_298 : vector<1x16xf32> to vector<16xf32>
      %swap3A_300 = arith.index_cast %scan3A_99 : i32 to index
      %swap3A_301 = arith.constant 352 : index
      %swap3A_302 = tpu.vector_load %arg8[%swap3A_300, %swap3A_301] {strides = array<i32>} : memref<64x768xf32, #tpu.memory_space<vmem>>, vector<1x16xf32>,
      %swap3A_303 = vector.shape_cast %swap3A_302 : vector<1x16xf32> to vector<16xf32>
      %swap3A_304 = vector.shape_cast %get3A_299 : vector<16xf32> to vector<1x16xf32>
      tpu.vector_store %arg8[%swap3A_300, %swap3A_301], %swap3A_304 {add = true, strides = array<i32>} : memref<64x768xf32, #tpu.memory_space<vmem>>, vector<1x16xf32>,
      %get3A_305 = arith.index_cast %scan3A_99 : i32 to index
      %get3A_306 = arith.constant 368 : index
      %get3A_307 = tpu.vector_load %arg7[%get3A_305, %get3A_306] {strides = array<i32>} : memref<64x768xf32, #tpu.memory_space<vmem>>, vector<1x16xf32>,
      %get3A_308 = vector.shape_cast %get3A_307 : vector<1x16xf32> to vector<16xf32>
      %swap3A_309 = arith.index_cast %scan3A_99 : i32 to index
      %swap3A_310 = arith.constant 368 : index
      %swap3A_311 = tpu.vector_load %arg8[%swap3A_309, %swap3A_310] {strides = array<i32>} : memref<64x768xf32, #tpu.memory_space<vmem>>, vector<1x16xf32>,
      %swap3A_312 = vector.shape_cast %swap3A_311 : vector<1x16xf32> to vector<16xf32>
      %swap3A_313 = vector.shape_cast %get3A_308 : vector<16xf32> to vector<1x16xf32>
      tpu.vector_store %arg8[%swap3A_309, %swap3A_310], %swap3A_313 {add = true, strides = array<i32>} : memref<64x768xf32, #tpu.memory_space<vmem>>, vector<1x16xf32>,
      %get3A_314 = arith.index_cast %scan3A_99 : i32 to index
      %get3A_315 = arith.constant 384 : index
      %get3A_316 = tpu.vector_load %arg7[%get3A_314, %get3A_315] {strides = array<i32>} : memref<64x768xf32, #tpu.memory_space<vmem>>, vector<1x16xf32>,
      %get3A_317 = vector.shape_cast %get3A_316 : vector<1x16xf32> to vector<16xf32>
      %swap3A_318 = arith.index_cast %scan3A_99 : i32 to index
      %swap3A_319 = arith.constant 384 : index
      %swap3A_320 = tpu.vector_load %arg8[%swap3A_318, %swap3A_319] {strides = array<i32>} : memref<64x768xf32, #tpu.memory_space<vmem>>, vector<1x16xf32>,
      %swap3A_321 = vector.shape_cast %swap3A_320 : vector<1x16xf32> to vector<16xf32>
      %swap3A_322 = vector.shape_cast %get3A_317 : vector<16xf32> to vector<1x16xf32>
      tpu.vector_store %arg8[%swap3A_318, %swap3A_319], %swap3A_322 {add = true, strides = array<i32>} : memref<64x768xf32, #tpu.memory_space<vmem>>, vector<1x16xf32>,
      %get3A_323 = arith.index_cast %scan3A_99 : i32 to index
      %get3A_324 = arith.constant 400 : index
      %get3A_325 = tpu.vector_load %arg7[%get3A_323, %get3A_324] {strides = array<i32>} : memref<64x768xf32, #tpu.memory_space<vmem>>, vector<1x16xf32>,
      %get3A_326 = vector.shape_cast %get3A_325 : vector<1x16xf32> to vector<16xf32>
      %swap3A_327 = arith.index_cast %scan3A_99 : i32 to index
      %swap3A_328 = arith.constant 400 : index
      %swap3A_329 = tpu.vector_load %arg8[%swap3A_327, %swap3A_328] {strides = array<i32>} : memref<64x768xf32, #tpu.memory_space<vmem>>, vector<1x16xf32>,
      %swap3A_330 = vector.shape_cast %swap3A_329 : vector<1x16xf32> to vector<16xf32>
      %swap3A_331 = vector.shape_cast %get3A_326 : vector<16xf32> to vector<1x16xf32>
      tpu.vector_store %arg8[%swap3A_327, %swap3A_328], %swap3A_331 {add = true, strides = array<i32>} : memref<64x768xf32, #tpu.memory_space<vmem>>, vector<1x16xf32>,
      %get3A_332 = arith.index_cast %scan3A_99 : i32 to index
      %get3A_333 = arith.constant 416 : index
      %get3A_334 = tpu.vector_load %arg7[%get3A_332, %get3A_333] {strides = array<i32>} : memref<64x768xf32, #tpu.memory_space<vmem>>, vector<1x16xf32>,
      %get3A_335 = vector.shape_cast %get3A_334 : vector<1x16xf32> to vector<16xf32>
      %swap3A_336 = arith.index_cast %scan3A_99 : i32 to index
      %swap3A_337 = arith.constant 416 : index
      %swap3A_338 = tpu.vector_load %arg8[%swap3A_336, %swap3A_337] {strides = array<i32>} : memref<64x768xf32, #tpu.memory_space<vmem>>, vector<1x16xf32>,
      %swap3A_339 = vector.shape_cast %swap3A_338 : vector<1x16xf32> to vector<16xf32>
      %swap3A_340 = vector.shape_cast %get3A_335 : vector<16xf32> to vector<1x16xf32>
      tpu.vector_store %arg8[%swap3A_336, %swap3A_337], %swap3A_340 {add = true, strides = array<i32>} : memref<64x768xf32, #tpu.memory_space<vmem>>, vector<1x16xf32>,
      %get3A_341 = arith.index_cast %scan3A_99 : i32 to index
      %get3A_342 = arith.constant 432 : index
      %get3A_343 = tpu.vector_load %arg7[%get3A_341, %get3A_342] {strides = array<i32>} : memref<64x768xf32, #tpu.memory_space<vmem>>, vector<1x16xf32>,
      %get3A_344 = vector.shape_cast %get3A_343 : vector<1x16xf32> to vector<16xf32>
      %swap3A_345 = arith.index_cast %scan3A_99 : i32 to index
      %swap3A_346 = arith.constant 432 : index
      %swap3A_347 = tpu.vector_load %arg8[%swap3A_345, %swap3A_346] {strides = array<i32>} : memref<64x768xf32, #tpu.memory_space<vmem>>, vector<1x16xf32>,
      %swap3A_348 = vector.shape_cast %swap3A_347 : vector<1x16xf32> to vector<16xf32>
      %swap3A_349 = vector.shape_cast %get3A_344 : vector<16xf32> to vector<1x16xf32>
      tpu.vector_store %arg8[%swap3A_345, %swap3A_346], %swap3A_349 {add = true, strides = array<i32>} : memref<64x768xf32, #tpu.memory_space<vmem>>, vector<1x16xf32>,
      %get3A_350 = arith.index_cast %scan3A_99 : i32 to index
      %get3A_351 = arith.constant 448 : index
      %get3A_352 = tpu.vector_load %arg7[%get3A_350, %get3A_351] {strides = array<i32>} : memref<64x768xf32, #tpu.memory_space<vmem>>, vector<1x16xf32>,
      %get3A_353 = vector.shape_cast %get3A_352 : vector<1x16xf32> to vector<16xf32>
      %swap3A_354 = arith.index_cast %scan3A_99 : i32 to index
      %swap3A_355 = arith.constant 448 : index
      %swap3A_356 = tpu.vector_load %arg8[%swap3A_354, %swap3A_355] {strides = array<i32>} : memref<64x768xf32, #tpu.memory_space<vmem>>, vector<1x16xf32>,
      %swap3A_357 = vector.shape_cast %swap3A_356 : vector<1x16xf32> to vector<16xf32>
      %swap3A_358 = vector.shape_cast %get3A_353 : vector<16xf32> to vector<1x16xf32>
      tpu.vector_store %arg8[%swap3A_354, %swap3A_355], %swap3A_358 {add = true, strides = array<i32>} : memref<64x768xf32, #tpu.memory_space<vmem>>, vector<1x16xf32>,
      %get3A_359 = arith.index_cast %scan3A_99 : i32 to index
      %get3A_360 = arith.constant 464 : index
      %get3A_361 = tpu.vector_load %arg7[%get3A_359, %get3A_360] {strides = array<i32>} : memref<64x768xf32, #tpu.memory_space<vmem>>, vector<1x16xf32>,
      %get3A_362 = vector.shape_cast %get3A_361 : vector<1x16xf32> to vector<16xf32>
      %swap3A_363 = arith.index_cast %scan3A_99 : i32 to index
      %swap3A_364 = arith.constant 464 : index
      %swap3A_365 = tpu.vector_load %arg8[%swap3A_363, %swap3A_364] {strides = array<i32>} : memref<64x768xf32, #tpu.memory_space<vmem>>, vector<1x16xf32>,
      %swap3A_366 = vector.shape_cast %swap3A_365 : vector<1x16xf32> to vector<16xf32>
      %swap3A_367 = vector.shape_cast %get3A_362 : vector<16xf32> to vector<1x16xf32>
      tpu.vector_store %arg8[%swap3A_363, %swap3A_364], %swap3A_367 {add = true, strides = array<i32>} : memref<64x768xf32, #tpu.memory_space<vmem>>, vector<1x16xf32>,
      %get3A_368 = arith.index_cast %scan3A_99 : i32 to index
      %get3A_369 = arith.constant 480 : index
      %get3A_370 = tpu.vector_load %arg7[%get3A_368, %get3A_369] {strides = array<i32>} : memref<64x768xf32, #tpu.memory_space<vmem>>, vector<1x16xf32>,
      %get3A_371 = vector.shape_cast %get3A_370 : vector<1x16xf32> to vector<16xf32>
      %swap3A_372 = arith.index_cast %scan3A_99 : i32 to index
      %swap3A_373 = arith.constant 480 : index
      %swap3A_374 = tpu.vector_load %arg8[%swap3A_372, %swap3A_373] {strides = array<i32>} : memref<64x768xf32, #tpu.memory_space<vmem>>, vector<1x16xf32>,
      %swap3A_375 = vector.shape_cast %swap3A_374 : vector<1x16xf32> to vector<16xf32>
      %swap3A_376 = vector.shape_cast %get3A_371 : vector<16xf32> to vector<1x16xf32>
      tpu.vector_store %arg8[%swap3A_372, %swap3A_373], %swap3A_376 {add = true, strides = array<i32>} : memref<64x768xf32, #tpu.memory_space<vmem>>, vector<1x16xf32>,
      %get3A_377 = arith.index_cast %scan3A_99 : i32 to index
      %get3A_378 = arith.constant 496 : index
      %get3A_379 = tpu.vector_load %arg7[%get3A_377, %get3A_378] {strides = array<i32>} : memref<64x768xf32, #tpu.memory_space<vmem>>, vector<1x16xf32>,
      %get3A_380 = vector.shape_cast %get3A_379 : vector<1x16xf32> to vector<16xf32>
      %swap3A_381 = arith.index_cast %scan3A_99 : i32 to index
      %swap3A_382 = arith.constant 496 : index
      %swap3A_383 = tpu.vector_load %arg8[%swap3A_381, %swap3A_382] {strides = array<i32>} : memref<64x768xf32, #tpu.memory_space<vmem>>, vector<1x16xf32>,
      %swap3A_384 = vector.shape_cast %swap3A_383 : vector<1x16xf32> to vector<16xf32>
      %swap3A_385 = vector.shape_cast %get3A_380 : vector<16xf32> to vector<1x16xf32>
      tpu.vector_store %arg8[%swap3A_381, %swap3A_382], %swap3A_385 {add = true, strides = array<i32>} : memref<64x768xf32, #tpu.memory_space<vmem>>, vector<1x16xf32>,
      %get3A_386 = arith.index_cast %scan3A_99 : i32 to index
      %get3A_387 = arith.constant 512 : index
      %get3A_388 = tpu.vector_load %arg7[%get3A_386, %get3A_387] {strides = array<i32>} : memref<64x768xf32, #tpu.memory_space<vmem>>, vector<1x16xf32>,
      %get3A_389 = vector.shape_cast %get3A_388 : vector<1x16xf32> to vector<16xf32>
      %swap3A_390 = arith.index_cast %scan3A_99 : i32 to index
      %swap3A_391 = arith.constant 512 : index
      %swap3A_392 = tpu.vector_load %arg8[%swap3A_390, %swap3A_391] {strides = array<i32>} : memref<64x768xf32, #tpu.memory_space<vmem>>, vector<1x16xf32>,
      %swap3A_393 = vector.shape_cast %swap3A_392 : vector<1x16xf32> to vector<16xf32>
      %swap3A_394 = vector.shape_cast %get3A_389 : vector<16xf32> to vector<1x16xf32>
      tpu.vector_store %arg8[%swap3A_390, %swap3A_391], %swap3A_394 {add = true, strides = array<i32>} : memref<64x768xf32, #tpu.memory_space<vmem>>, vector<1x16xf32>,
      %get3A_395 = arith.index_cast %scan3A_99 : i32 to index
      %get3A_396 = arith.constant 528 : index
      %get3A_397 = tpu.vector_load %arg7[%get3A_395, %get3A_396] {strides = array<i32>} : memref<64x768xf32, #tpu.memory_space<vmem>>, vector<1x16xf32>,
      %get3A_398 = vector.shape_cast %get3A_397 : vector<1x16xf32> to vector<16xf32>
      %swap3A_399 = arith.index_cast %scan3A_99 : i32 to index
      %swap3A_400 = arith.constant 528 : index
      %swap3A_401 = tpu.vector_load %arg8[%swap3A_399, %swap3A_400] {strides = array<i32>} : memref<64x768xf32, #tpu.memory_space<vmem>>, vector<1x16xf32>,
      %swap3A_402 = vector.shape_cast %swap3A_401 : vector<1x16xf32> to vector<16xf32>
      %swap3A_403 = vector.shape_cast %get3A_398 : vector<16xf32> to vector<1x16xf32>
      tpu.vector_store %arg8[%swap3A_399, %swap3A_400], %swap3A_403 {add = true, strides = array<i32>} : memref<64x768xf32, #tpu.memory_space<vmem>>, vector<1x16xf32>,
      %get3A_404 = arith.index_cast %scan3A_99 : i32 to index
      %get3A_405 = arith.constant 544 : index
      %get3A_406 = tpu.vector_load %arg7[%get3A_404, %get3A_405] {strides = array<i32>} : memref<64x768xf32, #tpu.memory_space<vmem>>, vector<1x16xf32>,
      %get3A_407 = vector.shape_cast %get3A_406 : vector<1x16xf32> to vector<16xf32>
      %swap3A_408 = arith.index_cast %scan3A_99 : i32 to index
      %swap3A_409 = arith.constant 544 : index
      %swap3A_410 = tpu.vector_load %arg8[%swap3A_408, %swap3A_409] {strides = array<i32>} : memref<64x768xf32, #tpu.memory_space<vmem>>, vector<1x16xf32>,
      %swap3A_411 = vector.shape_cast %swap3A_410 : vector<1x16xf32> to vector<16xf32>
      %swap3A_412 = vector.shape_cast %get3A_407 : vector<16xf32> to vector<1x16xf32>
      tpu.vector_store %arg8[%swap3A_408, %swap3A_409], %swap3A_412 {add = true, strides = array<i32>} : memref<64x768xf32, #tpu.memory_space<vmem>>, vector<1x16xf32>,
      %get3A_413 = arith.index_cast %scan3A_99 : i32 to index
      %get3A_414 = arith.constant 560 : index
      %get3A_415 = tpu.vector_load %arg7[%get3A_413, %get3A_414] {strides = array<i32>} : memref<64x768xf32, #tpu.memory_space<vmem>>, vector<1x16xf32>,
      %get3A_416 = vector.shape_cast %get3A_415 : vector<1x16xf32> to vector<16xf32>
      %swap3A_417 = arith.index_cast %scan3A_99 : i32 to index
      %swap3A_418 = arith.constant 560 : index
      %swap3A_419 = tpu.vector_load %arg8[%swap3A_417, %swap3A_418] {strides = array<i32>} : memref<64x768xf32, #tpu.memory_space<vmem>>, vector<1x16xf32>,
      %swap3A_420 = vector.shape_cast %swap3A_419 : vector<1x16xf32> to vector<16xf32>
      %swap3A_421 = vector.shape_cast %get3A_416 : vector<16xf32> to vector<1x16xf32>
      tpu.vector_store %arg8[%swap3A_417, %swap3A_418], %swap3A_421 {add = true, strides = array<i32>} : memref<64x768xf32, #tpu.memory_space<vmem>>, vector<1x16xf32>,
      %get3A_422 = arith.index_cast %scan3A_99 : i32 to index
      %get3A_423 = arith.constant 576 : index
      %get3A_424 = tpu.vector_load %arg7[%get3A_422, %get3A_423] {strides = array<i32>} : memref<64x768xf32, #tpu.memory_space<vmem>>, vector<1x16xf32>,
      %get3A_425 = vector.shape_cast %get3A_424 : vector<1x16xf32> to vector<16xf32>
      %swap3A_426 = arith.index_cast %scan3A_99 : i32 to index
      %swap3A_427 = arith.constant 576 : index
      %swap3A_428 = tpu.vector_load %arg8[%swap3A_426, %swap3A_427] {strides = array<i32>} : memref<64x768xf32, #tpu.memory_space<vmem>>, vector<1x16xf32>,
      %swap3A_429 = vector.shape_cast %swap3A_428 : vector<1x16xf32> to vector<16xf32>
      %swap3A_430 = vector.shape_cast %get3A_425 : vector<16xf32> to vector<1x16xf32>
      tpu.vector_store %arg8[%swap3A_426, %swap3A_427], %swap3A_430 {add = true, strides = array<i32>} : memref<64x768xf32, #tpu.memory_space<vmem>>, vector<1x16xf32>,
      %get3A_431 = arith.index_cast %scan3A_99 : i32 to index
      %get3A_432 = arith.constant 592 : index
      %get3A_433 = tpu.vector_load %arg7[%get3A_431, %get3A_432] {strides = array<i32>} : memref<64x768xf32, #tpu.memory_space<vmem>>, vector<1x16xf32>,
      %get3A_434 = vector.shape_cast %get3A_433 : vector<1x16xf32> to vector<16xf32>
      %swap3A_435 = arith.index_cast %scan3A_99 : i32 to index
      %swap3A_436 = arith.constant 592 : index
      %swap3A_437 = tpu.vector_load %arg8[%swap3A_435, %swap3A_436] {strides = array<i32>} : memref<64x768xf32, #tpu.memory_space<vmem>>, vector<1x16xf32>,
      %swap3A_438 = vector.shape_cast %swap3A_437 : vector<1x16xf32> to vector<16xf32>
      %swap3A_439 = vector.shape_cast %get3A_434 : vector<16xf32> to vector<1x16xf32>
      tpu.vector_store %arg8[%swap3A_435, %swap3A_436], %swap3A_439 {add = true, strides = array<i32>} : memref<64x768xf32, #tpu.memory_space<vmem>>, vector<1x16xf32>,
      %get3A_440 = arith.index_cast %scan3A_99 : i32 to index
      %get3A_441 = arith.constant 608 : index
      %get3A_442 = tpu.vector_load %arg7[%get3A_440, %get3A_441] {strides = array<i32>} : memref<64x768xf32, #tpu.memory_space<vmem>>, vector<1x16xf32>,
      %get3A_443 = vector.shape_cast %get3A_442 : vector<1x16xf32> to vector<16xf32>
      %swap3A_444 = arith.index_cast %scan3A_99 : i32 to index
      %swap3A_445 = arith.constant 608 : index
      %swap3A_446 = tpu.vector_load %arg8[%swap3A_444, %swap3A_445] {strides = array<i32>} : memref<64x768xf32, #tpu.memory_space<vmem>>, vector<1x16xf32>,
      %swap3A_447 = vector.shape_cast %swap3A_446 : vector<1x16xf32> to vector<16xf32>
      %swap3A_448 = vector.shape_cast %get3A_443 : vector<16xf32> to vector<1x16xf32>
      tpu.vector_store %arg8[%swap3A_444, %swap3A_445], %swap3A_448 {add = true, strides = array<i32>} : memref<64x768xf32, #tpu.memory_space<vmem>>, vector<1x16xf32>,
      %get3A_449 = arith.index_cast %scan3A_99 : i32 to index
      %get3A_450 = arith.constant 624 : index
      %get3A_451 = tpu.vector_load %arg7[%get3A_449, %get3A_450] {strides = array<i32>} : memref<64x768xf32, #tpu.memory_space<vmem>>, vector<1x16xf32>,
      %get3A_452 = vector.shape_cast %get3A_451 : vector<1x16xf32> to vector<16xf32>
      %swap3A_453 = arith.index_cast %scan3A_99 : i32 to index
      %swap3A_454 = arith.constant 624 : index
      %swap3A_455 = tpu.vector_load %arg8[%swap3A_453, %swap3A_454] {strides = array<i32>} : memref<64x768xf32, #tpu.memory_space<vmem>>, vector<1x16xf32>,
      %swap3A_456 = vector.shape_cast %swap3A_455 : vector<1x16xf32> to vector<16xf32>
      %swap3A_457 = vector.shape_cast %get3A_452 : vector<16xf32> to vector<1x16xf32>
      tpu.vector_store %arg8[%swap3A_453, %swap3A_454], %swap3A_457 {add = true, strides = array<i32>} : memref<64x768xf32, #tpu.memory_space<vmem>>, vector<1x16xf32>,
      %get3A_458 = arith.index_cast %scan3A_99 : i32 to index
      %get3A_459 = arith.constant 640 : index
      %get3A_460 = tpu.vector_load %arg7[%get3A_458, %get3A_459] {strides = array<i32>} : memref<64x768xf32, #tpu.memory_space<vmem>>, vector<1x16xf32>,
      %get3A_461 = vector.shape_cast %get3A_460 : vector<1x16xf32> to vector<16xf32>
      %swap3A_462 = arith.index_cast %scan3A_99 : i32 to index
      %swap3A_463 = arith.constant 640 : index
      %swap3A_464 = tpu.vector_load %arg8[%swap3A_462, %swap3A_463] {strides = array<i32>} : memref<64x768xf32, #tpu.memory_space<vmem>>, vector<1x16xf32>,
      %swap3A_465 = vector.shape_cast %swap3A_464 : vector<1x16xf32> to vector<16xf32>
      %swap3A_466 = vector.shape_cast %get3A_461 : vector<16xf32> to vector<1x16xf32>
      tpu.vector_store %arg8[%swap3A_462, %swap3A_463], %swap3A_466 {add = true, strides = array<i32>} : memref<64x768xf32, #tpu.memory_space<vmem>>, vector<1x16xf32>,
      %get3A_467 = arith.index_cast %scan3A_99 : i32 to index
      %get3A_468 = arith.constant 656 : index
      %get3A_469 = tpu.vector_load %arg7[%get3A_467, %get3A_468] {strides = array<i32>} : memref<64x768xf32, #tpu.memory_space<vmem>>, vector<1x16xf32>,
      %get3A_470 = vector.shape_cast %get3A_469 : vector<1x16xf32> to vector<16xf32>
      %swap3A_471 = arith.index_cast %scan3A_99 : i32 to index
      %swap3A_472 = arith.constant 656 : index
      %swap3A_473 = tpu.vector_load %arg8[%swap3A_471, %swap3A_472] {strides = array<i32>} : memref<64x768xf32, #tpu.memory_space<vmem>>, vector<1x16xf32>,
      %swap3A_474 = vector.shape_cast %swap3A_473 : vector<1x16xf32> to vector<16xf32>
      %swap3A_475 = vector.shape_cast %get3A_470 : vector<16xf32> to vector<1x16xf32>
      tpu.vector_store %arg8[%swap3A_471, %swap3A_472], %swap3A_475 {add = true, strides = array<i32>} : memref<64x768xf32, #tpu.memory_space<vmem>>, vector<1x16xf32>,
      %get3A_476 = arith.index_cast %scan3A_99 : i32 to index
      %get3A_477 = arith.constant 672 : index
      %get3A_478 = tpu.vector_load %arg7[%get3A_476, %get3A_477] {strides = array<i32>} : memref<64x768xf32, #tpu.memory_space<vmem>>, vector<1x16xf32>,
      %get3A_479 = vector.shape_cast %get3A_478 : vector<1x16xf32> to vector<16xf32>
      %swap3A_480 = arith.index_cast %scan3A_99 : i32 to index
      %swap3A_481 = arith.constant 672 : index
      %swap3A_482 = tpu.vector_load %arg8[%swap3A_480, %swap3A_481] {strides = array<i32>} : memref<64x768xf32, #tpu.memory_space<vmem>>, vector<1x16xf32>,
      %swap3A_483 = vector.shape_cast %swap3A_482 : vector<1x16xf32> to vector<16xf32>
      %swap3A_484 = vector.shape_cast %get3A_479 : vector<16xf32> to vector<1x16xf32>
      tpu.vector_store %arg8[%swap3A_480, %swap3A_481], %swap3A_484 {add = true, strides = array<i32>} : memref<64x768xf32, #tpu.memory_space<vmem>>, vector<1x16xf32>,
      %get3A_485 = arith.index_cast %scan3A_99 : i32 to index
      %get3A_486 = arith.constant 688 : index
      %get3A_487 = tpu.vector_load %arg7[%get3A_485, %get3A_486] {strides = array<i32>} : memref<64x768xf32, #tpu.memory_space<vmem>>, vector<1x16xf32>,
      %get3A_488 = vector.shape_cast %get3A_487 : vector<1x16xf32> to vector<16xf32>
      %swap3A_489 = arith.index_cast %scan3A_99 : i32 to index
      %swap3A_490 = arith.constant 688 : index
      %swap3A_491 = tpu.vector_load %arg8[%swap3A_489, %swap3A_490] {strides = array<i32>} : memref<64x768xf32, #tpu.memory_space<vmem>>, vector<1x16xf32>,
      %swap3A_492 = vector.shape_cast %swap3A_491 : vector<1x16xf32> to vector<16xf32>
      %swap3A_493 = vector.shape_cast %get3A_488 : vector<16xf32> to vector<1x16xf32>
      tpu.vector_store %arg8[%swap3A_489, %swap3A_490], %swap3A_493 {add = true, strides = array<i32>} : memref<64x768xf32, #tpu.memory_space<vmem>>, vector<1x16xf32>,
      %get3A_494 = arith.index_cast %scan3A_99 : i32 to index
      %get3A_495 = arith.constant 704 : index
      %get3A_496 = tpu.vector_load %arg7[%get3A_494, %get3A_495] {strides = array<i32>} : memref<64x768xf32, #tpu.memory_space<vmem>>, vector<1x16xf32>,
      %get3A_497 = vector.shape_cast %get3A_496 : vector<1x16xf32> to vector<16xf32>
      %swap3A_498 = arith.index_cast %scan3A_99 : i32 to index
      %swap3A_499 = arith.constant 704 : index
      %swap3A_500 = tpu.vector_load %arg8[%swap3A_498, %swap3A_499] {strides = array<i32>} : memref<64x768xf32, #tpu.memory_space<vmem>>, vector<1x16xf32>,
      %swap3A_501 = vector.shape_cast %swap3A_500 : vector<1x16xf32> to vector<16xf32>
      %swap3A_502 = vector.shape_cast %get3A_497 : vector<16xf32> to vector<1x16xf32>
      tpu.vector_store %arg8[%swap3A_498, %swap3A_499], %swap3A_502 {add = true, strides = array<i32>} : memref<64x768xf32, #tpu.memory_space<vmem>>, vector<1x16xf32>,
      %get3A_503 = arith.index_cast %scan3A_99 : i32 to index
      %get3A_504 = arith.constant 720 : index
      %get3A_505 = tpu.vector_load %arg7[%get3A_503, %get3A_504] {strides = array<i32>} : memref<64x768xf32, #tpu.memory_space<vmem>>, vector<1x16xf32>,
      %get3A_506 = vector.shape_cast %get3A_505 : vector<1x16xf32> to vector<16xf32>
      %swap3A_507 = arith.index_cast %scan3A_99 : i32 to index
      %swap3A_508 = arith.constant 720 : index
      %swap3A_509 = tpu.vector_load %arg8[%swap3A_507, %swap3A_508] {strides = array<i32>} : memref<64x768xf32, #tpu.memory_space<vmem>>, vector<1x16xf32>,
      %swap3A_510 = vector.shape_cast %swap3A_509 : vector<1x16xf32> to vector<16xf32>
      %swap3A_511 = vector.shape_cast %get3A_506 : vector<16xf32> to vector<1x16xf32>
      tpu.vector_store %arg8[%swap3A_507, %swap3A_508], %swap3A_511 {add = true, strides = array<i32>} : memref<64x768xf32, #tpu.memory_space<vmem>>, vector<1x16xf32>,
      %get3A_512 = arith.index_cast %scan3A_99 : i32 to index
      %get3A_513 = arith.constant 736 : index
      %get3A_514 = tpu.vector_load %arg7[%get3A_512, %get3A_513] {strides = array<i32>} : memref<64x768xf32, #tpu.memory_space<vmem>>, vector<1x16xf32>,
      %get3A_515 = vector.shape_cast %get3A_514 : vector<1x16xf32> to vector<16xf32>
      %swap3A_516 = arith.index_cast %scan3A_99 : i32 to index
      %swap3A_517 = arith.constant 736 : index
      %swap3A_518 = tpu.vector_load %arg8[%swap3A_516, %swap3A_517] {strides = array<i32>} : memref<64x768xf32, #tpu.memory_space<vmem>>, vector<1x16xf32>,
      %swap3A_519 = vector.shape_cast %swap3A_518 : vector<1x16xf32> to vector<16xf32>
      %swap3A_520 = vector.shape_cast %get3A_515 : vector<16xf32> to vector<1x16xf32>
      tpu.vector_store %arg8[%swap3A_516, %swap3A_517], %swap3A_520 {add = true, strides = array<i32>} : memref<64x768xf32, #tpu.memory_space<vmem>>, vector<1x16xf32>,
      %get3A_521 = arith.index_cast %scan3A_99 : i32 to index
      %get3A_522 = arith.constant 752 : index
      %get3A_523 = tpu.vector_load %arg7[%get3A_521, %get3A_522] {strides = array<i32>} : memref<64x768xf32, #tpu.memory_space<vmem>>, vector<1x16xf32>,
      %get3A_524 = vector.shape_cast %get3A_523 : vector<1x16xf32> to vector<16xf32>
      %swap3A_525 = arith.index_cast %scan3A_99 : i32 to index
      %swap3A_526 = arith.constant 752 : index
      %swap3A_527 = tpu.vector_load %arg8[%swap3A_525, %swap3A_526] {strides = array<i32>} : memref<64x768xf32, #tpu.memory_space<vmem>>, vector<1x16xf32>,
      %swap3A_528 = vector.shape_cast %swap3A_527 : vector<1x16xf32> to vector<16xf32>
      %swap3A_529 = vector.shape_cast %get3A_524 : vector<16xf32> to vector<1x16xf32>
      tpu.vector_store %arg8[%swap3A_525, %swap3A_526], %swap3A_529 {add = true, strides = array<i32>} : memref<64x768xf32, #tpu.memory_space<vmem>>, vector<1x16xf32>,
    }
    %scan3A_52 = arith.constant 64 : i32
    %add3A_53 = arith.constant 2048 : i32
    %add3A_54 = arith.addi %add3A_53, %mul3A_2 : i32
    "tpu.region"() ({
      %run_scoped3A_99 = tpu.sem_alloc : memref<!tpu.dma_semaphore, #tpu.memory_space<semaphore_mem>>
      %dma_start3A_100 = arith.constant 0 : i32
      %dma_start3A_101 = tpu.memref_slice %arg5[%add3A_54, %dma_start3A_100] : memref<8192x768xf32, #tpu.memory_space<hbm>> -> memref<64x768xf32, #tpu.memory_space<hbm>>
      %dma_start3A_102 = arith.constant 0 : i32
      %dma_start3A_103 = tpu.memref_slice %arg5[%add3A_54, %dma_start3A_102] : memref<8192x768xf32, #tpu.memory_space<hbm>> -> memref<64x768xf32, #tpu.memory_space<hbm>>
      tpu.enqueue_dma source(%arg8 : memref<64x768xf32, #tpu.memory_space<vmem>>) target(%dma_start3A_103 : memref<64x768xf32, #tpu.memory_space<hbm>>) target_semaphore(%run_scoped3A_99 : memref<!tpu.dma_semaphore, #tpu.memory_space<semaphore_mem>>)
      %dma_wait3A_104 = arith.constant 0 : i32
      %dma_wait3A_105 = tpu.memref_slice %arg5[%add3A_54, %dma_wait3A_104] : memref<8192x768xf32, #tpu.memory_space<hbm>> -> memref<64x768xf32, #tpu.memory_space<hbm>>
      %dma_wait3A_106 = arith.constant 0 : i32
      %dma_wait3A_107 = tpu.memref_slice %arg5[%add3A_54, %dma_wait3A_106] : memref<8192x768xf32, #tpu.memory_space<hbm>> -> memref<64x768xf32, #tpu.memory_space<hbm>>
      tpu.wait_dma2 semaphore(%run_scoped3A_99 : memref<!tpu.dma_semaphore, #tpu.memory_space<semaphore_mem>>) src(%arg8 : memref<64x768xf32, #tpu.memory_space<vmem>>) dst(%dma_wait3A_107 : memref<64x768xf32, #tpu.memory_space<hbm>>)
      tpu.yield
    }) : () -> ()
    %dma_start3A_55 = arith.constant 2 : i32
    %dma_start3A_56 = arith.constant 0 : i32
    %dma_start3A_57 = tpu.memref_slice %arg6[%dma_start3A_55, %dma_start3A_56] : memref<4x64xi32, #tpu.memory_space<vmem>> -> memref<1x64xi32, #tpu.memory_space<vmem>>
    %dma_start3A_58 = tpu.memref_squeeze %dma_start3A_57 : memref<1x64xi32, #tpu.memory_space<vmem>> -> memref<64xi32, #tpu.memory_space<vmem>>
    %dma_start3A_59 = arith.constant 0 : i32
    %dma_start3A_60 = arith.constant 0 : i32
    %dma_start3A_61 = tpu.memref_slice %arg3[%dma_start3A_59, %dma_start3A_60] : memref<100000x768xf32, #tpu.memory_space<hbm>> -> memref<100000x768xf32, #tpu.memory_space<hbm>>
    tpu.enqueue_indirect_dma source(%dma_start3A_61 : memref<100000x768xf32, #tpu.memory_space<hbm>>) target(%arg8 : memref<64x768xf32, #tpu.memory_space<vmem>>) offsets(%dma_start3A_58 : memref<64xi32, #tpu.memory_space<vmem>>) semaphore(%arg9 : memref<!tpu.dma_semaphore, #tpu.memory_space<semaphore_mem>>)
    %dma_wait3A_62 = arith.constant 2 : i32
    %dma_wait3A_63 = arith.constant 0 : i32
    %dma_wait3A_64 = tpu.memref_slice %arg6[%dma_wait3A_62, %dma_wait3A_63] : memref<4x64xi32, #tpu.memory_space<vmem>> -> memref<1x64xi32, #tpu.memory_space<vmem>>
    %dma_wait3A_65 = tpu.memref_squeeze %dma_wait3A_64 : memref<1x64xi32, #tpu.memory_space<vmem>> -> memref<64xi32, #tpu.memory_space<vmem>>
    %dma_wait3A_66 = arith.constant 0 : i32
    %dma_wait3A_67 = arith.constant 0 : i32
    %dma_wait3A_68 = tpu.memref_slice %arg3[%dma_wait3A_66, %dma_wait3A_67] : memref<100000x768xf32, #tpu.memory_space<hbm>> -> memref<100000x768xf32, #tpu.memory_space<hbm>>
    tpu.wait_indirect_dma semaphore(%arg9 : memref<!tpu.dma_semaphore, #tpu.memory_space<semaphore_mem>>) src(%dma_wait3A_68 : memref<100000x768xf32, #tpu.memory_space<hbm>>) dst(%arg8 : memref<64x768xf32, #tpu.memory_space<vmem>>)
    %scan3A_69 = arith.constant 0 : i32
    %scan3A_70 = arith.constant 0 : i32
    %scan3A_71 = arith.constant 64 : i32
    %scan3A_72 = arith.addi %scan3A_70, %scan3A_71 : i32
    %scan3A_73 = arith.constant 1 : i32
    scf.for %scan3A_99 = %scan3A_70 to %scan3A_72 step %scan3A_73  : i32 {
      %get3A = arith.index_cast %scan3A_99 : i32 to index
      %get3A_100 = arith.constant 0 : index
      %get3A_101 = tpu.vector_load %arg7[%get3A, %get3A_100] {strides = array<i32>} : memref<64x768xf32, #tpu.memory_space<vmem>>, vector<1x16xf32>,
      %get3A_102 = vector.shape_cast %get3A_101 : vector<1x16xf32> to vector<16xf32>
      %swap3A = arith.index_cast %scan3A_99 : i32 to index
      %swap3A_103 = arith.constant 0 : index
      %swap3A_104 = tpu.vector_load %arg8[%swap3A, %swap3A_103] {strides = array<i32>} : memref<64x768xf32, #tpu.memory_space<vmem>>, vector<1x16xf32>,
      %swap3A_105 = vector.shape_cast %swap3A_104 : vector<1x16xf32> to vector<16xf32>
      %swap3A_106 = vector.shape_cast %get3A_102 : vector<16xf32> to vector<1x16xf32>
      tpu.vector_store %arg8[%swap3A, %swap3A_103], %swap3A_106 {add = true, strides = array<i32>} : memref<64x768xf32, #tpu.memory_space<vmem>>, vector<1x16xf32>,
      %get3A_107 = arith.index_cast %scan3A_99 : i32 to index
      %get3A_108 = arith.constant 16 : index
      %get3A_109 = tpu.vector_load %arg7[%get3A_107, %get3A_108] {strides = array<i32>} : memref<64x768xf32, #tpu.memory_space<vmem>>, vector<1x16xf32>,
      %get3A_110 = vector.shape_cast %get3A_109 : vector<1x16xf32> to vector<16xf32>
      %swap3A_111 = arith.index_cast %scan3A_99 : i32 to index
      %swap3A_112 = arith.constant 16 : index
      %swap3A_113 = tpu.vector_load %arg8[%swap3A_111, %swap3A_112] {strides = array<i32>} : memref<64x768xf32, #tpu.memory_space<vmem>>, vector<1x16xf32>,
      %swap3A_114 = vector.shape_cast %swap3A_113 : vector<1x16xf32> to vector<16xf32>
      %swap3A_115 = vector.shape_cast %get3A_110 : vector<16xf32> to vector<1x16xf32>
      tpu.vector_store %arg8[%swap3A_111, %swap3A_112], %swap3A_115 {add = true, strides = array<i32>} : memref<64x768xf32, #tpu.memory_space<vmem>>, vector<1x16xf32>,
      %get3A_116 = arith.index_cast %scan3A_99 : i32 to index
      %get3A_117 = arith.constant 32 : index
      %get3A_118 = tpu.vector_load %arg7[%get3A_116, %get3A_117] {strides = array<i32>} : memref<64x768xf32, #tpu.memory_space<vmem>>, vector<1x16xf32>,
      %get3A_119 = vector.shape_cast %get3A_118 : vector<1x16xf32> to vector<16xf32>
      %swap3A_120 = arith.index_cast %scan3A_99 : i32 to index
      %swap3A_121 = arith.constant 32 : index
      %swap3A_122 = tpu.vector_load %arg8[%swap3A_120, %swap3A_121] {strides = array<i32>} : memref<64x768xf32, #tpu.memory_space<vmem>>, vector<1x16xf32>,
      %swap3A_123 = vector.shape_cast %swap3A_122 : vector<1x16xf32> to vector<16xf32>
      %swap3A_124 = vector.shape_cast %get3A_119 : vector<16xf32> to vector<1x16xf32>
      tpu.vector_store %arg8[%swap3A_120, %swap3A_121], %swap3A_124 {add = true, strides = array<i32>} : memref<64x768xf32, #tpu.memory_space<vmem>>, vector<1x16xf32>,
      %get3A_125 = arith.index_cast %scan3A_99 : i32 to index
      %get3A_126 = arith.constant 48 : index
      %get3A_127 = tpu.vector_load %arg7[%get3A_125, %get3A_126] {strides = array<i32>} : memref<64x768xf32, #tpu.memory_space<vmem>>, vector<1x16xf32>,
      %get3A_128 = vector.shape_cast %get3A_127 : vector<1x16xf32> to vector<16xf32>
      %swap3A_129 = arith.index_cast %scan3A_99 : i32 to index
      %swap3A_130 = arith.constant 48 : index
      %swap3A_131 = tpu.vector_load %arg8[%swap3A_129, %swap3A_130] {strides = array<i32>} : memref<64x768xf32, #tpu.memory_space<vmem>>, vector<1x16xf32>,
      %swap3A_132 = vector.shape_cast %swap3A_131 : vector<1x16xf32> to vector<16xf32>
      %swap3A_133 = vector.shape_cast %get3A_128 : vector<16xf32> to vector<1x16xf32>
      tpu.vector_store %arg8[%swap3A_129, %swap3A_130], %swap3A_133 {add = true, strides = array<i32>} : memref<64x768xf32, #tpu.memory_space<vmem>>, vector<1x16xf32>,
      %get3A_134 = arith.index_cast %scan3A_99 : i32 to index
      %get3A_135 = arith.constant 64 : index
      %get3A_136 = tpu.vector_load %arg7[%get3A_134, %get3A_135] {strides = array<i32>} : memref<64x768xf32, #tpu.memory_space<vmem>>, vector<1x16xf32>,
      %get3A_137 = vector.shape_cast %get3A_136 : vector<1x16xf32> to vector<16xf32>
      %swap3A_138 = arith.index_cast %scan3A_99 : i32 to index
      %swap3A_139 = arith.constant 64 : index
      %swap3A_140 = tpu.vector_load %arg8[%swap3A_138, %swap3A_139] {strides = array<i32>} : memref<64x768xf32, #tpu.memory_space<vmem>>, vector<1x16xf32>,
      %swap3A_141 = vector.shape_cast %swap3A_140 : vector<1x16xf32> to vector<16xf32>
      %swap3A_142 = vector.shape_cast %get3A_137 : vector<16xf32> to vector<1x16xf32>
      tpu.vector_store %arg8[%swap3A_138, %swap3A_139], %swap3A_142 {add = true, strides = array<i32>} : memref<64x768xf32, #tpu.memory_space<vmem>>, vector<1x16xf32>,
      %get3A_143 = arith.index_cast %scan3A_99 : i32 to index
      %get3A_144 = arith.constant 80 : index
      %get3A_145 = tpu.vector_load %arg7[%get3A_143, %get3A_144] {strides = array<i32>} : memref<64x768xf32, #tpu.memory_space<vmem>>, vector<1x16xf32>,
      %get3A_146 = vector.shape_cast %get3A_145 : vector<1x16xf32> to vector<16xf32>
      %swap3A_147 = arith.index_cast %scan3A_99 : i32 to index
      %swap3A_148 = arith.constant 80 : index
      %swap3A_149 = tpu.vector_load %arg8[%swap3A_147, %swap3A_148] {strides = array<i32>} : memref<64x768xf32, #tpu.memory_space<vmem>>, vector<1x16xf32>,
      %swap3A_150 = vector.shape_cast %swap3A_149 : vector<1x16xf32> to vector<16xf32>
      %swap3A_151 = vector.shape_cast %get3A_146 : vector<16xf32> to vector<1x16xf32>
      tpu.vector_store %arg8[%swap3A_147, %swap3A_148], %swap3A_151 {add = true, strides = array<i32>} : memref<64x768xf32, #tpu.memory_space<vmem>>, vector<1x16xf32>,
      %get3A_152 = arith.index_cast %scan3A_99 : i32 to index
      %get3A_153 = arith.constant 96 : index
      %get3A_154 = tpu.vector_load %arg7[%get3A_152, %get3A_153] {strides = array<i32>} : memref<64x768xf32, #tpu.memory_space<vmem>>, vector<1x16xf32>,
      %get3A_155 = vector.shape_cast %get3A_154 : vector<1x16xf32> to vector<16xf32>
      %swap3A_156 = arith.index_cast %scan3A_99 : i32 to index
      %swap3A_157 = arith.constant 96 : index
      %swap3A_158 = tpu.vector_load %arg8[%swap3A_156, %swap3A_157] {strides = array<i32>} : memref<64x768xf32, #tpu.memory_space<vmem>>, vector<1x16xf32>,
      %swap3A_159 = vector.shape_cast %swap3A_158 : vector<1x16xf32> to vector<16xf32>
      %swap3A_160 = vector.shape_cast %get3A_155 : vector<16xf32> to vector<1x16xf32>
      tpu.vector_store %arg8[%swap3A_156, %swap3A_157], %swap3A_160 {add = true, strides = array<i32>} : memref<64x768xf32, #tpu.memory_space<vmem>>, vector<1x16xf32>,
      %get3A_161 = arith.index_cast %scan3A_99 : i32 to index
      %get3A_162 = arith.constant 112 : index
      %get3A_163 = tpu.vector_load %arg7[%get3A_161, %get3A_162] {strides = array<i32>} : memref<64x768xf32, #tpu.memory_space<vmem>>, vector<1x16xf32>,
      %get3A_164 = vector.shape_cast %get3A_163 : vector<1x16xf32> to vector<16xf32>
      %swap3A_165 = arith.index_cast %scan3A_99 : i32 to index
      %swap3A_166 = arith.constant 112 : index
      %swap3A_167 = tpu.vector_load %arg8[%swap3A_165, %swap3A_166] {strides = array<i32>} : memref<64x768xf32, #tpu.memory_space<vmem>>, vector<1x16xf32>,
      %swap3A_168 = vector.shape_cast %swap3A_167 : vector<1x16xf32> to vector<16xf32>
      %swap3A_169 = vector.shape_cast %get3A_164 : vector<16xf32> to vector<1x16xf32>
      tpu.vector_store %arg8[%swap3A_165, %swap3A_166], %swap3A_169 {add = true, strides = array<i32>} : memref<64x768xf32, #tpu.memory_space<vmem>>, vector<1x16xf32>,
      %get3A_170 = arith.index_cast %scan3A_99 : i32 to index
      %get3A_171 = arith.constant 128 : index
      %get3A_172 = tpu.vector_load %arg7[%get3A_170, %get3A_171] {strides = array<i32>} : memref<64x768xf32, #tpu.memory_space<vmem>>, vector<1x16xf32>,
      %get3A_173 = vector.shape_cast %get3A_172 : vector<1x16xf32> to vector<16xf32>
      %swap3A_174 = arith.index_cast %scan3A_99 : i32 to index
      %swap3A_175 = arith.constant 128 : index
      %swap3A_176 = tpu.vector_load %arg8[%swap3A_174, %swap3A_175] {strides = array<i32>} : memref<64x768xf32, #tpu.memory_space<vmem>>, vector<1x16xf32>,
      %swap3A_177 = vector.shape_cast %swap3A_176 : vector<1x16xf32> to vector<16xf32>
      %swap3A_178 = vector.shape_cast %get3A_173 : vector<16xf32> to vector<1x16xf32>
      tpu.vector_store %arg8[%swap3A_174, %swap3A_175], %swap3A_178 {add = true, strides = array<i32>} : memref<64x768xf32, #tpu.memory_space<vmem>>, vector<1x16xf32>,
      %get3A_179 = arith.index_cast %scan3A_99 : i32 to index
      %get3A_180 = arith.constant 144 : index
      %get3A_181 = tpu.vector_load %arg7[%get3A_179, %get3A_180] {strides = array<i32>} : memref<64x768xf32, #tpu.memory_space<vmem>>, vector<1x16xf32>,
      %get3A_182 = vector.shape_cast %get3A_181 : vector<1x16xf32> to vector<16xf32>
      %swap3A_183 = arith.index_cast %scan3A_99 : i32 to index
      %swap3A_184 = arith.constant 144 : index
      %swap3A_185 = tpu.vector_load %arg8[%swap3A_183, %swap3A_184] {strides = array<i32>} : memref<64x768xf32, #tpu.memory_space<vmem>>, vector<1x16xf32>,
      %swap3A_186 = vector.shape_cast %swap3A_185 : vector<1x16xf32> to vector<16xf32>
      %swap3A_187 = vector.shape_cast %get3A_182 : vector<16xf32> to vector<1x16xf32>
      tpu.vector_store %arg8[%swap3A_183, %swap3A_184], %swap3A_187 {add = true, strides = array<i32>} : memref<64x768xf32, #tpu.memory_space<vmem>>, vector<1x16xf32>,
      %get3A_188 = arith.index_cast %scan3A_99 : i32 to index
      %get3A_189 = arith.constant 160 : index
      %get3A_190 = tpu.vector_load %arg7[%get3A_188, %get3A_189] {strides = array<i32>} : memref<64x768xf32, #tpu.memory_space<vmem>>, vector<1x16xf32>,
      %get3A_191 = vector.shape_cast %get3A_190 : vector<1x16xf32> to vector<16xf32>
      %swap3A_192 = arith.index_cast %scan3A_99 : i32 to index
      %swap3A_193 = arith.constant 160 : index
      %swap3A_194 = tpu.vector_load %arg8[%swap3A_192, %swap3A_193] {strides = array<i32>} : memref<64x768xf32, #tpu.memory_space<vmem>>, vector<1x16xf32>,
      %swap3A_195 = vector.shape_cast %swap3A_194 : vector<1x16xf32> to vector<16xf32>
      %swap3A_196 = vector.shape_cast %get3A_191 : vector<16xf32> to vector<1x16xf32>
      tpu.vector_store %arg8[%swap3A_192, %swap3A_193], %swap3A_196 {add = true, strides = array<i32>} : memref<64x768xf32, #tpu.memory_space<vmem>>, vector<1x16xf32>,
      %get3A_197 = arith.index_cast %scan3A_99 : i32 to index
      %get3A_198 = arith.constant 176 : index
      %get3A_199 = tpu.vector_load %arg7[%get3A_197, %get3A_198] {strides = array<i32>} : memref<64x768xf32, #tpu.memory_space<vmem>>, vector<1x16xf32>,
      %get3A_200 = vector.shape_cast %get3A_199 : vector<1x16xf32> to vector<16xf32>
      %swap3A_201 = arith.index_cast %scan3A_99 : i32 to index
      %swap3A_202 = arith.constant 176 : index
      %swap3A_203 = tpu.vector_load %arg8[%swap3A_201, %swap3A_202] {strides = array<i32>} : memref<64x768xf32, #tpu.memory_space<vmem>>, vector<1x16xf32>,
      %swap3A_204 = vector.shape_cast %swap3A_203 : vector<1x16xf32> to vector<16xf32>
      %swap3A_205 = vector.shape_cast %get3A_200 : vector<16xf32> to vector<1x16xf32>
      tpu.vector_store %arg8[%swap3A_201, %swap3A_202], %swap3A_205 {add = true, strides = array<i32>} : memref<64x768xf32, #tpu.memory_space<vmem>>, vector<1x16xf32>,
      %get3A_206 = arith.index_cast %scan3A_99 : i32 to index
      %get3A_207 = arith.constant 192 : index
      %get3A_208 = tpu.vector_load %arg7[%get3A_206, %get3A_207] {strides = array<i32>} : memref<64x768xf32, #tpu.memory_space<vmem>>, vector<1x16xf32>,
      %get3A_209 = vector.shape_cast %get3A_208 : vector<1x16xf32> to vector<16xf32>
      %swap3A_210 = arith.index_cast %scan3A_99 : i32 to index
      %swap3A_211 = arith.constant 192 : index
      %swap3A_212 = tpu.vector_load %arg8[%swap3A_210, %swap3A_211] {strides = array<i32>} : memref<64x768xf32, #tpu.memory_space<vmem>>, vector<1x16xf32>,
      %swap3A_213 = vector.shape_cast %swap3A_212 : vector<1x16xf32> to vector<16xf32>
      %swap3A_214 = vector.shape_cast %get3A_209 : vector<16xf32> to vector<1x16xf32>
      tpu.vector_store %arg8[%swap3A_210, %swap3A_211], %swap3A_214 {add = true, strides = array<i32>} : memref<64x768xf32, #tpu.memory_space<vmem>>, vector<1x16xf32>,
      %get3A_215 = arith.index_cast %scan3A_99 : i32 to index
      %get3A_216 = arith.constant 208 : index
      %get3A_217 = tpu.vector_load %arg7[%get3A_215, %get3A_216] {strides = array<i32>} : memref<64x768xf32, #tpu.memory_space<vmem>>, vector<1x16xf32>,
      %get3A_218 = vector.shape_cast %get3A_217 : vector<1x16xf32> to vector<16xf32>
      %swap3A_219 = arith.index_cast %scan3A_99 : i32 to index
      %swap3A_220 = arith.constant 208 : index
      %swap3A_221 = tpu.vector_load %arg8[%swap3A_219, %swap3A_220] {strides = array<i32>} : memref<64x768xf32, #tpu.memory_space<vmem>>, vector<1x16xf32>,
      %swap3A_222 = vector.shape_cast %swap3A_221 : vector<1x16xf32> to vector<16xf32>
      %swap3A_223 = vector.shape_cast %get3A_218 : vector<16xf32> to vector<1x16xf32>
      tpu.vector_store %arg8[%swap3A_219, %swap3A_220], %swap3A_223 {add = true, strides = array<i32>} : memref<64x768xf32, #tpu.memory_space<vmem>>, vector<1x16xf32>,
      %get3A_224 = arith.index_cast %scan3A_99 : i32 to index
      %get3A_225 = arith.constant 224 : index
      %get3A_226 = tpu.vector_load %arg7[%get3A_224, %get3A_225] {strides = array<i32>} : memref<64x768xf32, #tpu.memory_space<vmem>>, vector<1x16xf32>,
      %get3A_227 = vector.shape_cast %get3A_226 : vector<1x16xf32> to vector<16xf32>
      %swap3A_228 = arith.index_cast %scan3A_99 : i32 to index
      %swap3A_229 = arith.constant 224 : index
      %swap3A_230 = tpu.vector_load %arg8[%swap3A_228, %swap3A_229] {strides = array<i32>} : memref<64x768xf32, #tpu.memory_space<vmem>>, vector<1x16xf32>,
      %swap3A_231 = vector.shape_cast %swap3A_230 : vector<1x16xf32> to vector<16xf32>
      %swap3A_232 = vector.shape_cast %get3A_227 : vector<16xf32> to vector<1x16xf32>
      tpu.vector_store %arg8[%swap3A_228, %swap3A_229], %swap3A_232 {add = true, strides = array<i32>} : memref<64x768xf32, #tpu.memory_space<vmem>>, vector<1x16xf32>,
      %get3A_233 = arith.index_cast %scan3A_99 : i32 to index
      %get3A_234 = arith.constant 240 : index
      %get3A_235 = tpu.vector_load %arg7[%get3A_233, %get3A_234] {strides = array<i32>} : memref<64x768xf32, #tpu.memory_space<vmem>>, vector<1x16xf32>,
      %get3A_236 = vector.shape_cast %get3A_235 : vector<1x16xf32> to vector<16xf32>
      %swap3A_237 = arith.index_cast %scan3A_99 : i32 to index
      %swap3A_238 = arith.constant 240 : index
      %swap3A_239 = tpu.vector_load %arg8[%swap3A_237, %swap3A_238] {strides = array<i32>} : memref<64x768xf32, #tpu.memory_space<vmem>>, vector<1x16xf32>,
      %swap3A_240 = vector.shape_cast %swap3A_239 : vector<1x16xf32> to vector<16xf32>
      %swap3A_241 = vector.shape_cast %get3A_236 : vector<16xf32> to vector<1x16xf32>
      tpu.vector_store %arg8[%swap3A_237, %swap3A_238], %swap3A_241 {add = true, strides = array<i32>} : memref<64x768xf32, #tpu.memory_space<vmem>>, vector<1x16xf32>,
      %get3A_242 = arith.index_cast %scan3A_99 : i32 to index
      %get3A_243 = arith.constant 256 : index
      %get3A_244 = tpu.vector_load %arg7[%get3A_242, %get3A_243] {strides = array<i32>} : memref<64x768xf32, #tpu.memory_space<vmem>>, vector<1x16xf32>,
      %get3A_245 = vector.shape_cast %get3A_244 : vector<1x16xf32> to vector<16xf32>
      %swap3A_246 = arith.index_cast %scan3A_99 : i32 to index
      %swap3A_247 = arith.constant 256 : index
      %swap3A_248 = tpu.vector_load %arg8[%swap3A_246, %swap3A_247] {strides = array<i32>} : memref<64x768xf32, #tpu.memory_space<vmem>>, vector<1x16xf32>,
      %swap3A_249 = vector.shape_cast %swap3A_248 : vector<1x16xf32> to vector<16xf32>
      %swap3A_250 = vector.shape_cast %get3A_245 : vector<16xf32> to vector<1x16xf32>
      tpu.vector_store %arg8[%swap3A_246, %swap3A_247], %swap3A_250 {add = true, strides = array<i32>} : memref<64x768xf32, #tpu.memory_space<vmem>>, vector<1x16xf32>,
      %get3A_251 = arith.index_cast %scan3A_99 : i32 to index
      %get3A_252 = arith.constant 272 : index
      %get3A_253 = tpu.vector_load %arg7[%get3A_251, %get3A_252] {strides = array<i32>} : memref<64x768xf32, #tpu.memory_space<vmem>>, vector<1x16xf32>,
      %get3A_254 = vector.shape_cast %get3A_253 : vector<1x16xf32> to vector<16xf32>
      %swap3A_255 = arith.index_cast %scan3A_99 : i32 to index
      %swap3A_256 = arith.constant 272 : index
      %swap3A_257 = tpu.vector_load %arg8[%swap3A_255, %swap3A_256] {strides = array<i32>} : memref<64x768xf32, #tpu.memory_space<vmem>>, vector<1x16xf32>,
      %swap3A_258 = vector.shape_cast %swap3A_257 : vector<1x16xf32> to vector<16xf32>
      %swap3A_259 = vector.shape_cast %get3A_254 : vector<16xf32> to vector<1x16xf32>
      tpu.vector_store %arg8[%swap3A_255, %swap3A_256], %swap3A_259 {add = true, strides = array<i32>} : memref<64x768xf32, #tpu.memory_space<vmem>>, vector<1x16xf32>,
      %get3A_260 = arith.index_cast %scan3A_99 : i32 to index
      %get3A_261 = arith.constant 288 : index
      %get3A_262 = tpu.vector_load %arg7[%get3A_260, %get3A_261] {strides = array<i32>} : memref<64x768xf32, #tpu.memory_space<vmem>>, vector<1x16xf32>,
      %get3A_263 = vector.shape_cast %get3A_262 : vector<1x16xf32> to vector<16xf32>
      %swap3A_264 = arith.index_cast %scan3A_99 : i32 to index
      %swap3A_265 = arith.constant 288 : index
      %swap3A_266 = tpu.vector_load %arg8[%swap3A_264, %swap3A_265] {strides = array<i32>} : memref<64x768xf32, #tpu.memory_space<vmem>>, vector<1x16xf32>,
      %swap3A_267 = vector.shape_cast %swap3A_266 : vector<1x16xf32> to vector<16xf32>
      %swap3A_268 = vector.shape_cast %get3A_263 : vector<16xf32> to vector<1x16xf32>
      tpu.vector_store %arg8[%swap3A_264, %swap3A_265], %swap3A_268 {add = true, strides = array<i32>} : memref<64x768xf32, #tpu.memory_space<vmem>>, vector<1x16xf32>,
      %get3A_269 = arith.index_cast %scan3A_99 : i32 to index
      %get3A_270 = arith.constant 304 : index
      %get3A_271 = tpu.vector_load %arg7[%get3A_269, %get3A_270] {strides = array<i32>} : memref<64x768xf32, #tpu.memory_space<vmem>>, vector<1x16xf32>,
      %get3A_272 = vector.shape_cast %get3A_271 : vector<1x16xf32> to vector<16xf32>
      %swap3A_273 = arith.index_cast %scan3A_99 : i32 to index
      %swap3A_274 = arith.constant 304 : index
      %swap3A_275 = tpu.vector_load %arg8[%swap3A_273, %swap3A_274] {strides = array<i32>} : memref<64x768xf32, #tpu.memory_space<vmem>>, vector<1x16xf32>,
      %swap3A_276 = vector.shape_cast %swap3A_275 : vector<1x16xf32> to vector<16xf32>
      %swap3A_277 = vector.shape_cast %get3A_272 : vector<16xf32> to vector<1x16xf32>
      tpu.vector_store %arg8[%swap3A_273, %swap3A_274], %swap3A_277 {add = true, strides = array<i32>} : memref<64x768xf32, #tpu.memory_space<vmem>>, vector<1x16xf32>,
      %get3A_278 = arith.index_cast %scan3A_99 : i32 to index
      %get3A_279 = arith.constant 320 : index
      %get3A_280 = tpu.vector_load %arg7[%get3A_278, %get3A_279] {strides = array<i32>} : memref<64x768xf32, #tpu.memory_space<vmem>>, vector<1x16xf32>,
      %get3A_281 = vector.shape_cast %get3A_280 : vector<1x16xf32> to vector<16xf32>
      %swap3A_282 = arith.index_cast %scan3A_99 : i32 to index
      %swap3A_283 = arith.constant 320 : index
      %swap3A_284 = tpu.vector_load %arg8[%swap3A_282, %swap3A_283] {strides = array<i32>} : memref<64x768xf32, #tpu.memory_space<vmem>>, vector<1x16xf32>,
      %swap3A_285 = vector.shape_cast %swap3A_284 : vector<1x16xf32> to vector<16xf32>
      %swap3A_286 = vector.shape_cast %get3A_281 : vector<16xf32> to vector<1x16xf32>
      tpu.vector_store %arg8[%swap3A_282, %swap3A_283], %swap3A_286 {add = true, strides = array<i32>} : memref<64x768xf32, #tpu.memory_space<vmem>>, vector<1x16xf32>,
      %get3A_287 = arith.index_cast %scan3A_99 : i32 to index
      %get3A_288 = arith.constant 336 : index
      %get3A_289 = tpu.vector_load %arg7[%get3A_287, %get3A_288] {strides = array<i32>} : memref<64x768xf32, #tpu.memory_space<vmem>>, vector<1x16xf32>,
      %get3A_290 = vector.shape_cast %get3A_289 : vector<1x16xf32> to vector<16xf32>
      %swap3A_291 = arith.index_cast %scan3A_99 : i32 to index
      %swap3A_292 = arith.constant 336 : index
      %swap3A_293 = tpu.vector_load %arg8[%swap3A_291, %swap3A_292] {strides = array<i32>} : memref<64x768xf32, #tpu.memory_space<vmem>>, vector<1x16xf32>,
      %swap3A_294 = vector.shape_cast %swap3A_293 : vector<1x16xf32> to vector<16xf32>
      %swap3A_295 = vector.shape_cast %get3A_290 : vector<16xf32> to vector<1x16xf32>
      tpu.vector_store %arg8[%swap3A_291, %swap3A_292], %swap3A_295 {add = true, strides = array<i32>} : memref<64x768xf32, #tpu.memory_space<vmem>>, vector<1x16xf32>,
      %get3A_296 = arith.index_cast %scan3A_99 : i32 to index
      %get3A_297 = arith.constant 352 : index
      %get3A_298 = tpu.vector_load %arg7[%get3A_296, %get3A_297] {strides = array<i32>} : memref<64x768xf32, #tpu.memory_space<vmem>>, vector<1x16xf32>,
      %get3A_299 = vector.shape_cast %get3A_298 : vector<1x16xf32> to vector<16xf32>
      %swap3A_300 = arith.index_cast %scan3A_99 : i32 to index
      %swap3A_301 = arith.constant 352 : index
      %swap3A_302 = tpu.vector_load %arg8[%swap3A_300, %swap3A_301] {strides = array<i32>} : memref<64x768xf32, #tpu.memory_space<vmem>>, vector<1x16xf32>,
      %swap3A_303 = vector.shape_cast %swap3A_302 : vector<1x16xf32> to vector<16xf32>
      %swap3A_304 = vector.shape_cast %get3A_299 : vector<16xf32> to vector<1x16xf32>
      tpu.vector_store %arg8[%swap3A_300, %swap3A_301], %swap3A_304 {add = true, strides = array<i32>} : memref<64x768xf32, #tpu.memory_space<vmem>>, vector<1x16xf32>,
      %get3A_305 = arith.index_cast %scan3A_99 : i32 to index
      %get3A_306 = arith.constant 368 : index
      %get3A_307 = tpu.vector_load %arg7[%get3A_305, %get3A_306] {strides = array<i32>} : memref<64x768xf32, #tpu.memory_space<vmem>>, vector<1x16xf32>,
      %get3A_308 = vector.shape_cast %get3A_307 : vector<1x16xf32> to vector<16xf32>
      %swap3A_309 = arith.index_cast %scan3A_99 : i32 to index
      %swap3A_310 = arith.constant 368 : index
      %swap3A_311 = tpu.vector_load %arg8[%swap3A_309, %swap3A_310] {strides = array<i32>} : memref<64x768xf32, #tpu.memory_space<vmem>>, vector<1x16xf32>,
      %swap3A_312 = vector.shape_cast %swap3A_311 : vector<1x16xf32> to vector<16xf32>
      %swap3A_313 = vector.shape_cast %get3A_308 : vector<16xf32> to vector<1x16xf32>
      tpu.vector_store %arg8[%swap3A_309, %swap3A_310], %swap3A_313 {add = true, strides = array<i32>} : memref<64x768xf32, #tpu.memory_space<vmem>>, vector<1x16xf32>,
      %get3A_314 = arith.index_cast %scan3A_99 : i32 to index
      %get3A_315 = arith.constant 384 : index
      %get3A_316 = tpu.vector_load %arg7[%get3A_314, %get3A_315] {strides = array<i32>} : memref<64x768xf32, #tpu.memory_space<vmem>>, vector<1x16xf32>,
      %get3A_317 = vector.shape_cast %get3A_316 : vector<1x16xf32> to vector<16xf32>
      %swap3A_318 = arith.index_cast %scan3A_99 : i32 to index
      %swap3A_319 = arith.constant 384 : index
      %swap3A_320 = tpu.vector_load %arg8[%swap3A_318, %swap3A_319] {strides = array<i32>} : memref<64x768xf32, #tpu.memory_space<vmem>>, vector<1x16xf32>,
      %swap3A_321 = vector.shape_cast %swap3A_320 : vector<1x16xf32> to vector<16xf32>
      %swap3A_322 = vector.shape_cast %get3A_317 : vector<16xf32> to vector<1x16xf32>
      tpu.vector_store %arg8[%swap3A_318, %swap3A_319], %swap3A_322 {add = true, strides = array<i32>} : memref<64x768xf32, #tpu.memory_space<vmem>>, vector<1x16xf32>,
      %get3A_323 = arith.index_cast %scan3A_99 : i32 to index
      %get3A_324 = arith.constant 400 : index
      %get3A_325 = tpu.vector_load %arg7[%get3A_323, %get3A_324] {strides = array<i32>} : memref<64x768xf32, #tpu.memory_space<vmem>>, vector<1x16xf32>,
      %get3A_326 = vector.shape_cast %get3A_325 : vector<1x16xf32> to vector<16xf32>
      %swap3A_327 = arith.index_cast %scan3A_99 : i32 to index
      %swap3A_328 = arith.constant 400 : index
      %swap3A_329 = tpu.vector_load %arg8[%swap3A_327, %swap3A_328] {strides = array<i32>} : memref<64x768xf32, #tpu.memory_space<vmem>>, vector<1x16xf32>,
      %swap3A_330 = vector.shape_cast %swap3A_329 : vector<1x16xf32> to vector<16xf32>
      %swap3A_331 = vector.shape_cast %get3A_326 : vector<16xf32> to vector<1x16xf32>
      tpu.vector_store %arg8[%swap3A_327, %swap3A_328], %swap3A_331 {add = true, strides = array<i32>} : memref<64x768xf32, #tpu.memory_space<vmem>>, vector<1x16xf32>,
      %get3A_332 = arith.index_cast %scan3A_99 : i32 to index
      %get3A_333 = arith.constant 416 : index
      %get3A_334 = tpu.vector_load %arg7[%get3A_332, %get3A_333] {strides = array<i32>} : memref<64x768xf32, #tpu.memory_space<vmem>>, vector<1x16xf32>,
      %get3A_335 = vector.shape_cast %get3A_334 : vector<1x16xf32> to vector<16xf32>
      %swap3A_336 = arith.index_cast %scan3A_99 : i32 to index
      %swap3A_337 = arith.constant 416 : index
      %swap3A_338 = tpu.vector_load %arg8[%swap3A_336, %swap3A_337] {strides = array<i32>} : memref<64x768xf32, #tpu.memory_space<vmem>>, vector<1x16xf32>,
      %swap3A_339 = vector.shape_cast %swap3A_338 : vector<1x16xf32> to vector<16xf32>
      %swap3A_340 = vector.shape_cast %get3A_335 : vector<16xf32> to vector<1x16xf32>
      tpu.vector_store %arg8[%swap3A_336, %swap3A_337], %swap3A_340 {add = true, strides = array<i32>} : memref<64x768xf32, #tpu.memory_space<vmem>>, vector<1x16xf32>,
      %get3A_341 = arith.index_cast %scan3A_99 : i32 to index
      %get3A_342 = arith.constant 432 : index
      %get3A_343 = tpu.vector_load %arg7[%get3A_341, %get3A_342] {strides = array<i32>} : memref<64x768xf32, #tpu.memory_space<vmem>>, vector<1x16xf32>,
      %get3A_344 = vector.shape_cast %get3A_343 : vector<1x16xf32> to vector<16xf32>
      %swap3A_345 = arith.index_cast %scan3A_99 : i32 to index
      %swap3A_346 = arith.constant 432 : index
      %swap3A_347 = tpu.vector_load %arg8[%swap3A_345, %swap3A_346] {strides = array<i32>} : memref<64x768xf32, #tpu.memory_space<vmem>>, vector<1x16xf32>,
      %swap3A_348 = vector.shape_cast %swap3A_347 : vector<1x16xf32> to vector<16xf32>
      %swap3A_349 = vector.shape_cast %get3A_344 : vector<16xf32> to vector<1x16xf32>
      tpu.vector_store %arg8[%swap3A_345, %swap3A_346], %swap3A_349 {add = true, strides = array<i32>} : memref<64x768xf32, #tpu.memory_space<vmem>>, vector<1x16xf32>,
      %get3A_350 = arith.index_cast %scan3A_99 : i32 to index
      %get3A_351 = arith.constant 448 : index
      %get3A_352 = tpu.vector_load %arg7[%get3A_350, %get3A_351] {strides = array<i32>} : memref<64x768xf32, #tpu.memory_space<vmem>>, vector<1x16xf32>,
      %get3A_353 = vector.shape_cast %get3A_352 : vector<1x16xf32> to vector<16xf32>
      %swap3A_354 = arith.index_cast %scan3A_99 : i32 to index
      %swap3A_355 = arith.constant 448 : index
      %swap3A_356 = tpu.vector_load %arg8[%swap3A_354, %swap3A_355] {strides = array<i32>} : memref<64x768xf32, #tpu.memory_space<vmem>>, vector<1x16xf32>,
      %swap3A_357 = vector.shape_cast %swap3A_356 : vector<1x16xf32> to vector<16xf32>
      %swap3A_358 = vector.shape_cast %get3A_353 : vector<16xf32> to vector<1x16xf32>
      tpu.vector_store %arg8[%swap3A_354, %swap3A_355], %swap3A_358 {add = true, strides = array<i32>} : memref<64x768xf32, #tpu.memory_space<vmem>>, vector<1x16xf32>,
      %get3A_359 = arith.index_cast %scan3A_99 : i32 to index
      %get3A_360 = arith.constant 464 : index
      %get3A_361 = tpu.vector_load %arg7[%get3A_359, %get3A_360] {strides = array<i32>} : memref<64x768xf32, #tpu.memory_space<vmem>>, vector<1x16xf32>,
      %get3A_362 = vector.shape_cast %get3A_361 : vector<1x16xf32> to vector<16xf32>
      %swap3A_363 = arith.index_cast %scan3A_99 : i32 to index
      %swap3A_364 = arith.constant 464 : index
      %swap3A_365 = tpu.vector_load %arg8[%swap3A_363, %swap3A_364] {strides = array<i32>} : memref<64x768xf32, #tpu.memory_space<vmem>>, vector<1x16xf32>,
      %swap3A_366 = vector.shape_cast %swap3A_365 : vector<1x16xf32> to vector<16xf32>
      %swap3A_367 = vector.shape_cast %get3A_362 : vector<16xf32> to vector<1x16xf32>
      tpu.vector_store %arg8[%swap3A_363, %swap3A_364], %swap3A_367 {add = true, strides = array<i32>} : memref<64x768xf32, #tpu.memory_space<vmem>>, vector<1x16xf32>,
      %get3A_368 = arith.index_cast %scan3A_99 : i32 to index
      %get3A_369 = arith.constant 480 : index
      %get3A_370 = tpu.vector_load %arg7[%get3A_368, %get3A_369] {strides = array<i32>} : memref<64x768xf32, #tpu.memory_space<vmem>>, vector<1x16xf32>,
      %get3A_371 = vector.shape_cast %get3A_370 : vector<1x16xf32> to vector<16xf32>
      %swap3A_372 = arith.index_cast %scan3A_99 : i32 to index
      %swap3A_373 = arith.constant 480 : index
      %swap3A_374 = tpu.vector_load %arg8[%swap3A_372, %swap3A_373] {strides = array<i32>} : memref<64x768xf32, #tpu.memory_space<vmem>>, vector<1x16xf32>,
      %swap3A_375 = vector.shape_cast %swap3A_374 : vector<1x16xf32> to vector<16xf32>
      %swap3A_376 = vector.shape_cast %get3A_371 : vector<16xf32> to vector<1x16xf32>
      tpu.vector_store %arg8[%swap3A_372, %swap3A_373], %swap3A_376 {add = true, strides = array<i32>} : memref<64x768xf32, #tpu.memory_space<vmem>>, vector<1x16xf32>,
      %get3A_377 = arith.index_cast %scan3A_99 : i32 to index
      %get3A_378 = arith.constant 496 : index
      %get3A_379 = tpu.vector_load %arg7[%get3A_377, %get3A_378] {strides = array<i32>} : memref<64x768xf32, #tpu.memory_space<vmem>>, vector<1x16xf32>,
      %get3A_380 = vector.shape_cast %get3A_379 : vector<1x16xf32> to vector<16xf32>
      %swap3A_381 = arith.index_cast %scan3A_99 : i32 to index
      %swap3A_382 = arith.constant 496 : index
      %swap3A_383 = tpu.vector_load %arg8[%swap3A_381, %swap3A_382] {strides = array<i32>} : memref<64x768xf32, #tpu.memory_space<vmem>>, vector<1x16xf32>,
      %swap3A_384 = vector.shape_cast %swap3A_383 : vector<1x16xf32> to vector<16xf32>
      %swap3A_385 = vector.shape_cast %get3A_380 : vector<16xf32> to vector<1x16xf32>
      tpu.vector_store %arg8[%swap3A_381, %swap3A_382], %swap3A_385 {add = true, strides = array<i32>} : memref<64x768xf32, #tpu.memory_space<vmem>>, vector<1x16xf32>,
      %get3A_386 = arith.index_cast %scan3A_99 : i32 to index
      %get3A_387 = arith.constant 512 : index
      %get3A_388 = tpu.vector_load %arg7[%get3A_386, %get3A_387] {strides = array<i32>} : memref<64x768xf32, #tpu.memory_space<vmem>>, vector<1x16xf32>,
      %get3A_389 = vector.shape_cast %get3A_388 : vector<1x16xf32> to vector<16xf32>
      %swap3A_390 = arith.index_cast %scan3A_99 : i32 to index
      %swap3A_391 = arith.constant 512 : index
      %swap3A_392 = tpu.vector_load %arg8[%swap3A_390, %swap3A_391] {strides = array<i32>} : memref<64x768xf32, #tpu.memory_space<vmem>>, vector<1x16xf32>,
      %swap3A_393 = vector.shape_cast %swap3A_392 : vector<1x16xf32> to vector<16xf32>
      %swap3A_394 = vector.shape_cast %get3A_389 : vector<16xf32> to vector<1x16xf32>
      tpu.vector_store %arg8[%swap3A_390, %swap3A_391], %swap3A_394 {add = true, strides = array<i32>} : memref<64x768xf32, #tpu.memory_space<vmem>>, vector<1x16xf32>,
      %get3A_395 = arith.index_cast %scan3A_99 : i32 to index
      %get3A_396 = arith.constant 528 : index
      %get3A_397 = tpu.vector_load %arg7[%get3A_395, %get3A_396] {strides = array<i32>} : memref<64x768xf32, #tpu.memory_space<vmem>>, vector<1x16xf32>,
      %get3A_398 = vector.shape_cast %get3A_397 : vector<1x16xf32> to vector<16xf32>
      %swap3A_399 = arith.index_cast %scan3A_99 : i32 to index
      %swap3A_400 = arith.constant 528 : index
      %swap3A_401 = tpu.vector_load %arg8[%swap3A_399, %swap3A_400] {strides = array<i32>} : memref<64x768xf32, #tpu.memory_space<vmem>>, vector<1x16xf32>,
      %swap3A_402 = vector.shape_cast %swap3A_401 : vector<1x16xf32> to vector<16xf32>
      %swap3A_403 = vector.shape_cast %get3A_398 : vector<16xf32> to vector<1x16xf32>
      tpu.vector_store %arg8[%swap3A_399, %swap3A_400], %swap3A_403 {add = true, strides = array<i32>} : memref<64x768xf32, #tpu.memory_space<vmem>>, vector<1x16xf32>,
      %get3A_404 = arith.index_cast %scan3A_99 : i32 to index
      %get3A_405 = arith.constant 544 : index
      %get3A_406 = tpu.vector_load %arg7[%get3A_404, %get3A_405] {strides = array<i32>} : memref<64x768xf32, #tpu.memory_space<vmem>>, vector<1x16xf32>,
      %get3A_407 = vector.shape_cast %get3A_406 : vector<1x16xf32> to vector<16xf32>
      %swap3A_408 = arith.index_cast %scan3A_99 : i32 to index
      %swap3A_409 = arith.constant 544 : index
      %swap3A_410 = tpu.vector_load %arg8[%swap3A_408, %swap3A_409] {strides = array<i32>} : memref<64x768xf32, #tpu.memory_space<vmem>>, vector<1x16xf32>,
      %swap3A_411 = vector.shape_cast %swap3A_410 : vector<1x16xf32> to vector<16xf32>
      %swap3A_412 = vector.shape_cast %get3A_407 : vector<16xf32> to vector<1x16xf32>
      tpu.vector_store %arg8[%swap3A_408, %swap3A_409], %swap3A_412 {add = true, strides = array<i32>} : memref<64x768xf32, #tpu.memory_space<vmem>>, vector<1x16xf32>,
      %get3A_413 = arith.index_cast %scan3A_99 : i32 to index
      %get3A_414 = arith.constant 560 : index
      %get3A_415 = tpu.vector_load %arg7[%get3A_413, %get3A_414] {strides = array<i32>} : memref<64x768xf32, #tpu.memory_space<vmem>>, vector<1x16xf32>,
      %get3A_416 = vector.shape_cast %get3A_415 : vector<1x16xf32> to vector<16xf32>
      %swap3A_417 = arith.index_cast %scan3A_99 : i32 to index
      %swap3A_418 = arith.constant 560 : index
      %swap3A_419 = tpu.vector_load %arg8[%swap3A_417, %swap3A_418] {strides = array<i32>} : memref<64x768xf32, #tpu.memory_space<vmem>>, vector<1x16xf32>,
      %swap3A_420 = vector.shape_cast %swap3A_419 : vector<1x16xf32> to vector<16xf32>
      %swap3A_421 = vector.shape_cast %get3A_416 : vector<16xf32> to vector<1x16xf32>
      tpu.vector_store %arg8[%swap3A_417, %swap3A_418], %swap3A_421 {add = true, strides = array<i32>} : memref<64x768xf32, #tpu.memory_space<vmem>>, vector<1x16xf32>,
      %get3A_422 = arith.index_cast %scan3A_99 : i32 to index
      %get3A_423 = arith.constant 576 : index
      %get3A_424 = tpu.vector_load %arg7[%get3A_422, %get3A_423] {strides = array<i32>} : memref<64x768xf32, #tpu.memory_space<vmem>>, vector<1x16xf32>,
      %get3A_425 = vector.shape_cast %get3A_424 : vector<1x16xf32> to vector<16xf32>
      %swap3A_426 = arith.index_cast %scan3A_99 : i32 to index
      %swap3A_427 = arith.constant 576 : index
      %swap3A_428 = tpu.vector_load %arg8[%swap3A_426, %swap3A_427] {strides = array<i32>} : memref<64x768xf32, #tpu.memory_space<vmem>>, vector<1x16xf32>,
      %swap3A_429 = vector.shape_cast %swap3A_428 : vector<1x16xf32> to vector<16xf32>
      %swap3A_430 = vector.shape_cast %get3A_425 : vector<16xf32> to vector<1x16xf32>
      tpu.vector_store %arg8[%swap3A_426, %swap3A_427], %swap3A_430 {add = true, strides = array<i32>} : memref<64x768xf32, #tpu.memory_space<vmem>>, vector<1x16xf32>,
      %get3A_431 = arith.index_cast %scan3A_99 : i32 to index
      %get3A_432 = arith.constant 592 : index
      %get3A_433 = tpu.vector_load %arg7[%get3A_431, %get3A_432] {strides = array<i32>} : memref<64x768xf32, #tpu.memory_space<vmem>>, vector<1x16xf32>,
      %get3A_434 = vector.shape_cast %get3A_433 : vector<1x16xf32> to vector<16xf32>
      %swap3A_435 = arith.index_cast %scan3A_99 : i32 to index
      %swap3A_436 = arith.constant 592 : index
      %swap3A_437 = tpu.vector_load %arg8[%swap3A_435, %swap3A_436] {strides = array<i32>} : memref<64x768xf32, #tpu.memory_space<vmem>>, vector<1x16xf32>,
      %swap3A_438 = vector.shape_cast %swap3A_437 : vector<1x16xf32> to vector<16xf32>
      %swap3A_439 = vector.shape_cast %get3A_434 : vector<16xf32> to vector<1x16xf32>
      tpu.vector_store %arg8[%swap3A_435, %swap3A_436], %swap3A_439 {add = true, strides = array<i32>} : memref<64x768xf32, #tpu.memory_space<vmem>>, vector<1x16xf32>,
      %get3A_440 = arith.index_cast %scan3A_99 : i32 to index
      %get3A_441 = arith.constant 608 : index
      %get3A_442 = tpu.vector_load %arg7[%get3A_440, %get3A_441] {strides = array<i32>} : memref<64x768xf32, #tpu.memory_space<vmem>>, vector<1x16xf32>,
      %get3A_443 = vector.shape_cast %get3A_442 : vector<1x16xf32> to vector<16xf32>
      %swap3A_444 = arith.index_cast %scan3A_99 : i32 to index
      %swap3A_445 = arith.constant 608 : index
      %swap3A_446 = tpu.vector_load %arg8[%swap3A_444, %swap3A_445] {strides = array<i32>} : memref<64x768xf32, #tpu.memory_space<vmem>>, vector<1x16xf32>,
      %swap3A_447 = vector.shape_cast %swap3A_446 : vector<1x16xf32> to vector<16xf32>
      %swap3A_448 = vector.shape_cast %get3A_443 : vector<16xf32> to vector<1x16xf32>
      tpu.vector_store %arg8[%swap3A_444, %swap3A_445], %swap3A_448 {add = true, strides = array<i32>} : memref<64x768xf32, #tpu.memory_space<vmem>>, vector<1x16xf32>,
      %get3A_449 = arith.index_cast %scan3A_99 : i32 to index
      %get3A_450 = arith.constant 624 : index
      %get3A_451 = tpu.vector_load %arg7[%get3A_449, %get3A_450] {strides = array<i32>} : memref<64x768xf32, #tpu.memory_space<vmem>>, vector<1x16xf32>,
      %get3A_452 = vector.shape_cast %get3A_451 : vector<1x16xf32> to vector<16xf32>
      %swap3A_453 = arith.index_cast %scan3A_99 : i32 to index
      %swap3A_454 = arith.constant 624 : index
      %swap3A_455 = tpu.vector_load %arg8[%swap3A_453, %swap3A_454] {strides = array<i32>} : memref<64x768xf32, #tpu.memory_space<vmem>>, vector<1x16xf32>,
      %swap3A_456 = vector.shape_cast %swap3A_455 : vector<1x16xf32> to vector<16xf32>
      %swap3A_457 = vector.shape_cast %get3A_452 : vector<16xf32> to vector<1x16xf32>
      tpu.vector_store %arg8[%swap3A_453, %swap3A_454], %swap3A_457 {add = true, strides = array<i32>} : memref<64x768xf32, #tpu.memory_space<vmem>>, vector<1x16xf32>,
      %get3A_458 = arith.index_cast %scan3A_99 : i32 to index
      %get3A_459 = arith.constant 640 : index
      %get3A_460 = tpu.vector_load %arg7[%get3A_458, %get3A_459] {strides = array<i32>} : memref<64x768xf32, #tpu.memory_space<vmem>>, vector<1x16xf32>,
      %get3A_461 = vector.shape_cast %get3A_460 : vector<1x16xf32> to vector<16xf32>
      %swap3A_462 = arith.index_cast %scan3A_99 : i32 to index
      %swap3A_463 = arith.constant 640 : index
      %swap3A_464 = tpu.vector_load %arg8[%swap3A_462, %swap3A_463] {strides = array<i32>} : memref<64x768xf32, #tpu.memory_space<vmem>>, vector<1x16xf32>,
      %swap3A_465 = vector.shape_cast %swap3A_464 : vector<1x16xf32> to vector<16xf32>
      %swap3A_466 = vector.shape_cast %get3A_461 : vector<16xf32> to vector<1x16xf32>
      tpu.vector_store %arg8[%swap3A_462, %swap3A_463], %swap3A_466 {add = true, strides = array<i32>} : memref<64x768xf32, #tpu.memory_space<vmem>>, vector<1x16xf32>,
      %get3A_467 = arith.index_cast %scan3A_99 : i32 to index
      %get3A_468 = arith.constant 656 : index
      %get3A_469 = tpu.vector_load %arg7[%get3A_467, %get3A_468] {strides = array<i32>} : memref<64x768xf32, #tpu.memory_space<vmem>>, vector<1x16xf32>,
      %get3A_470 = vector.shape_cast %get3A_469 : vector<1x16xf32> to vector<16xf32>
      %swap3A_471 = arith.index_cast %scan3A_99 : i32 to index
      %swap3A_472 = arith.constant 656 : index
      %swap3A_473 = tpu.vector_load %arg8[%swap3A_471, %swap3A_472] {strides = array<i32>} : memref<64x768xf32, #tpu.memory_space<vmem>>, vector<1x16xf32>,
      %swap3A_474 = vector.shape_cast %swap3A_473 : vector<1x16xf32> to vector<16xf32>
      %swap3A_475 = vector.shape_cast %get3A_470 : vector<16xf32> to vector<1x16xf32>
      tpu.vector_store %arg8[%swap3A_471, %swap3A_472], %swap3A_475 {add = true, strides = array<i32>} : memref<64x768xf32, #tpu.memory_space<vmem>>, vector<1x16xf32>,
      %get3A_476 = arith.index_cast %scan3A_99 : i32 to index
      %get3A_477 = arith.constant 672 : index
      %get3A_478 = tpu.vector_load %arg7[%get3A_476, %get3A_477] {strides = array<i32>} : memref<64x768xf32, #tpu.memory_space<vmem>>, vector<1x16xf32>,
      %get3A_479 = vector.shape_cast %get3A_478 : vector<1x16xf32> to vector<16xf32>
      %swap3A_480 = arith.index_cast %scan3A_99 : i32 to index
      %swap3A_481 = arith.constant 672 : index
      %swap3A_482 = tpu.vector_load %arg8[%swap3A_480, %swap3A_481] {strides = array<i32>} : memref<64x768xf32, #tpu.memory_space<vmem>>, vector<1x16xf32>,
      %swap3A_483 = vector.shape_cast %swap3A_482 : vector<1x16xf32> to vector<16xf32>
      %swap3A_484 = vector.shape_cast %get3A_479 : vector<16xf32> to vector<1x16xf32>
      tpu.vector_store %arg8[%swap3A_480, %swap3A_481], %swap3A_484 {add = true, strides = array<i32>} : memref<64x768xf32, #tpu.memory_space<vmem>>, vector<1x16xf32>,
      %get3A_485 = arith.index_cast %scan3A_99 : i32 to index
      %get3A_486 = arith.constant 688 : index
      %get3A_487 = tpu.vector_load %arg7[%get3A_485, %get3A_486] {strides = array<i32>} : memref<64x768xf32, #tpu.memory_space<vmem>>, vector<1x16xf32>,
      %get3A_488 = vector.shape_cast %get3A_487 : vector<1x16xf32> to vector<16xf32>
      %swap3A_489 = arith.index_cast %scan3A_99 : i32 to index
      %swap3A_490 = arith.constant 688 : index
      %swap3A_491 = tpu.vector_load %arg8[%swap3A_489, %swap3A_490] {strides = array<i32>} : memref<64x768xf32, #tpu.memory_space<vmem>>, vector<1x16xf32>,
      %swap3A_492 = vector.shape_cast %swap3A_491 : vector<1x16xf32> to vector<16xf32>
      %swap3A_493 = vector.shape_cast %get3A_488 : vector<16xf32> to vector<1x16xf32>
      tpu.vector_store %arg8[%swap3A_489, %swap3A_490], %swap3A_493 {add = true, strides = array<i32>} : memref<64x768xf32, #tpu.memory_space<vmem>>, vector<1x16xf32>,
      %get3A_494 = arith.index_cast %scan3A_99 : i32 to index
      %get3A_495 = arith.constant 704 : index
      %get3A_496 = tpu.vector_load %arg7[%get3A_494, %get3A_495] {strides = array<i32>} : memref<64x768xf32, #tpu.memory_space<vmem>>, vector<1x16xf32>,
      %get3A_497 = vector.shape_cast %get3A_496 : vector<1x16xf32> to vector<16xf32>
      %swap3A_498 = arith.index_cast %scan3A_99 : i32 to index
      %swap3A_499 = arith.constant 704 : index
      %swap3A_500 = tpu.vector_load %arg8[%swap3A_498, %swap3A_499] {strides = array<i32>} : memref<64x768xf32, #tpu.memory_space<vmem>>, vector<1x16xf32>,
      %swap3A_501 = vector.shape_cast %swap3A_500 : vector<1x16xf32> to vector<16xf32>
      %swap3A_502 = vector.shape_cast %get3A_497 : vector<16xf32> to vector<1x16xf32>
      tpu.vector_store %arg8[%swap3A_498, %swap3A_499], %swap3A_502 {add = true, strides = array<i32>} : memref<64x768xf32, #tpu.memory_space<vmem>>, vector<1x16xf32>,
      %get3A_503 = arith.index_cast %scan3A_99 : i32 to index
      %get3A_504 = arith.constant 720 : index
      %get3A_505 = tpu.vector_load %arg7[%get3A_503, %get3A_504] {strides = array<i32>} : memref<64x768xf32, #tpu.memory_space<vmem>>, vector<1x16xf32>,
      %get3A_506 = vector.shape_cast %get3A_505 : vector<1x16xf32> to vector<16xf32>
      %swap3A_507 = arith.index_cast %scan3A_99 : i32 to index
      %swap3A_508 = arith.constant 720 : index
      %swap3A_509 = tpu.vector_load %arg8[%swap3A_507, %swap3A_508] {strides = array<i32>} : memref<64x768xf32, #tpu.memory_space<vmem>>, vector<1x16xf32>,
      %swap3A_510 = vector.shape_cast %swap3A_509 : vector<1x16xf32> to vector<16xf32>
      %swap3A_511 = vector.shape_cast %get3A_506 : vector<16xf32> to vector<1x16xf32>
      tpu.vector_store %arg8[%swap3A_507, %swap3A_508], %swap3A_511 {add = true, strides = array<i32>} : memref<64x768xf32, #tpu.memory_space<vmem>>, vector<1x16xf32>,
      %get3A_512 = arith.index_cast %scan3A_99 : i32 to index
      %get3A_513 = arith.constant 736 : index
      %get3A_514 = tpu.vector_load %arg7[%get3A_512, %get3A_513] {strides = array<i32>} : memref<64x768xf32, #tpu.memory_space<vmem>>, vector<1x16xf32>,
      %get3A_515 = vector.shape_cast %get3A_514 : vector<1x16xf32> to vector<16xf32>
      %swap3A_516 = arith.index_cast %scan3A_99 : i32 to index
      %swap3A_517 = arith.constant 736 : index
      %swap3A_518 = tpu.vector_load %arg8[%swap3A_516, %swap3A_517] {strides = array<i32>} : memref<64x768xf32, #tpu.memory_space<vmem>>, vector<1x16xf32>,
      %swap3A_519 = vector.shape_cast %swap3A_518 : vector<1x16xf32> to vector<16xf32>
      %swap3A_520 = vector.shape_cast %get3A_515 : vector<16xf32> to vector<1x16xf32>
      tpu.vector_store %arg8[%swap3A_516, %swap3A_517], %swap3A_520 {add = true, strides = array<i32>} : memref<64x768xf32, #tpu.memory_space<vmem>>, vector<1x16xf32>,
      %get3A_521 = arith.index_cast %scan3A_99 : i32 to index
      %get3A_522 = arith.constant 752 : index
      %get3A_523 = tpu.vector_load %arg7[%get3A_521, %get3A_522] {strides = array<i32>} : memref<64x768xf32, #tpu.memory_space<vmem>>, vector<1x16xf32>,
      %get3A_524 = vector.shape_cast %get3A_523 : vector<1x16xf32> to vector<16xf32>
      %swap3A_525 = arith.index_cast %scan3A_99 : i32 to index
      %swap3A_526 = arith.constant 752 : index
      %swap3A_527 = tpu.vector_load %arg8[%swap3A_525, %swap3A_526] {strides = array<i32>} : memref<64x768xf32, #tpu.memory_space<vmem>>, vector<1x16xf32>,
      %swap3A_528 = vector.shape_cast %swap3A_527 : vector<1x16xf32> to vector<16xf32>
      %swap3A_529 = vector.shape_cast %get3A_524 : vector<16xf32> to vector<1x16xf32>
      tpu.vector_store %arg8[%swap3A_525, %swap3A_526], %swap3A_529 {add = true, strides = array<i32>} : memref<64x768xf32, #tpu.memory_space<vmem>>, vector<1x16xf32>,
    }
    %scan3A_74 = arith.constant 64 : i32
    %add3A_75 = arith.constant 4096 : i32
    %add3A_76 = arith.addi %add3A_75, %mul3A_2 : i32
    "tpu.region"() ({
      %run_scoped3A_99 = tpu.sem_alloc : memref<!tpu.dma_semaphore, #tpu.memory_space<semaphore_mem>>
      %dma_start3A_100 = arith.constant 0 : i32
      %dma_start3A_101 = tpu.memref_slice %arg5[%add3A_76, %dma_start3A_100] : memref<8192x768xf32, #tpu.memory_space<hbm>> -> memref<64x768xf32, #tpu.memory_space<hbm>>
      %dma_start3A_102 = arith.constant 0 : i32
      %dma_start3A_103 = tpu.memref_slice %arg5[%add3A_76, %dma_start3A_102] : memref<8192x768xf32, #tpu.memory_space<hbm>> -> memref<64x768xf32, #tpu.memory_space<hbm>>
      tpu.enqueue_dma source(%arg8 : memref<64x768xf32, #tpu.memory_space<vmem>>) target(%dma_start3A_103 : memref<64x768xf32, #tpu.memory_space<hbm>>) target_semaphore(%run_scoped3A_99 : memref<!tpu.dma_semaphore, #tpu.memory_space<semaphore_mem>>)
      %dma_wait3A_104 = arith.constant 0 : i32
      %dma_wait3A_105 = tpu.memref_slice %arg5[%add3A_76, %dma_wait3A_104] : memref<8192x768xf32, #tpu.memory_space<hbm>> -> memref<64x768xf32, #tpu.memory_space<hbm>>
      %dma_wait3A_106 = arith.constant 0 : i32
      %dma_wait3A_107 = tpu.memref_slice %arg5[%add3A_76, %dma_wait3A_106] : memref<8192x768xf32, #tpu.memory_space<hbm>> -> memref<64x768xf32, #tpu.memory_space<hbm>>
      tpu.wait_dma2 semaphore(%run_scoped3A_99 : memref<!tpu.dma_semaphore, #tpu.memory_space<semaphore_mem>>) src(%arg8 : memref<64x768xf32, #tpu.memory_space<vmem>>) dst(%dma_wait3A_107 : memref<64x768xf32, #tpu.memory_space<hbm>>)
      tpu.yield
    }) : () -> ()
    %dma_start3A_77 = arith.constant 3 : i32
    %dma_start3A_78 = arith.constant 0 : i32
    %dma_start3A_79 = tpu.memref_slice %arg6[%dma_start3A_77, %dma_start3A_78] : memref<4x64xi32, #tpu.memory_space<vmem>> -> memref<1x64xi32, #tpu.memory_space<vmem>>
    %dma_start3A_80 = tpu.memref_squeeze %dma_start3A_79 : memref<1x64xi32, #tpu.memory_space<vmem>> -> memref<64xi32, #tpu.memory_space<vmem>>
    %dma_start3A_81 = arith.constant 0 : i32
    %dma_start3A_82 = arith.constant 0 : i32
    %dma_start3A_83 = tpu.memref_slice %arg3[%dma_start3A_81, %dma_start3A_82] : memref<100000x768xf32, #tpu.memory_space<hbm>> -> memref<100000x768xf32, #tpu.memory_space<hbm>>
    tpu.enqueue_indirect_dma source(%dma_start3A_83 : memref<100000x768xf32, #tpu.memory_space<hbm>>) target(%arg8 : memref<64x768xf32, #tpu.memory_space<vmem>>) offsets(%dma_start3A_80 : memref<64xi32, #tpu.memory_space<vmem>>) semaphore(%arg9 : memref<!tpu.dma_semaphore, #tpu.memory_space<semaphore_mem>>)
    %dma_wait3A_84 = arith.constant 3 : i32
    %dma_wait3A_85 = arith.constant 0 : i32
    %dma_wait3A_86 = tpu.memref_slice %arg6[%dma_wait3A_84, %dma_wait3A_85] : memref<4x64xi32, #tpu.memory_space<vmem>> -> memref<1x64xi32, #tpu.memory_space<vmem>>
    %dma_wait3A_87 = tpu.memref_squeeze %dma_wait3A_86 : memref<1x64xi32, #tpu.memory_space<vmem>> -> memref<64xi32, #tpu.memory_space<vmem>>
    %dma_wait3A_88 = arith.constant 0 : i32
    %dma_wait3A_89 = arith.constant 0 : i32
    %dma_wait3A_90 = tpu.memref_slice %arg3[%dma_wait3A_88, %dma_wait3A_89] : memref<100000x768xf32, #tpu.memory_space<hbm>> -> memref<100000x768xf32, #tpu.memory_space<hbm>>
    tpu.wait_indirect_dma semaphore(%arg9 : memref<!tpu.dma_semaphore, #tpu.memory_space<semaphore_mem>>) src(%dma_wait3A_90 : memref<100000x768xf32, #tpu.memory_space<hbm>>) dst(%arg8 : memref<64x768xf32, #tpu.memory_space<vmem>>)
    %scan3A_91 = arith.constant 0 : i32
    %scan3A_92 = arith.constant 0 : i32
    %scan3A_93 = arith.constant 64 : i32
    %scan3A_94 = arith.addi %scan3A_92, %scan3A_93 : i32
    %scan3A_95 = arith.constant 1 : i32
    scf.for %scan3A_99 = %scan3A_92 to %scan3A_94 step %scan3A_95  : i32 {
      %get3A = arith.index_cast %scan3A_99 : i32 to index
      %get3A_100 = arith.constant 0 : index
      %get3A_101 = tpu.vector_load %arg7[%get3A, %get3A_100] {strides = array<i32>} : memref<64x768xf32, #tpu.memory_space<vmem>>, vector<1x16xf32>,
      %get3A_102 = vector.shape_cast %get3A_101 : vector<1x16xf32> to vector<16xf32>
      %swap3A = arith.index_cast %scan3A_99 : i32 to index
      %swap3A_103 = arith.constant 0 : index
      %swap3A_104 = tpu.vector_load %arg8[%swap3A, %swap3A_103] {strides = array<i32>} : memref<64x768xf32, #tpu.memory_space<vmem>>, vector<1x16xf32>,
      %swap3A_105 = vector.shape_cast %swap3A_104 : vector<1x16xf32> to vector<16xf32>
      %swap3A_106 = vector.shape_cast %get3A_102 : vector<16xf32> to vector<1x16xf32>
      tpu.vector_store %arg8[%swap3A, %swap3A_103], %swap3A_106 {add = true, strides = array<i32>} : memref<64x768xf32, #tpu.memory_space<vmem>>, vector<1x16xf32>,
      %get3A_107 = arith.index_cast %scan3A_99 : i32 to index
      %get3A_108 = arith.constant 16 : index
      %get3A_109 = tpu.vector_load %arg7[%get3A_107, %get3A_108] {strides = array<i32>} : memref<64x768xf32, #tpu.memory_space<vmem>>, vector<1x16xf32>,
      %get3A_110 = vector.shape_cast %get3A_109 : vector<1x16xf32> to vector<16xf32>
      %swap3A_111 = arith.index_cast %scan3A_99 : i32 to index
      %swap3A_112 = arith.constant 16 : index
      %swap3A_113 = tpu.vector_load %arg8[%swap3A_111, %swap3A_112] {strides = array<i32>} : memref<64x768xf32, #tpu.memory_space<vmem>>, vector<1x16xf32>,
      %swap3A_114 = vector.shape_cast %swap3A_113 : vector<1x16xf32> to vector<16xf32>
      %swap3A_115 = vector.shape_cast %get3A_110 : vector<16xf32> to vector<1x16xf32>
      tpu.vector_store %arg8[%swap3A_111, %swap3A_112], %swap3A_115 {add = true, strides = array<i32>} : memref<64x768xf32, #tpu.memory_space<vmem>>, vector<1x16xf32>,
      %get3A_116 = arith.index_cast %scan3A_99 : i32 to index
      %get3A_117 = arith.constant 32 : index
      %get3A_118 = tpu.vector_load %arg7[%get3A_116, %get3A_117] {strides = array<i32>} : memref<64x768xf32, #tpu.memory_space<vmem>>, vector<1x16xf32>,
      %get3A_119 = vector.shape_cast %get3A_118 : vector<1x16xf32> to vector<16xf32>
      %swap3A_120 = arith.index_cast %scan3A_99 : i32 to index
      %swap3A_121 = arith.constant 32 : index
      %swap3A_122 = tpu.vector_load %arg8[%swap3A_120, %swap3A_121] {strides = array<i32>} : memref<64x768xf32, #tpu.memory_space<vmem>>, vector<1x16xf32>,
      %swap3A_123 = vector.shape_cast %swap3A_122 : vector<1x16xf32> to vector<16xf32>
      %swap3A_124 = vector.shape_cast %get3A_119 : vector<16xf32> to vector<1x16xf32>
      tpu.vector_store %arg8[%swap3A_120, %swap3A_121], %swap3A_124 {add = true, strides = array<i32>} : memref<64x768xf32, #tpu.memory_space<vmem>>, vector<1x16xf32>,
      %get3A_125 = arith.index_cast %scan3A_99 : i32 to index
      %get3A_126 = arith.constant 48 : index
      %get3A_127 = tpu.vector_load %arg7[%get3A_125, %get3A_126] {strides = array<i32>} : memref<64x768xf32, #tpu.memory_space<vmem>>, vector<1x16xf32>,
      %get3A_128 = vector.shape_cast %get3A_127 : vector<1x16xf32> to vector<16xf32>
      %swap3A_129 = arith.index_cast %scan3A_99 : i32 to index
      %swap3A_130 = arith.constant 48 : index
      %swap3A_131 = tpu.vector_load %arg8[%swap3A_129, %swap3A_130] {strides = array<i32>} : memref<64x768xf32, #tpu.memory_space<vmem>>, vector<1x16xf32>,
      %swap3A_132 = vector.shape_cast %swap3A_131 : vector<1x16xf32> to vector<16xf32>
      %swap3A_133 = vector.shape_cast %get3A_128 : vector<16xf32> to vector<1x16xf32>
      tpu.vector_store %arg8[%swap3A_129, %swap3A_130], %swap3A_133 {add = true, strides = array<i32>} : memref<64x768xf32, #tpu.memory_space<vmem>>, vector<1x16xf32>,
      %get3A_134 = arith.index_cast %scan3A_99 : i32 to index
      %get3A_135 = arith.constant 64 : index
      %get3A_136 = tpu.vector_load %arg7[%get3A_134, %get3A_135] {strides = array<i32>} : memref<64x768xf32, #tpu.memory_space<vmem>>, vector<1x16xf32>,
      %get3A_137 = vector.shape_cast %get3A_136 : vector<1x16xf32> to vector<16xf32>
      %swap3A_138 = arith.index_cast %scan3A_99 : i32 to index
      %swap3A_139 = arith.constant 64 : index
      %swap3A_140 = tpu.vector_load %arg8[%swap3A_138, %swap3A_139] {strides = array<i32>} : memref<64x768xf32, #tpu.memory_space<vmem>>, vector<1x16xf32>,
      %swap3A_141 = vector.shape_cast %swap3A_140 : vector<1x16xf32> to vector<16xf32>
      %swap3A_142 = vector.shape_cast %get3A_137 : vector<16xf32> to vector<1x16xf32>
      tpu.vector_store %arg8[%swap3A_138, %swap3A_139], %swap3A_142 {add = true, strides = array<i32>} : memref<64x768xf32, #tpu.memory_space<vmem>>, vector<1x16xf32>,
      %get3A_143 = arith.index_cast %scan3A_99 : i32 to index
      %get3A_144 = arith.constant 80 : index
      %get3A_145 = tpu.vector_load %arg7[%get3A_143, %get3A_144] {strides = array<i32>} : memref<64x768xf32, #tpu.memory_space<vmem>>, vector<1x16xf32>,
      %get3A_146 = vector.shape_cast %get3A_145 : vector<1x16xf32> to vector<16xf32>
      %swap3A_147 = arith.index_cast %scan3A_99 : i32 to index
      %swap3A_148 = arith.constant 80 : index
      %swap3A_149 = tpu.vector_load %arg8[%swap3A_147, %swap3A_148] {strides = array<i32>} : memref<64x768xf32, #tpu.memory_space<vmem>>, vector<1x16xf32>,
      %swap3A_150 = vector.shape_cast %swap3A_149 : vector<1x16xf32> to vector<16xf32>
      %swap3A_151 = vector.shape_cast %get3A_146 : vector<16xf32> to vector<1x16xf32>
      tpu.vector_store %arg8[%swap3A_147, %swap3A_148], %swap3A_151 {add = true, strides = array<i32>} : memref<64x768xf32, #tpu.memory_space<vmem>>, vector<1x16xf32>,
      %get3A_152 = arith.index_cast %scan3A_99 : i32 to index
      %get3A_153 = arith.constant 96 : index
      %get3A_154 = tpu.vector_load %arg7[%get3A_152, %get3A_153] {strides = array<i32>} : memref<64x768xf32, #tpu.memory_space<vmem>>, vector<1x16xf32>,
      %get3A_155 = vector.shape_cast %get3A_154 : vector<1x16xf32> to vector<16xf32>
      %swap3A_156 = arith.index_cast %scan3A_99 : i32 to index
      %swap3A_157 = arith.constant 96 : index
      %swap3A_158 = tpu.vector_load %arg8[%swap3A_156, %swap3A_157] {strides = array<i32>} : memref<64x768xf32, #tpu.memory_space<vmem>>, vector<1x16xf32>,
      %swap3A_159 = vector.shape_cast %swap3A_158 : vector<1x16xf32> to vector<16xf32>
      %swap3A_160 = vector.shape_cast %get3A_155 : vector<16xf32> to vector<1x16xf32>
      tpu.vector_store %arg8[%swap3A_156, %swap3A_157], %swap3A_160 {add = true, strides = array<i32>} : memref<64x768xf32, #tpu.memory_space<vmem>>, vector<1x16xf32>,
      %get3A_161 = arith.index_cast %scan3A_99 : i32 to index
      %get3A_162 = arith.constant 112 : index
      %get3A_163 = tpu.vector_load %arg7[%get3A_161, %get3A_162] {strides = array<i32>} : memref<64x768xf32, #tpu.memory_space<vmem>>, vector<1x16xf32>,
      %get3A_164 = vector.shape_cast %get3A_163 : vector<1x16xf32> to vector<16xf32>
      %swap3A_165 = arith.index_cast %scan3A_99 : i32 to index
      %swap3A_166 = arith.constant 112 : index
      %swap3A_167 = tpu.vector_load %arg8[%swap3A_165, %swap3A_166] {strides = array<i32>} : memref<64x768xf32, #tpu.memory_space<vmem>>, vector<1x16xf32>,
      %swap3A_168 = vector.shape_cast %swap3A_167 : vector<1x16xf32> to vector<16xf32>
      %swap3A_169 = vector.shape_cast %get3A_164 : vector<16xf32> to vector<1x16xf32>
      tpu.vector_store %arg8[%swap3A_165, %swap3A_166], %swap3A_169 {add = true, strides = array<i32>} : memref<64x768xf32, #tpu.memory_space<vmem>>, vector<1x16xf32>,
      %get3A_170 = arith.index_cast %scan3A_99 : i32 to index
      %get3A_171 = arith.constant 128 : index
      %get3A_172 = tpu.vector_load %arg7[%get3A_170, %get3A_171] {strides = array<i32>} : memref<64x768xf32, #tpu.memory_space<vmem>>, vector<1x16xf32>,
      %get3A_173 = vector.shape_cast %get3A_172 : vector<1x16xf32> to vector<16xf32>
      %swap3A_174 = arith.index_cast %scan3A_99 : i32 to index
      %swap3A_175 = arith.constant 128 : index
      %swap3A_176 = tpu.vector_load %arg8[%swap3A_174, %swap3A_175] {strides = array<i32>} : memref<64x768xf32, #tpu.memory_space<vmem>>, vector<1x16xf32>,
      %swap3A_177 = vector.shape_cast %swap3A_176 : vector<1x16xf32> to vector<16xf32>
      %swap3A_178 = vector.shape_cast %get3A_173 : vector<16xf32> to vector<1x16xf32>
      tpu.vector_store %arg8[%swap3A_174, %swap3A_175], %swap3A_178 {add = true, strides = array<i32>} : memref<64x768xf32, #tpu.memory_space<vmem>>, vector<1x16xf32>,
      %get3A_179 = arith.index_cast %scan3A_99 : i32 to index
      %get3A_180 = arith.constant 144 : index
      %get3A_181 = tpu.vector_load %arg7[%get3A_179, %get3A_180] {strides = array<i32>} : memref<64x768xf32, #tpu.memory_space<vmem>>, vector<1x16xf32>,
      %get3A_182 = vector.shape_cast %get3A_181 : vector<1x16xf32> to vector<16xf32>
      %swap3A_183 = arith.index_cast %scan3A_99 : i32 to index
      %swap3A_184 = arith.constant 144 : index
      %swap3A_185 = tpu.vector_load %arg8[%swap3A_183, %swap3A_184] {strides = array<i32>} : memref<64x768xf32, #tpu.memory_space<vmem>>, vector<1x16xf32>,
      %swap3A_186 = vector.shape_cast %swap3A_185 : vector<1x16xf32> to vector<16xf32>
      %swap3A_187 = vector.shape_cast %get3A_182 : vector<16xf32> to vector<1x16xf32>
      tpu.vector_store %arg8[%swap3A_183, %swap3A_184], %swap3A_187 {add = true, strides = array<i32>} : memref<64x768xf32, #tpu.memory_space<vmem>>, vector<1x16xf32>,
      %get3A_188 = arith.index_cast %scan3A_99 : i32 to index
      %get3A_189 = arith.constant 160 : index
      %get3A_190 = tpu.vector_load %arg7[%get3A_188, %get3A_189] {strides = array<i32>} : memref<64x768xf32, #tpu.memory_space<vmem>>, vector<1x16xf32>,
      %get3A_191 = vector.shape_cast %get3A_190 : vector<1x16xf32> to vector<16xf32>
      %swap3A_192 = arith.index_cast %scan3A_99 : i32 to index
      %swap3A_193 = arith.constant 160 : index
      %swap3A_194 = tpu.vector_load %arg8[%swap3A_192, %swap3A_193] {strides = array<i32>} : memref<64x768xf32, #tpu.memory_space<vmem>>, vector<1x16xf32>,
      %swap3A_195 = vector.shape_cast %swap3A_194 : vector<1x16xf32> to vector<16xf32>
      %swap3A_196 = vector.shape_cast %get3A_191 : vector<16xf32> to vector<1x16xf32>
      tpu.vector_store %arg8[%swap3A_192, %swap3A_193], %swap3A_196 {add = true, strides = array<i32>} : memref<64x768xf32, #tpu.memory_space<vmem>>, vector<1x16xf32>,
      %get3A_197 = arith.index_cast %scan3A_99 : i32 to index
      %get3A_198 = arith.constant 176 : index
      %get3A_199 = tpu.vector_load %arg7[%get3A_197, %get3A_198] {strides = array<i32>} : memref<64x768xf32, #tpu.memory_space<vmem>>, vector<1x16xf32>,
      %get3A_200 = vector.shape_cast %get3A_199 : vector<1x16xf32> to vector<16xf32>
      %swap3A_201 = arith.index_cast %scan3A_99 : i32 to index
      %swap3A_202 = arith.constant 176 : index
      %swap3A_203 = tpu.vector_load %arg8[%swap3A_201, %swap3A_202] {strides = array<i32>} : memref<64x768xf32, #tpu.memory_space<vmem>>, vector<1x16xf32>,
      %swap3A_204 = vector.shape_cast %swap3A_203 : vector<1x16xf32> to vector<16xf32>
      %swap3A_205 = vector.shape_cast %get3A_200 : vector<16xf32> to vector<1x16xf32>
      tpu.vector_store %arg8[%swap3A_201, %swap3A_202], %swap3A_205 {add = true, strides = array<i32>} : memref<64x768xf32, #tpu.memory_space<vmem>>, vector<1x16xf32>,
      %get3A_206 = arith.index_cast %scan3A_99 : i32 to index
      %get3A_207 = arith.constant 192 : index
      %get3A_208 = tpu.vector_load %arg7[%get3A_206, %get3A_207] {strides = array<i32>} : memref<64x768xf32, #tpu.memory_space<vmem>>, vector<1x16xf32>,
      %get3A_209 = vector.shape_cast %get3A_208 : vector<1x16xf32> to vector<16xf32>
      %swap3A_210 = arith.index_cast %scan3A_99 : i32 to index
      %swap3A_211 = arith.constant 192 : index
      %swap3A_212 = tpu.vector_load %arg8[%swap3A_210, %swap3A_211] {strides = array<i32>} : memref<64x768xf32, #tpu.memory_space<vmem>>, vector<1x16xf32>,
      %swap3A_213 = vector.shape_cast %swap3A_212 : vector<1x16xf32> to vector<16xf32>
      %swap3A_214 = vector.shape_cast %get3A_209 : vector<16xf32> to vector<1x16xf32>
      tpu.vector_store %arg8[%swap3A_210, %swap3A_211], %swap3A_214 {add = true, strides = array<i32>} : memref<64x768xf32, #tpu.memory_space<vmem>>, vector<1x16xf32>,
      %get3A_215 = arith.index_cast %scan3A_99 : i32 to index
      %get3A_216 = arith.constant 208 : index
      %get3A_217 = tpu.vector_load %arg7[%get3A_215, %get3A_216] {strides = array<i32>} : memref<64x768xf32, #tpu.memory_space<vmem>>, vector<1x16xf32>,
      %get3A_218 = vector.shape_cast %get3A_217 : vector<1x16xf32> to vector<16xf32>
      %swap3A_219 = arith.index_cast %scan3A_99 : i32 to index
      %swap3A_220 = arith.constant 208 : index
      %swap3A_221 = tpu.vector_load %arg8[%swap3A_219, %swap3A_220] {strides = array<i32>} : memref<64x768xf32, #tpu.memory_space<vmem>>, vector<1x16xf32>,
      %swap3A_222 = vector.shape_cast %swap3A_221 : vector<1x16xf32> to vector<16xf32>
      %swap3A_223 = vector.shape_cast %get3A_218 : vector<16xf32> to vector<1x16xf32>
      tpu.vector_store %arg8[%swap3A_219, %swap3A_220], %swap3A_223 {add = true, strides = array<i32>} : memref<64x768xf32, #tpu.memory_space<vmem>>, vector<1x16xf32>,
      %get3A_224 = arith.index_cast %scan3A_99 : i32 to index
      %get3A_225 = arith.constant 224 : index
      %get3A_226 = tpu.vector_load %arg7[%get3A_224, %get3A_225] {strides = array<i32>} : memref<64x768xf32, #tpu.memory_space<vmem>>, vector<1x16xf32>,
      %get3A_227 = vector.shape_cast %get3A_226 : vector<1x16xf32> to vector<16xf32>
      %swap3A_228 = arith.index_cast %scan3A_99 : i32 to index
      %swap3A_229 = arith.constant 224 : index
      %swap3A_230 = tpu.vector_load %arg8[%swap3A_228, %swap3A_229] {strides = array<i32>} : memref<64x768xf32, #tpu.memory_space<vmem>>, vector<1x16xf32>,
      %swap3A_231 = vector.shape_cast %swap3A_230 : vector<1x16xf32> to vector<16xf32>
      %swap3A_232 = vector.shape_cast %get3A_227 : vector<16xf32> to vector<1x16xf32>
      tpu.vector_store %arg8[%swap3A_228, %swap3A_229], %swap3A_232 {add = true, strides = array<i32>} : memref<64x768xf32, #tpu.memory_space<vmem>>, vector<1x16xf32>,
      %get3A_233 = arith.index_cast %scan3A_99 : i32 to index
      %get3A_234 = arith.constant 240 : index
      %get3A_235 = tpu.vector_load %arg7[%get3A_233, %get3A_234] {strides = array<i32>} : memref<64x768xf32, #tpu.memory_space<vmem>>, vector<1x16xf32>,
      %get3A_236 = vector.shape_cast %get3A_235 : vector<1x16xf32> to vector<16xf32>
      %swap3A_237 = arith.index_cast %scan3A_99 : i32 to index
      %swap3A_238 = arith.constant 240 : index
      %swap3A_239 = tpu.vector_load %arg8[%swap3A_237, %swap3A_238] {strides = array<i32>} : memref<64x768xf32, #tpu.memory_space<vmem>>, vector<1x16xf32>,
      %swap3A_240 = vector.shape_cast %swap3A_239 : vector<1x16xf32> to vector<16xf32>
      %swap3A_241 = vector.shape_cast %get3A_236 : vector<16xf32> to vector<1x16xf32>
      tpu.vector_store %arg8[%swap3A_237, %swap3A_238], %swap3A_241 {add = true, strides = array<i32>} : memref<64x768xf32, #tpu.memory_space<vmem>>, vector<1x16xf32>,
      %get3A_242 = arith.index_cast %scan3A_99 : i32 to index
      %get3A_243 = arith.constant 256 : index
      %get3A_244 = tpu.vector_load %arg7[%get3A_242, %get3A_243] {strides = array<i32>} : memref<64x768xf32, #tpu.memory_space<vmem>>, vector<1x16xf32>,
      %get3A_245 = vector.shape_cast %get3A_244 : vector<1x16xf32> to vector<16xf32>
      %swap3A_246 = arith.index_cast %scan3A_99 : i32 to index
      %swap3A_247 = arith.constant 256 : index
      %swap3A_248 = tpu.vector_load %arg8[%swap3A_246, %swap3A_247] {strides = array<i32>} : memref<64x768xf32, #tpu.memory_space<vmem>>, vector<1x16xf32>,
      %swap3A_249 = vector.shape_cast %swap3A_248 : vector<1x16xf32> to vector<16xf32>
      %swap3A_250 = vector.shape_cast %get3A_245 : vector<16xf32> to vector<1x16xf32>
      tpu.vector_store %arg8[%swap3A_246, %swap3A_247], %swap3A_250 {add = true, strides = array<i32>} : memref<64x768xf32, #tpu.memory_space<vmem>>, vector<1x16xf32>,
      %get3A_251 = arith.index_cast %scan3A_99 : i32 to index
      %get3A_252 = arith.constant 272 : index
      %get3A_253 = tpu.vector_load %arg7[%get3A_251, %get3A_252] {strides = array<i32>} : memref<64x768xf32, #tpu.memory_space<vmem>>, vector<1x16xf32>,
      %get3A_254 = vector.shape_cast %get3A_253 : vector<1x16xf32> to vector<16xf32>
      %swap3A_255 = arith.index_cast %scan3A_99 : i32 to index
      %swap3A_256 = arith.constant 272 : index
      %swap3A_257 = tpu.vector_load %arg8[%swap3A_255, %swap3A_256] {strides = array<i32>} : memref<64x768xf32, #tpu.memory_space<vmem>>, vector<1x16xf32>,
      %swap3A_258 = vector.shape_cast %swap3A_257 : vector<1x16xf32> to vector<16xf32>
      %swap3A_259 = vector.shape_cast %get3A_254 : vector<16xf32> to vector<1x16xf32>
      tpu.vector_store %arg8[%swap3A_255, %swap3A_256], %swap3A_259 {add = true, strides = array<i32>} : memref<64x768xf32, #tpu.memory_space<vmem>>, vector<1x16xf32>,
      %get3A_260 = arith.index_cast %scan3A_99 : i32 to index
      %get3A_261 = arith.constant 288 : index
      %get3A_262 = tpu.vector_load %arg7[%get3A_260, %get3A_261] {strides = array<i32>} : memref<64x768xf32, #tpu.memory_space<vmem>>, vector<1x16xf32>,
      %get3A_263 = vector.shape_cast %get3A_262 : vector<1x16xf32> to vector<16xf32>
      %swap3A_264 = arith.index_cast %scan3A_99 : i32 to index
      %swap3A_265 = arith.constant 288 : index
      %swap3A_266 = tpu.vector_load %arg8[%swap3A_264, %swap3A_265] {strides = array<i32>} : memref<64x768xf32, #tpu.memory_space<vmem>>, vector<1x16xf32>,
      %swap3A_267 = vector.shape_cast %swap3A_266 : vector<1x16xf32> to vector<16xf32>
      %swap3A_268 = vector.shape_cast %get3A_263 : vector<16xf32> to vector<1x16xf32>
      tpu.vector_store %arg8[%swap3A_264, %swap3A_265], %swap3A_268 {add = true, strides = array<i32>} : memref<64x768xf32, #tpu.memory_space<vmem>>, vector<1x16xf32>,
      %get3A_269 = arith.index_cast %scan3A_99 : i32 to index
      %get3A_270 = arith.constant 304 : index
      %get3A_271 = tpu.vector_load %arg7[%get3A_269, %get3A_270] {strides = array<i32>} : memref<64x768xf32, #tpu.memory_space<vmem>>, vector<1x16xf32>,
      %get3A_272 = vector.shape_cast %get3A_271 : vector<1x16xf32> to vector<16xf32>
      %swap3A_273 = arith.index_cast %scan3A_99 : i32 to index
      %swap3A_274 = arith.constant 304 : index
      %swap3A_275 = tpu.vector_load %arg8[%swap3A_273, %swap3A_274] {strides = array<i32>} : memref<64x768xf32, #tpu.memory_space<vmem>>, vector<1x16xf32>,
      %swap3A_276 = vector.shape_cast %swap3A_275 : vector<1x16xf32> to vector<16xf32>
      %swap3A_277 = vector.shape_cast %get3A_272 : vector<16xf32> to vector<1x16xf32>
      tpu.vector_store %arg8[%swap3A_273, %swap3A_274], %swap3A_277 {add = true, strides = array<i32>} : memref<64x768xf32, #tpu.memory_space<vmem>>, vector<1x16xf32>,
      %get3A_278 = arith.index_cast %scan3A_99 : i32 to index
      %get3A_279 = arith.constant 320 : index
      %get3A_280 = tpu.vector_load %arg7[%get3A_278, %get3A_279] {strides = array<i32>} : memref<64x768xf32, #tpu.memory_space<vmem>>, vector<1x16xf32>,
      %get3A_281 = vector.shape_cast %get3A_280 : vector<1x16xf32> to vector<16xf32>
      %swap3A_282 = arith.index_cast %scan3A_99 : i32 to index
      %swap3A_283 = arith.constant 320 : index
      %swap3A_284 = tpu.vector_load %arg8[%swap3A_282, %swap3A_283] {strides = array<i32>} : memref<64x768xf32, #tpu.memory_space<vmem>>, vector<1x16xf32>,
      %swap3A_285 = vector.shape_cast %swap3A_284 : vector<1x16xf32> to vector<16xf32>
      %swap3A_286 = vector.shape_cast %get3A_281 : vector<16xf32> to vector<1x16xf32>
      tpu.vector_store %arg8[%swap3A_282, %swap3A_283], %swap3A_286 {add = true, strides = array<i32>} : memref<64x768xf32, #tpu.memory_space<vmem>>, vector<1x16xf32>,
      %get3A_287 = arith.index_cast %scan3A_99 : i32 to index
      %get3A_288 = arith.constant 336 : index
      %get3A_289 = tpu.vector_load %arg7[%get3A_287, %get3A_288] {strides = array<i32>} : memref<64x768xf32, #tpu.memory_space<vmem>>, vector<1x16xf32>,
      %get3A_290 = vector.shape_cast %get3A_289 : vector<1x16xf32> to vector<16xf32>
      %swap3A_291 = arith.index_cast %scan3A_99 : i32 to index
      %swap3A_292 = arith.constant 336 : index
      %swap3A_293 = tpu.vector_load %arg8[%swap3A_291, %swap3A_292] {strides = array<i32>} : memref<64x768xf32, #tpu.memory_space<vmem>>, vector<1x16xf32>,
      %swap3A_294 = vector.shape_cast %swap3A_293 : vector<1x16xf32> to vector<16xf32>
      %swap3A_295 = vector.shape_cast %get3A_290 : vector<16xf32> to vector<1x16xf32>
      tpu.vector_store %arg8[%swap3A_291, %swap3A_292], %swap3A_295 {add = true, strides = array<i32>} : memref<64x768xf32, #tpu.memory_space<vmem>>, vector<1x16xf32>,
      %get3A_296 = arith.index_cast %scan3A_99 : i32 to index
      %get3A_297 = arith.constant 352 : index
      %get3A_298 = tpu.vector_load %arg7[%get3A_296, %get3A_297] {strides = array<i32>} : memref<64x768xf32, #tpu.memory_space<vmem>>, vector<1x16xf32>,
      %get3A_299 = vector.shape_cast %get3A_298 : vector<1x16xf32> to vector<16xf32>
      %swap3A_300 = arith.index_cast %scan3A_99 : i32 to index
      %swap3A_301 = arith.constant 352 : index
      %swap3A_302 = tpu.vector_load %arg8[%swap3A_300, %swap3A_301] {strides = array<i32>} : memref<64x768xf32, #tpu.memory_space<vmem>>, vector<1x16xf32>,
      %swap3A_303 = vector.shape_cast %swap3A_302 : vector<1x16xf32> to vector<16xf32>
      %swap3A_304 = vector.shape_cast %get3A_299 : vector<16xf32> to vector<1x16xf32>
      tpu.vector_store %arg8[%swap3A_300, %swap3A_301], %swap3A_304 {add = true, strides = array<i32>} : memref<64x768xf32, #tpu.memory_space<vmem>>, vector<1x16xf32>,
      %get3A_305 = arith.index_cast %scan3A_99 : i32 to index
      %get3A_306 = arith.constant 368 : index
      %get3A_307 = tpu.vector_load %arg7[%get3A_305, %get3A_306] {strides = array<i32>} : memref<64x768xf32, #tpu.memory_space<vmem>>, vector<1x16xf32>,
      %get3A_308 = vector.shape_cast %get3A_307 : vector<1x16xf32> to vector<16xf32>
      %swap3A_309 = arith.index_cast %scan3A_99 : i32 to index
      %swap3A_310 = arith.constant 368 : index
      %swap3A_311 = tpu.vector_load %arg8[%swap3A_309, %swap3A_310] {strides = array<i32>} : memref<64x768xf32, #tpu.memory_space<vmem>>, vector<1x16xf32>,
      %swap3A_312 = vector.shape_cast %swap3A_311 : vector<1x16xf32> to vector<16xf32>
      %swap3A_313 = vector.shape_cast %get3A_308 : vector<16xf32> to vector<1x16xf32>
      tpu.vector_store %arg8[%swap3A_309, %swap3A_310], %swap3A_313 {add = true, strides = array<i32>} : memref<64x768xf32, #tpu.memory_space<vmem>>, vector<1x16xf32>,
      %get3A_314 = arith.index_cast %scan3A_99 : i32 to index
      %get3A_315 = arith.constant 384 : index
      %get3A_316 = tpu.vector_load %arg7[%get3A_314, %get3A_315] {strides = array<i32>} : memref<64x768xf32, #tpu.memory_space<vmem>>, vector<1x16xf32>,
      %get3A_317 = vector.shape_cast %get3A_316 : vector<1x16xf32> to vector<16xf32>
      %swap3A_318 = arith.index_cast %scan3A_99 : i32 to index
      %swap3A_319 = arith.constant 384 : index
      %swap3A_320 = tpu.vector_load %arg8[%swap3A_318, %swap3A_319] {strides = array<i32>} : memref<64x768xf32, #tpu.memory_space<vmem>>, vector<1x16xf32>,
      %swap3A_321 = vector.shape_cast %swap3A_320 : vector<1x16xf32> to vector<16xf32>
      %swap3A_322 = vector.shape_cast %get3A_317 : vector<16xf32> to vector<1x16xf32>
      tpu.vector_store %arg8[%swap3A_318, %swap3A_319], %swap3A_322 {add = true, strides = array<i32>} : memref<64x768xf32, #tpu.memory_space<vmem>>, vector<1x16xf32>,
      %get3A_323 = arith.index_cast %scan3A_99 : i32 to index
      %get3A_324 = arith.constant 400 : index
      %get3A_325 = tpu.vector_load %arg7[%get3A_323, %get3A_324] {strides = array<i32>} : memref<64x768xf32, #tpu.memory_space<vmem>>, vector<1x16xf32>,
      %get3A_326 = vector.shape_cast %get3A_325 : vector<1x16xf32> to vector<16xf32>
      %swap3A_327 = arith.index_cast %scan3A_99 : i32 to index
      %swap3A_328 = arith.constant 400 : index
      %swap3A_329 = tpu.vector_load %arg8[%swap3A_327, %swap3A_328] {strides = array<i32>} : memref<64x768xf32, #tpu.memory_space<vmem>>, vector<1x16xf32>,
      %swap3A_330 = vector.shape_cast %swap3A_329 : vector<1x16xf32> to vector<16xf32>
      %swap3A_331 = vector.shape_cast %get3A_326 : vector<16xf32> to vector<1x16xf32>
      tpu.vector_store %arg8[%swap3A_327, %swap3A_328], %swap3A_331 {add = true, strides = array<i32>} : memref<64x768xf32, #tpu.memory_space<vmem>>, vector<1x16xf32>,
      %get3A_332 = arith.index_cast %scan3A_99 : i32 to index
      %get3A_333 = arith.constant 416 : index
      %get3A_334 = tpu.vector_load %arg7[%get3A_332, %get3A_333] {strides = array<i32>} : memref<64x768xf32, #tpu.memory_space<vmem>>, vector<1x16xf32>,
      %get3A_335 = vector.shape_cast %get3A_334 : vector<1x16xf32> to vector<16xf32>
      %swap3A_336 = arith.index_cast %scan3A_99 : i32 to index
      %swap3A_337 = arith.constant 416 : index
      %swap3A_338 = tpu.vector_load %arg8[%swap3A_336, %swap3A_337] {strides = array<i32>} : memref<64x768xf32, #tpu.memory_space<vmem>>, vector<1x16xf32>,
      %swap3A_339 = vector.shape_cast %swap3A_338 : vector<1x16xf32> to vector<16xf32>
      %swap3A_340 = vector.shape_cast %get3A_335 : vector<16xf32> to vector<1x16xf32>
      tpu.vector_store %arg8[%swap3A_336, %swap3A_337], %swap3A_340 {add = true, strides = array<i32>} : memref<64x768xf32, #tpu.memory_space<vmem>>, vector<1x16xf32>,
      %get3A_341 = arith.index_cast %scan3A_99 : i32 to index
      %get3A_342 = arith.constant 432 : index
      %get3A_343 = tpu.vector_load %arg7[%get3A_341, %get3A_342] {strides = array<i32>} : memref<64x768xf32, #tpu.memory_space<vmem>>, vector<1x16xf32>,
      %get3A_344 = vector.shape_cast %get3A_343 : vector<1x16xf32> to vector<16xf32>
      %swap3A_345 = arith.index_cast %scan3A_99 : i32 to index
      %swap3A_346 = arith.constant 432 : index
      %swap3A_347 = tpu.vector_load %arg8[%swap3A_345, %swap3A_346] {strides = array<i32>} : memref<64x768xf32, #tpu.memory_space<vmem>>, vector<1x16xf32>,
      %swap3A_348 = vector.shape_cast %swap3A_347 : vector<1x16xf32> to vector<16xf32>
      %swap3A_349 = vector.shape_cast %get3A_344 : vector<16xf32> to vector<1x16xf32>
      tpu.vector_store %arg8[%swap3A_345, %swap3A_346], %swap3A_349 {add = true, strides = array<i32>} : memref<64x768xf32, #tpu.memory_space<vmem>>, vector<1x16xf32>,
      %get3A_350 = arith.index_cast %scan3A_99 : i32 to index
      %get3A_351 = arith.constant 448 : index
      %get3A_352 = tpu.vector_load %arg7[%get3A_350, %get3A_351] {strides = array<i32>} : memref<64x768xf32, #tpu.memory_space<vmem>>, vector<1x16xf32>,
      %get3A_353 = vector.shape_cast %get3A_352 : vector<1x16xf32> to vector<16xf32>
      %swap3A_354 = arith.index_cast %scan3A_99 : i32 to index
      %swap3A_355 = arith.constant 448 : index
      %swap3A_356 = tpu.vector_load %arg8[%swap3A_354, %swap3A_355] {strides = array<i32>} : memref<64x768xf32, #tpu.memory_space<vmem>>, vector<1x16xf32>,
      %swap3A_357 = vector.shape_cast %swap3A_356 : vector<1x16xf32> to vector<16xf32>
      %swap3A_358 = vector.shape_cast %get3A_353 : vector<16xf32> to vector<1x16xf32>
      tpu.vector_store %arg8[%swap3A_354, %swap3A_355], %swap3A_358 {add = true, strides = array<i32>} : memref<64x768xf32, #tpu.memory_space<vmem>>, vector<1x16xf32>,
      %get3A_359 = arith.index_cast %scan3A_99 : i32 to index
      %get3A_360 = arith.constant 464 : index
      %get3A_361 = tpu.vector_load %arg7[%get3A_359, %get3A_360] {strides = array<i32>} : memref<64x768xf32, #tpu.memory_space<vmem>>, vector<1x16xf32>,
      %get3A_362 = vector.shape_cast %get3A_361 : vector<1x16xf32> to vector<16xf32>
      %swap3A_363 = arith.index_cast %scan3A_99 : i32 to index
      %swap3A_364 = arith.constant 464 : index
      %swap3A_365 = tpu.vector_load %arg8[%swap3A_363, %swap3A_364] {strides = array<i32>} : memref<64x768xf32, #tpu.memory_space<vmem>>, vector<1x16xf32>,
      %swap3A_366 = vector.shape_cast %swap3A_365 : vector<1x16xf32> to vector<16xf32>
      %swap3A_367 = vector.shape_cast %get3A_362 : vector<16xf32> to vector<1x16xf32>
      tpu.vector_store %arg8[%swap3A_363, %swap3A_364], %swap3A_367 {add = true, strides = array<i32>} : memref<64x768xf32, #tpu.memory_space<vmem>>, vector<1x16xf32>,
      %get3A_368 = arith.index_cast %scan3A_99 : i32 to index
      %get3A_369 = arith.constant 480 : index
      %get3A_370 = tpu.vector_load %arg7[%get3A_368, %get3A_369] {strides = array<i32>} : memref<64x768xf32, #tpu.memory_space<vmem>>, vector<1x16xf32>,
      %get3A_371 = vector.shape_cast %get3A_370 : vector<1x16xf32> to vector<16xf32>
      %swap3A_372 = arith.index_cast %scan3A_99 : i32 to index
      %swap3A_373 = arith.constant 480 : index
      %swap3A_374 = tpu.vector_load %arg8[%swap3A_372, %swap3A_373] {strides = array<i32>} : memref<64x768xf32, #tpu.memory_space<vmem>>, vector<1x16xf32>,
      %swap3A_375 = vector.shape_cast %swap3A_374 : vector<1x16xf32> to vector<16xf32>
      %swap3A_376 = vector.shape_cast %get3A_371 : vector<16xf32> to vector<1x16xf32>
      tpu.vector_store %arg8[%swap3A_372, %swap3A_373], %swap3A_376 {add = true, strides = array<i32>} : memref<64x768xf32, #tpu.memory_space<vmem>>, vector<1x16xf32>,
      %get3A_377 = arith.index_cast %scan3A_99 : i32 to index
      %get3A_378 = arith.constant 496 : index
      %get3A_379 = tpu.vector_load %arg7[%get3A_377, %get3A_378] {strides = array<i32>} : memref<64x768xf32, #tpu.memory_space<vmem>>, vector<1x16xf32>,
      %get3A_380 = vector.shape_cast %get3A_379 : vector<1x16xf32> to vector<16xf32>
      %swap3A_381 = arith.index_cast %scan3A_99 : i32 to index
      %swap3A_382 = arith.constant 496 : index
      %swap3A_383 = tpu.vector_load %arg8[%swap3A_381, %swap3A_382] {strides = array<i32>} : memref<64x768xf32, #tpu.memory_space<vmem>>, vector<1x16xf32>,
      %swap3A_384 = vector.shape_cast %swap3A_383 : vector<1x16xf32> to vector<16xf32>
      %swap3A_385 = vector.shape_cast %get3A_380 : vector<16xf32> to vector<1x16xf32>
      tpu.vector_store %arg8[%swap3A_381, %swap3A_382], %swap3A_385 {add = true, strides = array<i32>} : memref<64x768xf32, #tpu.memory_space<vmem>>, vector<1x16xf32>,
      %get3A_386 = arith.index_cast %scan3A_99 : i32 to index
      %get3A_387 = arith.constant 512 : index
      %get3A_388 = tpu.vector_load %arg7[%get3A_386, %get3A_387] {strides = array<i32>} : memref<64x768xf32, #tpu.memory_space<vmem>>, vector<1x16xf32>,
      %get3A_389 = vector.shape_cast %get3A_388 : vector<1x16xf32> to vector<16xf32>
      %swap3A_390 = arith.index_cast %scan3A_99 : i32 to index
      %swap3A_391 = arith.constant 512 : index
      %swap3A_392 = tpu.vector_load %arg8[%swap3A_390, %swap3A_391] {strides = array<i32>} : memref<64x768xf32, #tpu.memory_space<vmem>>, vector<1x16xf32>,
      %swap3A_393 = vector.shape_cast %swap3A_392 : vector<1x16xf32> to vector<16xf32>
      %swap3A_394 = vector.shape_cast %get3A_389 : vector<16xf32> to vector<1x16xf32>
      tpu.vector_store %arg8[%swap3A_390, %swap3A_391], %swap3A_394 {add = true, strides = array<i32>} : memref<64x768xf32, #tpu.memory_space<vmem>>, vector<1x16xf32>,
      %get3A_395 = arith.index_cast %scan3A_99 : i32 to index
      %get3A_396 = arith.constant 528 : index
      %get3A_397 = tpu.vector_load %arg7[%get3A_395, %get3A_396] {strides = array<i32>} : memref<64x768xf32, #tpu.memory_space<vmem>>, vector<1x16xf32>,
      %get3A_398 = vector.shape_cast %get3A_397 : vector<1x16xf32> to vector<16xf32>
      %swap3A_399 = arith.index_cast %scan3A_99 : i32 to index
      %swap3A_400 = arith.constant 528 : index
      %swap3A_401 = tpu.vector_load %arg8[%swap3A_399, %swap3A_400] {strides = array<i32>} : memref<64x768xf32, #tpu.memory_space<vmem>>, vector<1x16xf32>,
      %swap3A_402 = vector.shape_cast %swap3A_401 : vector<1x16xf32> to vector<16xf32>
      %swap3A_403 = vector.shape_cast %get3A_398 : vector<16xf32> to vector<1x16xf32>
      tpu.vector_store %arg8[%swap3A_399, %swap3A_400], %swap3A_403 {add = true, strides = array<i32>} : memref<64x768xf32, #tpu.memory_space<vmem>>, vector<1x16xf32>,
      %get3A_404 = arith.index_cast %scan3A_99 : i32 to index
      %get3A_405 = arith.constant 544 : index
      %get3A_406 = tpu.vector_load %arg7[%get3A_404, %get3A_405] {strides = array<i32>} : memref<64x768xf32, #tpu.memory_space<vmem>>, vector<1x16xf32>,
      %get3A_407 = vector.shape_cast %get3A_406 : vector<1x16xf32> to vector<16xf32>
      %swap3A_408 = arith.index_cast %scan3A_99 : i32 to index
      %swap3A_409 = arith.constant 544 : index
      %swap3A_410 = tpu.vector_load %arg8[%swap3A_408, %swap3A_409] {strides = array<i32>} : memref<64x768xf32, #tpu.memory_space<vmem>>, vector<1x16xf32>,
      %swap3A_411 = vector.shape_cast %swap3A_410 : vector<1x16xf32> to vector<16xf32>
      %swap3A_412 = vector.shape_cast %get3A_407 : vector<16xf32> to vector<1x16xf32>
      tpu.vector_store %arg8[%swap3A_408, %swap3A_409], %swap3A_412 {add = true, strides = array<i32>} : memref<64x768xf32, #tpu.memory_space<vmem>>, vector<1x16xf32>,
      %get3A_413 = arith.index_cast %scan3A_99 : i32 to index
      %get3A_414 = arith.constant 560 : index
      %get3A_415 = tpu.vector_load %arg7[%get3A_413, %get3A_414] {strides = array<i32>} : memref<64x768xf32, #tpu.memory_space<vmem>>, vector<1x16xf32>,
      %get3A_416 = vector.shape_cast %get3A_415 : vector<1x16xf32> to vector<16xf32>
      %swap3A_417 = arith.index_cast %scan3A_99 : i32 to index
      %swap3A_418 = arith.constant 560 : index
      %swap3A_419 = tpu.vector_load %arg8[%swap3A_417, %swap3A_418] {strides = array<i32>} : memref<64x768xf32, #tpu.memory_space<vmem>>, vector<1x16xf32>,
      %swap3A_420 = vector.shape_cast %swap3A_419 : vector<1x16xf32> to vector<16xf32>
      %swap3A_421 = vector.shape_cast %get3A_416 : vector<16xf32> to vector<1x16xf32>
      tpu.vector_store %arg8[%swap3A_417, %swap3A_418], %swap3A_421 {add = true, strides = array<i32>} : memref<64x768xf32, #tpu.memory_space<vmem>>, vector<1x16xf32>,
      %get3A_422 = arith.index_cast %scan3A_99 : i32 to index
      %get3A_423 = arith.constant 576 : index
      %get3A_424 = tpu.vector_load %arg7[%get3A_422, %get3A_423] {strides = array<i32>} : memref<64x768xf32, #tpu.memory_space<vmem>>, vector<1x16xf32>,
      %get3A_425 = vector.shape_cast %get3A_424 : vector<1x16xf32> to vector<16xf32>
      %swap3A_426 = arith.index_cast %scan3A_99 : i32 to index
      %swap3A_427 = arith.constant 576 : index
      %swap3A_428 = tpu.vector_load %arg8[%swap3A_426, %swap3A_427] {strides = array<i32>} : memref<64x768xf32, #tpu.memory_space<vmem>>, vector<1x16xf32>,
      %swap3A_429 = vector.shape_cast %swap3A_428 : vector<1x16xf32> to vector<16xf32>
      %swap3A_430 = vector.shape_cast %get3A_425 : vector<16xf32> to vector<1x16xf32>
      tpu.vector_store %arg8[%swap3A_426, %swap3A_427], %swap3A_430 {add = true, strides = array<i32>} : memref<64x768xf32, #tpu.memory_space<vmem>>, vector<1x16xf32>,
      %get3A_431 = arith.index_cast %scan3A_99 : i32 to index
      %get3A_432 = arith.constant 592 : index
      %get3A_433 = tpu.vector_load %arg7[%get3A_431, %get3A_432] {strides = array<i32>} : memref<64x768xf32, #tpu.memory_space<vmem>>, vector<1x16xf32>,
      %get3A_434 = vector.shape_cast %get3A_433 : vector<1x16xf32> to vector<16xf32>
      %swap3A_435 = arith.index_cast %scan3A_99 : i32 to index
      %swap3A_436 = arith.constant 592 : index
      %swap3A_437 = tpu.vector_load %arg8[%swap3A_435, %swap3A_436] {strides = array<i32>} : memref<64x768xf32, #tpu.memory_space<vmem>>, vector<1x16xf32>,
      %swap3A_438 = vector.shape_cast %swap3A_437 : vector<1x16xf32> to vector<16xf32>
      %swap3A_439 = vector.shape_cast %get3A_434 : vector<16xf32> to vector<1x16xf32>
      tpu.vector_store %arg8[%swap3A_435, %swap3A_436], %swap3A_439 {add = true, strides = array<i32>} : memref<64x768xf32, #tpu.memory_space<vmem>>, vector<1x16xf32>,
      %get3A_440 = arith.index_cast %scan3A_99 : i32 to index
      %get3A_441 = arith.constant 608 : index
      %get3A_442 = tpu.vector_load %arg7[%get3A_440, %get3A_441] {strides = array<i32>} : memref<64x768xf32, #tpu.memory_space<vmem>>, vector<1x16xf32>,
      %get3A_443 = vector.shape_cast %get3A_442 : vector<1x16xf32> to vector<16xf32>
      %swap3A_444 = arith.index_cast %scan3A_99 : i32 to index
      %swap3A_445 = arith.constant 608 : index
      %swap3A_446 = tpu.vector_load %arg8[%swap3A_444, %swap3A_445] {strides = array<i32>} : memref<64x768xf32, #tpu.memory_space<vmem>>, vector<1x16xf32>,
      %swap3A_447 = vector.shape_cast %swap3A_446 : vector<1x16xf32> to vector<16xf32>
      %swap3A_448 = vector.shape_cast %get3A_443 : vector<16xf32> to vector<1x16xf32>
      tpu.vector_store %arg8[%swap3A_444, %swap3A_445], %swap3A_448 {add = true, strides = array<i32>} : memref<64x768xf32, #tpu.memory_space<vmem>>, vector<1x16xf32>,
      %get3A_449 = arith.index_cast %scan3A_99 : i32 to index
      %get3A_450 = arith.constant 624 : index
      %get3A_451 = tpu.vector_load %arg7[%get3A_449, %get3A_450] {strides = array<i32>} : memref<64x768xf32, #tpu.memory_space<vmem>>, vector<1x16xf32>,
      %get3A_452 = vector.shape_cast %get3A_451 : vector<1x16xf32> to vector<16xf32>
      %swap3A_453 = arith.index_cast %scan3A_99 : i32 to index
      %swap3A_454 = arith.constant 624 : index
      %swap3A_455 = tpu.vector_load %arg8[%swap3A_453, %swap3A_454] {strides = array<i32>} : memref<64x768xf32, #tpu.memory_space<vmem>>, vector<1x16xf32>,
      %swap3A_456 = vector.shape_cast %swap3A_455 : vector<1x16xf32> to vector<16xf32>
      %swap3A_457 = vector.shape_cast %get3A_452 : vector<16xf32> to vector<1x16xf32>
      tpu.vector_store %arg8[%swap3A_453, %swap3A_454], %swap3A_457 {add = true, strides = array<i32>} : memref<64x768xf32, #tpu.memory_space<vmem>>, vector<1x16xf32>,
      %get3A_458 = arith.index_cast %scan3A_99 : i32 to index
      %get3A_459 = arith.constant 640 : index
      %get3A_460 = tpu.vector_load %arg7[%get3A_458, %get3A_459] {strides = array<i32>} : memref<64x768xf32, #tpu.memory_space<vmem>>, vector<1x16xf32>,
      %get3A_461 = vector.shape_cast %get3A_460 : vector<1x16xf32> to vector<16xf32>
      %swap3A_462 = arith.index_cast %scan3A_99 : i32 to index
      %swap3A_463 = arith.constant 640 : index
      %swap3A_464 = tpu.vector_load %arg8[%swap3A_462, %swap3A_463] {strides = array<i32>} : memref<64x768xf32, #tpu.memory_space<vmem>>, vector<1x16xf32>,
      %swap3A_465 = vector.shape_cast %swap3A_464 : vector<1x16xf32> to vector<16xf32>
      %swap3A_466 = vector.shape_cast %get3A_461 : vector<16xf32> to vector<1x16xf32>
      tpu.vector_store %arg8[%swap3A_462, %swap3A_463], %swap3A_466 {add = true, strides = array<i32>} : memref<64x768xf32, #tpu.memory_space<vmem>>, vector<1x16xf32>,
      %get3A_467 = arith.index_cast %scan3A_99 : i32 to index
      %get3A_468 = arith.constant 656 : index
      %get3A_469 = tpu.vector_load %arg7[%get3A_467, %get3A_468] {strides = array<i32>} : memref<64x768xf32, #tpu.memory_space<vmem>>, vector<1x16xf32>,
      %get3A_470 = vector.shape_cast %get3A_469 : vector<1x16xf32> to vector<16xf32>
      %swap3A_471 = arith.index_cast %scan3A_99 : i32 to index
      %swap3A_472 = arith.constant 656 : index
      %swap3A_473 = tpu.vector_load %arg8[%swap3A_471, %swap3A_472] {strides = array<i32>} : memref<64x768xf32, #tpu.memory_space<vmem>>, vector<1x16xf32>,
      %swap3A_474 = vector.shape_cast %swap3A_473 : vector<1x16xf32> to vector<16xf32>
      %swap3A_475 = vector.shape_cast %get3A_470 : vector<16xf32> to vector<1x16xf32>
      tpu.vector_store %arg8[%swap3A_471, %swap3A_472], %swap3A_475 {add = true, strides = array<i32>} : memref<64x768xf32, #tpu.memory_space<vmem>>, vector<1x16xf32>,
      %get3A_476 = arith.index_cast %scan3A_99 : i32 to index
      %get3A_477 = arith.constant 672 : index
      %get3A_478 = tpu.vector_load %arg7[%get3A_476, %get3A_477] {strides = array<i32>} : memref<64x768xf32, #tpu.memory_space<vmem>>, vector<1x16xf32>,
      %get3A_479 = vector.shape_cast %get3A_478 : vector<1x16xf32> to vector<16xf32>
      %swap3A_480 = arith.index_cast %scan3A_99 : i32 to index
      %swap3A_481 = arith.constant 672 : index
      %swap3A_482 = tpu.vector_load %arg8[%swap3A_480, %swap3A_481] {strides = array<i32>} : memref<64x768xf32, #tpu.memory_space<vmem>>, vector<1x16xf32>,
      %swap3A_483 = vector.shape_cast %swap3A_482 : vector<1x16xf32> to vector<16xf32>
      %swap3A_484 = vector.shape_cast %get3A_479 : vector<16xf32> to vector<1x16xf32>
      tpu.vector_store %arg8[%swap3A_480, %swap3A_481], %swap3A_484 {add = true, strides = array<i32>} : memref<64x768xf32, #tpu.memory_space<vmem>>, vector<1x16xf32>,
      %get3A_485 = arith.index_cast %scan3A_99 : i32 to index
      %get3A_486 = arith.constant 688 : index
      %get3A_487 = tpu.vector_load %arg7[%get3A_485, %get3A_486] {strides = array<i32>} : memref<64x768xf32, #tpu.memory_space<vmem>>, vector<1x16xf32>,
      %get3A_488 = vector.shape_cast %get3A_487 : vector<1x16xf32> to vector<16xf32>
      %swap3A_489 = arith.index_cast %scan3A_99 : i32 to index
      %swap3A_490 = arith.constant 688 : index
      %swap3A_491 = tpu.vector_load %arg8[%swap3A_489, %swap3A_490] {strides = array<i32>} : memref<64x768xf32, #tpu.memory_space<vmem>>, vector<1x16xf32>,
      %swap3A_492 = vector.shape_cast %swap3A_491 : vector<1x16xf32> to vector<16xf32>
      %swap3A_493 = vector.shape_cast %get3A_488 : vector<16xf32> to vector<1x16xf32>
      tpu.vector_store %arg8[%swap3A_489, %swap3A_490], %swap3A_493 {add = true, strides = array<i32>} : memref<64x768xf32, #tpu.memory_space<vmem>>, vector<1x16xf32>,
      %get3A_494 = arith.index_cast %scan3A_99 : i32 to index
      %get3A_495 = arith.constant 704 : index
      %get3A_496 = tpu.vector_load %arg7[%get3A_494, %get3A_495] {strides = array<i32>} : memref<64x768xf32, #tpu.memory_space<vmem>>, vector<1x16xf32>,
      %get3A_497 = vector.shape_cast %get3A_496 : vector<1x16xf32> to vector<16xf32>
      %swap3A_498 = arith.index_cast %scan3A_99 : i32 to index
      %swap3A_499 = arith.constant 704 : index
      %swap3A_500 = tpu.vector_load %arg8[%swap3A_498, %swap3A_499] {strides = array<i32>} : memref<64x768xf32, #tpu.memory_space<vmem>>, vector<1x16xf32>,
      %swap3A_501 = vector.shape_cast %swap3A_500 : vector<1x16xf32> to vector<16xf32>
      %swap3A_502 = vector.shape_cast %get3A_497 : vector<16xf32> to vector<1x16xf32>
      tpu.vector_store %arg8[%swap3A_498, %swap3A_499], %swap3A_502 {add = true, strides = array<i32>} : memref<64x768xf32, #tpu.memory_space<vmem>>, vector<1x16xf32>,
      %get3A_503 = arith.index_cast %scan3A_99 : i32 to index
      %get3A_504 = arith.constant 720 : index
      %get3A_505 = tpu.vector_load %arg7[%get3A_503, %get3A_504] {strides = array<i32>} : memref<64x768xf32, #tpu.memory_space<vmem>>, vector<1x16xf32>,
      %get3A_506 = vector.shape_cast %get3A_505 : vector<1x16xf32> to vector<16xf32>
      %swap3A_507 = arith.index_cast %scan3A_99 : i32 to index
      %swap3A_508 = arith.constant 720 : index
      %swap3A_509 = tpu.vector_load %arg8[%swap3A_507, %swap3A_508] {strides = array<i32>} : memref<64x768xf32, #tpu.memory_space<vmem>>, vector<1x16xf32>,
      %swap3A_510 = vector.shape_cast %swap3A_509 : vector<1x16xf32> to vector<16xf32>
      %swap3A_511 = vector.shape_cast %get3A_506 : vector<16xf32> to vector<1x16xf32>
      tpu.vector_store %arg8[%swap3A_507, %swap3A_508], %swap3A_511 {add = true, strides = array<i32>} : memref<64x768xf32, #tpu.memory_space<vmem>>, vector<1x16xf32>,
      %get3A_512 = arith.index_cast %scan3A_99 : i32 to index
      %get3A_513 = arith.constant 736 : index
      %get3A_514 = tpu.vector_load %arg7[%get3A_512, %get3A_513] {strides = array<i32>} : memref<64x768xf32, #tpu.memory_space<vmem>>, vector<1x16xf32>,
      %get3A_515 = vector.shape_cast %get3A_514 : vector<1x16xf32> to vector<16xf32>
      %swap3A_516 = arith.index_cast %scan3A_99 : i32 to index
      %swap3A_517 = arith.constant 736 : index
      %swap3A_518 = tpu.vector_load %arg8[%swap3A_516, %swap3A_517] {strides = array<i32>} : memref<64x768xf32, #tpu.memory_space<vmem>>, vector<1x16xf32>,
      %swap3A_519 = vector.shape_cast %swap3A_518 : vector<1x16xf32> to vector<16xf32>
      %swap3A_520 = vector.shape_cast %get3A_515 : vector<16xf32> to vector<1x16xf32>
      tpu.vector_store %arg8[%swap3A_516, %swap3A_517], %swap3A_520 {add = true, strides = array<i32>} : memref<64x768xf32, #tpu.memory_space<vmem>>, vector<1x16xf32>,
      %get3A_521 = arith.index_cast %scan3A_99 : i32 to index
      %get3A_522 = arith.constant 752 : index
      %get3A_523 = tpu.vector_load %arg7[%get3A_521, %get3A_522] {strides = array<i32>} : memref<64x768xf32, #tpu.memory_space<vmem>>, vector<1x16xf32>,
      %get3A_524 = vector.shape_cast %get3A_523 : vector<1x16xf32> to vector<16xf32>
      %swap3A_525 = arith.index_cast %scan3A_99 : i32 to index
      %swap3A_526 = arith.constant 752 : index
      %swap3A_527 = tpu.vector_load %arg8[%swap3A_525, %swap3A_526] {strides = array<i32>} : memref<64x768xf32, #tpu.memory_space<vmem>>, vector<1x16xf32>,
      %swap3A_528 = vector.shape_cast %swap3A_527 : vector<1x16xf32> to vector<16xf32>
      %swap3A_529 = vector.shape_cast %get3A_524 : vector<16xf32> to vector<1x16xf32>
      tpu.vector_store %arg8[%swap3A_525, %swap3A_526], %swap3A_529 {add = true, strides = array<i32>} : memref<64x768xf32, #tpu.memory_space<vmem>>, vector<1x16xf32>,
    }
    %scan3A_96 = arith.constant 64 : i32
    %add3A_97 = arith.constant 6144 : i32
    %add3A_98 = arith.addi %add3A_97, %mul3A_2 : i32
    "tpu.region"() ({
      %run_scoped3A_99 = tpu.sem_alloc : memref<!tpu.dma_semaphore, #tpu.memory_space<semaphore_mem>>
      %dma_start3A_100 = arith.constant 0 : i32
      %dma_start3A_101 = tpu.memref_slice %arg5[%add3A_98, %dma_start3A_100] : memref<8192x768xf32, #tpu.memory_space<hbm>> -> memref<64x768xf32, #tpu.memory_space<hbm>>
      %dma_start3A_102 = arith.constant 0 : i32
      %dma_start3A_103 = tpu.memref_slice %arg5[%add3A_98, %dma_start3A_102] : memref<8192x768xf32, #tpu.memory_space<hbm>> -> memref<64x768xf32, #tpu.memory_space<hbm>>
      tpu.enqueue_dma source(%arg8 : memref<64x768xf32, #tpu.memory_space<vmem>>) target(%dma_start3A_103 : memref<64x768xf32, #tpu.memory_space<hbm>>) target_semaphore(%run_scoped3A_99 : memref<!tpu.dma_semaphore, #tpu.memory_space<semaphore_mem>>)
      %dma_wait3A_104 = arith.constant 0 : i32
      %dma_wait3A_105 = tpu.memref_slice %arg5[%add3A_98, %dma_wait3A_104] : memref<8192x768xf32, #tpu.memory_space<hbm>> -> memref<64x768xf32, #tpu.memory_space<hbm>>
      %dma_wait3A_106 = arith.constant 0 : i32
      %dma_wait3A_107 = tpu.memref_slice %arg5[%add3A_98, %dma_wait3A_106] : memref<8192x768xf32, #tpu.memory_space<hbm>> -> memref<64x768xf32, #tpu.memory_space<hbm>>
      tpu.wait_dma2 semaphore(%run_scoped3A_99 : memref<!tpu.dma_semaphore, #tpu.memory_space<semaphore_mem>>) src(%arg8 : memref<64x768xf32, #tpu.memory_space<vmem>>) dst(%dma_wait3A_107 : memref<64x768xf32, #tpu.memory_space<hbm>>)
      tpu.yield
    }) : () -> ()
    return
  }
}

</mosaic_0001>

<sc_bundles>
// kernel: kernel.3.cloned.1.call-start
scs
__scs_entry_jumppad:
0x0: {  	(pc) =	sbr.rel $0x88, $3  }
0x1: {  	(tag) =	ssettag $0x0;
	lr =	simm.s32 $0x1  }
0x2: {  	[smem:$0x3F9E] =	sst lr;
	_ =	strace $0xD0000000  }
0x3: {  	_ = 	snop  }
0x4: {  	_ = 	snop  }
0x5: {  	_ = 	snop  }
0x6: {  	_ = 	snop  }
0x7: {  	_ = 	snop  }
__scs_overlays_trampoline_lowered:
0x8: {  	[smem:$0x3FAD] =	sst s0  }
0x9: {  	[smem:$0x3FAE] =	sst s1  }
0xa: {  	[smem:$0x3FAF] =	sst s2  }
0xb: {  	[smem:$0x3FB0] =	sst s3  }
0xc: {  	[smem:$0x3FB1] =	sst s4  }
0xd: {  	[smem:$0x3FB2] =	sst s5  }
0xe: {  	[smem:$0x3FB3] =	sst s6  }
0xf: {  	[smem:$0x3FB4] =	sst s7  }
0x10: {  	[smem:$0x3FB5] =	sst s8  }
0x11: {  	[smem:$0x3FB6] =	sst s9;
	s0 =	simm.s32 @!p0 $0x0  }
0x12: {  	s1 =	sld [smem:$0x3F9C];
	s0 =	simm.s32 @p0 $0x1  }
0x13: {  	[smem:$0x3FB7] =	sst s0;
	s0 =	simm.s32 @!p1 $0x0  }
0x14: {  	s2 =	sld [smem:$0x3F9B];
	s0 =	simm.s32 @p1 $0x1  }
0x15: {  	[smem:$0x3FB8] =	sst s0;
	s0 =	simm.s32 @!p2 $0x0  }
0x16: {  	s3 =	sld [smem:$0x3FDB];
	s0 =	simm.s32 @p2 $0x1  }
0x17: {  	s4 =	simm.s32 $0x1BF5;
	[smem:$0x3FBA] =	sst s0  }
0x18: {  	s0 =	sld [smem:$0x3F9D];
	_ =	swait.ge [sflag:s4], $0x0  }
0x19: {  	s7 =	sld [smem:$0x3F9E]  }
0x1a: {  	s8 =	sadd.s32 $0xFFFFE003, lr  }
0x1b: {  	s9 =	sadd.s32 $0xFFFFFEF7, lr;
	s5 =	simm.s32 $0xFFFFFFFF;
	p2 =	slt.u32 s8, $0xFFFFF086  }
0x1c: {  	p1 =	slt.u32 s9, $0xF7A;
	s5 =	simm.s32 @!p2 $0x0  }
0x1d: {  	s5 =	simm.s32 @p1 $0x1;
	p0 =	seq.s32 s7, s2  }
0x1e: {  	s7 =	smul.u32 @!p0 $0xF7A, s2;
	p2 =	seq.s32 @!p0 s5, $0x0  }
0x1f: {  	s9 =	smul.u32 $0xF7A, s1;
	s8 =	simm.s32 @!p0 $0x1BF5;
	p2 =	por !p2, p0  }
0x20: {  	[sflag:s8] =	ssyncset.s32 @!p0 $0xFFFFF086;
	s6 =	sadd.s32 @!p0 s3, s7;
	s7 =	simm.s32 @!p0 $0x108  }
0x21: {  	s3 =	sadd.s32 s3, s9;
	s6 =	sadd.s32 @!p0 $0x88, s6;
	s7 =	simm.s32 @p2 $0x1082  }
0x22: {  	[simem:s7], [sflag:s8] =	dma.local @!p0 [hbm:s6], $0xF7A  }
0x23: {  	s9 =	sor.u32 $0xD0000000, s2;
	s6 =	simm.s32 $0x108;
	_ =	swait.ge @!p0 [sflag:s8], $0x0  }
0x24: {  	s3 =	sadd.s32 $0x88, s3;
	s6 =	simm.s32 @!p1 $0x1082;
	[sflag:s4] =	ssyncset.s32 $0xFFFFF086  }
0x25: {  	[simem:s6], [sflag:s4] =	dma.local [hbm:s3], $0xF7A  }
0x26: {  	[smem:$0x3F9E] =	sst s1;
	(tag) =	ssettag s2;
	_ =	strace s9  }
0x27: {  	s1 =	sld [smem:$0x3FAE]  }
0x28: {  	s2 =	sld [smem:$0x3FAF]  }
0x29: {  	s4 =	sld [smem:$0x3FB1]  }
0x2a: {  	p0 =	seq.s32 s5, $0x0;
	s5 =	sld [smem:$0x3FB2]  }
0x2b: {  	s6 =	sld [smem:$0x3FB3]  }
0x2c: {  	s7 =	sld [smem:$0x3FB4]  }
0x2d: {  	s3 =	simm.s32 $0x108;
	s8 =	sld [smem:$0x3FB5]  }
0x2e: {  	s3 =	simm.s32 @!p0 $0x1082;
	s9 =	sld [smem:$0x3FB6]  }
0x2f: {  	lr =	sadd.s32 s0, s3;
	s0 =	sld [smem:$0x3FAD]  }
0x30: {  	s3 =	sld [smem:$0x3FB0]  }
0x31: {  	[smem:$0x3FB9] =	sst s10  }
0x32: {  	s10 =	sld [smem:$0x3FB7];
	_ =	sdelay $0x3  }
0x33: {  	p0 =	seq.s32 s10, $0x1;
	s10 =	sld [smem:$0x3FB9];
	_ =	sdelay $0x3  }
0x34: {  	[smem:$0x3FB9] =	sst s10  }
0x35: {  	s10 =	sld [smem:$0x3FB8];
	_ =	sdelay $0x3  }
0x36: {  	p1 =	seq.s32 s10, $0x1;
	s10 =	sld [smem:$0x3FB9];
	_ =	sdelay $0x3  }
0x37: {  	[smem:$0x3FB9] =	sst s10  }
0x38: {  	s10 =	sld [smem:$0x3FBA]  }
0x39: {  	_ = 	snop;
	(pc) =	sbr.ind lr, $3  }
0x3a: {  	_ = 	snop  }
0x3b: {  	_ = 	snop  }
0x3c: {  	p2 =	seq.s32 s10, $0x1;
	s10 =	sld [smem:$0x3FB9]  }
0x3d: {  	_ =	shalt  }
0x3e: {  	_ =	shalt  }
0x3f: {  	_ =	shalt  }
0x40: {  	_ =	shalt  }
0x41: {  	_ =	shalt  }
0x42: {  	_ =	shalt  }
0x43: {  	_ =	shalt  }
0x44: {  	_ =	shalt  }
0x45: {  	_ =	shalt  }
0x46: {  	_ =	shalt  }
0x47: {  	_ =	shalt  }
0x48: {  	_ =	shalt  }
0x49: {  	_ =	shalt  }
0x4a: {  	_ =	shalt  }
0x4b: {  	_ =	shalt  }
0x4c: {  	_ =	shalt  }
0x4d: {  	_ =	shalt  }
0x4e: {  	_ =	shalt  }
0x4f: {  	_ =	shalt  }
0x50: {  	_ =	shalt  }
0x51: {  	_ =	shalt  }
0x52: {  	_ =	shalt  }
0x53: {  	_ =	shalt  }
0x54: {  	_ =	shalt  }
0x55: {  	_ =	shalt  }
0x56: {  	_ =	shalt  }
0x57: {  	_ =	shalt  }
0x58: {  	_ =	shalt  }
0x59: {  	_ =	shalt  }
0x5a: {  	_ =	shalt  }
0x5b: {  	_ =	shalt  }
0x5c: {  	_ =	shalt  }
0x5d: {  	_ =	shalt  }
0x5e: {  	_ =	shalt  }
0x5f: {  	_ =	shalt  }
0x60: {  	_ =	shalt  }
0x61: {  	_ =	shalt  }
0x62: {  	_ =	shalt  }
0x63: {  	_ =	shalt  }
0x64: {  	_ =	shalt  }
0x65: {  	_ =	shalt  }
0x66: {  	_ =	shalt  }
0x67: {  	_ =	shalt  }
0x68: {  	_ =	shalt  }
0x69: {  	_ =	shalt  }
0x6a: {  	_ =	shalt  }
0x6b: {  	_ =	shalt  }
0x6c: {  	_ =	shalt  }
0x6d: {  	_ =	shalt  }
0x6e: {  	_ =	shalt  }
0x6f: {  	_ =	shalt  }
0x70: {  	_ =	shalt  }
0x71: {  	_ =	shalt  }
0x72: {  	_ =	shalt  }
0x73: {  	_ =	shalt  }
0x74: {  	_ =	shalt  }
0x75: {  	_ =	shalt  }
0x76: {  	_ =	shalt  }
0x77: {  	_ =	shalt  }
0x78: {  	_ =	shalt  }
0x79: {  	_ =	shalt  }
0x7a: {  	_ =	shalt  }
0x7b: {  	_ =	shalt  }
0x7c: {  	_ =	shalt  }
0x7d: {  	_ =	shalt  }
0x7e: {  	_ =	shalt  }
0x7f: {  	_ =	shalt  }
0x80: {  	_ =	shalt  }
0x81: {  	_ =	shalt  }
0x82: {  	_ =	shalt  }
0x83: {  	_ =	shalt  }
0x84: {  	_ =	shalt  }
0x85: {  	_ =	shalt  }
0x86: {  	_ =	shalt  }
0x87: {  	_ =	shalt  }
.Lfunc_end0:
.L_simem_size_0:
called_computation_lowered:
.L_overlay_start_0:
0x88: {  	s2 =	sld [smem:$0x3FD9]  }
0x89: {  	s3 =	sld [smem:$0x3FFE];
	_ =	sdelay $0x1  }
0x8a: {  	s1 =	srdreg.scid  }
0x8b: {  	s0 =	sand.u32 $0x1, s1  }
0x8c: {  	s17 =	sshll.u32 s0, $0xA;
	s2 =	sadd.s32 s3, s2  }
0x8d: {  	s2 =	sadd.s32 s2, s17  }
0x8e: {  	[smem:$0x3FC5] =	sst s2  }
0x8f: {  	_ = 	snop  }
0x90: {  	s2 =	sld [smem:$0x3FC8]  }
0x91: {  	s18 =	sld [smem:$0x3FC7]  }
0x92: {  	s4 =	sld [smem:$0x3FD0];
	(tm) =	ssettm $0x1  }
0x93: {  	s5 =	sld [smem:$0x3FFB];
	_ =	sdelay $0x3  }
0x94: {  	_ =	strace s5  }
0x95: {  	s5 =	sld [smem:$0x3FFC];
	_ =	sdelay $0x3  }
0x96: {  	_ =	strace s5  }
0x97: {  	s5 =	sld [smem:$0x3FFD];
	_ =	sdelay $0x3  }
0x98: {  	_ =	strace s5  }
0x99: {  	_ =	strace $0x8FFFFFFF  }
0x9a: {  	s19 =	sld [smem:$0x3FDB];
	_ =	sdelay $0x1  }
0x9b: {  	s6 =	simm.s32 $_scs_section_size  }
0x9c: {  	s7 =	simm.s32 $_size__tile_overlayer_lowered;
	s8 =	simm.s32 $_tile_overlayer_lowered  }
0x9d: {  	s22 =	simm.s32 $0x1BFF;
	s21 =	sshll.u32 s8, $0x1;
	s5 =	sadd.s32 s6, s19  }
0x9e: {  	s9 =	simm.s32 $0x0;
	s20 =	sshll.u32 s7, $0x1;
	s7 =	sadd.s32 s21, s5  }
0x9f: {  	[timem:s9], [sflag:s22] =	dma.local [hbm:s7], s20  }
0xa0: {  	_ =	swait.ge [sflag:s22], s20  }
0xa1: {  	s6 =	ssub.s32 $0x0, s20;
	[sflag:s22] =	ssyncset.done $0x0  }
0xa2: {  	[sflag:s22] =	ssyncadd.s32 s6;
	_ =	sdelay $0x1  }
0xa3: {  	s23 =	simm.s32 $0x1B8B  }
0xa4: {  	_ =	swait.ge [sflag:s23], $0x1  }
0xa5: {  	[sflag:s23] =	ssyncset.done $0x0  }
0xa6: {  	s25 =	simm.s32 $0x1B8E;
	s24 =	sld [smem:$0x3FFE];
	[sflag:s23] =	ssyncadd.s32 $0xFFFFFFFF  }
0xa7: {  	s26 =	simm.s32 $execute0_lowered;
	[smem:$0x3FD2] =	sst s25  }
0xa8: {  	s7 =	sshll.u32 s26, $0x1;
	_ =	strace $0x80000046;
	[dreg:$0x1] =	wrdreg $0xFFFFFFFF  }
0xa9: {  	s28 =	simm.s32 $_size_execute0_lowered;
	s5 =	sadd.s32 s5, s7;
	[dreg:$0x0] =	wrdreg $0x0  }
0xaa: {  	s7 =	sshll.u32 s28, $0x1;
	[dreg:$0x2] =	wrdreg s5  }
0xab: {  	[dreg:$0x3] =	wrdreg s7  }
0xac: {  	[dreg:$0x4] =	wrdreg $0xC0  }
0xad: {  	_ =	task [dreg:s9], $0x5FFFF  }
0xae: {  	[dreg:$0x1] =	wrdreg $0xFFFFFFFF  }
0xaf: {  	[dreg:$0x0] =	wrdreg $0x60  }
0xb0: {  	[dreg:$0x2] =	wrdreg s24  }
0xb1: {  	[dreg:$0x3] =	wrdreg s2  }
0xb2: {  	[dreg:$0x4] =	wrdreg s18  }
0xb3: {  	[dreg:$0x5] =	wrdreg s4  }
0xb4: {  	[dreg:$0x6] =	wrdreg $0x9  }
0xb5: {  	_ =	task.clear_ibuf [dreg:s9], $0x7FFFF;
	_ =	strace $0x90000046  }
0xb6: {  	s29 =	simm.s32 $0x9;
	_ =	strace $0x80000048  }
0xb7: {  	_ =	swait.ge [sflag:s29], $0x1  }
0xb8: {  	[sflag:s29] =	ssyncadd.s32 $0xFFFFFFFF  }
0xb9: {  	_ =	strace $0x90000048  }
0xba: {  	_ =	sfence  }
0xbb: {  	s30 =	sld [smem:$0x0];
	_ =	sdelay $0x2  }
0xbc: {  	s31 =	sshll.u32 s1, $0xD;
	s1 =	sshrl.u32 s1, $0x2  }
0xbd: {  	s3 =	sand.u32 $0x4000, s31;
	s1 =	sadd.s32 s1, s30  }
0xbe: {  	s0 =	sor.u32 s3, s0;
	s1 =	sshll.u32 s1, $0x11  }
0xbf: {  	s0 =	sor.u32 s1, s0  }
0xc0: {  	s0 =	sadd.s32 $0x8F2B, s0  }
0xc1: {  	[sflag:s0] =	ssyncadd.remote.s32 $0x1  }
0xc2: {  	_ =	sfence.sel $0xFFFF  }
0xc3: {  	[dreg:$0x0] =	wrdreg $0xFFFFFFFF;
	(pc) =	sbr.abs _section_cstart, $3  }
0xc4: {  	[dreg:$0x1] =	wrdreg $0xFFFFFFFF  }
0xc5: {  	_ =	task.clear_ibuf [dreg:s9], $0x2FFFF;
	_ =	strace $0x9FFFFFFF  }
0xc6: {  	(tm) =	ssettm $0x7FFFFFFF  }
0xc7: {  	_ =	shalt  }
tec
execute0_lowered:
.L_overlay_start_1:
0x0: {  	(tag) =	ssettag $0x1  }
0x1: {  	s0 =	rddreg [dreg:$0x0]  }
0x2: {  	s1 =	rddreg [dreg:$0x1]  }
0x3: {  	s2 =	rddreg [dreg:$0x2]  }
0x4: {  	s4 =	rddreg [dreg:$0x3];
	s3 =	srdreg.scid  }
0x5: {  	s6 =	stileid.u32;
	s28 =	simm.s32 $0xF200;
	s29 =	simm.s32 $0xFA00  }
0x6: {  	s30 =	simm.s32 $0x10200;
	s31 =	simm.s32 $0x10A00;
	s11 =	simm.s32 $0x16A00  }
0x7: {  	s12 =	simm.s32 $0x17200;
	s13 =	simm.s32 $0x17A00;
	s14 =	simm.s32 $0x1  }
0x8: {  	s15 =	simm.s32 $0x0;
	s5 =	sand.u32 $0x1, s3;
	s3 =	simm.s32 $0x0  }
0x9: {  	s6 =	sshll.u32 s6, $0x4;
	s0 =	sadd.s32 $0x400, s0;
	s10 =	sadd.s32 $0x200, s1  }
0xa: {  	s7 =	sshll.u32 s5, $0x3;
	[smem:$0x7FF] =	sst s3;
	s5 =	ssub.s32 $0x2, s5  }
0xb: {  	s6 =	sor.u32 s7, s6;
	_ =	strace $0x80000047;
	s16 =	sshrl.u32 s5, $0x1  }
0xc: {  	s8 =	smul.u32 $0x300, s6;
	s5 =	ssub.s32 s5, s16;
	s17 =	sor.u32 $0x100, s6  }
0xd: {  	s18 =	sadd.s32 s0, s6;
	s20 =	sor.u32 $0x200, s6;
	s6 =	sor.u32 $0x300, s6  }
0xe: {  	s16 =	simm.s32 $0x12200;
	[dreg:$0x6] =	wrdreg s18;
	s7 =	smul.u32 $0x300, s17  }
0xf: {  	s19 =	sadd.s32 s0, s17;
	s9 =	sadd.s32 s0, s20;
	s21 =	smul.u32 $0x300, s20  }
0x10: {  	s0 =	sadd.s32 s0, s6;
	s22 =	smul.u32 $0x300, s6;
	s26 =	smax.u32 s5, $0x1  }
0x11: {  	s17 =	simm.s32 $0x2;
	s18 =	simm.s32 $0x12A00;
	[dreg:$0x7] =	wrdreg s19  }
0x12: {  	s20 =	simm.s32 $0x13A00;
	s5 =	simm.s32 $0x14A00;
	[dreg:$0x8] =	wrdreg s9  }
0x13: {  	s6 =	simm.s32 $0x15200;
	s2 =	sadd.s32 s2, s8;
	[dreg:$0x9] =	wrdreg s0  }
0x14: {  	s9 =	sadd.s32 $0x100, s1;
	s23 =	sadd.s32 s4, s8;
	[dreg:$0xe] =	wrdreg s26  }
0x15: {  	s19 =	simm.s32 $0x13200;
	s8 =	simm.s32 $0x16200;
	[dreg:$0x5] =	wrdreg s2  }
0x16: {  	[dreg:$0xa] =	wrdreg s23;
	s24 =	sadd.s32 s4, s7;
	s0 =	sadd.s32 s4, s21  }
0x17: {  	v2 =	vlaneseq.u32;
	s25 =	sadd.s32 s4, s22;
	s21 =	simm.s32 $0xC200;
	[dreg:$0xb] =	wrdreg s24  }
0x18: {  	vm0 =	vmmov $0xffff;
	v1 =	vshrl.u32 v2, $0x3;
	s2 =	simm.s32 $0x11A00;
	s4 =	simm.s32 $0x14200;
	[dreg:$0xc] =	wrdreg s0  }
0x19: {  	v0 =	vand.u32 $0x7, v2;
	v2 =	vor.u32 $0x8, v2;
	v1 =	vmul.u32 $0x8, v1;
	s7 =	simm.s32 $0x15A00;
	[dreg:$0xd] =	wrdreg s25;
	s0 =	simm.s32 $0x11200  }
.LBB2_1:
0x1a: {  	s22 =	rddreg [dreg:$0x5];
	s23 =	simm.s32 $0x200  }
0x1b: {  	[tilespmem:s23], [sflag:$0x2] =	stream.linear.gather [hbm4b:s22+s3], $0xC000, $0x38;
	[tilespmem:$0x18200] =	vst v63  }
0x1c: {  	_ =	swait.ge [sflag:s17], $0xC000  }
0x1d: {  	[sflag:s17] =	ssyncset.done $0x0  }
0x1e: {  	s24 =	rddreg [dreg:$0x6];
	[sflag:s17] =	ssyncadd.s32 $0xFFFF4000  }
0x1f: {  	[tilespmem:s3], [sflag:$0x2] =	stream.linear.gather [hbm4b:s24+s3], $0x40, $0x38;
	[tilespmem:$0x18200] =	vst v63  }
0x20: {  	_ =	swait.ge [sflag:s17], $0x40  }
0x21: {  	[sflag:s17] =	ssyncset.done $0x0  }
0x22: {  	s26 =	simm.s32 $0x80;
	s25 =	rddreg [dreg:$0x7];
	[sflag:s17] =	ssyncadd.s32 $0xFFFFFFC0  }
0x23: {  	[tilespmem:s26], [sflag:$0x2] =	stream.linear.gather [hbm4b:s25+s3], $0x40, $0x38;
	[tilespmem:$0x18200] =	vst v63  }
0x24: {  	_ =	swait.ge [sflag:s17], $0x40  }
0x25: {  	[sflag:s17] =	ssyncset.done $0x0  }
0x26: {  	s24 =	simm.s32 $0x100;
	s23 =	rddreg [dreg:$0x8];
	[sflag:s17] =	ssyncadd.s32 $0xFFFFFFC0  }
0x27: {  	[tilespmem:s24], [sflag:$0x2] =	stream.linear.gather [hbm4b:s23+s3], $0x40, $0x38;
	[tilespmem:$0x18200] =	vst v63  }
0x28: {  	_ =	swait.ge [sflag:s17], $0x40  }
0x29: {  	[sflag:s17] =	ssyncset.done $0x0  }
0x2a: {  	s26 =	simm.s32 $0x180;
	s25 =	rddreg [dreg:$0x9];
	[sflag:s17] =	ssyncadd.s32 $0xFFFFFFC0  }
0x2b: {  	[tilespmem:s26], [sflag:$0x2] =	stream.linear.gather [hbm4b:s25+s3], $0x40, $0x38;
	[tilespmem:$0x18200] =	vst v63  }
0x2c: {  	_ =	swait.ge [sflag:s17], $0x40  }
0x2d: {  	[sflag:s17] =	ssyncset.done $0x0  }
0x2e: {  	[sflag:s17] =	ssyncadd.s32 $0xFFFFFFC0  }
0x2f: {  	v3 =	vld [tilespmem:$0x0];
	_ =	sdelay $0x4  }
0x30: {  	v4 =	vshrl.u32 v3, $0x3  }
0x31: {  	v4 =	vmul.u32 $0x30, v4  }
0x32: {  	v3 =	vand.u32 $0x7, v3  }
0x33: {  	v3 =	vor.u32 v3, v4  }
0x34: {  	v4 =	vperm.xlane v3, v0;
	_ =	sdelay $0x1  }
0x35: {  	v4 =	vadd.s32 v1, v4;
	_ =	sdelay $0x3  }
0x36: {  	v3 =	vperm.xlane v3, v2  }
0x37: {  	[tilespmem:s21], [sflag:$0x1] =	stream.indirect_vreg.gather [hbm4b:s1+s3], $0x80, v4, vm0, $0xb8;
	[tilespmem:$0x18200] =	vst v63  }
0x38: {  	s24 =	simm.s32 $0xCA00;
	v3 =	vadd.s32 v1, v3  }
0x39: {  	[tilespmem:s24], [sflag:$0x1] =	stream.indirect_vreg.gather [hbm4b:s9+s3], $0x80, v4, vm0, $0xb8;
	[tilespmem:$0x18200] =	vst v63  }
0x3a: {  	s25 =	simm.s32 $0xD200  }
0x3b: {  	[tilespmem:s25], [sflag:$0x1] =	stream.indirect_vreg.gather [hbm4b:s10+s3], $0x80, v4, vm0, $0xb8;
	[tilespmem:$0x18200] =	vst v63  }
0x3c: {  	s26 =	simm.s32 $0xDA00  }
0x3d: {  	[tilespmem:s26], [sflag:$0x1] =	stream.indirect_vreg.gather [hbm4b:s1+s3], $0x80, v3, vm0, $0xb8;
	[tilespmem:$0x18200] =	vst v63  }
0x3e: {  	s23 =	simm.s32 $0xE200  }
0x3f: {  	[tilespmem:s23], [sflag:$0x1] =	stream.indirect_vreg.gather [hbm4b:s9+s3], $0x80, v3, vm0, $0xb8;
	[tilespmem:$0x18200] =	vst v63  }
0x40: {  	s24 =	simm.s32 $0xEA00  }
0x41: {  	[tilespmem:s24], [sflag:$0x1] =	stream.indirect_vreg.gather [hbm4b:s10+s3], $0x80, v3, vm0, $0xb8;
	[tilespmem:$0x18200] =	vst v63  }
0x42: {  	v3 =	vld [tilespmem:$0x10];
	_ =	sdelay $0x4  }
0x43: {  	v4 =	vshrl.u32 v3, $0x3  }
0x44: {  	v4 =	vmul.u32 $0x30, v4  }
0x45: {  	v3 =	vand.u32 $0x7, v3  }
0x46: {  	v3 =	vor.u32 v3, v4  }
0x47: {  	v4 =	vperm.xlane v3, v0;
	_ =	sdelay $0x1  }
0x48: {  	v4 =	vadd.s32 v1, v4;
	_ =	sdelay $0x3  }
0x49: {  	v3 =	vperm.xlane v3, v2  }
0x4a: {  	[tilespmem:s28], [sflag:$0x1] =	stream.indirect_vreg.gather [hbm4b:s1+s3], $0x80, v4, vm0, $0xb8;
	[tilespmem:$0x18200] =	vst v63  }
0x4b: {  	v3 =	vadd.s32 v1, v3  }
0x4c: {  	[tilespmem:s29], [sflag:$0x1] =	stream.indirect_vreg.gather [hbm4b:s9+s3], $0x80, v4, vm0, $0xb8;
	[tilespmem:$0x18200] =	vst v63  }
0x4d: {  	_ = 	snop  }
0x4e: {  	[tilespmem:s30], [sflag:$0x1] =	stream.indirect_vreg.gather [hbm4b:s10+s3], $0x80, v4, vm0, $0xb8;
	[tilespmem:$0x18200] =	vst v63  }
0x4f: {  	_ = 	snop  }
0x50: {  	[tilespmem:s31], [sflag:$0x1] =	stream.indirect_vreg.gather [hbm4b:s1+s3], $0x80, v3, vm0, $0xb8;
	[tilespmem:$0x18200] =	vst v63  }
0x51: {  	_ = 	snop  }
0x52: {  	[tilespmem:s0], [sflag:$0x1] =	stream.indirect_vreg.gather [hbm4b:s9+s3], $0x80, v3, vm0, $0xb8;
	[tilespmem:$0x18200] =	vst v63  }
0x53: {  	_ = 	snop  }
0x54: {  	[tilespmem:s2], [sflag:$0x1] =	stream.indirect_vreg.gather [hbm4b:s10+s3], $0x80, v3, vm0, $0xb8;
	[tilespmem:$0x18200] =	vst v63  }
0x55: {  	v3 =	vld [tilespmem:$0x20];
	_ =	sdelay $0x4  }
0x56: {  	v4 =	vshrl.u32 v3, $0x3  }
0x57: {  	v4 =	vmul.u32 $0x30, v4  }
0x58: {  	v3 =	vand.u32 $0x7, v3  }
0x59: {  	v3 =	vor.u32 v3, v4  }
0x5a: {  	v4 =	vperm.xlane v3, v0;
	_ =	sdelay $0x1  }
0x5b: {  	v4 =	vadd.s32 v1, v4;
	_ =	sdelay $0x3  }
0x5c: {  	v3 =	vperm.xlane v3, v2  }
0x5d: {  	[tilespmem:s16], [sflag:$0x1] =	stream.indirect_vreg.gather [hbm4b:s1+s3], $0x80, v4, vm0, $0xb8;
	[tilespmem:$0x18200] =	vst v63  }
0x5e: {  	v3 =	vadd.s32 v1, v3  }
0x5f: {  	[tilespmem:s18], [sflag:$0x1] =	stream.indirect_vreg.gather [hbm4b:s9+s3], $0x80, v4, vm0, $0xb8;
	[tilespmem:$0x18200] =	vst v63  }
0x60: {  	_ = 	snop  }
0x61: {  	[tilespmem:s19], [sflag:$0x1] =	stream.indirect_vreg.gather [hbm4b:s10+s3], $0x80, v4, vm0, $0xb8;
	[tilespmem:$0x18200] =	vst v63  }
0x62: {  	_ = 	snop  }
0x63: {  	[tilespmem:s20], [sflag:$0x1] =	stream.indirect_vreg.gather [hbm4b:s1+s3], $0x80, v3, vm0, $0xb8;
	[tilespmem:$0x18200] =	vst v63  }
0x64: {  	_ = 	snop  }
0x65: {  	[tilespmem:s4], [sflag:$0x1] =	stream.indirect_vreg.gather [hbm4b:s9+s3], $0x80, v3, vm0, $0xb8;
	[tilespmem:$0x18200] =	vst v63  }
0x66: {  	_ = 	snop  }
0x67: {  	[tilespmem:s5], [sflag:$0x1] =	stream.indirect_vreg.gather [hbm4b:s10+s3], $0x80, v3, vm0, $0xb8;
	[tilespmem:$0x18200] =	vst v63  }
0x68: {  	v3 =	vld [tilespmem:$0x30];
	_ =	sdelay $0x4  }
0x69: {  	v4 =	vshrl.u32 v3, $0x3  }
0x6a: {  	v4 =	vmul.u32 $0x30, v4  }
0x6b: {  	v3 =	vand.u32 $0x7, v3  }
0x6c: {  	v3 =	vor.u32 v3, v4  }
0x6d: {  	v4 =	vperm.xlane v3, v0;
	_ =	sdelay $0x1  }
0x6e: {  	v4 =	vadd.s32 v1, v4;
	_ =	sdelay $0x3  }
0x6f: {  	v3 =	vperm.xlane v3, v2  }
0x70: {  	[tilespmem:s6], [sflag:$0x1] =	stream.indirect_vreg.gather [hbm4b:s1+s3], $0x80, v4, vm0, $0xb8;
	[tilespmem:$0x18200] =	vst v63  }
0x71: {  	v3 =	vadd.s32 v1, v3  }
0x72: {  	[tilespmem:s7], [sflag:$0x1] =	stream.indirect_vreg.gather [hbm4b:s9+s3], $0x80, v4, vm0, $0xb8;
	[tilespmem:$0x18200] =	vst v63  }
0x73: {  	_ = 	snop  }
0x74: {  	[tilespmem:s8], [sflag:$0x1] =	stream.indirect_vreg.gather [hbm4b:s10+s3], $0x80, v4, vm0, $0xb8;
	[tilespmem:$0x18200] =	vst v63  }
0x75: {  	_ = 	snop  }
0x76: {  	[tilespmem:s11], [sflag:$0x1] =	stream.indirect_vreg.gather [hbm4b:s1+s3], $0x80, v3, vm0, $0xb8;
	[tilespmem:$0x18200] =	vst v63  }
0x77: {  	_ = 	snop  }
0x78: {  	[tilespmem:s12], [sflag:$0x1] =	stream.indirect_vreg.gather [hbm4b:s9+s3], $0x80, v3, vm0, $0xb8;
	[tilespmem:$0x18200] =	vst v63  }
0x79: {  	s25 =	simm.s32 $0x0  }
0x7a: {  	[tilespmem:s13], [sflag:$0x1] =	stream.indirect_vreg.gather [hbm4b:s10+s3], $0x80, v3, vm0, $0xb8;
	[tilespmem:$0x18200] =	vst v63  }
0x7b: {  	s22 =	smul.u32 $0x1800, s25;
	_ =	swait.ge [sflag:s14], $0xC000  }
0x7c: {  	s26 =	sand.u32 $0x380, s3;
	[sflag:s14] =	ssyncset.done $0x0  }
0x7d: {  	s22 =	sor.u32 s26, s22;
	[sflag:s14] =	ssyncadd.s32 $0xFFFF4000  }
0x7e: {  	v3 =	vld [tilespmem:s22+$0x1670]  }
0x7f: {  	v6 =	vld [tilespmem:s22+$0x200]  }
0x80: {  	v7 =	vld [tilespmem:s22+$0x210]  }
0x81: {  	v8 =	vld [tilespmem:s22+$0x220]  }
0x82: {  	v9 =	vld [tilespmem:s22+$0x230]  }
0x83: {  	v10 =	vld [tilespmem:s22+$0x240]  }
0x84: {  	v11 =	vld [tilespmem:s22+$0x250]  }
0x85: {  	v12 =	vld [tilespmem:s22+$0x260]  }
0x86: {  	v13 =	vld [tilespmem:s22+$0x270]  }
0x87: {  	v14 =	vld [tilespmem:s22+$0x600]  }
0x88: {  	v15 =	vld [tilespmem:s22+$0x610]  }
0x89: {  	v16 =	vld [tilespmem:s22+$0x620]  }
0x8a: {  	v17 =	vld [tilespmem:s22+$0x630]  }
0x8b: {  	v18 =	vld [tilespmem:s22+$0x640]  }
0x8c: {  	v19 =	vld [tilespmem:s22+$0x650]  }
0x8d: {  	v20 =	vld [tilespmem:s22+$0x660]  }
0x8e: {  	v21 =	vld [tilespmem:s22+$0x670]  }
0x8f: {  	v22 =	vld [tilespmem:s22+$0xA00]  }
0x90: {  	v23 =	vld [tilespmem:s22+$0xA10]  }
0x91: {  	v24 =	vld [tilespmem:s22+$0xA20]  }
0x92: {  	v25 =	vld [tilespmem:s22+$0xA30]  }
0x93: {  	v26 =	vld [tilespmem:s22+$0xA40]  }
0x94: {  	v27 =	vld [tilespmem:s22+$0xA50]  }
0x95: {  	v28 =	vld [tilespmem:s22+$0xA60]  }
0x96: {  	v29 =	vld [tilespmem:s22+$0xA70]  }
0x97: {  	v30 =	vld [tilespmem:s22+$0xE00]  }
0x98: {  	v31 =	vld [tilespmem:s22+$0xE10]  }
0x99: {  	v32 =	vld [tilespmem:s22+$0xE20]  }
0x9a: {  	v33 =	vld [tilespmem:s22+$0xE30]  }
0x9b: {  	v34 =	vld [tilespmem:s22+$0xE40]  }
0x9c: {  	v35 =	vld [tilespmem:s22+$0xE50]  }
0x9d: {  	v36 =	vld [tilespmem:s22+$0xE60]  }
0x9e: {  	v37 =	vld [tilespmem:s22+$0xE70]  }
0x9f: {  	v38 =	vld [tilespmem:s22+$0x1200]  }
0xa0: {  	v39 =	vld [tilespmem:s22+$0x1210]  }
0xa1: {  	v40 =	vld [tilespmem:s22+$0x1220]  }
0xa2: {  	v41 =	vld [tilespmem:s22+$0x1230]  }
0xa3: {  	v42 =	vld [tilespmem:s22+$0x1240]  }
0xa4: {  	v43 =	vld [tilespmem:s22+$0x1250]  }
0xa5: {  	v44 =	vld [tilespmem:s22+$0x1260]  }
0xa6: {  	v45 =	vld [tilespmem:s22+$0x1270]  }
0xa7: {  	v46 =	vld [tilespmem:s22+$0x1600]  }
0xa8: {  	v47 =	vld [tilespmem:s22+$0x1610]  }
0xa9: {  	v48 =	vld [tilespmem:s22+$0x1620]  }
0xaa: {  	v49 =	vld [tilespmem:s22+$0x1630]  }
0xab: {  	v5 =	vld [tilespmem:s22+$0x1640]  }
0xac: {  	v4 =	vld [tilespmem:s22+$0x1650]  }
0xad: {  	[tilespmem:s22+$0xD670] =	vst.add.f32.msk $0xffff, v3  }
0xae: {  	v3 =	vld [tilespmem:s22+$0x1660]  }
0xaf: {  	[tilespmem:s22+$0xC200] =	vst.add.f32.msk $0xffff, v6  }
0xb0: {  	[tilespmem:s22+$0xC210] =	vst.add.f32.msk $0xffff, v7  }
0xb1: {  	[tilespmem:s22+$0xC220] =	vst.add.f32.msk $0xffff, v8  }
0xb2: {  	[tilespmem:s22+$0xC230] =	vst.add.f32.msk $0xffff, v9  }
0xb3: {  	[tilespmem:s22+$0xC240] =	vst.add.f32.msk $0xffff, v10  }
0xb4: {  	[tilespmem:s22+$0xC250] =	vst.add.f32.msk $0xffff, v11  }
0xb5: {  	[tilespmem:s22+$0xC260] =	vst.add.f32.msk $0xffff, v12  }
0xb6: {  	[tilespmem:s22+$0xC270] =	vst.add.f32.msk $0xffff, v13  }
0xb7: {  	[tilespmem:s22+$0xC600] =	vst.add.f32.msk $0xffff, v14  }
0xb8: {  	[tilespmem:s22+$0xC610] =	vst.add.f32.msk $0xffff, v15  }
0xb9: {  	[tilespmem:s22+$0xC620] =	vst.add.f32.msk $0xffff, v16  }
0xba: {  	[tilespmem:s22+$0xC630] =	vst.add.f32.msk $0xffff, v17  }
0xbb: {  	[tilespmem:s22+$0xC640] =	vst.add.f32.msk $0xffff, v18  }
0xbc: {  	[tilespmem:s22+$0xC650] =	vst.add.f32.msk $0xffff, v19  }
0xbd: {  	[tilespmem:s22+$0xC660] =	vst.add.f32.msk $0xffff, v20  }
0xbe: {  	[tilespmem:s22+$0xC670] =	vst.add.f32.msk $0xffff, v21  }
0xbf: {  	[tilespmem:s22+$0xCA00] =	vst.add.f32.msk $0xffff, v22  }
0xc0: {  	[tilespmem:s22+$0xCA10] =	vst.add.f32.msk $0xffff, v23  }
0xc1: {  	[tilespmem:s22+$0xCA20] =	vst.add.f32.msk $0xffff, v24  }
0xc2: {  	[tilespmem:s22+$0xCA30] =	vst.add.f32.msk $0xffff, v25  }
0xc3: {  	[tilespmem:s22+$0xCA40] =	vst.add.f32.msk $0xffff, v26  }
0xc4: {  	[tilespmem:s22+$0xCA50] =	vst.add.f32.msk $0xffff, v27  }
0xc5: {  	[tilespmem:s22+$0xCA60] =	vst.add.f32.msk $0xffff, v28  }
0xc6: {  	[tilespmem:s22+$0xCA70] =	vst.add.f32.msk $0xffff, v29  }
0xc7: {  	[tilespmem:s22+$0xCE00] =	vst.add.f32.msk $0xffff, v30  }
0xc8: {  	[tilespmem:s22+$0xCE10] =	vst.add.f32.msk $0xffff, v31  }
0xc9: {  	[tilespmem:s22+$0xCE20] =	vst.add.f32.msk $0xffff, v32  }
0xca: {  	[tilespmem:s22+$0xCE30] =	vst.add.f32.msk $0xffff, v33  }
0xcb: {  	[tilespmem:s22+$0xCE40] =	vst.add.f32.msk $0xffff, v34  }
0xcc: {  	[tilespmem:s22+$0xCE50] =	vst.add.f32.msk $0xffff, v35  }
0xcd: {  	[tilespmem:s22+$0xCE60] =	vst.add.f32.msk $0xffff, v36  }
0xce: {  	[tilespmem:s22+$0xCE70] =	vst.add.f32.msk $0xffff, v37  }
0xcf: {  	[tilespmem:s22+$0xD200] =	vst.add.f32.msk $0xffff, v38  }
0xd0: {  	[tilespmem:s22+$0xD210] =	vst.add.f32.msk $0xffff, v39  }
0xd1: {  	[tilespmem:s22+$0xD220] =	vst.add.f32.msk $0xffff, v40  }
0xd2: {  	[tilespmem:s22+$0xD230] =	vst.add.f32.msk $0xffff, v41  }
0xd3: {  	[tilespmem:s22+$0xD240] =	vst.add.f32.msk $0xffff, v42  }
0xd4: {  	[tilespmem:s22+$0xD250] =	vst.add.f32.msk $0xffff, v43  }
0xd5: {  	[tilespmem:s22+$0xD260] =	vst.add.f32.msk $0xffff, v44  }
0xd6: {  	[tilespmem:s22+$0xD270] =	vst.add.f32.msk $0xffff, v45  }
0xd7: {  	[tilespmem:s22+$0xD600] =	vst.add.f32.msk $0xffff, v46  }
0xd8: {  	[tilespmem:s22+$0xD610] =	vst.add.f32.msk $0xffff, v47  }
0xd9: {  	[tilespmem:s22+$0xD620] =	vst.add.f32.msk $0xffff, v48  }
0xda: {  	s25 =	simm.s32 $0x0;
	s23 =	simm.s32 $0x0;
	s24 =	simm.s32 $0x2;
	[tilespmem:s22+$0xD630] =	vst.add.f32.msk $0xffff, v49  }
.LBB2_2:
0xdb: {  	p0 =	sne.s32 s24, $0x3F;
	s25 =	smul.u32 $0x1800, s25;
	[tilespmem:s22+$0xD640] =	vst.add.f32.msk $0xffff, v5;
	s23 =	sadd.s32 $0x80, s23  }
0xdc: {  	s26 =	sand.u32 $0x380, s23;
	[tilespmem:s22+$0xD650] =	vst.add.f32.msk $0xffff, v4  }
0xdd: {  	[tilespmem:s22+$0xD660] =	vst.add.f32.msk $0xffff, v3;
	s22 =	sor.u32 s26, s25  }
0xde: {  	v3 =	vld [tilespmem:s22+$0x1670]  }
0xdf: {  	v6 =	vld [tilespmem:s22+$0x200]  }
0xe0: {  	v7 =	vld [tilespmem:s22+$0x210]  }
0xe1: {  	v8 =	vld [tilespmem:s22+$0x220]  }
0xe2: {  	v9 =	vld [tilespmem:s22+$0x230]  }
0xe3: {  	[tilespmem:s22+$0xD670] =	vst.add.f32.msk $0xffff, v3  }
0xe4: {  	v10 =	vld [tilespmem:s22+$0x240]  }
0xe5: {  	v11 =	vld [tilespmem:s22+$0x250]  }
0xe6: {  	v12 =	vld [tilespmem:s22+$0x260]  }
0xe7: {  	v13 =	vld [tilespmem:s22+$0x270]  }
0xe8: {  	v14 =	vld [tilespmem:s22+$0x600]  }
0xe9: {  	v15 =	vld [tilespmem:s22+$0x610]  }
0xea: {  	v16 =	vld [tilespmem:s22+$0x620]  }
0xeb: {  	v17 =	vld [tilespmem:s22+$0x630]  }
0xec: {  	v18 =	vld [tilespmem:s22+$0x640]  }
0xed: {  	v19 =	vld [tilespmem:s22+$0x650]  }
0xee: {  	v20 =	vld [tilespmem:s22+$0x660]  }
0xef: {  	v21 =	vld [tilespmem:s22+$0x670]  }
0xf0: {  	v22 =	vld [tilespmem:s22+$0xA00]  }
0xf1: {  	v23 =	vld [tilespmem:s22+$0xA10]  }
0xf2: {  	v24 =	vld [tilespmem:s22+$0xA20]  }
0xf3: {  	v25 =	vld [tilespmem:s22+$0xA30]  }
0xf4: {  	v26 =	vld [tilespmem:s22+$0xA40]  }
0xf5: {  	v27 =	vld [tilespmem:s22+$0xA50]  }
0xf6: {  	v28 =	vld [tilespmem:s22+$0xA60]  }
0xf7: {  	v29 =	vld [tilespmem:s22+$0xA70]  }
0xf8: {  	v30 =	vld [tilespmem:s22+$0xE00]  }
0xf9: {  	v31 =	vld [tilespmem:s22+$0xE10]  }
0xfa: {  	v32 =	vld [tilespmem:s22+$0xE20]  }
0xfb: {  	v33 =	vld [tilespmem:s22+$0xE30]  }
0xfc: {  	v34 =	vld [tilespmem:s22+$0xE40]  }
0xfd: {  	v35 =	vld [tilespmem:s22+$0xE50]  }
0xfe: {  	v36 =	vld [tilespmem:s22+$0xE60]  }
0xff: {  	v37 =	vld [tilespmem:s22+$0xE70]  }
0x100: {  	v38 =	vld [tilespmem:s22+$0x1200]  }
0x101: {  	v39 =	vld [tilespmem:s22+$0x1210]  }
0x102: {  	v40 =	vld [tilespmem:s22+$0x1220]  }
0x103: {  	v41 =	vld [tilespmem:s22+$0x1230]  }
0x104: {  	v42 =	vld [tilespmem:s22+$0x1240]  }
0x105: {  	v43 =	vld [tilespmem:s22+$0x1250]  }
0x106: {  	v44 =	vld [tilespmem:s22+$0x1260]  }
0x107: {  	v45 =	vld [tilespmem:s22+$0x1270]  }
0x108: {  	v46 =	vld [tilespmem:s22+$0x1600]  }
0x109: {  	v47 =	vld [tilespmem:s22+$0x1610]  }
0x10a: {  	v48 =	vld [tilespmem:s22+$0x1620]  }
0x10b: {  	v49 =	vld [tilespmem:s22+$0x1630]  }
0x10c: {  	v5 =	vld [tilespmem:s22+$0x1640]  }
0x10d: {  	v4 =	vld [tilespmem:s22+$0x1650]  }
0x10e: {  	v3 =	vld [tilespmem:s22+$0x1660]  }
0x10f: {  	[tilespmem:s22+$0xC200] =	vst.add.f32.msk $0xffff, v6  }
0x110: {  	[tilespmem:s22+$0xC210] =	vst.add.f32.msk $0xffff, v7  }
0x111: {  	[tilespmem:s22+$0xC220] =	vst.add.f32.msk $0xffff, v8  }
0x112: {  	[tilespmem:s22+$0xC230] =	vst.add.f32.msk $0xffff, v9  }
0x113: {  	[tilespmem:s22+$0xC240] =	vst.add.f32.msk $0xffff, v10  }
0x114: {  	[tilespmem:s22+$0xC250] =	vst.add.f32.msk $0xffff, v11  }
0x115: {  	[tilespmem:s22+$0xC260] =	vst.add.f32.msk $0xffff, v12  }
0x116: {  	[tilespmem:s22+$0xC270] =	vst.add.f32.msk $0xffff, v13  }
0x117: {  	[tilespmem:s22+$0xC600] =	vst.add.f32.msk $0xffff, v14  }
0x118: {  	[tilespmem:s22+$0xC610] =	vst.add.f32.msk $0xffff, v15  }
0x119: {  	[tilespmem:s22+$0xC620] =	vst.add.f32.msk $0xffff, v16  }
0x11a: {  	[tilespmem:s22+$0xC630] =	vst.add.f32.msk $0xffff, v17  }
0x11b: {  	[tilespmem:s22+$0xC640] =	vst.add.f32.msk $0xffff, v18  }
0x11c: {  	[tilespmem:s22+$0xC650] =	vst.add.f32.msk $0xffff, v19  }
0x11d: {  	[tilespmem:s22+$0xC660] =	vst.add.f32.msk $0xffff, v20  }
0x11e: {  	[tilespmem:s22+$0xC670] =	vst.add.f32.msk $0xffff, v21  }
0x11f: {  	[tilespmem:s22+$0xCA00] =	vst.add.f32.msk $0xffff, v22  }
0x120: {  	[tilespmem:s22+$0xCA10] =	vst.add.f32.msk $0xffff, v23  }
0x121: {  	[tilespmem:s22+$0xCA20] =	vst.add.f32.msk $0xffff, v24  }
0x122: {  	[tilespmem:s22+$0xCA30] =	vst.add.f32.msk $0xffff, v25  }
0x123: {  	[tilespmem:s22+$0xCA40] =	vst.add.f32.msk $0xffff, v26  }
0x124: {  	[tilespmem:s22+$0xCA50] =	vst.add.f32.msk $0xffff, v27  }
0x125: {  	[tilespmem:s22+$0xCA60] =	vst.add.f32.msk $0xffff, v28  }
0x126: {  	[tilespmem:s22+$0xCA70] =	vst.add.f32.msk $0xffff, v29  }
0x127: {  	[tilespmem:s22+$0xCE00] =	vst.add.f32.msk $0xffff, v30  }
0x128: {  	[tilespmem:s22+$0xCE10] =	vst.add.f32.msk $0xffff, v31  }
0x129: {  	[tilespmem:s22+$0xCE20] =	vst.add.f32.msk $0xffff, v32  }
0x12a: {  	[tilespmem:s22+$0xCE30] =	vst.add.f32.msk $0xffff, v33  }
0x12b: {  	[tilespmem:s22+$0xCE40] =	vst.add.f32.msk $0xffff, v34  }
0x12c: {  	[tilespmem:s22+$0xCE50] =	vst.add.f32.msk $0xffff, v35  }
0x12d: {  	[tilespmem:s22+$0xCE60] =	vst.add.f32.msk $0xffff, v36  }
0x12e: {  	[tilespmem:s22+$0xCE70] =	vst.add.f32.msk $0xffff, v37  }
0x12f: {  	[tilespmem:s22+$0xD200] =	vst.add.f32.msk $0xffff, v38  }
0x130: {  	[tilespmem:s22+$0xD210] =	vst.add.f32.msk $0xffff, v39  }
0x131: {  	[tilespmem:s22+$0xD220] =	vst.add.f32.msk $0xffff, v40  }
0x132: {  	[tilespmem:s22+$0xD230] =	vst.add.f32.msk $0xffff, v41  }
0x133: {  	[tilespmem:s22+$0xD240] =	vst.add.f32.msk $0xffff, v42  }
0x134: {  	[tilespmem:s22+$0xD250] =	vst.add.f32.msk $0xffff, v43  }
0x135: {  	[tilespmem:s22+$0xD260] =	vst.add.f32.msk $0xffff, v44  }
.Ltmp0:
0x136: {  	[tilespmem:s22+$0xD270] =	vst.add.f32.msk $0xffff, v45;
	(pc) =	sbr.rel @p0 .LBB2_2-.Ltmp0, $4  }
0x137: {  	[tilespmem:s22+$0xD600] =	vst.add.f32.msk $0xffff, v46  }
0x138: {  	[tilespmem:s22+$0xD610] =	vst.add.f32.msk $0xffff, v47  }
0x139: {  	[tilespmem:s22+$0xD620] =	vst.add.f32.msk $0xffff, v48  }
0x13a: {  	s25 =	sshrl.u32 s24, $0x3;
	s24 =	sadd.s32 $0x1, s24;
	[tilespmem:s22+$0xD630] =	vst.add.f32.msk $0xffff, v49  }
0x13b: {  	s24 =	smul.u32 $0x1800, s25;
	[tilespmem:s22+$0xD640] =	vst.add.f32.msk $0xffff, v5;
	s23 =	sadd.s32 $0x80, s23  }
0x13c: {  	[tilespmem:s22+$0xD650] =	vst.add.f32.msk $0xffff, v4;
	s23 =	sand.u32 $0x380, s23  }
0x13d: {  	[tilespmem:s22+$0xD660] =	vst.add.f32.msk $0xffff, v3;
	s23 =	sor.u32 s23, s24  }
0x13e: {  	v3 =	vld [tilespmem:s23+$0x1670]  }
0x13f: {  	v4 =	vld [tilespmem:s23+$0x200]  }
0x140: {  	v5 =	vld [tilespmem:s23+$0x210]  }
0x141: {  	v6 =	vld [tilespmem:s23+$0x220]  }
0x142: {  	v7 =	vld [tilespmem:s23+$0x230]  }
0x143: {  	v8 =	vld [tilespmem:s23+$0x250]  }
0x144: {  	v9 =	vld [tilespmem:s23+$0x260]  }
0x145: {  	v10 =	vld [tilespmem:s23+$0x270]  }
0x146: {  	v11 =	vld [tilespmem:s23+$0x600]  }
0x147: {  	v12 =	vld [tilespmem:s23+$0x610]  }
0x148: {  	v13 =	vld [tilespmem:s23+$0x620]  }
0x149: {  	v14 =	vld [tilespmem:s23+$0x630]  }
0x14a: {  	v15 =	vld [tilespmem:s23+$0x640]  }
0x14b: {  	v16 =	vld [tilespmem:s23+$0x650]  }
0x14c: {  	v17 =	vld [tilespmem:s23+$0x660]  }
0x14d: {  	v18 =	vld [tilespmem:s23+$0x670]  }
0x14e: {  	v19 =	vld [tilespmem:s23+$0xA00]  }
0x14f: {  	v20 =	vld [tilespmem:s23+$0xA10]  }
0x150: {  	v21 =	vld [tilespmem:s23+$0xA20]  }
0x151: {  	v22 =	vld [tilespmem:s23+$0xA30]  }
0x152: {  	v23 =	vld [tilespmem:s23+$0xA40]  }
0x153: {  	v24 =	vld [tilespmem:s23+$0xA50]  }
0x154: {  	v25 =	vld [tilespmem:s23+$0xA60]  }
0x155: {  	v26 =	vld [tilespmem:s23+$0xA70]  }
0x156: {  	v27 =	vld [tilespmem:s23+$0xE00]  }
0x157: {  	v28 =	vld [tilespmem:s23+$0xE10]  }
0x158: {  	v29 =	vld [tilespmem:s23+$0xE20]  }
0x159: {  	v30 =	vld [tilespmem:s23+$0xE30]  }
0x15a: {  	v31 =	vld [tilespmem:s23+$0xE40]  }
0x15b: {  	v32 =	vld [tilespmem:s23+$0xE50]  }
0x15c: {  	v33 =	vld [tilespmem:s23+$0xE60]  }
0x15d: {  	v34 =	vld [tilespmem:s23+$0xE70]  }
0x15e: {  	v35 =	vld [tilespmem:s23+$0x1200]  }
0x15f: {  	v36 =	vld [tilespmem:s23+$0x1210]  }
0x160: {  	v37 =	vld [tilespmem:s23+$0x1220]  }
0x161: {  	v38 =	vld [tilespmem:s23+$0x1230]  }
0x162: {  	v39 =	vld [tilespmem:s23+$0x1240]  }
0x163: {  	v40 =	vld [tilespmem:s23+$0x1250]  }
0x164: {  	v41 =	vld [tilespmem:s23+$0x1260]  }
0x165: {  	v42 =	vld [tilespmem:s23+$0x1270]  }
0x166: {  	v43 =	vld [tilespmem:s23+$0x1600]  }
0x167: {  	v44 =	vld [tilespmem:s23+$0x1610]  }
0x168: {  	v45 =	vld [tilespmem:s23+$0x1620]  }
0x169: {  	v46 =	vld [tilespmem:s23+$0x1630]  }
0x16a: {  	v47 =	vld [tilespmem:s23+$0x1640]  }
0x16b: {  	v48 =	vld [tilespmem:s23+$0x1650]  }
0x16c: {  	v49 =	vld [tilespmem:s23+$0x1660]  }
0x16d: {  	[tilespmem:s23+$0xD670] =	vst.add.f32.msk $0xffff, v3  }
0x16e: {  	v3 =	vld [tilespmem:s23+$0x240]  }
0x16f: {  	[tilespmem:s23+$0xC200] =	vst.add.f32.msk $0xffff, v4  }
0x170: {  	[tilespmem:s23+$0xC210] =	vst.add.f32.msk $0xffff, v5  }
0x171: {  	[tilespmem:s23+$0xC220] =	vst.add.f32.msk $0xffff, v6  }
0x172: {  	[tilespmem:s23+$0xC230] =	vst.add.f32.msk $0xffff, v7  }
0x173: {  	[tilespmem:s23+$0xC250] =	vst.add.f32.msk $0xffff, v8  }
0x174: {  	[tilespmem:s23+$0xC260] =	vst.add.f32.msk $0xffff, v9  }
0x175: {  	[tilespmem:s23+$0xC270] =	vst.add.f32.msk $0xffff, v10  }
0x176: {  	[tilespmem:s23+$0xC600] =	vst.add.f32.msk $0xffff, v11  }
0x177: {  	[tilespmem:s23+$0xC610] =	vst.add.f32.msk $0xffff, v12  }
0x178: {  	[tilespmem:s23+$0xC620] =	vst.add.f32.msk $0xffff, v13  }
0x179: {  	[tilespmem:s23+$0xC630] =	vst.add.f32.msk $0xffff, v14  }
0x17a: {  	[tilespmem:s23+$0xC640] =	vst.add.f32.msk $0xffff, v15  }
0x17b: {  	[tilespmem:s23+$0xC650] =	vst.add.f32.msk $0xffff, v16  }
0x17c: {  	[tilespmem:s23+$0xC660] =	vst.add.f32.msk $0xffff, v17  }
0x17d: {  	[tilespmem:s23+$0xC670] =	vst.add.f32.msk $0xffff, v18  }
0x17e: {  	[tilespmem:s23+$0xCA00] =	vst.add.f32.msk $0xffff, v19  }
0x17f: {  	[tilespmem:s23+$0xCA10] =	vst.add.f32.msk $0xffff, v20  }
0x180: {  	[tilespmem:s23+$0xCA20] =	vst.add.f32.msk $0xffff, v21  }
0x181: {  	[tilespmem:s23+$0xCA30] =	vst.add.f32.msk $0xffff, v22  }
0x182: {  	[tilespmem:s23+$0xCA40] =	vst.add.f32.msk $0xffff, v23  }
0x183: {  	[tilespmem:s23+$0xCA50] =	vst.add.f32.msk $0xffff, v24  }
0x184: {  	[tilespmem:s23+$0xCA60] =	vst.add.f32.msk $0xffff, v25  }
0x185: {  	[tilespmem:s23+$0xCA70] =	vst.add.f32.msk $0xffff, v26  }
0x186: {  	[tilespmem:s23+$0xCE00] =	vst.add.f32.msk $0xffff, v27  }
0x187: {  	[tilespmem:s23+$0xCE10] =	vst.add.f32.msk $0xffff, v28  }
0x188: {  	[tilespmem:s23+$0xCE20] =	vst.add.f32.msk $0xffff, v29  }
0x189: {  	[tilespmem:s23+$0xCE30] =	vst.add.f32.msk $0xffff, v30  }
0x18a: {  	[tilespmem:s23+$0xCE40] =	vst.add.f32.msk $0xffff, v31  }
0x18b: {  	[tilespmem:s23+$0xCE50] =	vst.add.f32.msk $0xffff, v32  }
0x18c: {  	[tilespmem:s23+$0xCE60] =	vst.add.f32.msk $0xffff, v33  }
0x18d: {  	[tilespmem:s23+$0xCE70] =	vst.add.f32.msk $0xffff, v34  }
0x18e: {  	[tilespmem:s23+$0xD200] =	vst.add.f32.msk $0xffff, v35  }
0x18f: {  	[tilespmem:s23+$0xD210] =	vst.add.f32.msk $0xffff, v36  }
0x190: {  	[tilespmem:s23+$0xD220] =	vst.add.f32.msk $0xffff, v37  }
0x191: {  	[tilespmem:s23+$0xD230] =	vst.add.f32.msk $0xffff, v38  }
0x192: {  	[tilespmem:s23+$0xD240] =	vst.add.f32.msk $0xffff, v39  }
0x193: {  	[tilespmem:s23+$0xD250] =	vst.add.f32.msk $0xffff, v40  }
0x194: {  	[tilespmem:s23+$0xD260] =	vst.add.f32.msk $0xffff, v41  }
0x195: {  	[tilespmem:s23+$0xD270] =	vst.add.f32.msk $0xffff, v42  }
0x196: {  	[tilespmem:s23+$0xD600] =	vst.add.f32.msk $0xffff, v43  }
0x197: {  	[tilespmem:s23+$0xD610] =	vst.add.f32.msk $0xffff, v44  }
0x198: {  	[tilespmem:s23+$0xD620] =	vst.add.f32.msk $0xffff, v45  }
0x199: {  	[tilespmem:s23+$0xD630] =	vst.add.f32.msk $0xffff, v46  }
0x19a: {  	[tilespmem:s23+$0xD640] =	vst.add.f32.msk $0xffff, v47  }
0x19b: {  	[tilespmem:s23+$0xD650] =	vst.add.f32.msk $0xffff, v48  }
0x19c: {  	[tilespmem:s23+$0xD660] =	vst.add.f32.msk $0xffff, v49  }
0x19d: {  	s22 =	simm.s32 $0x0;
	s25 =	rddreg [dreg:$0xa];
	[tilespmem:s23+$0xC240] =	vst.add.f32.msk $0xffff, v3  }
0x19e: {  	[hbm4b:s25+s22] =	stream.linear.scatter [tilespmem:s21], [sflag:$0x2], $0xC000, $0x38;
	[tilespmem:$0x18200] =	vst v63  }
0x19f: {  	_ =	swait.ge [sflag:s17], $0xC000  }
0x1a0: {  	[sflag:s17] =	ssyncset.done $0x0  }
0x1a1: {  	[sflag:s17] =	ssyncadd.s32 $0xFFFF4000  }
0x1a2: {  	v3 =	vld [tilespmem:$0x80];
	_ =	sdelay $0x4  }
0x1a3: {  	v4 =	vshrl.u32 v3, $0x3  }
0x1a4: {  	v4 =	vmul.u32 $0x30, v4  }
0x1a5: {  	v3 =	vand.u32 $0x7, v3  }
0x1a6: {  	v3 =	vor.u32 v3, v4  }
0x1a7: {  	v4 =	vperm.xlane v3, v0;
	_ =	sdelay $0x1  }
0x1a8: {  	v4 =	vadd.s32 v1, v4;
	_ =	sdelay $0x3  }
0x1a9: {  	v3 =	vperm.xlane v3, v2  }
0x1aa: {  	[tilespmem:s21], [sflag:$0x1] =	stream.indirect_vreg.gather [hbm4b:s1+s22], $0x80, v4, vm0, $0xb8;
	[tilespmem:$0x18200] =	vst v63  }
0x1ab: {  	s26 =	simm.s32 $0xCA00;
	v3 =	vadd.s32 v1, v3  }
0x1ac: {  	[tilespmem:s26], [sflag:$0x1] =	stream.indirect_vreg.gather [hbm4b:s9+s22], $0x80, v4, vm0, $0xb8;
	[tilespmem:$0x18200] =	vst v63  }
0x1ad: {  	s24 =	simm.s32 $0xD200  }
0x1ae: {  	[tilespmem:s24], [sflag:$0x1] =	stream.indirect_vreg.gather [hbm4b:s10+s22], $0x80, v4, vm0, $0xb8;
	[tilespmem:$0x18200] =	vst v63  }
0x1af: {  	s25 =	simm.s32 $0xDA00  }
0x1b0: {  	[tilespmem:s25], [sflag:$0x1] =	stream.indirect_vreg.gather [hbm4b:s1+s22], $0x80, v3, vm0, $0xb8;
	[tilespmem:$0x18200] =	vst v63  }
0x1b1: {  	s26 =	simm.s32 $0xE200  }
0x1b2: {  	[tilespmem:s26], [sflag:$0x1] =	stream.indirect_vreg.gather [hbm4b:s9+s22], $0x80, v3, vm0, $0xb8;
	[tilespmem:$0x18200] =	vst v63  }
0x1b3: {  	s24 =	simm.s32 $0xEA00  }
0x1b4: {  	[tilespmem:s24], [sflag:$0x1] =	stream.indirect_vreg.gather [hbm4b:s10+s22], $0x80, v3, vm0, $0xb8;
	[tilespmem:$0x18200] =	vst v63  }
0x1b5: {  	v3 =	vld [tilespmem:$0x90];
	_ =	sdelay $0x4  }
0x1b6: {  	v4 =	vshrl.u32 v3, $0x3  }
0x1b7: {  	v4 =	vmul.u32 $0x30, v4  }
0x1b8: {  	v3 =	vand.u32 $0x7, v3  }
0x1b9: {  	v3 =	vor.u32 v3, v4  }
0x1ba: {  	v4 =	vperm.xlane v3, v0;
	_ =	sdelay $0x1  }
0x1bb: {  	v4 =	vadd.s32 v1, v4;
	_ =	sdelay $0x3  }
0x1bc: {  	v3 =	vperm.xlane v3, v2  }
0x1bd: {  	[tilespmem:s28], [sflag:$0x1] =	stream.indirect_vreg.gather [hbm4b:s1+s22], $0x80, v4, vm0, $0xb8;
	[tilespmem:$0x18200] =	vst v63  }
0x1be: {  	v3 =	vadd.s32 v1, v3  }
0x1bf: {  	[tilespmem:s29], [sflag:$0x1] =	stream.indirect_vreg.gather [hbm4b:s9+s22], $0x80, v4, vm0, $0xb8;
	[tilespmem:$0x18200] =	vst v63  }
0x1c0: {  	_ = 	snop  }
0x1c1: {  	[tilespmem:s30], [sflag:$0x1] =	stream.indirect_vreg.gather [hbm4b:s10+s22], $0x80, v4, vm0, $0xb8;
	[tilespmem:$0x18200] =	vst v63  }
0x1c2: {  	_ = 	snop  }
0x1c3: {  	[tilespmem:s31], [sflag:$0x1] =	stream.indirect_vreg.gather [hbm4b:s1+s22], $0x80, v3, vm0, $0xb8;
	[tilespmem:$0x18200] =	vst v63  }
0x1c4: {  	_ = 	snop  }
0x1c5: {  	[tilespmem:s0], [sflag:$0x1] =	stream.indirect_vreg.gather [hbm4b:s9+s22], $0x80, v3, vm0, $0xb8;
	[tilespmem:$0x18200] =	vst v63  }
0x1c6: {  	_ = 	snop  }
0x1c7: {  	[tilespmem:s2], [sflag:$0x1] =	stream.indirect_vreg.gather [hbm4b:s10+s22], $0x80, v3, vm0, $0xb8;
	[tilespmem:$0x18200] =	vst v63  }
0x1c8: {  	v3 =	vld [tilespmem:$0xA0];
	_ =	sdelay $0x4  }
0x1c9: {  	v4 =	vshrl.u32 v3, $0x3  }
0x1ca: {  	v4 =	vmul.u32 $0x30, v4  }
0x1cb: {  	v3 =	vand.u32 $0x7, v3  }
0x1cc: {  	v3 =	vor.u32 v3, v4  }
0x1cd: {  	v4 =	vperm.xlane v3, v0;
	_ =	sdelay $0x1  }
0x1ce: {  	v4 =	vadd.s32 v1, v4;
	_ =	sdelay $0x3  }
0x1cf: {  	v3 =	vperm.xlane v3, v2  }
0x1d0: {  	[tilespmem:s16], [sflag:$0x1] =	stream.indirect_vreg.gather [hbm4b:s1+s22], $0x80, v4, vm0, $0xb8;
	[tilespmem:$0x18200] =	vst v63  }
0x1d1: {  	v3 =	vadd.s32 v1, v3  }
0x1d2: {  	[tilespmem:s18], [sflag:$0x1] =	stream.indirect_vreg.gather [hbm4b:s9+s22], $0x80, v4, vm0, $0xb8;
	[tilespmem:$0x18200] =	vst v63  }
0x1d3: {  	_ = 	snop  }
0x1d4: {  	[tilespmem:s19], [sflag:$0x1] =	stream.indirect_vreg.gather [hbm4b:s10+s22], $0x80, v4, vm0, $0xb8;
	[tilespmem:$0x18200] =	vst v63  }
0x1d5: {  	_ = 	snop  }
0x1d6: {  	[tilespmem:s20], [sflag:$0x1] =	stream.indirect_vreg.gather [hbm4b:s1+s22], $0x80, v3, vm0, $0xb8;
	[tilespmem:$0x18200] =	vst v63  }
0x1d7: {  	_ = 	snop  }
0x1d8: {  	[tilespmem:s4], [sflag:$0x1] =	stream.indirect_vreg.gather [hbm4b:s9+s22], $0x80, v3, vm0, $0xb8;
	[tilespmem:$0x18200] =	vst v63  }
0x1d9: {  	_ = 	snop  }
0x1da: {  	[tilespmem:s5], [sflag:$0x1] =	stream.indirect_vreg.gather [hbm4b:s10+s22], $0x80, v3, vm0, $0xb8;
	[tilespmem:$0x18200] =	vst v63  }
0x1db: {  	v3 =	vld [tilespmem:$0xB0];
	_ =	sdelay $0x4  }
0x1dc: {  	v4 =	vshrl.u32 v3, $0x3  }
0x1dd: {  	v4 =	vmul.u32 $0x30, v4  }
0x1de: {  	v3 =	vand.u32 $0x7, v3  }
0x1df: {  	v3 =	vor.u32 v3, v4  }
0x1e0: {  	v4 =	vperm.xlane v3, v0;
	_ =	sdelay $0x1  }
0x1e1: {  	v4 =	vadd.s32 v1, v4;
	_ =	sdelay $0x3  }
0x1e2: {  	v3 =	vperm.xlane v3, v2  }
0x1e3: {  	[tilespmem:s6], [sflag:$0x1] =	stream.indirect_vreg.gather [hbm4b:s1+s22], $0x80, v4, vm0, $0xb8;
	[tilespmem:$0x18200] =	vst v63  }
0x1e4: {  	v3 =	vadd.s32 v1, v3  }
0x1e5: {  	[tilespmem:s7], [sflag:$0x1] =	stream.indirect_vreg.gather [hbm4b:s9+s22], $0x80, v4, vm0, $0xb8;
	[tilespmem:$0x18200] =	vst v63  }
0x1e6: {  	_ = 	snop  }
0x1e7: {  	[tilespmem:s8], [sflag:$0x1] =	stream.indirect_vreg.gather [hbm4b:s10+s22], $0x80, v4, vm0, $0xb8;
	[tilespmem:$0x18200] =	vst v63  }
0x1e8: {  	_ = 	snop  }
0x1e9: {  	[tilespmem:s11], [sflag:$0x1] =	stream.indirect_vreg.gather [hbm4b:s1+s22], $0x80, v3, vm0, $0xb8;
	[tilespmem:$0x18200] =	vst v63  }
0x1ea: {  	_ = 	snop  }
0x1eb: {  	[tilespmem:s12], [sflag:$0x1] =	stream.indirect_vreg.gather [hbm4b:s9+s22], $0x80, v3, vm0, $0xb8;
	[tilespmem:$0x18200] =	vst v63  }
0x1ec: {  	s25 =	simm.s32 $0x0  }
0x1ed: {  	[tilespmem:s13], [sflag:$0x1] =	stream.indirect_vreg.gather [hbm4b:s10+s22], $0x80, v3, vm0, $0xb8;
	[tilespmem:$0x18200] =	vst v63  }
0x1ee: {  	s23 =	smul.u32 $0x1800, s25;
	_ =	swait.ge [sflag:s14], $0xC000  }
0x1ef: {  	s26 =	sand.u32 $0x380, s22;
	[sflag:s14] =	ssyncset.done $0x0  }
0x1f0: {  	s23 =	sor.u32 s26, s23;
	[sflag:s14] =	ssyncadd.s32 $0xFFFF4000  }
0x1f1: {  	v3 =	vld [tilespmem:s23+$0x1670]  }
0x1f2: {  	v6 =	vld [tilespmem:s23+$0x200]  }
0x1f3: {  	v7 =	vld [tilespmem:s23+$0x210]  }
0x1f4: {  	v8 =	vld [tilespmem:s23+$0x220]  }
0x1f5: {  	v9 =	vld [tilespmem:s23+$0x230]  }
0x1f6: {  	v10 =	vld [tilespmem:s23+$0x240]  }
0x1f7: {  	v11 =	vld [tilespmem:s23+$0x250]  }
0x1f8: {  	v12 =	vld [tilespmem:s23+$0x260]  }
0x1f9: {  	v13 =	vld [tilespmem:s23+$0x270]  }
0x1fa: {  	v14 =	vld [tilespmem:s23+$0x600]  }
0x1fb: {  	v15 =	vld [tilespmem:s23+$0x610]  }
0x1fc: {  	v16 =	vld [tilespmem:s23+$0x620]  }
0x1fd: {  	v17 =	vld [tilespmem:s23+$0x630]  }
0x1fe: {  	v18 =	vld [tilespmem:s23+$0x640]  }
0x1ff: {  	v19 =	vld [tilespmem:s23+$0x650]  }
0x200: {  	v20 =	vld [tilespmem:s23+$0x660]  }
0x201: {  	v21 =	vld [tilespmem:s23+$0x670]  }
0x202: {  	v22 =	vld [tilespmem:s23+$0xA00]  }
0x203: {  	v23 =	vld [tilespmem:s23+$0xA10]  }
0x204: {  	v24 =	vld [tilespmem:s23+$0xA20]  }
0x205: {  	v25 =	vld [tilespmem:s23+$0xA30]  }
0x206: {  	v26 =	vld [tilespmem:s23+$0xA40]  }
0x207: {  	v27 =	vld [tilespmem:s23+$0xA50]  }
0x208: {  	v28 =	vld [tilespmem:s23+$0xA60]  }
0x209: {  	v29 =	vld [tilespmem:s23+$0xA70]  }
0x20a: {  	v30 =	vld [tilespmem:s23+$0xE00]  }
0x20b: {  	v31 =	vld [tilespmem:s23+$0xE10]  }
0x20c: {  	v32 =	vld [tilespmem:s23+$0xE20]  }
0x20d: {  	v33 =	vld [tilespmem:s23+$0xE30]  }
0x20e: {  	v34 =	vld [tilespmem:s23+$0xE40]  }
0x20f: {  	v35 =	vld [tilespmem:s23+$0xE50]  }
0x210: {  	v36 =	vld [tilespmem:s23+$0xE60]  }
0x211: {  	v37 =	vld [tilespmem:s23+$0xE70]  }
0x212: {  	v52 =	vld [tilespmem:s23+$0x1200]  }
0x213: {  	v53 =	vld [tilespmem:s23+$0x1210]  }
0x214: {  	v54 =	vld [tilespmem:s23+$0x1220]  }
0x215: {  	v55 =	vld [tilespmem:s23+$0x1230]  }
0x216: {  	v56 =	vld [tilespmem:s23+$0x1240]  }
0x217: {  	v57 =	vld [tilespmem:s23+$0x1250]  }
0x218: {  	v58 =	vld [tilespmem:s23+$0x1260]  }
0x219: {  	v59 =	vld [tilespmem:s23+$0x1270]  }
0x21a: {  	v60 =	vld [tilespmem:s23+$0x1600]  }
0x21b: {  	v61 =	vld [tilespmem:s23+$0x1610]  }
0x21c: {  	v62 =	vld [tilespmem:s23+$0x1620]  }
0x21d: {  	v63 =	vld [tilespmem:s23+$0x1630]  }
0x21e: {  	v5 =	vld [tilespmem:s23+$0x1640]  }
0x21f: {  	v4 =	vld [tilespmem:s23+$0x1650]  }
0x220: {  	[tilespmem:s23+$0xD670] =	vst.add.f32.msk $0xffff, v3  }
0x221: {  	v3 =	vld [tilespmem:s23+$0x1660]  }
0x222: {  	[tilespmem:s23+$0xC200] =	vst.add.f32.msk $0xffff, v6  }
0x223: {  	[tilespmem:s23+$0xC210] =	vst.add.f32.msk $0xffff, v7  }
0x224: {  	[tilespmem:s23+$0xC220] =	vst.add.f32.msk $0xffff, v8  }
0x225: {  	[tilespmem:s23+$0xC230] =	vst.add.f32.msk $0xffff, v9  }
0x226: {  	[tilespmem:s23+$0xC240] =	vst.add.f32.msk $0xffff, v10  }
0x227: {  	[tilespmem:s23+$0xC250] =	vst.add.f32.msk $0xffff, v11  }
0x228: {  	[tilespmem:s23+$0xC260] =	vst.add.f32.msk $0xffff, v12  }
0x229: {  	[tilespmem:s23+$0xC270] =	vst.add.f32.msk $0xffff, v13  }
0x22a: {  	[tilespmem:s23+$0xC600] =	vst.add.f32.msk $0xffff, v14  }
0x22b: {  	[tilespmem:s23+$0xC610] =	vst.add.f32.msk $0xffff, v15  }
0x22c: {  	[tilespmem:s23+$0xC620] =	vst.add.f32.msk $0xffff, v16  }
0x22d: {  	[tilespmem:s23+$0xC630] =	vst.add.f32.msk $0xffff, v17  }
0x22e: {  	[tilespmem:s23+$0xC640] =	vst.add.f32.msk $0xffff, v18  }
0x22f: {  	[tilespmem:s23+$0xC650] =	vst.add.f32.msk $0xffff, v19  }
0x230: {  	[tilespmem:s23+$0xC660] =	vst.add.f32.msk $0xffff, v20  }
0x231: {  	[tilespmem:s23+$0xC670] =	vst.add.f32.msk $0xffff, v21  }
0x232: {  	[tilespmem:s23+$0xCA00] =	vst.add.f32.msk $0xffff, v22  }
0x233: {  	[tilespmem:s23+$0xCA10] =	vst.add.f32.msk $0xffff, v23  }
0x234: {  	[tilespmem:s23+$0xCA20] =	vst.add.f32.msk $0xffff, v24  }
0x235: {  	[tilespmem:s23+$0xCA30] =	vst.add.f32.msk $0xffff, v25  }
0x236: {  	[tilespmem:s23+$0xCA40] =	vst.add.f32.msk $0xffff, v26  }
0x237: {  	[tilespmem:s23+$0xCA50] =	vst.add.f32.msk $0xffff, v27  }
0x238: {  	[tilespmem:s23+$0xCA60] =	vst.add.f32.msk $0xffff, v28  }
0x239: {  	[tilespmem:s23+$0xCA70] =	vst.add.f32.msk $0xffff, v29  }
0x23a: {  	[tilespmem:s23+$0xCE00] =	vst.add.f32.msk $0xffff, v30  }
0x23b: {  	[tilespmem:s23+$0xCE10] =	vst.add.f32.msk $0xffff, v31  }
0x23c: {  	[tilespmem:s23+$0xCE20] =	vst.add.f32.msk $0xffff, v32  }
0x23d: {  	[tilespmem:s23+$0xCE30] =	vst.add.f32.msk $0xffff, v33  }
0x23e: {  	[tilespmem:s23+$0xCE40] =	vst.add.f32.msk $0xffff, v34  }
0x23f: {  	[tilespmem:s23+$0xCE50] =	vst.add.f32.msk $0xffff, v35  }
0x240: {  	[tilespmem:s23+$0xCE60] =	vst.add.f32.msk $0xffff, v36  }
0x241: {  	[tilespmem:s23+$0xCE70] =	vst.add.f32.msk $0xffff, v37  }
0x242: {  	[tilespmem:s23+$0xD200] =	vst.add.f32.msk $0xffff, v52  }
0x243: {  	[tilespmem:s23+$0xD210] =	vst.add.f32.msk $0xffff, v53  }
0x244: {  	[tilespmem:s23+$0xD220] =	vst.add.f32.msk $0xffff, v54  }
0x245: {  	[tilespmem:s23+$0xD230] =	vst.add.f32.msk $0xffff, v55  }
0x246: {  	[tilespmem:s23+$0xD240] =	vst.add.f32.msk $0xffff, v56  }
0x247: {  	[tilespmem:s23+$0xD250] =	vst.add.f32.msk $0xffff, v57  }
0x248: {  	[tilespmem:s23+$0xD260] =	vst.add.f32.msk $0xffff, v58  }
0x249: {  	[tilespmem:s23+$0xD270] =	vst.add.f32.msk $0xffff, v59  }
0x24a: {  	[tilespmem:s23+$0xD600] =	vst.add.f32.msk $0xffff, v60  }
0x24b: {  	[tilespmem:s23+$0xD610] =	vst.add.f32.msk $0xffff, v61  }
0x24c: {  	[tilespmem:s23+$0xD620] =	vst.add.f32.msk $0xffff, v62  }
0x24d: {  	s25 =	simm.s32 $0x0;
	s24 =	simm.s32 $0x2;
	[tilespmem:s23+$0xD630] =	vst.add.f32.msk $0xffff, v63  }
.LBB2_4:
0x24e: {  	p0 =	sne.s32 s24, $0x3F;
	s25 =	smul.u32 $0x1800, s25;
	[tilespmem:s23+$0xD640] =	vst.add.f32.msk $0xffff, v5;
	s22 =	sadd.s32 $0x80, s22  }
0x24f: {  	s26 =	sand.u32 $0x380, s22;
	[tilespmem:s23+$0xD650] =	vst.add.f32.msk $0xffff, v4  }
0x250: {  	[tilespmem:s23+$0xD660] =	vst.add.f32.msk $0xffff, v3;
	s23 =	sor.u32 s26, s25  }
0x251: {  	v3 =	vld [tilespmem:s23+$0x1670]  }
0x252: {  	v6 =	vld [tilespmem:s23+$0x200]  }
0x253: {  	v7 =	vld [tilespmem:s23+$0x210]  }
0x254: {  	v8 =	vld [tilespmem:s23+$0x220]  }
0x255: {  	v9 =	vld [tilespmem:s23+$0x230]  }
0x256: {  	[tilespmem:s23+$0xD670] =	vst.add.f32.msk $0xffff, v3  }
0x257: {  	v10 =	vld [tilespmem:s23+$0x240]  }
0x258: {  	v11 =	vld [tilespmem:s23+$0x250]  }
0x259: {  	v12 =	vld [tilespmem:s23+$0x260]  }
0x25a: {  	v13 =	vld [tilespmem:s23+$0x270]  }
0x25b: {  	v14 =	vld [tilespmem:s23+$0x600]  }
0x25c: {  	v15 =	vld [tilespmem:s23+$0x610]  }
0x25d: {  	v16 =	vld [tilespmem:s23+$0x620]  }
0x25e: {  	v17 =	vld [tilespmem:s23+$0x630]  }
0x25f: {  	v18 =	vld [tilespmem:s23+$0x640]  }
0x260: {  	v19 =	vld [tilespmem:s23+$0x650]  }
0x261: {  	v20 =	vld [tilespmem:s23+$0x660]  }
0x262: {  	v21 =	vld [tilespmem:s23+$0x670]  }
0x263: {  	v22 =	vld [tilespmem:s23+$0xA00]  }
0x264: {  	v23 =	vld [tilespmem:s23+$0xA10]  }
0x265: {  	v24 =	vld [tilespmem:s23+$0xA20]  }
0x266: {  	v25 =	vld [tilespmem:s23+$0xA30]  }
0x267: {  	v26 =	vld [tilespmem:s23+$0xA40]  }
0x268: {  	v27 =	vld [tilespmem:s23+$0xA50]  }
0x269: {  	v28 =	vld [tilespmem:s23+$0xA60]  }
0x26a: {  	v29 =	vld [tilespmem:s23+$0xA70]  }
0x26b: {  	v30 =	vld [tilespmem:s23+$0xE00]  }
0x26c: {  	v31 =	vld [tilespmem:s23+$0xE10]  }
0x26d: {  	v32 =	vld [tilespmem:s23+$0xE20]  }
0x26e: {  	v33 =	vld [tilespmem:s23+$0xE30]  }
0x26f: {  	v34 =	vld [tilespmem:s23+$0xE40]  }
0x270: {  	v35 =	vld [tilespmem:s23+$0xE50]  }
0x271: {  	v36 =	vld [tilespmem:s23+$0xE60]  }
0x272: {  	v37 =	vld [tilespmem:s23+$0xE70]  }
0x273: {  	v38 =	vld [tilespmem:s23+$0x1200]  }
0x274: {  	v39 =	vld [tilespmem:s23+$0x1210]  }
0x275: {  	v40 =	vld [tilespmem:s23+$0x1220]  }
0x276: {  	v41 =	vld [tilespmem:s23+$0x1230]  }
0x277: {  	v42 =	vld [tilespmem:s23+$0x1240]  }
0x278: {  	v43 =	vld [tilespmem:s23+$0x1250]  }
0x279: {  	v44 =	vld [tilespmem:s23+$0x1260]  }
0x27a: {  	v45 =	vld [tilespmem:s23+$0x1270]  }
0x27b: {  	v46 =	vld [tilespmem:s23+$0x1600]  }
0x27c: {  	v47 =	vld [tilespmem:s23+$0x1610]  }
0x27d: {  	v48 =	vld [tilespmem:s23+$0x1620]  }
0x27e: {  	v49 =	vld [tilespmem:s23+$0x1630]  }
0x27f: {  	v5 =	vld [tilespmem:s23+$0x1640]  }
0x280: {  	v4 =	vld [tilespmem:s23+$0x1650]  }
0x281: {  	v3 =	vld [tilespmem:s23+$0x1660]  }
0x282: {  	[tilespmem:s23+$0xC200] =	vst.add.f32.msk $0xffff, v6  }
0x283: {  	[tilespmem:s23+$0xC210] =	vst.add.f32.msk $0xffff, v7  }
0x284: {  	[tilespmem:s23+$0xC220] =	vst.add.f32.msk $0xffff, v8  }
0x285: {  	[tilespmem:s23+$0xC230] =	vst.add.f32.msk $0xffff, v9  }
0x286: {  	[tilespmem:s23+$0xC240] =	vst.add.f32.msk $0xffff, v10  }
0x287: {  	[tilespmem:s23+$0xC250] =	vst.add.f32.msk $0xffff, v11  }
0x288: {  	[tilespmem:s23+$0xC260] =	vst.add.f32.msk $0xffff, v12  }
0x289: {  	[tilespmem:s23+$0xC270] =	vst.add.f32.msk $0xffff, v13  }
0x28a: {  	[tilespmem:s23+$0xC600] =	vst.add.f32.msk $0xffff, v14  }
0x28b: {  	[tilespmem:s23+$0xC610] =	vst.add.f32.msk $0xffff, v15  }
0x28c: {  	[tilespmem:s23+$0xC620] =	vst.add.f32.msk $0xffff, v16  }
0x28d: {  	[tilespmem:s23+$0xC630] =	vst.add.f32.msk $0xffff, v17  }
0x28e: {  	[tilespmem:s23+$0xC640] =	vst.add.f32.msk $0xffff, v18  }
0x28f: {  	[tilespmem:s23+$0xC650] =	vst.add.f32.msk $0xffff, v19  }
0x290: {  	[tilespmem:s23+$0xC660] =	vst.add.f32.msk $0xffff, v20  }
0x291: {  	[tilespmem:s23+$0xC670] =	vst.add.f32.msk $0xffff, v21  }
0x292: {  	[tilespmem:s23+$0xCA00] =	vst.add.f32.msk $0xffff, v22  }
0x293: {  	[tilespmem:s23+$0xCA10] =	vst.add.f32.msk $0xffff, v23  }
0x294: {  	[tilespmem:s23+$0xCA20] =	vst.add.f32.msk $0xffff, v24  }
0x295: {  	[tilespmem:s23+$0xCA30] =	vst.add.f32.msk $0xffff, v25  }
0x296: {  	[tilespmem:s23+$0xCA40] =	vst.add.f32.msk $0xffff, v26  }
0x297: {  	[tilespmem:s23+$0xCA50] =	vst.add.f32.msk $0xffff, v27  }
0x298: {  	[tilespmem:s23+$0xCA60] =	vst.add.f32.msk $0xffff, v28  }
0x299: {  	[tilespmem:s23+$0xCA70] =	vst.add.f32.msk $0xffff, v29  }
0x29a: {  	[tilespmem:s23+$0xCE00] =	vst.add.f32.msk $0xffff, v30  }
0x29b: {  	[tilespmem:s23+$0xCE10] =	vst.add.f32.msk $0xffff, v31  }
0x29c: {  	[tilespmem:s23+$0xCE20] =	vst.add.f32.msk $0xffff, v32  }
0x29d: {  	[tilespmem:s23+$0xCE30] =	vst.add.f32.msk $0xffff, v33  }
0x29e: {  	[tilespmem:s23+$0xCE40] =	vst.add.f32.msk $0xffff, v34  }
0x29f: {  	[tilespmem:s23+$0xCE50] =	vst.add.f32.msk $0xffff, v35  }
0x2a0: {  	[tilespmem:s23+$0xCE60] =	vst.add.f32.msk $0xffff, v36  }
0x2a1: {  	[tilespmem:s23+$0xCE70] =	vst.add.f32.msk $0xffff, v37  }
0x2a2: {  	[tilespmem:s23+$0xD200] =	vst.add.f32.msk $0xffff, v38  }
0x2a3: {  	[tilespmem:s23+$0xD210] =	vst.add.f32.msk $0xffff, v39  }
0x2a4: {  	[tilespmem:s23+$0xD220] =	vst.add.f32.msk $0xffff, v40  }
0x2a5: {  	[tilespmem:s23+$0xD230] =	vst.add.f32.msk $0xffff, v41  }
0x2a6: {  	[tilespmem:s23+$0xD240] =	vst.add.f32.msk $0xffff, v42  }
0x2a7: {  	[tilespmem:s23+$0xD250] =	vst.add.f32.msk $0xffff, v43  }
0x2a8: {  	[tilespmem:s23+$0xD260] =	vst.add.f32.msk $0xffff, v44  }
.Ltmp1:
0x2a9: {  	[tilespmem:s23+$0xD270] =	vst.add.f32.msk $0xffff, v45;
	(pc) =	sbr.rel @p0 .LBB2_4-.Ltmp1, $4  }
0x2aa: {  	[tilespmem:s23+$0xD600] =	vst.add.f32.msk $0xffff, v46  }
0x2ab: {  	[tilespmem:s23+$0xD610] =	vst.add.f32.msk $0xffff, v47  }
0x2ac: {  	[tilespmem:s23+$0xD620] =	vst.add.f32.msk $0xffff, v48  }
0x2ad: {  	s25 =	sshrl.u32 s24, $0x3;
	s24 =	sadd.s32 $0x1, s24;
	[tilespmem:s23+$0xD630] =	vst.add.f32.msk $0xffff, v49  }
0x2ae: {  	s24 =	smul.u32 $0x1800, s25;
	[tilespmem:s23+$0xD640] =	vst.add.f32.msk $0xffff, v5;
	s22 =	sadd.s32 $0x80, s22  }
0x2af: {  	[tilespmem:s23+$0xD650] =	vst.add.f32.msk $0xffff, v4;
	s22 =	sand.u32 $0x380, s22  }
0x2b0: {  	[tilespmem:s23+$0xD660] =	vst.add.f32.msk $0xffff, v3;
	s22 =	sor.u32 s22, s24  }
0x2b1: {  	v3 =	vld [tilespmem:s22+$0x1670]  }
0x2b2: {  	v4 =	vld [tilespmem:s22+$0x200]  }
0x2b3: {  	v5 =	vld [tilespmem:s22+$0x210]  }
0x2b4: {  	v6 =	vld [tilespmem:s22+$0x220]  }
0x2b5: {  	v7 =	vld [tilespmem:s22+$0x230]  }
0x2b6: {  	v8 =	vld [tilespmem:s22+$0x250]  }
0x2b7: {  	v9 =	vld [tilespmem:s22+$0x260]  }
0x2b8: {  	v10 =	vld [tilespmem:s22+$0x270]  }
0x2b9: {  	v11 =	vld [tilespmem:s22+$0x600]  }
0x2ba: {  	v12 =	vld [tilespmem:s22+$0x610]  }
0x2bb: {  	v13 =	vld [tilespmem:s22+$0x620]  }
0x2bc: {  	v14 =	vld [tilespmem:s22+$0x630]  }
0x2bd: {  	v15 =	vld [tilespmem:s22+$0x640]  }
0x2be: {  	v16 =	vld [tilespmem:s22+$0x650]  }
0x2bf: {  	v17 =	vld [tilespmem:s22+$0x660]  }
0x2c0: {  	v18 =	vld [tilespmem:s22+$0x670]  }
0x2c1: {  	v19 =	vld [tilespmem:s22+$0xA00]  }
0x2c2: {  	v20 =	vld [tilespmem:s22+$0xA10]  }
0x2c3: {  	v21 =	vld [tilespmem:s22+$0xA20]  }
0x2c4: {  	v22 =	vld [tilespmem:s22+$0xA30]  }
0x2c5: {  	v23 =	vld [tilespmem:s22+$0xA40]  }
0x2c6: {  	v24 =	vld [tilespmem:s22+$0xA50]  }
0x2c7: {  	v25 =	vld [tilespmem:s22+$0xA60]  }
0x2c8: {  	v26 =	vld [tilespmem:s22+$0xA70]  }
0x2c9: {  	v27 =	vld [tilespmem:s22+$0xE00]  }
0x2ca: {  	v28 =	vld [tilespmem:s22+$0xE10]  }
0x2cb: {  	v29 =	vld [tilespmem:s22+$0xE20]  }
0x2cc: {  	v30 =	vld [tilespmem:s22+$0xE30]  }
0x2cd: {  	v31 =	vld [tilespmem:s22+$0xE40]  }
0x2ce: {  	v32 =	vld [tilespmem:s22+$0xE50]  }
0x2cf: {  	v33 =	vld [tilespmem:s22+$0xE60]  }
0x2d0: {  	v34 =	vld [tilespmem:s22+$0xE70]  }
0x2d1: {  	v35 =	vld [tilespmem:s22+$0x1200]  }
0x2d2: {  	v36 =	vld [tilespmem:s22+$0x1210]  }
0x2d3: {  	v37 =	vld [tilespmem:s22+$0x1220]  }
0x2d4: {  	v38 =	vld [tilespmem:s22+$0x1230]  }
0x2d5: {  	v39 =	vld [tilespmem:s22+$0x1240]  }
0x2d6: {  	v40 =	vld [tilespmem:s22+$0x1250]  }
0x2d7: {  	v41 =	vld [tilespmem:s22+$0x1260]  }
0x2d8: {  	v42 =	vld [tilespmem:s22+$0x1270]  }
0x2d9: {  	v43 =	vld [tilespmem:s22+$0x1600]  }
0x2da: {  	v44 =	vld [tilespmem:s22+$0x1610]  }
0x2db: {  	v45 =	vld [tilespmem:s22+$0x1620]  }
0x2dc: {  	v46 =	vld [tilespmem:s22+$0x1630]  }
0x2dd: {  	v47 =	vld [tilespmem:s22+$0x1640]  }
0x2de: {  	v48 =	vld [tilespmem:s22+$0x1650]  }
0x2df: {  	v49 =	vld [tilespmem:s22+$0x1660]  }
0x2e0: {  	[tilespmem:s22+$0xD670] =	vst.add.f32.msk $0xffff, v3  }
0x2e1: {  	v3 =	vld [tilespmem:s22+$0x240]  }
0x2e2: {  	[tilespmem:s22+$0xC200] =	vst.add.f32.msk $0xffff, v4  }
0x2e3: {  	[tilespmem:s22+$0xC210] =	vst.add.f32.msk $0xffff, v5  }
0x2e4: {  	[tilespmem:s22+$0xC220] =	vst.add.f32.msk $0xffff, v6  }
0x2e5: {  	[tilespmem:s22+$0xC230] =	vst.add.f32.msk $0xffff, v7  }
0x2e6: {  	[tilespmem:s22+$0xC250] =	vst.add.f32.msk $0xffff, v8  }
0x2e7: {  	[tilespmem:s22+$0xC260] =	vst.add.f32.msk $0xffff, v9  }
0x2e8: {  	[tilespmem:s22+$0xC270] =	vst.add.f32.msk $0xffff, v10  }
0x2e9: {  	[tilespmem:s22+$0xC600] =	vst.add.f32.msk $0xffff, v11  }
0x2ea: {  	[tilespmem:s22+$0xC610] =	vst.add.f32.msk $0xffff, v12  }
0x2eb: {  	[tilespmem:s22+$0xC620] =	vst.add.f32.msk $0xffff, v13  }
0x2ec: {  	[tilespmem:s22+$0xC630] =	vst.add.f32.msk $0xffff, v14  }
0x2ed: {  	[tilespmem:s22+$0xC640] =	vst.add.f32.msk $0xffff, v15  }
0x2ee: {  	[tilespmem:s22+$0xC650] =	vst.add.f32.msk $0xffff, v16  }
0x2ef: {  	[tilespmem:s22+$0xC660] =	vst.add.f32.msk $0xffff, v17  }
0x2f0: {  	[tilespmem:s22+$0xC670] =	vst.add.f32.msk $0xffff, v18  }
0x2f1: {  	[tilespmem:s22+$0xCA00] =	vst.add.f32.msk $0xffff, v19  }
0x2f2: {  	[tilespmem:s22+$0xCA10] =	vst.add.f32.msk $0xffff, v20  }
0x2f3: {  	[tilespmem:s22+$0xCA20] =	vst.add.f32.msk $0xffff, v21  }
0x2f4: {  	[tilespmem:s22+$0xCA30] =	vst.add.f32.msk $0xffff, v22  }
0x2f5: {  	[tilespmem:s22+$0xCA40] =	vst.add.f32.msk $0xffff, v23  }
0x2f6: {  	[tilespmem:s22+$0xCA50] =	vst.add.f32.msk $0xffff, v24  }
0x2f7: {  	[tilespmem:s22+$0xCA60] =	vst.add.f32.msk $0xffff, v25  }
0x2f8: {  	[tilespmem:s22+$0xCA70] =	vst.add.f32.msk $0xffff, v26  }
0x2f9: {  	[tilespmem:s22+$0xCE00] =	vst.add.f32.msk $0xffff, v27  }
0x2fa: {  	[tilespmem:s22+$0xCE10] =	vst.add.f32.msk $0xffff, v28  }
0x2fb: {  	[tilespmem:s22+$0xCE20] =	vst.add.f32.msk $0xffff, v29  }
0x2fc: {  	[tilespmem:s22+$0xCE30] =	vst.add.f32.msk $0xffff, v30  }
0x2fd: {  	[tilespmem:s22+$0xCE40] =	vst.add.f32.msk $0xffff, v31  }
0x2fe: {  	[tilespmem:s22+$0xCE50] =	vst.add.f32.msk $0xffff, v32  }
0x2ff: {  	[tilespmem:s22+$0xCE60] =	vst.add.f32.msk $0xffff, v33  }
0x300: {  	[tilespmem:s22+$0xCE70] =	vst.add.f32.msk $0xffff, v34  }
0x301: {  	[tilespmem:s22+$0xD200] =	vst.add.f32.msk $0xffff, v35  }
0x302: {  	[tilespmem:s22+$0xD210] =	vst.add.f32.msk $0xffff, v36  }
0x303: {  	[tilespmem:s22+$0xD220] =	vst.add.f32.msk $0xffff, v37  }
0x304: {  	[tilespmem:s22+$0xD230] =	vst.add.f32.msk $0xffff, v38  }
0x305: {  	[tilespmem:s22+$0xD240] =	vst.add.f32.msk $0xffff, v39  }
0x306: {  	[tilespmem:s22+$0xD250] =	vst.add.f32.msk $0xffff, v40  }
0x307: {  	[tilespmem:s22+$0xD260] =	vst.add.f32.msk $0xffff, v41  }
0x308: {  	[tilespmem:s22+$0xD270] =	vst.add.f32.msk $0xffff, v42  }
0x309: {  	[tilespmem:s22+$0xD600] =	vst.add.f32.msk $0xffff, v43  }
0x30a: {  	[tilespmem:s22+$0xD610] =	vst.add.f32.msk $0xffff, v44  }
0x30b: {  	[tilespmem:s22+$0xD620] =	vst.add.f32.msk $0xffff, v45  }
0x30c: {  	[tilespmem:s22+$0xD630] =	vst.add.f32.msk $0xffff, v46  }
0x30d: {  	[tilespmem:s22+$0xD640] =	vst.add.f32.msk $0xffff, v47  }
0x30e: {  	[tilespmem:s22+$0xD650] =	vst.add.f32.msk $0xffff, v48  }
0x30f: {  	[tilespmem:s22+$0xD660] =	vst.add.f32.msk $0xffff, v49  }
0x310: {  	s25 =	rddreg [dreg:$0xb];
	[tilespmem:s22+$0xC240] =	vst.add.f32.msk $0xffff, v3;
	s22 =	simm.s32 $0x0  }
0x311: {  	[hbm4b:s25+s22] =	stream.linear.scatter [tilespmem:s21], [sflag:$0x2], $0xC000, $0x38;
	[tilespmem:$0x18200] =	vst v63  }
0x312: {  	_ =	swait.ge [sflag:s17], $0xC000  }
0x313: {  	[sflag:s17] =	ssyncset.done $0x0  }
0x314: {  	[sflag:s17] =	ssyncadd.s32 $0xFFFF4000  }
0x315: {  	v3 =	vld [tilespmem:$0x100];
	_ =	sdelay $0x4  }
0x316: {  	v4 =	vshrl.u32 v3, $0x3  }
0x317: {  	v4 =	vmul.u32 $0x30, v4  }
0x318: {  	v3 =	vand.u32 $0x7, v3  }
0x319: {  	v3 =	vor.u32 v3, v4  }
0x31a: {  	v4 =	vperm.xlane v3, v0;
	_ =	sdelay $0x1  }
0x31b: {  	v4 =	vadd.s32 v1, v4;
	_ =	sdelay $0x3  }
0x31c: {  	v3 =	vperm.xlane v3, v2  }
0x31d: {  	[tilespmem:s21], [sflag:$0x1] =	stream.indirect_vreg.gather [hbm4b:s1+s22], $0x80, v4, vm0, $0xb8;
	[tilespmem:$0x18200] =	vst v63  }
0x31e: {  	s26 =	simm.s32 $0xCA00;
	v3 =	vadd.s32 v1, v3  }
0x31f: {  	[tilespmem:s26], [sflag:$0x1] =	stream.indirect_vreg.gather [hbm4b:s9+s22], $0x80, v4, vm0, $0xb8;
	[tilespmem:$0x18200] =	vst v63  }
0x320: {  	s24 =	simm.s32 $0xD200  }
0x321: {  	[tilespmem:s24], [sflag:$0x1] =	stream.indirect_vreg.gather [hbm4b:s10+s22], $0x80, v4, vm0, $0xb8;
	[tilespmem:$0x18200] =	vst v63  }
0x322: {  	s25 =	simm.s32 $0xDA00  }
0x323: {  	[tilespmem:s25], [sflag:$0x1] =	stream.indirect_vreg.gather [hbm4b:s1+s22], $0x80, v3, vm0, $0xb8;
	[tilespmem:$0x18200] =	vst v63  }
0x324: {  	s26 =	simm.s32 $0xE200  }
0x325: {  	[tilespmem:s26], [sflag:$0x1] =	stream.indirect_vreg.gather [hbm4b:s9+s22], $0x80, v3, vm0, $0xb8;
	[tilespmem:$0x18200] =	vst v63  }
0x326: {  	s24 =	simm.s32 $0xEA00  }
0x327: {  	[tilespmem:s24], [sflag:$0x1] =	stream.indirect_vreg.gather [hbm4b:s10+s22], $0x80, v3, vm0, $0xb8;
	[tilespmem:$0x18200] =	vst v63  }
0x328: {  	v3 =	vld [tilespmem:$0x110];
	_ =	sdelay $0x4  }
0x329: {  	v4 =	vshrl.u32 v3, $0x3  }
0x32a: {  	v4 =	vmul.u32 $0x30, v4  }
0x32b: {  	v3 =	vand.u32 $0x7, v3  }
0x32c: {  	v3 =	vor.u32 v3, v4  }
0x32d: {  	v4 =	vperm.xlane v3, v0;
	_ =	sdelay $0x1  }
0x32e: {  	v4 =	vadd.s32 v1, v4;
	_ =	sdelay $0x3  }
0x32f: {  	v3 =	vperm.xlane v3, v2  }
0x330: {  	[tilespmem:s28], [sflag:$0x1] =	stream.indirect_vreg.gather [hbm4b:s1+s22], $0x80, v4, vm0, $0xb8;
	[tilespmem:$0x18200] =	vst v63  }
0x331: {  	v3 =	vadd.s32 v1, v3  }
0x332: {  	[tilespmem:s29], [sflag:$0x1] =	stream.indirect_vreg.gather [hbm4b:s9+s22], $0x80, v4, vm0, $0xb8;
	[tilespmem:$0x18200] =	vst v63  }
0x333: {  	_ = 	snop  }
0x334: {  	[tilespmem:s30], [sflag:$0x1] =	stream.indirect_vreg.gather [hbm4b:s10+s22], $0x80, v4, vm0, $0xb8;
	[tilespmem:$0x18200] =	vst v63  }
0x335: {  	_ = 	snop  }
0x336: {  	[tilespmem:s31], [sflag:$0x1] =	stream.indirect_vreg.gather [hbm4b:s1+s22], $0x80, v3, vm0, $0xb8;
	[tilespmem:$0x18200] =	vst v63  }
0x337: {  	_ = 	snop  }
0x338: {  	[tilespmem:s0], [sflag:$0x1] =	stream.indirect_vreg.gather [hbm4b:s9+s22], $0x80, v3, vm0, $0xb8;
	[tilespmem:$0x18200] =	vst v63  }
0x339: {  	_ = 	snop  }
0x33a: {  	[tilespmem:s2], [sflag:$0x1] =	stream.indirect_vreg.gather [hbm4b:s10+s22], $0x80, v3, vm0, $0xb8;
	[tilespmem:$0x18200] =	vst v63  }
0x33b: {  	v3 =	vld [tilespmem:$0x120];
	_ =	sdelay $0x4  }
0x33c: {  	v4 =	vshrl.u32 v3, $0x3  }
0x33d: {  	v4 =	vmul.u32 $0x30, v4  }
0x33e: {  	v3 =	vand.u32 $0x7, v3  }
0x33f: {  	v3 =	vor.u32 v3, v4  }
0x340: {  	v4 =	vperm.xlane v3, v0;
	_ =	sdelay $0x1  }
0x341: {  	v4 =	vadd.s32 v1, v4;
	_ =	sdelay $0x3  }
0x342: {  	v3 =	vperm.xlane v3, v2  }
0x343: {  	[tilespmem:s16], [sflag:$0x1] =	stream.indirect_vreg.gather [hbm4b:s1+s22], $0x80, v4, vm0, $0xb8;
	[tilespmem:$0x18200] =	vst v63  }
0x344: {  	v3 =	vadd.s32 v1, v3  }
0x345: {  	[tilespmem:s18], [sflag:$0x1] =	stream.indirect_vreg.gather [hbm4b:s9+s22], $0x80, v4, vm0, $0xb8;
	[tilespmem:$0x18200] =	vst v63  }
0x346: {  	_ = 	snop  }
0x347: {  	[tilespmem:s19], [sflag:$0x1] =	stream.indirect_vreg.gather [hbm4b:s10+s22], $0x80, v4, vm0, $0xb8;
	[tilespmem:$0x18200] =	vst v63  }
0x348: {  	_ = 	snop  }
0x349: {  	[tilespmem:s20], [sflag:$0x1] =	stream.indirect_vreg.gather [hbm4b:s1+s22], $0x80, v3, vm0, $0xb8;
	[tilespmem:$0x18200] =	vst v63  }
0x34a: {  	_ = 	snop  }
0x34b: {  	[tilespmem:s4], [sflag:$0x1] =	stream.indirect_vreg.gather [hbm4b:s9+s22], $0x80, v3, vm0, $0xb8;
	[tilespmem:$0x18200] =	vst v63  }
0x34c: {  	_ = 	snop  }
0x34d: {  	[tilespmem:s5], [sflag:$0x1] =	stream.indirect_vreg.gather [hbm4b:s10+s22], $0x80, v3, vm0, $0xb8;
	[tilespmem:$0x18200] =	vst v63  }
0x34e: {  	v3 =	vld [tilespmem:$0x130];
	_ =	sdelay $0x4  }
0x34f: {  	v4 =	vshrl.u32 v3, $0x3  }
0x350: {  	v4 =	vmul.u32 $0x30, v4  }
0x351: {  	v3 =	vand.u32 $0x7, v3  }
0x352: {  	v3 =	vor.u32 v3, v4  }
0x353: {  	v4 =	vperm.xlane v3, v0;
	_ =	sdelay $0x1  }
0x354: {  	v4 =	vadd.s32 v1, v4;
	_ =	sdelay $0x3  }
0x355: {  	v3 =	vperm.xlane v3, v2  }
0x356: {  	[tilespmem:s6], [sflag:$0x1] =	stream.indirect_vreg.gather [hbm4b:s1+s22], $0x80, v4, vm0, $0xb8;
	[tilespmem:$0x18200] =	vst v63  }
0x357: {  	v3 =	vadd.s32 v1, v3  }
0x358: {  	[tilespmem:s7], [sflag:$0x1] =	stream.indirect_vreg.gather [hbm4b:s9+s22], $0x80, v4, vm0, $0xb8;
	[tilespmem:$0x18200] =	vst v63  }
0x359: {  	_ = 	snop  }
0x35a: {  	[tilespmem:s8], [sflag:$0x1] =	stream.indirect_vreg.gather [hbm4b:s10+s22], $0x80, v4, vm0, $0xb8;
	[tilespmem:$0x18200] =	vst v63  }
0x35b: {  	_ = 	snop  }
0x35c: {  	[tilespmem:s11], [sflag:$0x1] =	stream.indirect_vreg.gather [hbm4b:s1+s22], $0x80, v3, vm0, $0xb8;
	[tilespmem:$0x18200] =	vst v63  }
0x35d: {  	_ = 	snop  }
0x35e: {  	[tilespmem:s12], [sflag:$0x1] =	stream.indirect_vreg.gather [hbm4b:s9+s22], $0x80, v3, vm0, $0xb8;
	[tilespmem:$0x18200] =	vst v63  }
0x35f: {  	s25 =	simm.s32 $0x0  }
0x360: {  	[tilespmem:s13], [sflag:$0x1] =	stream.indirect_vreg.gather [hbm4b:s10+s22], $0x80, v3, vm0, $0xb8;
	[tilespmem:$0x18200] =	vst v63  }
0x361: {  	s23 =	smul.u32 $0x1800, s25;
	_ =	swait.ge [sflag:s14], $0xC000  }
0x362: {  	s26 =	sand.u32 $0x380, s22;
	[sflag:s14] =	ssyncset.done $0x0  }
0x363: {  	s23 =	sor.u32 s26, s23;
	[sflag:s14] =	ssyncadd.s32 $0xFFFF4000  }
0x364: {  	v3 =	vld [tilespmem:s23+$0x1670]  }
0x365: {  	v6 =	vld [tilespmem:s23+$0x200]  }
0x366: {  	v7 =	vld [tilespmem:s23+$0x210]  }
0x367: {  	v8 =	vld [tilespmem:s23+$0x220]  }
0x368: {  	v9 =	vld [tilespmem:s23+$0x230]  }
0x369: {  	v10 =	vld [tilespmem:s23+$0x240]  }
0x36a: {  	v11 =	vld [tilespmem:s23+$0x250]  }
0x36b: {  	v12 =	vld [tilespmem:s23+$0x260]  }
0x36c: {  	v13 =	vld [tilespmem:s23+$0x270]  }
0x36d: {  	v14 =	vld [tilespmem:s23+$0x600]  }
0x36e: {  	v15 =	vld [tilespmem:s23+$0x610]  }
0x36f: {  	v16 =	vld [tilespmem:s23+$0x620]  }
0x370: {  	v17 =	vld [tilespmem:s23+$0x630]  }
0x371: {  	v18 =	vld [tilespmem:s23+$0x640]  }
0x372: {  	v19 =	vld [tilespmem:s23+$0x650]  }
0x373: {  	v20 =	vld [tilespmem:s23+$0x660]  }
0x374: {  	v21 =	vld [tilespmem:s23+$0x670]  }
0x375: {  	v22 =	vld [tilespmem:s23+$0xA00]  }
0x376: {  	v23 =	vld [tilespmem:s23+$0xA10]  }
0x377: {  	v24 =	vld [tilespmem:s23+$0xA20]  }
0x378: {  	v25 =	vld [tilespmem:s23+$0xA30]  }
0x379: {  	v26 =	vld [tilespmem:s23+$0xA40]  }
0x37a: {  	v27 =	vld [tilespmem:s23+$0xA50]  }
0x37b: {  	v28 =	vld [tilespmem:s23+$0xA60]  }
0x37c: {  	v29 =	vld [tilespmem:s23+$0xA70]  }
0x37d: {  	v30 =	vld [tilespmem:s23+$0xE00]  }
0x37e: {  	v31 =	vld [tilespmem:s23+$0xE10]  }
0x37f: {  	v32 =	vld [tilespmem:s23+$0xE20]  }
0x380: {  	v33 =	vld [tilespmem:s23+$0xE30]  }
0x381: {  	v34 =	vld [tilespmem:s23+$0xE40]  }
0x382: {  	v35 =	vld [tilespmem:s23+$0xE50]  }
0x383: {  	v36 =	vld [tilespmem:s23+$0xE60]  }
0x384: {  	v37 =	vld [tilespmem:s23+$0xE70]  }
0x385: {  	v52 =	vld [tilespmem:s23+$0x1200]  }
0x386: {  	v53 =	vld [tilespmem:s23+$0x1210]  }
0x387: {  	v54 =	vld [tilespmem:s23+$0x1220]  }
0x388: {  	v55 =	vld [tilespmem:s23+$0x1230]  }
0x389: {  	v56 =	vld [tilespmem:s23+$0x1240]  }
0x38a: {  	v57 =	vld [tilespmem:s23+$0x1250]  }
0x38b: {  	v58 =	vld [tilespmem:s23+$0x1260]  }
0x38c: {  	v59 =	vld [tilespmem:s23+$0x1270]  }
0x38d: {  	v60 =	vld [tilespmem:s23+$0x1600]  }
0x38e: {  	v61 =	vld [tilespmem:s23+$0x1610]  }
0x38f: {  	v62 =	vld [tilespmem:s23+$0x1620]  }
0x390: {  	v63 =	vld [tilespmem:s23+$0x1630]  }
0x391: {  	v5 =	vld [tilespmem:s23+$0x1640]  }
0x392: {  	v4 =	vld [tilespmem:s23+$0x1650]  }
0x393: {  	[tilespmem:s23+$0xD670] =	vst.add.f32.msk $0xffff, v3  }
0x394: {  	v3 =	vld [tilespmem:s23+$0x1660]  }
0x395: {  	[tilespmem:s23+$0xC200] =	vst.add.f32.msk $0xffff, v6  }
0x396: {  	[tilespmem:s23+$0xC210] =	vst.add.f32.msk $0xffff, v7  }
0x397: {  	[tilespmem:s23+$0xC220] =	vst.add.f32.msk $0xffff, v8  }
0x398: {  	[tilespmem:s23+$0xC230] =	vst.add.f32.msk $0xffff, v9  }
0x399: {  	[tilespmem:s23+$0xC240] =	vst.add.f32.msk $0xffff, v10  }
0x39a: {  	[tilespmem:s23+$0xC250] =	vst.add.f32.msk $0xffff, v11  }
0x39b: {  	[tilespmem:s23+$0xC260] =	vst.add.f32.msk $0xffff, v12  }
0x39c: {  	[tilespmem:s23+$0xC270] =	vst.add.f32.msk $0xffff, v13  }
0x39d: {  	[tilespmem:s23+$0xC600] =	vst.add.f32.msk $0xffff, v14  }
0x39e: {  	[tilespmem:s23+$0xC610] =	vst.add.f32.msk $0xffff, v15  }
0x39f: {  	[tilespmem:s23+$0xC620] =	vst.add.f32.msk $0xffff, v16  }
0x3a0: {  	[tilespmem:s23+$0xC630] =	vst.add.f32.msk $0xffff, v17  }
0x3a1: {  	[tilespmem:s23+$0xC640] =	vst.add.f32.msk $0xffff, v18  }
0x3a2: {  	[tilespmem:s23+$0xC650] =	vst.add.f32.msk $0xffff, v19  }
0x3a3: {  	[tilespmem:s23+$0xC660] =	vst.add.f32.msk $0xffff, v20  }
0x3a4: {  	[tilespmem:s23+$0xC670] =	vst.add.f32.msk $0xffff, v21  }
0x3a5: {  	[tilespmem:s23+$0xCA00] =	vst.add.f32.msk $0xffff, v22  }
0x3a6: {  	[tilespmem:s23+$0xCA10] =	vst.add.f32.msk $0xffff, v23  }
0x3a7: {  	[tilespmem:s23+$0xCA20] =	vst.add.f32.msk $0xffff, v24  }
0x3a8: {  	[tilespmem:s23+$0xCA30] =	vst.add.f32.msk $0xffff, v25  }
0x3a9: {  	[tilespmem:s23+$0xCA40] =	vst.add.f32.msk $0xffff, v26  }
0x3aa: {  	[tilespmem:s23+$0xCA50] =	vst.add.f32.msk $0xffff, v27  }
0x3ab: {  	[tilespmem:s23+$0xCA60] =	vst.add.f32.msk $0xffff, v28  }
0x3ac: {  	[tilespmem:s23+$0xCA70] =	vst.add.f32.msk $0xffff, v29  }
0x3ad: {  	[tilespmem:s23+$0xCE00] =	vst.add.f32.msk $0xffff, v30  }
0x3ae: {  	[tilespmem:s23+$0xCE10] =	vst.add.f32.msk $0xffff, v31  }
0x3af: {  	[tilespmem:s23+$0xCE20] =	vst.add.f32.msk $0xffff, v32  }
0x3b0: {  	[tilespmem:s23+$0xCE30] =	vst.add.f32.msk $0xffff, v33  }
0x3b1: {  	[tilespmem:s23+$0xCE40] =	vst.add.f32.msk $0xffff, v34  }
0x3b2: {  	[tilespmem:s23+$0xCE50] =	vst.add.f32.msk $0xffff, v35  }
0x3b3: {  	[tilespmem:s23+$0xCE60] =	vst.add.f32.msk $0xffff, v36  }
0x3b4: {  	[tilespmem:s23+$0xCE70] =	vst.add.f32.msk $0xffff, v37  }
0x3b5: {  	[tilespmem:s23+$0xD200] =	vst.add.f32.msk $0xffff, v52  }
0x3b6: {  	[tilespmem:s23+$0xD210] =	vst.add.f32.msk $0xffff, v53  }
0x3b7: {  	[tilespmem:s23+$0xD220] =	vst.add.f32.msk $0xffff, v54  }
0x3b8: {  	[tilespmem:s23+$0xD230] =	vst.add.f32.msk $0xffff, v55  }
0x3b9: {  	[tilespmem:s23+$0xD240] =	vst.add.f32.msk $0xffff, v56  }
0x3ba: {  	[tilespmem:s23+$0xD250] =	vst.add.f32.msk $0xffff, v57  }
0x3bb: {  	[tilespmem:s23+$0xD260] =	vst.add.f32.msk $0xffff, v58  }
0x3bc: {  	[tilespmem:s23+$0xD270] =	vst.add.f32.msk $0xffff, v59  }
0x3bd: {  	[tilespmem:s23+$0xD600] =	vst.add.f32.msk $0xffff, v60  }
0x3be: {  	[tilespmem:s23+$0xD610] =	vst.add.f32.msk $0xffff, v61  }
0x3bf: {  	[tilespmem:s23+$0xD620] =	vst.add.f32.msk $0xffff, v62  }
0x3c0: {  	s25 =	simm.s32 $0x0;
	s24 =	simm.s32 $0x2;
	[tilespmem:s23+$0xD630] =	vst.add.f32.msk $0xffff, v63  }
.LBB2_6:
0x3c1: {  	p0 =	sne.s32 s24, $0x3F;
	s25 =	smul.u32 $0x1800, s25;
	[tilespmem:s23+$0xD640] =	vst.add.f32.msk $0xffff, v5;
	s22 =	sadd.s32 $0x80, s22  }
0x3c2: {  	s26 =	sand.u32 $0x380, s22;
	[tilespmem:s23+$0xD650] =	vst.add.f32.msk $0xffff, v4  }
0x3c3: {  	[tilespmem:s23+$0xD660] =	vst.add.f32.msk $0xffff, v3;
	s23 =	sor.u32 s26, s25  }
0x3c4: {  	v3 =	vld [tilespmem:s23+$0x1670]  }
0x3c5: {  	v6 =	vld [tilespmem:s23+$0x200]  }
0x3c6: {  	v7 =	vld [tilespmem:s23+$0x210]  }
0x3c7: {  	v8 =	vld [tilespmem:s23+$0x220]  }
0x3c8: {  	v9 =	vld [tilespmem:s23+$0x230]  }
0x3c9: {  	[tilespmem:s23+$0xD670] =	vst.add.f32.msk $0xffff, v3  }
0x3ca: {  	v10 =	vld [tilespmem:s23+$0x240]  }
0x3cb: {  	v11 =	vld [tilespmem:s23+$0x250]  }
0x3cc: {  	v12 =	vld [tilespmem:s23+$0x260]  }
0x3cd: {  	v13 =	vld [tilespmem:s23+$0x270]  }
0x3ce: {  	v14 =	vld [tilespmem:s23+$0x600]  }
0x3cf: {  	v15 =	vld [tilespmem:s23+$0x610]  }
0x3d0: {  	v16 =	vld [tilespmem:s23+$0x620]  }
0x3d1: {  	v17 =	vld [tilespmem:s23+$0x630]  }
0x3d2: {  	v18 =	vld [tilespmem:s23+$0x640]  }
0x3d3: {  	v19 =	vld [tilespmem:s23+$0x650]  }
0x3d4: {  	v20 =	vld [tilespmem:s23+$0x660]  }
0x3d5: {  	v21 =	vld [tilespmem:s23+$0x670]  }
0x3d6: {  	v22 =	vld [tilespmem:s23+$0xA00]  }
0x3d7: {  	v23 =	vld [tilespmem:s23+$0xA10]  }
0x3d8: {  	v24 =	vld [tilespmem:s23+$0xA20]  }
0x3d9: {  	v25 =	vld [tilespmem:s23+$0xA30]  }
0x3da: {  	v26 =	vld [tilespmem:s23+$0xA40]  }
0x3db: {  	v27 =	vld [tilespmem:s23+$0xA50]  }
0x3dc: {  	v28 =	vld [tilespmem:s23+$0xA60]  }
0x3dd: {  	v29 =	vld [tilespmem:s23+$0xA70]  }
0x3de: {  	v30 =	vld [tilespmem:s23+$0xE00]  }
0x3df: {  	v31 =	vld [tilespmem:s23+$0xE10]  }
0x3e0: {  	v32 =	vld [tilespmem:s23+$0xE20]  }
0x3e1: {  	v33 =	vld [tilespmem:s23+$0xE30]  }
0x3e2: {  	v34 =	vld [tilespmem:s23+$0xE40]  }
0x3e3: {  	v35 =	vld [tilespmem:s23+$0xE50]  }
0x3e4: {  	v36 =	vld [tilespmem:s23+$0xE60]  }
0x3e5: {  	v37 =	vld [tilespmem:s23+$0xE70]  }
0x3e6: {  	v38 =	vld [tilespmem:s23+$0x1200]  }
0x3e7: {  	v39 =	vld [tilespmem:s23+$0x1210]  }
0x3e8: {  	v40 =	vld [tilespmem:s23+$0x1220]  }
0x3e9: {  	v41 =	vld [tilespmem:s23+$0x1230]  }
0x3ea: {  	v42 =	vld [tilespmem:s23+$0x1240]  }
0x3eb: {  	v43 =	vld [tilespmem:s23+$0x1250]  }
0x3ec: {  	v44 =	vld [tilespmem:s23+$0x1260]  }
0x3ed: {  	v45 =	vld [tilespmem:s23+$0x1270]  }
0x3ee: {  	v46 =	vld [tilespmem:s23+$0x1600]  }
0x3ef: {  	v47 =	vld [tilespmem:s23+$0x1610]  }
0x3f0: {  	v48 =	vld [tilespmem:s23+$0x1620]  }
0x3f1: {  	v49 =	vld [tilespmem:s23+$0x1630]  }
0x3f2: {  	v5 =	vld [tilespmem:s23+$0x1640]  }
0x3f3: {  	v4 =	vld [tilespmem:s23+$0x1650]  }
0x3f4: {  	v3 =	vld [tilespmem:s23+$0x1660]  }
0x3f5: {  	[tilespmem:s23+$0xC200] =	vst.add.f32.msk $0xffff, v6  }
0x3f6: {  	[tilespmem:s23+$0xC210] =	vst.add.f32.msk $0xffff, v7  }
0x3f7: {  	[tilespmem:s23+$0xC220] =	vst.add.f32.msk $0xffff, v8  }
0x3f8: {  	[tilespmem:s23+$0xC230] =	vst.add.f32.msk $0xffff, v9  }
0x3f9: {  	[tilespmem:s23+$0xC240] =	vst.add.f32.msk $0xffff, v10  }
0x3fa: {  	[tilespmem:s23+$0xC250] =	vst.add.f32.msk $0xffff, v11  }
0x3fb: {  	[tilespmem:s23+$0xC260] =	vst.add.f32.msk $0xffff, v12  }
0x3fc: {  	[tilespmem:s23+$0xC270] =	vst.add.f32.msk $0xffff, v13  }
0x3fd: {  	[tilespmem:s23+$0xC600] =	vst.add.f32.msk $0xffff, v14  }
0x3fe: {  	[tilespmem:s23+$0xC610] =	vst.add.f32.msk $0xffff, v15  }
0x3ff: {  	[tilespmem:s23+$0xC620] =	vst.add.f32.msk $0xffff, v16  }
0x400: {  	[tilespmem:s23+$0xC630] =	vst.add.f32.msk $0xffff, v17  }
0x401: {  	[tilespmem:s23+$0xC640] =	vst.add.f32.msk $0xffff, v18  }
0x402: {  	[tilespmem:s23+$0xC650] =	vst.add.f32.msk $0xffff, v19  }
0x403: {  	[tilespmem:s23+$0xC660] =	vst.add.f32.msk $0xffff, v20  }
0x404: {  	[tilespmem:s23+$0xC670] =	vst.add.f32.msk $0xffff, v21  }
0x405: {  	[tilespmem:s23+$0xCA00] =	vst.add.f32.msk $0xffff, v22  }
0x406: {  	[tilespmem:s23+$0xCA10] =	vst.add.f32.msk $0xffff, v23  }
0x407: {  	[tilespmem:s23+$0xCA20] =	vst.add.f32.msk $0xffff, v24  }
0x408: {  	[tilespmem:s23+$0xCA30] =	vst.add.f32.msk $0xffff, v25  }
0x409: {  	[tilespmem:s23+$0xCA40] =	vst.add.f32.msk $0xffff, v26  }
0x40a: {  	[tilespmem:s23+$0xCA50] =	vst.add.f32.msk $0xffff, v27  }
0x40b: {  	[tilespmem:s23+$0xCA60] =	vst.add.f32.msk $0xffff, v28  }
0x40c: {  	[tilespmem:s23+$0xCA70] =	vst.add.f32.msk $0xffff, v29  }
0x40d: {  	[tilespmem:s23+$0xCE00] =	vst.add.f32.msk $0xffff, v30  }
0x40e: {  	[tilespmem:s23+$0xCE10] =	vst.add.f32.msk $0xffff, v31  }
0x40f: {  	[tilespmem:s23+$0xCE20] =	vst.add.f32.msk $0xffff, v32  }
0x410: {  	[tilespmem:s23+$0xCE30] =	vst.add.f32.msk $0xffff, v33  }
0x411: {  	[tilespmem:s23+$0xCE40] =	vst.add.f32.msk $0xffff, v34  }
0x412: {  	[tilespmem:s23+$0xCE50] =	vst.add.f32.msk $0xffff, v35  }
0x413: {  	[tilespmem:s23+$0xCE60] =	vst.add.f32.msk $0xffff, v36  }
0x414: {  	[tilespmem:s23+$0xCE70] =	vst.add.f32.msk $0xffff, v37  }
0x415: {  	[tilespmem:s23+$0xD200] =	vst.add.f32.msk $0xffff, v38  }
0x416: {  	[tilespmem:s23+$0xD210] =	vst.add.f32.msk $0xffff, v39  }
0x417: {  	[tilespmem:s23+$0xD220] =	vst.add.f32.msk $0xffff, v40  }
0x418: {  	[tilespmem:s23+$0xD230] =	vst.add.f32.msk $0xffff, v41  }
0x419: {  	[tilespmem:s23+$0xD240] =	vst.add.f32.msk $0xffff, v42  }
0x41a: {  	[tilespmem:s23+$0xD250] =	vst.add.f32.msk $0xffff, v43  }
0x41b: {  	[tilespmem:s23+$0xD260] =	vst.add.f32.msk $0xffff, v44  }
.Ltmp2:
0x41c: {  	[tilespmem:s23+$0xD270] =	vst.add.f32.msk $0xffff, v45;
	(pc) =	sbr.rel @p0 .LBB2_6-.Ltmp2, $4  }
0x41d: {  	[tilespmem:s23+$0xD600] =	vst.add.f32.msk $0xffff, v46  }
0x41e: {  	[tilespmem:s23+$0xD610] =	vst.add.f32.msk $0xffff, v47  }
0x41f: {  	[tilespmem:s23+$0xD620] =	vst.add.f32.msk $0xffff, v48  }
0x420: {  	s25 =	sshrl.u32 s24, $0x3;
	s24 =	sadd.s32 $0x1, s24;
	[tilespmem:s23+$0xD630] =	vst.add.f32.msk $0xffff, v49  }
0x421: {  	s24 =	smul.u32 $0x1800, s25;
	[tilespmem:s23+$0xD640] =	vst.add.f32.msk $0xffff, v5;
	s22 =	sadd.s32 $0x80, s22  }
0x422: {  	[tilespmem:s23+$0xD650] =	vst.add.f32.msk $0xffff, v4;
	s22 =	sand.u32 $0x380, s22  }
0x423: {  	[tilespmem:s23+$0xD660] =	vst.add.f32.msk $0xffff, v3;
	s22 =	sor.u32 s22, s24  }
0x424: {  	v3 =	vld [tilespmem:s22+$0x1670]  }
0x425: {  	v4 =	vld [tilespmem:s22+$0x200]  }
0x426: {  	v5 =	vld [tilespmem:s22+$0x210]  }
0x427: {  	v6 =	vld [tilespmem:s22+$0x220]  }
0x428: {  	v7 =	vld [tilespmem:s22+$0x230]  }
0x429: {  	v8 =	vld [tilespmem:s22+$0x250]  }
0x42a: {  	v9 =	vld [tilespmem:s22+$0x260]  }
0x42b: {  	v10 =	vld [tilespmem:s22+$0x270]  }
0x42c: {  	v11 =	vld [tilespmem:s22+$0x600]  }
0x42d: {  	v12 =	vld [tilespmem:s22+$0x610]  }
0x42e: {  	v13 =	vld [tilespmem:s22+$0x620]  }
0x42f: {  	v14 =	vld [tilespmem:s22+$0x630]  }
0x430: {  	v15 =	vld [tilespmem:s22+$0x640]  }
0x431: {  	v16 =	vld [tilespmem:s22+$0x650]  }
0x432: {  	v17 =	vld [tilespmem:s22+$0x660]  }
0x433: {  	v18 =	vld [tilespmem:s22+$0x670]  }
0x434: {  	v19 =	vld [tilespmem:s22+$0xA00]  }
0x435: {  	v20 =	vld [tilespmem:s22+$0xA10]  }
0x436: {  	v21 =	vld [tilespmem:s22+$0xA20]  }
0x437: {  	v22 =	vld [tilespmem:s22+$0xA30]  }
0x438: {  	v23 =	vld [tilespmem:s22+$0xA40]  }
0x439: {  	v24 =	vld [tilespmem:s22+$0xA50]  }
0x43a: {  	v25 =	vld [tilespmem:s22+$0xA60]  }
0x43b: {  	v26 =	vld [tilespmem:s22+$0xA70]  }
0x43c: {  	v27 =	vld [tilespmem:s22+$0xE00]  }
0x43d: {  	v28 =	vld [tilespmem:s22+$0xE10]  }
0x43e: {  	v29 =	vld [tilespmem:s22+$0xE20]  }
0x43f: {  	v30 =	vld [tilespmem:s22+$0xE30]  }
0x440: {  	v31 =	vld [tilespmem:s22+$0xE40]  }
0x441: {  	v32 =	vld [tilespmem:s22+$0xE50]  }
0x442: {  	v33 =	vld [tilespmem:s22+$0xE60]  }
0x443: {  	v34 =	vld [tilespmem:s22+$0xE70]  }
0x444: {  	v35 =	vld [tilespmem:s22+$0x1200]  }
0x445: {  	v36 =	vld [tilespmem:s22+$0x1210]  }
0x446: {  	v37 =	vld [tilespmem:s22+$0x1220]  }
0x447: {  	v38 =	vld [tilespmem:s22+$0x1230]  }
0x448: {  	v39 =	vld [tilespmem:s22+$0x1240]  }
0x449: {  	v40 =	vld [tilespmem:s22+$0x1250]  }
0x44a: {  	v41 =	vld [tilespmem:s22+$0x1260]  }
0x44b: {  	v42 =	vld [tilespmem:s22+$0x1270]  }
0x44c: {  	v43 =	vld [tilespmem:s22+$0x1600]  }
0x44d: {  	v44 =	vld [tilespmem:s22+$0x1610]  }
0x44e: {  	v45 =	vld [tilespmem:s22+$0x1620]  }
0x44f: {  	v46 =	vld [tilespmem:s22+$0x1630]  }
0x450: {  	v47 =	vld [tilespmem:s22+$0x1640]  }
0x451: {  	v48 =	vld [tilespmem:s22+$0x1650]  }
0x452: {  	v49 =	vld [tilespmem:s22+$0x1660]  }
0x453: {  	[tilespmem:s22+$0xD670] =	vst.add.f32.msk $0xffff, v3  }
0x454: {  	v3 =	vld [tilespmem:s22+$0x240]  }
0x455: {  	[tilespmem:s22+$0xC200] =	vst.add.f32.msk $0xffff, v4  }
0x456: {  	[tilespmem:s22+$0xC210] =	vst.add.f32.msk $0xffff, v5  }
0x457: {  	[tilespmem:s22+$0xC220] =	vst.add.f32.msk $0xffff, v6  }
0x458: {  	[tilespmem:s22+$0xC230] =	vst.add.f32.msk $0xffff, v7  }
0x459: {  	[tilespmem:s22+$0xC250] =	vst.add.f32.msk $0xffff, v8  }
0x45a: {  	[tilespmem:s22+$0xC260] =	vst.add.f32.msk $0xffff, v9  }
0x45b: {  	[tilespmem:s22+$0xC270] =	vst.add.f32.msk $0xffff, v10  }
0x45c: {  	[tilespmem:s22+$0xC600] =	vst.add.f32.msk $0xffff, v11  }
0x45d: {  	[tilespmem:s22+$0xC610] =	vst.add.f32.msk $0xffff, v12  }
0x45e: {  	[tilespmem:s22+$0xC620] =	vst.add.f32.msk $0xffff, v13  }
0x45f: {  	[tilespmem:s22+$0xC630] =	vst.add.f32.msk $0xffff, v14  }
0x460: {  	[tilespmem:s22+$0xC640] =	vst.add.f32.msk $0xffff, v15  }
0x461: {  	[tilespmem:s22+$0xC650] =	vst.add.f32.msk $0xffff, v16  }
0x462: {  	[tilespmem:s22+$0xC660] =	vst.add.f32.msk $0xffff, v17  }
0x463: {  	[tilespmem:s22+$0xC670] =	vst.add.f32.msk $0xffff, v18  }
0x464: {  	[tilespmem:s22+$0xCA00] =	vst.add.f32.msk $0xffff, v19  }
0x465: {  	[tilespmem:s22+$0xCA10] =	vst.add.f32.msk $0xffff, v20  }
0x466: {  	[tilespmem:s22+$0xCA20] =	vst.add.f32.msk $0xffff, v21  }
0x467: {  	[tilespmem:s22+$0xCA30] =	vst.add.f32.msk $0xffff, v22  }
0x468: {  	[tilespmem:s22+$0xCA40] =	vst.add.f32.msk $0xffff, v23  }
0x469: {  	[tilespmem:s22+$0xCA50] =	vst.add.f32.msk $0xffff, v24  }
0x46a: {  	[tilespmem:s22+$0xCA60] =	vst.add.f32.msk $0xffff, v25  }
0x46b: {  	[tilespmem:s22+$0xCA70] =	vst.add.f32.msk $0xffff, v26  }
0x46c: {  	[tilespmem:s22+$0xCE00] =	vst.add.f32.msk $0xffff, v27  }
0x46d: {  	[tilespmem:s22+$0xCE10] =	vst.add.f32.msk $0xffff, v28  }
0x46e: {  	[tilespmem:s22+$0xCE20] =	vst.add.f32.msk $0xffff, v29  }
0x46f: {  	[tilespmem:s22+$0xCE30] =	vst.add.f32.msk $0xffff, v30  }
0x470: {  	[tilespmem:s22+$0xCE40] =	vst.add.f32.msk $0xffff, v31  }
0x471: {  	[tilespmem:s22+$0xCE50] =	vst.add.f32.msk $0xffff, v32  }
0x472: {  	[tilespmem:s22+$0xCE60] =	vst.add.f32.msk $0xffff, v33  }
0x473: {  	[tilespmem:s22+$0xCE70] =	vst.add.f32.msk $0xffff, v34  }
0x474: {  	[tilespmem:s22+$0xD200] =	vst.add.f32.msk $0xffff, v35  }
0x475: {  	[tilespmem:s22+$0xD210] =	vst.add.f32.msk $0xffff, v36  }
0x476: {  	[tilespmem:s22+$0xD220] =	vst.add.f32.msk $0xffff, v37  }
0x477: {  	[tilespmem:s22+$0xD230] =	vst.add.f32.msk $0xffff, v38  }
0x478: {  	[tilespmem:s22+$0xD240] =	vst.add.f32.msk $0xffff, v39  }
0x479: {  	[tilespmem:s22+$0xD250] =	vst.add.f32.msk $0xffff, v40  }
0x47a: {  	[tilespmem:s22+$0xD260] =	vst.add.f32.msk $0xffff, v41  }
0x47b: {  	[tilespmem:s22+$0xD270] =	vst.add.f32.msk $0xffff, v42  }
0x47c: {  	[tilespmem:s22+$0xD600] =	vst.add.f32.msk $0xffff, v43  }
0x47d: {  	[tilespmem:s22+$0xD610] =	vst.add.f32.msk $0xffff, v44  }
0x47e: {  	[tilespmem:s22+$0xD620] =	vst.add.f32.msk $0xffff, v45  }
0x47f: {  	[tilespmem:s22+$0xD630] =	vst.add.f32.msk $0xffff, v46  }
0x480: {  	[tilespmem:s22+$0xD640] =	vst.add.f32.msk $0xffff, v47  }
0x481: {  	[tilespmem:s22+$0xD650] =	vst.add.f32.msk $0xffff, v48  }
0x482: {  	[tilespmem:s22+$0xD660] =	vst.add.f32.msk $0xffff, v49  }
0x483: {  	s25 =	rddreg [dreg:$0xc];
	[tilespmem:s22+$0xC240] =	vst.add.f32.msk $0xffff, v3;
	s22 =	simm.s32 $0x0  }
0x484: {  	[hbm4b:s25+s22] =	stream.linear.scatter [tilespmem:s21], [sflag:$0x2], $0xC000, $0x38;
	[tilespmem:$0x18200] =	vst v63  }
0x485: {  	_ =	swait.ge [sflag:s17], $0xC000  }
0x486: {  	[sflag:s17] =	ssyncset.done $0x0  }
0x487: {  	[sflag:s17] =	ssyncadd.s32 $0xFFFF4000  }
0x488: {  	v3 =	vld [tilespmem:$0x180];
	_ =	sdelay $0x4  }
0x489: {  	v4 =	vshrl.u32 v3, $0x3  }
0x48a: {  	v4 =	vmul.u32 $0x30, v4  }
0x48b: {  	v3 =	vand.u32 $0x7, v3  }
0x48c: {  	v3 =	vor.u32 v3, v4  }
0x48d: {  	v4 =	vperm.xlane v3, v0;
	_ =	sdelay $0x1  }
0x48e: {  	v4 =	vadd.s32 v1, v4;
	_ =	sdelay $0x3  }
0x48f: {  	v3 =	vperm.xlane v3, v2  }
0x490: {  	[tilespmem:s21], [sflag:$0x1] =	stream.indirect_vreg.gather [hbm4b:s1+s22], $0x80, v4, vm0, $0xb8;
	[tilespmem:$0x18200] =	vst v63  }
0x491: {  	s26 =	simm.s32 $0xCA00;
	v3 =	vadd.s32 v1, v3  }
0x492: {  	[tilespmem:s26], [sflag:$0x1] =	stream.indirect_vreg.gather [hbm4b:s9+s22], $0x80, v4, vm0, $0xb8;
	[tilespmem:$0x18200] =	vst v63  }
0x493: {  	s24 =	simm.s32 $0xD200  }
0x494: {  	[tilespmem:s24], [sflag:$0x1] =	stream.indirect_vreg.gather [hbm4b:s10+s22], $0x80, v4, vm0, $0xb8;
	[tilespmem:$0x18200] =	vst v63  }
0x495: {  	s25 =	simm.s32 $0xDA00  }
0x496: {  	[tilespmem:s25], [sflag:$0x1] =	stream.indirect_vreg.gather [hbm4b:s1+s22], $0x80, v3, vm0, $0xb8;
	[tilespmem:$0x18200] =	vst v63  }
0x497: {  	s26 =	simm.s32 $0xE200  }
0x498: {  	[tilespmem:s26], [sflag:$0x1] =	stream.indirect_vreg.gather [hbm4b:s9+s22], $0x80, v3, vm0, $0xb8;
	[tilespmem:$0x18200] =	vst v63  }
0x499: {  	s24 =	simm.s32 $0xEA00  }
0x49a: {  	[tilespmem:s24], [sflag:$0x1] =	stream.indirect_vreg.gather [hbm4b:s10+s22], $0x80, v3, vm0, $0xb8;
	[tilespmem:$0x18200] =	vst v63  }
0x49b: {  	v3 =	vld [tilespmem:$0x190];
	_ =	sdelay $0x4  }
0x49c: {  	v4 =	vshrl.u32 v3, $0x3  }
0x49d: {  	v4 =	vmul.u32 $0x30, v4  }
0x49e: {  	v3 =	vand.u32 $0x7, v3  }
0x49f: {  	v3 =	vor.u32 v3, v4  }
0x4a0: {  	v4 =	vperm.xlane v3, v0;
	_ =	sdelay $0x1  }
0x4a1: {  	v4 =	vadd.s32 v1, v4;
	_ =	sdelay $0x3  }
0x4a2: {  	v3 =	vperm.xlane v3, v2  }
0x4a3: {  	[tilespmem:s28], [sflag:$0x1] =	stream.indirect_vreg.gather [hbm4b:s1+s22], $0x80, v4, vm0, $0xb8;
	[tilespmem:$0x18200] =	vst v63  }
0x4a4: {  	v3 =	vadd.s32 v1, v3  }
0x4a5: {  	[tilespmem:s29], [sflag:$0x1] =	stream.indirect_vreg.gather [hbm4b:s9+s22], $0x80, v4, vm0, $0xb8;
	[tilespmem:$0x18200] =	vst v63  }
0x4a6: {  	_ = 	snop  }
0x4a7: {  	[tilespmem:s30], [sflag:$0x1] =	stream.indirect_vreg.gather [hbm4b:s10+s22], $0x80, v4, vm0, $0xb8;
	[tilespmem:$0x18200] =	vst v63  }
0x4a8: {  	_ = 	snop  }
0x4a9: {  	[tilespmem:s31], [sflag:$0x1] =	stream.indirect_vreg.gather [hbm4b:s1+s22], $0x80, v3, vm0, $0xb8;
	[tilespmem:$0x18200] =	vst v63  }
0x4aa: {  	_ = 	snop  }
0x4ab: {  	[tilespmem:s0], [sflag:$0x1] =	stream.indirect_vreg.gather [hbm4b:s9+s22], $0x80, v3, vm0, $0xb8;
	[tilespmem:$0x18200] =	vst v63  }
0x4ac: {  	_ = 	snop  }
0x4ad: {  	[tilespmem:s2], [sflag:$0x1] =	stream.indirect_vreg.gather [hbm4b:s10+s22], $0x80, v3, vm0, $0xb8;
	[tilespmem:$0x18200] =	vst v63  }
0x4ae: {  	v3 =	vld [tilespmem:$0x1A0];
	_ =	sdelay $0x4  }
0x4af: {  	v4 =	vshrl.u32 v3, $0x3  }
0x4b0: {  	v4 =	vmul.u32 $0x30, v4  }
0x4b1: {  	v3 =	vand.u32 $0x7, v3  }
0x4b2: {  	v3 =	vor.u32 v3, v4  }
0x4b3: {  	v4 =	vperm.xlane v3, v0;
	_ =	sdelay $0x1  }
0x4b4: {  	v4 =	vadd.s32 v1, v4;
	_ =	sdelay $0x3  }
0x4b5: {  	v3 =	vperm.xlane v3, v2  }
0x4b6: {  	[tilespmem:s16], [sflag:$0x1] =	stream.indirect_vreg.gather [hbm4b:s1+s22], $0x80, v4, vm0, $0xb8;
	[tilespmem:$0x18200] =	vst v63  }
0x4b7: {  	v3 =	vadd.s32 v1, v3  }
0x4b8: {  	[tilespmem:s18], [sflag:$0x1] =	stream.indirect_vreg.gather [hbm4b:s9+s22], $0x80, v4, vm0, $0xb8;
	[tilespmem:$0x18200] =	vst v63  }
0x4b9: {  	_ = 	snop  }
0x4ba: {  	[tilespmem:s19], [sflag:$0x1] =	stream.indirect_vreg.gather [hbm4b:s10+s22], $0x80, v4, vm0, $0xb8;
	[tilespmem:$0x18200] =	vst v63  }
0x4bb: {  	_ = 	snop  }
0x4bc: {  	[tilespmem:s20], [sflag:$0x1] =	stream.indirect_vreg.gather [hbm4b:s1+s22], $0x80, v3, vm0, $0xb8;
	[tilespmem:$0x18200] =	vst v63  }
0x4bd: {  	_ = 	snop  }
0x4be: {  	[tilespmem:s4], [sflag:$0x1] =	stream.indirect_vreg.gather [hbm4b:s9+s22], $0x80, v3, vm0, $0xb8;
	[tilespmem:$0x18200] =	vst v63  }
0x4bf: {  	_ = 	snop  }
0x4c0: {  	[tilespmem:s5], [sflag:$0x1] =	stream.indirect_vreg.gather [hbm4b:s10+s22], $0x80, v3, vm0, $0xb8;
	[tilespmem:$0x18200] =	vst v63  }
0x4c1: {  	v3 =	vld [tilespmem:$0x1B0];
	_ =	sdelay $0x4  }
0x4c2: {  	v4 =	vshrl.u32 v3, $0x3  }
0x4c3: {  	v4 =	vmul.u32 $0x30, v4  }
0x4c4: {  	v3 =	vand.u32 $0x7, v3  }
0x4c5: {  	v3 =	vor.u32 v3, v4  }
0x4c6: {  	v4 =	vperm.xlane v3, v0;
	_ =	sdelay $0x1  }
0x4c7: {  	v4 =	vadd.s32 v1, v4;
	_ =	sdelay $0x3  }
0x4c8: {  	v3 =	vperm.xlane v3, v2  }
0x4c9: {  	[tilespmem:s6], [sflag:$0x1] =	stream.indirect_vreg.gather [hbm4b:s1+s22], $0x80, v4, vm0, $0xb8;
	[tilespmem:$0x18200] =	vst v63  }
0x4ca: {  	v3 =	vadd.s32 v1, v3  }
0x4cb: {  	[tilespmem:s7], [sflag:$0x1] =	stream.indirect_vreg.gather [hbm4b:s9+s22], $0x80, v4, vm0, $0xb8;
	[tilespmem:$0x18200] =	vst v63  }
0x4cc: {  	_ = 	snop  }
0x4cd: {  	[tilespmem:s8], [sflag:$0x1] =	stream.indirect_vreg.gather [hbm4b:s10+s22], $0x80, v4, vm0, $0xb8;
	[tilespmem:$0x18200] =	vst v63  }
0x4ce: {  	_ = 	snop  }
0x4cf: {  	[tilespmem:s11], [sflag:$0x1] =	stream.indirect_vreg.gather [hbm4b:s1+s22], $0x80, v3, vm0, $0xb8;
	[tilespmem:$0x18200] =	vst v63  }
0x4d0: {  	_ = 	snop  }
0x4d1: {  	[tilespmem:s12], [sflag:$0x1] =	stream.indirect_vreg.gather [hbm4b:s9+s22], $0x80, v3, vm0, $0xb8;
	[tilespmem:$0x18200] =	vst v63  }
0x4d2: {  	s25 =	simm.s32 $0x0  }
0x4d3: {  	[tilespmem:s13], [sflag:$0x1] =	stream.indirect_vreg.gather [hbm4b:s10+s22], $0x80, v3, vm0, $0xb8;
	[tilespmem:$0x18200] =	vst v63  }
0x4d4: {  	s23 =	smul.u32 $0x1800, s25;
	_ =	swait.ge [sflag:s14], $0xC000  }
0x4d5: {  	s26 =	sand.u32 $0x380, s22;
	[sflag:s14] =	ssyncset.done $0x0  }
0x4d6: {  	s23 =	sor.u32 s26, s23;
	[sflag:s14] =	ssyncadd.s32 $0xFFFF4000  }
0x4d7: {  	v3 =	vld [tilespmem:s23+$0x1670]  }
0x4d8: {  	v6 =	vld [tilespmem:s23+$0x200]  }
0x4d9: {  	v7 =	vld [tilespmem:s23+$0x210]  }
0x4da: {  	v8 =	vld [tilespmem:s23+$0x220]  }
0x4db: {  	v9 =	vld [tilespmem:s23+$0x230]  }
0x4dc: {  	v10 =	vld [tilespmem:s23+$0x240]  }
0x4dd: {  	v11 =	vld [tilespmem:s23+$0x250]  }
0x4de: {  	v12 =	vld [tilespmem:s23+$0x260]  }
0x4df: {  	v13 =	vld [tilespmem:s23+$0x270]  }
0x4e0: {  	v14 =	vld [tilespmem:s23+$0x600]  }
0x4e1: {  	v15 =	vld [tilespmem:s23+$0x610]  }
0x4e2: {  	v16 =	vld [tilespmem:s23+$0x620]  }
0x4e3: {  	v17 =	vld [tilespmem:s23+$0x630]  }
0x4e4: {  	v18 =	vld [tilespmem:s23+$0x640]  }
0x4e5: {  	v19 =	vld [tilespmem:s23+$0x650]  }
0x4e6: {  	v20 =	vld [tilespmem:s23+$0x660]  }
0x4e7: {  	v21 =	vld [tilespmem:s23+$0x670]  }
0x4e8: {  	v22 =	vld [tilespmem:s23+$0xA00]  }
0x4e9: {  	v23 =	vld [tilespmem:s23+$0xA10]  }
0x4ea: {  	v24 =	vld [tilespmem:s23+$0xA20]  }
0x4eb: {  	v25 =	vld [tilespmem:s23+$0xA30]  }
0x4ec: {  	v26 =	vld [tilespmem:s23+$0xA40]  }
0x4ed: {  	v27 =	vld [tilespmem:s23+$0xA50]  }
0x4ee: {  	v28 =	vld [tilespmem:s23+$0xA60]  }
0x4ef: {  	v29 =	vld [tilespmem:s23+$0xA70]  }
0x4f0: {  	v30 =	vld [tilespmem:s23+$0xE00]  }
0x4f1: {  	v31 =	vld [tilespmem:s23+$0xE10]  }
0x4f2: {  	v32 =	vld [tilespmem:s23+$0xE20]  }
0x4f3: {  	v33 =	vld [tilespmem:s23+$0xE30]  }
0x4f4: {  	v34 =	vld [tilespmem:s23+$0xE40]  }
0x4f5: {  	v35 =	vld [tilespmem:s23+$0xE50]  }
0x4f6: {  	v36 =	vld [tilespmem:s23+$0xE60]  }
0x4f7: {  	v37 =	vld [tilespmem:s23+$0xE70]  }
0x4f8: {  	v52 =	vld [tilespmem:s23+$0x1200]  }
0x4f9: {  	v53 =	vld [tilespmem:s23+$0x1210]  }
0x4fa: {  	v54 =	vld [tilespmem:s23+$0x1220]  }
0x4fb: {  	v55 =	vld [tilespmem:s23+$0x1230]  }
0x4fc: {  	v56 =	vld [tilespmem:s23+$0x1240]  }
0x4fd: {  	v57 =	vld [tilespmem:s23+$0x1250]  }
0x4fe: {  	v58 =	vld [tilespmem:s23+$0x1260]  }
0x4ff: {  	v59 =	vld [tilespmem:s23+$0x1270]  }
0x500: {  	v60 =	vld [tilespmem:s23+$0x1600]  }
0x501: {  	v61 =	vld [tilespmem:s23+$0x1610]  }
0x502: {  	v62 =	vld [tilespmem:s23+$0x1620]  }
0x503: {  	v63 =	vld [tilespmem:s23+$0x1630]  }
0x504: {  	v5 =	vld [tilespmem:s23+$0x1640]  }
0x505: {  	v4 =	vld [tilespmem:s23+$0x1650]  }
0x506: {  	[tilespmem:s23+$0xD670] =	vst.add.f32.msk $0xffff, v3  }
0x507: {  	v3 =	vld [tilespmem:s23+$0x1660]  }
0x508: {  	[tilespmem:s23+$0xC200] =	vst.add.f32.msk $0xffff, v6  }
0x509: {  	[tilespmem:s23+$0xC210] =	vst.add.f32.msk $0xffff, v7  }
0x50a: {  	[tilespmem:s23+$0xC220] =	vst.add.f32.msk $0xffff, v8  }
0x50b: {  	[tilespmem:s23+$0xC230] =	vst.add.f32.msk $0xffff, v9  }
0x50c: {  	[tilespmem:s23+$0xC240] =	vst.add.f32.msk $0xffff, v10  }
0x50d: {  	[tilespmem:s23+$0xC250] =	vst.add.f32.msk $0xffff, v11  }
0x50e: {  	[tilespmem:s23+$0xC260] =	vst.add.f32.msk $0xffff, v12  }
0x50f: {  	[tilespmem:s23+$0xC270] =	vst.add.f32.msk $0xffff, v13  }
0x510: {  	[tilespmem:s23+$0xC600] =	vst.add.f32.msk $0xffff, v14  }
0x511: {  	[tilespmem:s23+$0xC610] =	vst.add.f32.msk $0xffff, v15  }
0x512: {  	[tilespmem:s23+$0xC620] =	vst.add.f32.msk $0xffff, v16  }
0x513: {  	[tilespmem:s23+$0xC630] =	vst.add.f32.msk $0xffff, v17  }
0x514: {  	[tilespmem:s23+$0xC640] =	vst.add.f32.msk $0xffff, v18  }
0x515: {  	[tilespmem:s23+$0xC650] =	vst.add.f32.msk $0xffff, v19  }
0x516: {  	[tilespmem:s23+$0xC660] =	vst.add.f32.msk $0xffff, v20  }
0x517: {  	[tilespmem:s23+$0xC670] =	vst.add.f32.msk $0xffff, v21  }
0x518: {  	[tilespmem:s23+$0xCA00] =	vst.add.f32.msk $0xffff, v22  }
0x519: {  	[tilespmem:s23+$0xCA10] =	vst.add.f32.msk $0xffff, v23  }
0x51a: {  	[tilespmem:s23+$0xCA20] =	vst.add.f32.msk $0xffff, v24  }
0x51b: {  	[tilespmem:s23+$0xCA30] =	vst.add.f32.msk $0xffff, v25  }
0x51c: {  	[tilespmem:s23+$0xCA40] =	vst.add.f32.msk $0xffff, v26  }
0x51d: {  	[tilespmem:s23+$0xCA50] =	vst.add.f32.msk $0xffff, v27  }
0x51e: {  	[tilespmem:s23+$0xCA60] =	vst.add.f32.msk $0xffff, v28  }
0x51f: {  	[tilespmem:s23+$0xCA70] =	vst.add.f32.msk $0xffff, v29  }
0x520: {  	[tilespmem:s23+$0xCE00] =	vst.add.f32.msk $0xffff, v30  }
0x521: {  	[tilespmem:s23+$0xCE10] =	vst.add.f32.msk $0xffff, v31  }
0x522: {  	[tilespmem:s23+$0xCE20] =	vst.add.f32.msk $0xffff, v32  }
0x523: {  	[tilespmem:s23+$0xCE30] =	vst.add.f32.msk $0xffff, v33  }
0x524: {  	[tilespmem:s23+$0xCE40] =	vst.add.f32.msk $0xffff, v34  }
0x525: {  	[tilespmem:s23+$0xCE50] =	vst.add.f32.msk $0xffff, v35  }
0x526: {  	[tilespmem:s23+$0xCE60] =	vst.add.f32.msk $0xffff, v36  }
0x527: {  	[tilespmem:s23+$0xCE70] =	vst.add.f32.msk $0xffff, v37  }
0x528: {  	[tilespmem:s23+$0xD200] =	vst.add.f32.msk $0xffff, v52  }
0x529: {  	[tilespmem:s23+$0xD210] =	vst.add.f32.msk $0xffff, v53  }
0x52a: {  	[tilespmem:s23+$0xD220] =	vst.add.f32.msk $0xffff, v54  }
0x52b: {  	[tilespmem:s23+$0xD230] =	vst.add.f32.msk $0xffff, v55  }
0x52c: {  	[tilespmem:s23+$0xD240] =	vst.add.f32.msk $0xffff, v56  }
0x52d: {  	[tilespmem:s23+$0xD250] =	vst.add.f32.msk $0xffff, v57  }
0x52e: {  	[tilespmem:s23+$0xD260] =	vst.add.f32.msk $0xffff, v58  }
0x52f: {  	[tilespmem:s23+$0xD270] =	vst.add.f32.msk $0xffff, v59  }
0x530: {  	[tilespmem:s23+$0xD600] =	vst.add.f32.msk $0xffff, v60  }
0x531: {  	[tilespmem:s23+$0xD610] =	vst.add.f32.msk $0xffff, v61  }
0x532: {  	[tilespmem:s23+$0xD620] =	vst.add.f32.msk $0xffff, v62  }
0x533: {  	s25 =	simm.s32 $0x0;
	s24 =	simm.s32 $0x2;
	[tilespmem:s23+$0xD630] =	vst.add.f32.msk $0xffff, v63  }
.LBB2_8:
0x534: {  	p0 =	sne.s32 s24, $0x3F;
	s25 =	smul.u32 $0x1800, s25;
	[tilespmem:s23+$0xD640] =	vst.add.f32.msk $0xffff, v5;
	s22 =	sadd.s32 $0x80, s22  }
0x535: {  	s26 =	sand.u32 $0x380, s22;
	[tilespmem:s23+$0xD650] =	vst.add.f32.msk $0xffff, v4  }
0x536: {  	[tilespmem:s23+$0xD660] =	vst.add.f32.msk $0xffff, v3;
	s23 =	sor.u32 s26, s25  }
0x537: {  	v3 =	vld [tilespmem:s23+$0x1670]  }
0x538: {  	v6 =	vld [tilespmem:s23+$0x200]  }
0x539: {  	v7 =	vld [tilespmem:s23+$0x210]  }
0x53a: {  	v8 =	vld [tilespmem:s23+$0x220]  }
0x53b: {  	v9 =	vld [tilespmem:s23+$0x230]  }
0x53c: {  	[tilespmem:s23+$0xD670] =	vst.add.f32.msk $0xffff, v3  }
0x53d: {  	v10 =	vld [tilespmem:s23+$0x240]  }
0x53e: {  	v11 =	vld [tilespmem:s23+$0x250]  }
0x53f: {  	v12 =	vld [tilespmem:s23+$0x260]  }
0x540: {  	v13 =	vld [tilespmem:s23+$0x270]  }
0x541: {  	v14 =	vld [tilespmem:s23+$0x600]  }
0x542: {  	v15 =	vld [tilespmem:s23+$0x610]  }
0x543: {  	v16 =	vld [tilespmem:s23+$0x620]  }
0x544: {  	v17 =	vld [tilespmem:s23+$0x630]  }
0x545: {  	v18 =	vld [tilespmem:s23+$0x640]  }
0x546: {  	v19 =	vld [tilespmem:s23+$0x650]  }
0x547: {  	v20 =	vld [tilespmem:s23+$0x660]  }
0x548: {  	v21 =	vld [tilespmem:s23+$0x670]  }
0x549: {  	v22 =	vld [tilespmem:s23+$0xA00]  }
0x54a: {  	v23 =	vld [tilespmem:s23+$0xA10]  }
0x54b: {  	v24 =	vld [tilespmem:s23+$0xA20]  }
0x54c: {  	v25 =	vld [tilespmem:s23+$0xA30]  }
0x54d: {  	v26 =	vld [tilespmem:s23+$0xA40]  }
0x54e: {  	v27 =	vld [tilespmem:s23+$0xA50]  }
0x54f: {  	v28 =	vld [tilespmem:s23+$0xA60]  }
0x550: {  	v29 =	vld [tilespmem:s23+$0xA70]  }
0x551: {  	v30 =	vld [tilespmem:s23+$0xE00]  }
0x552: {  	v31 =	vld [tilespmem:s23+$0xE10]  }
0x553: {  	v32 =	vld [tilespmem:s23+$0xE20]  }
0x554: {  	v33 =	vld [tilespmem:s23+$0xE30]  }
0x555: {  	v34 =	vld [tilespmem:s23+$0xE40]  }
0x556: {  	v35 =	vld [tilespmem:s23+$0xE50]  }
0x557: {  	v36 =	vld [tilespmem:s23+$0xE60]  }
0x558: {  	v37 =	vld [tilespmem:s23+$0xE70]  }
0x559: {  	v38 =	vld [tilespmem:s23+$0x1200]  }
0x55a: {  	v39 =	vld [tilespmem:s23+$0x1210]  }
0x55b: {  	v40 =	vld [tilespmem:s23+$0x1220]  }
0x55c: {  	v41 =	vld [tilespmem:s23+$0x1230]  }
0x55d: {  	v42 =	vld [tilespmem:s23+$0x1240]  }
0x55e: {  	v43 =	vld [tilespmem:s23+$0x1250]  }
0x55f: {  	v44 =	vld [tilespmem:s23+$0x1260]  }
0x560: {  	v45 =	vld [tilespmem:s23+$0x1270]  }
0x561: {  	v46 =	vld [tilespmem:s23+$0x1600]  }
0x562: {  	v47 =	vld [tilespmem:s23+$0x1610]  }
0x563: {  	v48 =	vld [tilespmem:s23+$0x1620]  }
0x564: {  	v49 =	vld [tilespmem:s23+$0x1630]  }
0x565: {  	v5 =	vld [tilespmem:s23+$0x1640]  }
0x566: {  	v4 =	vld [tilespmem:s23+$0x1650]  }
0x567: {  	v3 =	vld [tilespmem:s23+$0x1660]  }
0x568: {  	[tilespmem:s23+$0xC200] =	vst.add.f32.msk $0xffff, v6  }
0x569: {  	[tilespmem:s23+$0xC210] =	vst.add.f32.msk $0xffff, v7  }
0x56a: {  	[tilespmem:s23+$0xC220] =	vst.add.f32.msk $0xffff, v8  }
0x56b: {  	[tilespmem:s23+$0xC230] =	vst.add.f32.msk $0xffff, v9  }
0x56c: {  	[tilespmem:s23+$0xC240] =	vst.add.f32.msk $0xffff, v10  }
0x56d: {  	[tilespmem:s23+$0xC250] =	vst.add.f32.msk $0xffff, v11  }
0x56e: {  	[tilespmem:s23+$0xC260] =	vst.add.f32.msk $0xffff, v12  }
0x56f: {  	[tilespmem:s23+$0xC270] =	vst.add.f32.msk $0xffff, v13  }
0x570: {  	[tilespmem:s23+$0xC600] =	vst.add.f32.msk $0xffff, v14  }
0x571: {  	[tilespmem:s23+$0xC610] =	vst.add.f32.msk $0xffff, v15  }
0x572: {  	[tilespmem:s23+$0xC620] =	vst.add.f32.msk $0xffff, v16  }
0x573: {  	[tilespmem:s23+$0xC630] =	vst.add.f32.msk $0xffff, v17  }
0x574: {  	[tilespmem:s23+$0xC640] =	vst.add.f32.msk $0xffff, v18  }
0x575: {  	[tilespmem:s23+$0xC650] =	vst.add.f32.msk $0xffff, v19  }
0x576: {  	[tilespmem:s23+$0xC660] =	vst.add.f32.msk $0xffff, v20  }
0x577: {  	[tilespmem:s23+$0xC670] =	vst.add.f32.msk $0xffff, v21  }
0x578: {  	[tilespmem:s23+$0xCA00] =	vst.add.f32.msk $0xffff, v22  }
0x579: {  	[tilespmem:s23+$0xCA10] =	vst.add.f32.msk $0xffff, v23  }
0x57a: {  	[tilespmem:s23+$0xCA20] =	vst.add.f32.msk $0xffff, v24  }
0x57b: {  	[tilespmem:s23+$0xCA30] =	vst.add.f32.msk $0xffff, v25  }
0x57c: {  	[tilespmem:s23+$0xCA40] =	vst.add.f32.msk $0xffff, v26  }
0x57d: {  	[tilespmem:s23+$0xCA50] =	vst.add.f32.msk $0xffff, v27  }
0x57e: {  	[tilespmem:s23+$0xCA60] =	vst.add.f32.msk $0xffff, v28  }
0x57f: {  	[tilespmem:s23+$0xCA70] =	vst.add.f32.msk $0xffff, v29  }
0x580: {  	[tilespmem:s23+$0xCE00] =	vst.add.f32.msk $0xffff, v30  }
0x581: {  	[tilespmem:s23+$0xCE10] =	vst.add.f32.msk $0xffff, v31  }
0x582: {  	[tilespmem:s23+$0xCE20] =	vst.add.f32.msk $0xffff, v32  }
0x583: {  	[tilespmem:s23+$0xCE30] =	vst.add.f32.msk $0xffff, v33  }
0x584: {  	[tilespmem:s23+$0xCE40] =	vst.add.f32.msk $0xffff, v34  }
0x585: {  	[tilespmem:s23+$0xCE50] =	vst.add.f32.msk $0xffff, v35  }
0x586: {  	[tilespmem:s23+$0xCE60] =	vst.add.f32.msk $0xffff, v36  }
0x587: {  	[tilespmem:s23+$0xCE70] =	vst.add.f32.msk $0xffff, v37  }
0x588: {  	[tilespmem:s23+$0xD200] =	vst.add.f32.msk $0xffff, v38  }
0x589: {  	[tilespmem:s23+$0xD210] =	vst.add.f32.msk $0xffff, v39  }
0x58a: {  	[tilespmem:s23+$0xD220] =	vst.add.f32.msk $0xffff, v40  }
0x58b: {  	[tilespmem:s23+$0xD230] =	vst.add.f32.msk $0xffff, v41  }
0x58c: {  	[tilespmem:s23+$0xD240] =	vst.add.f32.msk $0xffff, v42  }
0x58d: {  	[tilespmem:s23+$0xD250] =	vst.add.f32.msk $0xffff, v43  }
0x58e: {  	[tilespmem:s23+$0xD260] =	vst.add.f32.msk $0xffff, v44  }
.Ltmp3:
0x58f: {  	[tilespmem:s23+$0xD270] =	vst.add.f32.msk $0xffff, v45;
	(pc) =	sbr.rel @p0 .LBB2_8-.Ltmp3, $4  }
0x590: {  	[tilespmem:s23+$0xD600] =	vst.add.f32.msk $0xffff, v46  }
0x591: {  	[tilespmem:s23+$0xD610] =	vst.add.f32.msk $0xffff, v47  }
0x592: {  	[tilespmem:s23+$0xD620] =	vst.add.f32.msk $0xffff, v48  }
0x593: {  	s25 =	sshrl.u32 s24, $0x3;
	s24 =	sadd.s32 $0x1, s24;
	[tilespmem:s23+$0xD630] =	vst.add.f32.msk $0xffff, v49  }
0x594: {  	s24 =	smul.u32 $0x1800, s25;
	[tilespmem:s23+$0xD640] =	vst.add.f32.msk $0xffff, v5;
	s22 =	sadd.s32 $0x80, s22  }
0x595: {  	[tilespmem:s23+$0xD650] =	vst.add.f32.msk $0xffff, v4;
	s22 =	sand.u32 $0x380, s22  }
0x596: {  	[tilespmem:s23+$0xD660] =	vst.add.f32.msk $0xffff, v3;
	s22 =	sor.u32 s22, s24  }
0x597: {  	v3 =	vld [tilespmem:s22+$0x1670]  }
0x598: {  	v4 =	vld [tilespmem:s22+$0x200]  }
0x599: {  	v5 =	vld [tilespmem:s22+$0x210]  }
0x59a: {  	v6 =	vld [tilespmem:s22+$0x220]  }
0x59b: {  	v7 =	vld [tilespmem:s22+$0x230]  }
0x59c: {  	v8 =	vld [tilespmem:s22+$0x250]  }
0x59d: {  	v9 =	vld [tilespmem:s22+$0x260]  }
0x59e: {  	v10 =	vld [tilespmem:s22+$0x270]  }
0x59f: {  	v11 =	vld [tilespmem:s22+$0x600]  }
0x5a0: {  	v12 =	vld [tilespmem:s22+$0x610]  }
0x5a1: {  	v13 =	vld [tilespmem:s22+$0x620]  }
0x5a2: {  	v14 =	vld [tilespmem:s22+$0x630]  }
0x5a3: {  	v15 =	vld [tilespmem:s22+$0x640]  }
0x5a4: {  	v16 =	vld [tilespmem:s22+$0x650]  }
0x5a5: {  	v17 =	vld [tilespmem:s22+$0x660]  }
0x5a6: {  	v18 =	vld [tilespmem:s22+$0x670]  }
0x5a7: {  	v19 =	vld [tilespmem:s22+$0xA00]  }
0x5a8: {  	v20 =	vld [tilespmem:s22+$0xA10]  }
0x5a9: {  	v21 =	vld [tilespmem:s22+$0xA20]  }
0x5aa: {  	v22 =	vld [tilespmem:s22+$0xA30]  }
0x5ab: {  	v23 =	vld [tilespmem:s22+$0xA40]  }
0x5ac: {  	v24 =	vld [tilespmem:s22+$0xA50]  }
0x5ad: {  	v25 =	vld [tilespmem:s22+$0xA60]  }
0x5ae: {  	v26 =	vld [tilespmem:s22+$0xA70]  }
0x5af: {  	v27 =	vld [tilespmem:s22+$0xE00]  }
0x5b0: {  	v28 =	vld [tilespmem:s22+$0xE10]  }
0x5b1: {  	v29 =	vld [tilespmem:s22+$0xE20]  }
0x5b2: {  	v30 =	vld [tilespmem:s22+$0xE30]  }
0x5b3: {  	v31 =	vld [tilespmem:s22+$0xE40]  }
0x5b4: {  	v32 =	vld [tilespmem:s22+$0xE50]  }
0x5b5: {  	v33 =	vld [tilespmem:s22+$0xE60]  }
0x5b6: {  	v34 =	vld [tilespmem:s22+$0xE70]  }
0x5b7: {  	v35 =	vld [tilespmem:s22+$0x1200]  }
0x5b8: {  	v36 =	vld [tilespmem:s22+$0x1210]  }
0x5b9: {  	v37 =	vld [tilespmem:s22+$0x1220]  }
0x5ba: {  	v38 =	vld [tilespmem:s22+$0x1230]  }
0x5bb: {  	v39 =	vld [tilespmem:s22+$0x1240]  }
0x5bc: {  	v40 =	vld [tilespmem:s22+$0x1250]  }
0x5bd: {  	v41 =	vld [tilespmem:s22+$0x1260]  }
0x5be: {  	v42 =	vld [tilespmem:s22+$0x1270]  }
0x5bf: {  	v43 =	vld [tilespmem:s22+$0x1600]  }
0x5c0: {  	v44 =	vld [tilespmem:s22+$0x1610]  }
0x5c1: {  	v45 =	vld [tilespmem:s22+$0x1620]  }
0x5c2: {  	v46 =	vld [tilespmem:s22+$0x1630]  }
0x5c3: {  	v47 =	vld [tilespmem:s22+$0x1640]  }
0x5c4: {  	v48 =	vld [tilespmem:s22+$0x1650]  }
0x5c5: {  	v49 =	vld [tilespmem:s22+$0x1660]  }
0x5c6: {  	[tilespmem:s22+$0xD670] =	vst.add.f32.msk $0xffff, v3  }
0x5c7: {  	v3 =	vld [tilespmem:s22+$0x240]  }
0x5c8: {  	[tilespmem:s22+$0xC200] =	vst.add.f32.msk $0xffff, v4  }
0x5c9: {  	[tilespmem:s22+$0xC210] =	vst.add.f32.msk $0xffff, v5  }
0x5ca: {  	[tilespmem:s22+$0xC220] =	vst.add.f32.msk $0xffff, v6  }
0x5cb: {  	[tilespmem:s22+$0xC230] =	vst.add.f32.msk $0xffff, v7  }
0x5cc: {  	[tilespmem:s22+$0xC250] =	vst.add.f32.msk $0xffff, v8  }
0x5cd: {  	[tilespmem:s22+$0xC260] =	vst.add.f32.msk $0xffff, v9  }
0x5ce: {  	[tilespmem:s22+$0xC270] =	vst.add.f32.msk $0xffff, v10  }
0x5cf: {  	[tilespmem:s22+$0xC600] =	vst.add.f32.msk $0xffff, v11  }
0x5d0: {  	[tilespmem:s22+$0xC610] =	vst.add.f32.msk $0xffff, v12  }
0x5d1: {  	[tilespmem:s22+$0xC620] =	vst.add.f32.msk $0xffff, v13  }
0x5d2: {  	[tilespmem:s22+$0xC630] =	vst.add.f32.msk $0xffff, v14  }
0x5d3: {  	[tilespmem:s22+$0xC640] =	vst.add.f32.msk $0xffff, v15  }
0x5d4: {  	[tilespmem:s22+$0xC650] =	vst.add.f32.msk $0xffff, v16  }
0x5d5: {  	[tilespmem:s22+$0xC660] =	vst.add.f32.msk $0xffff, v17  }
0x5d6: {  	[tilespmem:s22+$0xC670] =	vst.add.f32.msk $0xffff, v18  }
0x5d7: {  	[tilespmem:s22+$0xCA00] =	vst.add.f32.msk $0xffff, v19  }
0x5d8: {  	[tilespmem:s22+$0xCA10] =	vst.add.f32.msk $0xffff, v20  }
0x5d9: {  	[tilespmem:s22+$0xCA20] =	vst.add.f32.msk $0xffff, v21  }
0x5da: {  	[tilespmem:s22+$0xCA30] =	vst.add.f32.msk $0xffff, v22  }
0x5db: {  	[tilespmem:s22+$0xCA40] =	vst.add.f32.msk $0xffff, v23  }
0x5dc: {  	[tilespmem:s22+$0xCA50] =	vst.add.f32.msk $0xffff, v24  }
0x5dd: {  	[tilespmem:s22+$0xCA60] =	vst.add.f32.msk $0xffff, v25  }
0x5de: {  	[tilespmem:s22+$0xCA70] =	vst.add.f32.msk $0xffff, v26  }
0x5df: {  	[tilespmem:s22+$0xCE00] =	vst.add.f32.msk $0xffff, v27  }
0x5e0: {  	[tilespmem:s22+$0xCE10] =	vst.add.f32.msk $0xffff, v28  }
0x5e1: {  	[tilespmem:s22+$0xCE20] =	vst.add.f32.msk $0xffff, v29  }
0x5e2: {  	[tilespmem:s22+$0xCE30] =	vst.add.f32.msk $0xffff, v30  }
0x5e3: {  	[tilespmem:s22+$0xCE40] =	vst.add.f32.msk $0xffff, v31  }
0x5e4: {  	[tilespmem:s22+$0xCE50] =	vst.add.f32.msk $0xffff, v32  }
0x5e5: {  	[tilespmem:s22+$0xCE60] =	vst.add.f32.msk $0xffff, v33  }
0x5e6: {  	[tilespmem:s22+$0xCE70] =	vst.add.f32.msk $0xffff, v34  }
0x5e7: {  	[tilespmem:s22+$0xD200] =	vst.add.f32.msk $0xffff, v35  }
0x5e8: {  	[tilespmem:s22+$0xD210] =	vst.add.f32.msk $0xffff, v36  }
0x5e9: {  	[tilespmem:s22+$0xD220] =	vst.add.f32.msk $0xffff, v37  }
0x5ea: {  	[tilespmem:s22+$0xD230] =	vst.add.f32.msk $0xffff, v38  }
0x5eb: {  	[tilespmem:s22+$0xD240] =	vst.add.f32.msk $0xffff, v39  }
0x5ec: {  	[tilespmem:s22+$0xD250] =	vst.add.f32.msk $0xffff, v40  }
0x5ed: {  	[tilespmem:s22+$0xD260] =	vst.add.f32.msk $0xffff, v41  }
0x5ee: {  	[tilespmem:s22+$0xD270] =	vst.add.f32.msk $0xffff, v42  }
0x5ef: {  	[tilespmem:s22+$0xD600] =	vst.add.f32.msk $0xffff, v43  }
0x5f0: {  	[tilespmem:s22+$0xD610] =	vst.add.f32.msk $0xffff, v44  }
0x5f1: {  	[tilespmem:s22+$0xD620] =	vst.add.f32.msk $0xffff, v45  }
0x5f2: {  	[tilespmem:s22+$0xD630] =	vst.add.f32.msk $0xffff, v46  }
0x5f3: {  	[tilespmem:s22+$0xD640] =	vst.add.f32.msk $0xffff, v47  }
0x5f4: {  	[tilespmem:s22+$0xD650] =	vst.add.f32.msk $0xffff, v48  }
0x5f5: {  	[tilespmem:s22+$0xD660] =	vst.add.f32.msk $0xffff, v49  }
0x5f6: {  	s25 =	rddreg [dreg:$0xd];
	[tilespmem:s22+$0xC240] =	vst.add.f32.msk $0xffff, v3  }
0x5f7: {  	[hbm4b:s25+s3] =	stream.linear.scatter [tilespmem:s21], [sflag:$0x2], $0xC000, $0x38;
	[tilespmem:$0x18200] =	vst v63  }
0x5f8: {  	_ =	swait.ge [sflag:s17], $0xC000  }
0x5f9: {  	s15 =	sadd.s32 $0x1, s15;
	s26 =	rddreg [dreg:$0xe]  }
0x5fa: {  	p0 =	sne.s32 s15, s26  }
.Ltmp4:
0x5fb: {  	_ = 	snop;
	(pc) =	sbr.rel @p0 .LBB2_1-.Ltmp4, $3  }
0x5fc: {  	_ =	sdelay $0x1  }
0x5fd: {  	[sflag:s17] =	ssyncset.done $0x0  }
0x5fe: {  	[sflag:s17] =	ssyncadd.s32 $0xFFFF4000  }
0x5ff: {  	_ =	sfence.sel $0x180000  }
0x600: {  	[bflag:$0x0] =	sbarrier.arrive $0xFFFF  }
0x601: {  	_ =	strace $0x90000047  }
0x602: {  	s0 =	stileid.u32;
	[bflag:$0x2] =	sbarrier.arrive $0xFFFF  }
0x603: {  	p0 =	sne.s32 s0, $0x0;
	s0 =	rddreg [dreg:$0x4]  }
0x604: {  	s0 =	sadd.s32 @!p0 $0x100000, s0  }
0x605: {  	[sflag:s0] =	ssyncadd.tile.s32 @!p0 $0x1;
	_ =	shalt  }
.Lfunc_end2:
_tile_overlayer_lowered:
.L_overlay_start_2:
0x606: {  	(tag) =	ssettag $0x2  }
0x607: {  	s0 =	rddreg [dreg:$0x0];
	s2 =	stileid.u32  }
0x608: {  	s1 =	rddreg [dreg:$0x1];
	p0 =	sne.s32 s2, $0x0  }
0x609: {  	s3 =	rddreg [dreg:$0x2];
	[bflag:$0x3] =	sbarrier.arrive $0xFFFF;
	s2 =	simm.s32 @!p0 $0x1C02  }
0x60a: {  	[timem:s3], [sflag:s2] =	dma.local @!p0 [hbm:s0], s1  }
0x60b: {  	s0 =	simm.s32 @!p0 $0x2  }
0x60c: {  	_ =	swait.ge @!p0 [sflag:s0], s1  }
0x60d: {  	s1 =	ssub.s32 @!p0 $0x0, s1;
	[sflag:s0] =	ssyncset.done @!p0 $0x0  }
0x60e: {  	[sflag:s0] =	ssyncadd.s32 @!p0 s1  }
0x60f: {  	[bflag:$0x3] =	sbarrier.arrive $0xFFFF  }
0x610: {  	_ =	shalt  }

</sc_bundles>
